<compile_context>
chip_gen: v7x
topology: tpu7x:2x2x1
jax: 0.10.2.dev20260603
libtpu: 0.0.44.dev20260713+nightly
codegen_flags: <defaults>
</compile_context>

<pallas_src>
import functools

import jax
import jax.numpy as jnp
from jax import lax
from jax.experimental import pallas as pl
from jax.experimental.pallas import tpu as pltpu
from jax.experimental.pallas import tpu_sc as plsc

_N, _E, _FIN, _D, _C, _G = 10000, 320000, 128, 128, 40, 64

_NC, _NS = 2, 16
_NW = _NC * _NS
_B = 128
_K = 80
_KC = 32
_NBLK = _NW * _K
_K0, _K1 = 160, 0
_EPAD = _NW * _K * _B
_TBL = 10240
_RPT = _TBL // _NS
_TBLC = 10112
_RPC = _TBLC // _NS
_BM = 400
_NB = _N // _BM

def _mesh():
  return plsc.VectorSubcoreMesh(
      core_axis_name="c", subcore_axis_name="s", num_cores=_NC, num_subcores=_NS)


def _sc_degree(dst3):

  @functools.partial(
      pl.kernel,
      out_type=jax.ShapeDtypeStruct((_NC, _TBL), jnp.float32),
      mesh=_mesh(),
      scratch_types=[
          pltpu.VMEM((_K, _B), jnp.int32),
          pltpu.VMEM((_B,), jnp.float32),
          pltpu.VMEM_SHARED((_TBL,), jnp.float32),
      ],
  )
  def deg_kernel(dst_hbm, out_hbm, didx, ones, table):
    c = lax.axis_index("c")
    s = lax.axis_index("s")
    wid = c * _NS + s
    init = jnp.where(c == 0, 1.0, 0.0)

    @pl.loop(0, _B, step=16)
    def _(i):
      ones.at[pl.ds(i, 16)][...] = jnp.ones((16,), jnp.float32) * init

    for j in range(_RPT // _B):
      pltpu.sync_copy(ones.at[pl.ds(0, _B)], table.at[pl.ds(s * _RPT + j * _B, _B)])

    @pl.loop(0, _B, step=16)
    def _(i):
      ones.at[pl.ds(i, 16)][...] = jnp.ones((16,), jnp.float32)

    pltpu.sync_copy(dst_hbm.at[wid], didx)
    plsc.subcore_barrier()

    @pl.loop(0, _K)
    def _(k):
      pltpu.sync_copy(ones, table.at[didx.at[k]], add=True)

    plsc.subcore_barrier()
    pltpu.sync_copy(table.at[pl.ds(s * _RPT, _RPT)],
                    out_hbm.at[c, pl.ds(s * _RPT, _RPT)])

  return deg_kernel(dst3)


def _sc_scatter_conv(hs, src2, dst2):

  @functools.partial(
      pl.kernel,
      out_type=jax.ShapeDtypeStruct((_NC, _TBLC, _D), jnp.float32),
      mesh=_mesh(),
      scratch_types=[
          pltpu.VMEM((_KC, _B), jnp.int32),
          pltpu.VMEM((_KC, _B), jnp.int32),
          pltpu.VMEM((_B, _D), jnp.float32),
          pltpu.VMEM((_B, _D), jnp.float32),
          pltpu.SemaphoreType.DMA,
          pltpu.SemaphoreType.DMA,
          pltpu.VMEM_SHARED((_TBLC, _D), jnp.float32),
      ],
  )
  def conv_kernel(hs_hbm, src_hbm, dst_hbm, out_hbm, sidx, didx,
                  buf0, buf1, sem0, sem1, acc):
    bufs = (buf0, buf1)
    sem = (sem0, sem1)
    c = lax.axis_index("c")
    s = lax.axis_index("s")

    @pl.loop(0, _B)
    def _(r):
      @pl.loop(0, _D, step=16)
      def _(cc):
        buf0.at[r, pl.ds(cc, 16)][...] = jnp.zeros((16,), jnp.float32)

    full, rem = divmod(_RPC, _B)
    for j in range(full):
      pltpu.sync_copy(buf0, acc.at[pl.ds(s * _RPC + j * _B, _B)])
    if rem:
      pltpu.sync_copy(buf0.at[pl.ds(0, rem)],
                      acc.at[pl.ds(s * _RPC + full * _B, rem)])

    plsc.subcore_barrier()

    def g_start(k, j):
      pltpu.async_copy(hs_hbm.at[sidx.at[k]], bufs[j], sem[j])

    def g_wait(k, j):
      pltpu.make_async_copy(hs_hbm.at[sidx.at[k]], bufs[j], sem[j]).wait()

    def s_sync(k, j):
      pltpu.sync_copy(bufs[j], acc.at[didx.at[k]], add=True)

    def run_chunks(base, nchunk):
      for h in range(nchunk):
        pltpu.sync_copy(src_hbm.at[pl.ds(base + h * _KC, _KC)], sidx)
        pltpu.sync_copy(dst_hbm.at[pl.ds(base + h * _KC, _KC)], didx)
        g_start(0, 0)

        @pl.loop(0, _KC, step=2)
        def _(k):
          @pl.when(k + 1 < _KC)
          def _():
            g_start(k + 1, 1)

          g_wait(k, 0)
          s_sync(k, 0)

          @pl.when(k + 2 < _KC)
          def _():
            g_start(k + 2, 0)

          @pl.when(k + 1 < _KC)
          def _():
            g_wait(k + 1, 1)
            s_sync(k + 1, 1)

    @pl.when(c == 0)
    def _():
      run_chunks(s * _K0, _K0 // _KC)

    plsc.subcore_barrier()
    pltpu.sync_copy(acc.at[pl.ds(s * _RPC, _RPC)],
                    out_hbm.at[c, pl.ds(s * _RPC, _RPC)])

  return conv_kernel(hs, src2, dst2)


def _tc_scale_matmul(x, W1, degp):
  def body(x_ref, w_ref, d_ref, hs_ref, dinv_ref):
    deg = d_ref[0] + d_ref[1]
    dinv = lax.rsqrt(deg)
    h = jnp.dot(x_ref[...], w_ref[...], preferred_element_type=jnp.float32)
    hs_ref[...] = h * dinv
    dinv_ref[...] = dinv

  return pl.pallas_call(
      body,
      grid=(_NB,),
      in_specs=[
          pl.BlockSpec((_BM, _FIN), lambda i: (i, 0)),
          pl.BlockSpec((_FIN, _D), lambda i: (0, 0)),
          pl.BlockSpec((2, _BM, 1), lambda i: (0, i, 0)),
      ],
      out_specs=[
          pl.BlockSpec((_BM, _D), lambda i: (i, 0)),
          pl.BlockSpec((_BM, 1), lambda i: (i, 0)),
      ],
      out_shape=[
          jax.ShapeDtypeStruct((_N, _D), jnp.float32),
          jax.ShapeDtypeStruct((_N, 1), jnp.float32),
      ],
  )(x, W1, degp)


def _tc_mid(parts, hs1, dinv, b1, W2, batch3):
  def body(p_ref, hs_ref, dinv_ref, b_ref, w_ref, bt_ref,
           hs2_ref, pool_ref, cnt_ref):
    i = pl.program_id(0)
    dinv = dinv_ref[...]
    h = jnp.maximum(dinv * (p_ref[0] + p_ref[1] + hs_ref[...]) + b_ref[...], 0.0)
    hs2_ref[...] = jnp.dot(h, w_ref[...], preferred_element_type=jnp.float32) * dinv
    bt = bt_ref[0]
    oh = jnp.where(lax.broadcasted_iota(jnp.int32, (_G, _BM), 0) == bt, 1.0, 0.0)

    @pl.when(i == 0)
    def _():
      pool_ref[...] = jnp.zeros_like(pool_ref)
      cnt_ref[...] = jnp.zeros_like(cnt_ref)

    pool_ref[...] += jnp.dot(oh, h, preferred_element_type=jnp.float32)
    cnt_ref[...] += jnp.sum(oh, axis=1, keepdims=True)

  return pl.pallas_call(
      body,
      grid=(_NB,),
      in_specs=[
          pl.BlockSpec((2, _BM, _D), lambda i: (0, i, 0)),
          pl.BlockSpec((_BM, _D), lambda i: (i, 0)),
          pl.BlockSpec((_BM, 1), lambda i: (i, 0)),
          pl.BlockSpec((1, _D), lambda i: (0, 0)),
          pl.BlockSpec((_D, _D), lambda i: (0, 0)),
          pl.BlockSpec((1, 1, _BM), lambda i: (i, 0, 0)),
      ],
      out_specs=[
          pl.BlockSpec((_BM, _D), lambda i: (i, 0)),
          pl.BlockSpec((_G, _D), lambda i: (0, 0)),
          pl.BlockSpec((_G, 1), lambda i: (0, 0)),
      ],
      out_shape=[
          jax.ShapeDtypeStruct((_N, _D), jnp.float32),
          jax.ShapeDtypeStruct((_G, _D), jnp.float32),
          jax.ShapeDtypeStruct((_G, 1), jnp.float32),
      ],
  )(parts, hs1, dinv, b1, W2, batch3)


def _tc_final(parts, hs2, dinv, b2, batch3, pool1, cnt, lW1, lb1, lW2, lb2):
  def body(p_ref, hs_ref, dinv_ref, b_ref, bt_ref, pool1_ref, cnt_ref,
           lw1_ref, lb1_ref, lw2_ref, lb2_ref, out_ref, pool2_ref):
    i = pl.program_id(0)
    dinv = dinv_ref[...]
    hb = jnp.maximum(dinv * (p_ref[0] + p_ref[1] + hs_ref[...]) + b_ref[...], 0.0)
    bt = bt_ref[0]
    oh = jnp.where(lax.broadcasted_iota(jnp.int32, (_G, _BM), 0) == bt, 1.0, 0.0)

    @pl.when(i == 0)
    def _():
      pool2_ref[...] = jnp.zeros_like(pool2_ref)

    pool2_ref[...] += jnp.dot(oh, hb, preferred_element_type=jnp.float32)

    @pl.when(i == _NB - 1)
    def _():
      cnt = jnp.maximum(cnt_ref[...], 1.0)
      m1 = pool1_ref[...] / cnt
      m2 = pool2_ref[...] / cnt
      z = jnp.concatenate([m1, m2], axis=1)
      z1 = jnp.maximum(
          jnp.dot(z, lw1_ref[...], preferred_element_type=jnp.float32)
          + lb1_ref[...], 0.0)
      z2 = (jnp.dot(z1, lw2_ref[...], preferred_element_type=jnp.float32)
            + lb2_ref[...])
      mx = jnp.max(z2, axis=1, keepdims=True)
      lse = jnp.log(jnp.sum(jnp.exp(z2 - mx), axis=1, keepdims=True))
      out_ref[...] = z2 - mx - lse

  return pl.pallas_call(
      body,
      grid=(_NB,),
      in_specs=[
          pl.BlockSpec((2, _BM, _D), lambda i: (0, i, 0)),
          pl.BlockSpec((_BM, _D), lambda i: (i, 0)),
          pl.BlockSpec((_BM, 1), lambda i: (i, 0)),
          pl.BlockSpec((1, _D), lambda i: (0, 0)),
          pl.BlockSpec((1, 1, _BM), lambda i: (i, 0, 0)),
          pl.BlockSpec((_G, _D), lambda i: (0, 0)),
          pl.BlockSpec((_G, 1), lambda i: (0, 0)),
          pl.BlockSpec((2 * _D, _D), lambda i: (0, 0)),
          pl.BlockSpec((1, _D), lambda i: (0, 0)),
          pl.BlockSpec((_D, _C), lambda i: (0, 0)),
          pl.BlockSpec((1, _C), lambda i: (0, 0)),
      ],
      out_specs=pl.BlockSpec((_G, _C), lambda i: (0, 0)),
      out_shape=jax.ShapeDtypeStruct((_G, _C), jnp.float32),
      scratch_shapes=[pltpu.VMEM((_G, _D), jnp.float32)],
  )(parts, hs2, dinv, b2, batch3, pool1, cnt, lW1, lb1, lW2, lb2)


def kernel(x, edge_index, batch, W1, b1, W2, b2, lW1, lb1, lW2, lb2):
  assert x.shape == (_N, _FIN) and edge_index.shape == (2, _E)

  pad = _EPAD - _E
  srcp = jnp.concatenate([edge_index[0], jnp.zeros((pad,), jnp.int32)])
  padv = _N + jnp.arange(pad, dtype=jnp.int32) % (_TBLC - _N)
  dstp = jnp.concatenate([edge_index[1], padv])
  src3 = srcp.reshape(_NW, _K, _B)
  dst3 = dstp.reshape(_NW, _K, _B)
  src2 = srcp.reshape(_NBLK, _B)
  dst2 = dstp.reshape(_NBLK, _B)
  batch3 = batch.reshape(_NB, 1, _BM)
  b1r = b1.reshape(1, _D)
  b2r = b2.reshape(1, _D)
  lb1r = lb1.reshape(1, _D)
  lb2r = lb2.reshape(1, _C)

  degp = _sc_degree(dst3).reshape(2, _TBL, 1)
  hs1, dinv = _tc_scale_matmul(x, W1, degp)
  parts1 = _sc_scatter_conv(hs1, src2, dst2)
  hs2, pool1, cnt = _tc_mid(parts1, hs1, dinv, b1r, W2, batch3)
  parts2 = _sc_scatter_conv(hs2, src2, dst2)
  return _tc_final(parts2, hs2, dinv, b2r, batch3, pool1, cnt,
                   lW1, lb1r, lW2, lb2r)

# --- scband reference (transcript-rebuilt; emitter-appended) ---
"""Pipeline reference for scband-gcn-net-jump-81243601371600 (READ-ONLY COPY).

The authoritative reference and input builder live on the scoring server;
editing this copy changes nothing except your own understanding.
"""

import jax, jax.numpy as jnp
import numpy as np

N, E, FIN, D, C, G = 10000, 320000, 128, 128, 40, 64

def setup_inputs(seed: int = 0) -> dict:
    key = jax.random.key(seed)
    ks = jax.random.split(key, 12)
    x = jax.random.normal(ks[0], (N, FIN), dtype=jnp.float32)
    edge_index = jax.random.randint(ks[1], (2, E), 0, N, dtype=jnp.int32)
    batch = jnp.sort(jax.random.randint(ks[2], (N,), 0, G, dtype=jnp.int32))
    def glorot(k, shape):
        lim = (6.0 / (shape[0] + shape[1])) ** 0.5
        return jax.random.uniform(k, shape, jnp.float32, -lim, lim)
    W1 = glorot(ks[3], (FIN, D)); b1 = jnp.zeros((D,), jnp.float32)
    W2 = glorot(ks[4], (D, D));   b2 = jnp.zeros((D,), jnp.float32)
    lW1 = glorot(ks[5], (2 * D, D)); lb1 = jnp.zeros((D,), jnp.float32)
    lW2 = glorot(ks[6], (D, C));     lb2 = jnp.zeros((C,), jnp.float32)
    return {"x": x, "edge_index": edge_index, "batch": batch,
            "W1": W1, "b1": b1, "W2": W2, "b2": b2,
            "lW1": lW1, "lb1": lb1, "lW2": lW2, "lb2": lb2}

def _gcn_conv(x, src, dst, W, b):
    # GCNConv with added self-loops and symmetric normalization
    h = x @ W
    deg = jax.ops.segment_sum(jnp.ones_like(dst, dtype=h.dtype), dst, num_segments=N)
    dinv = jnp.where(deg > 0, deg ** -0.5, 0.0)
    norm = dinv[src] * dinv[dst]
    msgs = h[src] * norm[:, None]
    out = jax.ops.segment_sum(msgs, dst, num_segments=N)
    return out + b

def _mean_pool(x, batch):
    s = jax.ops.segment_sum(x, batch, num_segments=G)
    cnt = jax.ops.segment_sum(jnp.ones((x.shape[0],), x.dtype), batch, num_segments=G)
    return s / jnp.maximum(cnt, 1.0)[:, None]

def reference(x, edge_index, batch, W1, b1, W2, b2, lW1, lb1, lW2, lb2):
    loop = jnp.arange(N, dtype=edge_index.dtype)
    src = jnp.concatenate([edge_index[0], loop])
    dst = jnp.concatenate([edge_index[1], loop])
    h = jax.nn.relu(_gcn_conv(x, src, dst, W1, b1))
    xs = [_mean_pool(h, batch)]
    h = jax.nn.relu(_gcn_conv(h, src, dst, W2, b2))
    xs.append(_mean_pool(h, batch))
    z = jnp.concatenate(xs, axis=-1)  # JumpingKnowledge(mode='cat')
    z = jax.nn.relu(z @ lW1 + lb1)
    # dropout is identity in eval mode
    z = z @ lW2 + lb2
    return jax.nn.log_softmax(z, axis=-1)

if __name__ == "__main__":
    import jax
    _d = setup_inputs()
    print(jax.jit(kernel)(*tuple(_d.values())))

</pallas_src>

<mosaic_0001>
#map = affine_map<(d0, d1) -> (0, 0)>
#map1 = affine_map<(d0, d1) -> (0, 0, 0)>
module attributes {stable_mosaic.version = 14 : i64} {
  func.func @conv_kernel(%arg0: i32, %arg1: i32, %arg2: memref<10000x128xf32, #tpu.memory_space<hbm>>, %arg3: memref<2560x128xi32, #tpu.memory_space<hbm>>, %arg4: memref<2560x128xi32, #tpu.memory_space<hbm>>, %arg5: memref<2x10112x128xf32, #tpu.memory_space<hbm>>, %arg6: memref<32x128xi32, #tpu.memory_space<vmem>>, %arg7: memref<32x128xi32, #tpu.memory_space<vmem>>, %arg8: memref<128x128xf32, #tpu.memory_space<vmem>>, %arg9: memref<128x128xf32, #tpu.memory_space<vmem>>, %arg10: memref<!tpu.dma_semaphore, #tpu.memory_space<semaphore_mem>>, %arg11: memref<!tpu.dma_semaphore, #tpu.memory_space<semaphore_mem>>, %arg12: memref<10112x128xf32, #tpu.memory_space<vmem_shared>>) attributes {dimension_semantics = [#tpu.dimension_semantics<core_parallel>, #tpu.dimension_semantics<subcore_parallel>], iteration_bounds = array<i64: 2, 16>, scalar_prefetch = 0 : i64, scratch_operands = 7 : i64, tpu.core_type = #tpu.core_type<sc_vector_subcore>, window_params = [{transform_indices = #map}, {transform_indices = #map}, {transform_indices = #map}, {transform_indices = #map1}]} {
    %scan3A = arith.constant 0 : i32
    %scan3A_0 = arith.constant 128 : i32
    %scan3A_1 = arith.addi %scan3A, %scan3A_0 : i32
    %scan3A_2 = arith.constant 1 : i32
    scf.for %scan3A_29 = %scan3A to %scan3A_1 step %scan3A_2  : i32 {
      %mul3A_30 = arith.constant 1 : i32
      %mul3A_31 = arith.muli %scan3A_29, %mul3A_30 : i32
      %add3A_32 = arith.constant 0 : i32
      %add3A_33 = arith.addi %add3A_32, %mul3A_31 : i32
      %scan3A_34 = arith.constant 0 : i32
      %scan3A_35 = arith.constant 8 : i32
      %scan3A_36 = arith.addi %scan3A_34, %scan3A_35 : i32
      %scan3A_37 = arith.constant 1 : i32
      scf.for %scan3A_39 = %scan3A_34 to %scan3A_36 step %scan3A_37  : i32 {
        %mul3A_40 = arith.constant 16 : i32
        %mul3A_41 = arith.muli %scan3A_39, %mul3A_40 : i32
        %add3A_42 = arith.constant 0 : i32
        %add3A_43 = arith.addi %add3A_42, %mul3A_41 : i32
        %broadcast_in_dim3A = arith.constant 0.000000e+00 : f32
        %broadcast_in_dim3A_44 = vector.broadcast %broadcast_in_dim3A : f32 to vector<16xf32>
        %swap3A = arith.index_cast %add3A_33 : i32 to index
        %swap3A_45 = arith.index_cast %add3A_43 : i32 to index
        %swap3A_46 = tpu.vector_load %arg8[%swap3A, %swap3A_45] {strides = array<i32>} : memref<128x128xf32, #tpu.memory_space<vmem>>, vector<1x16xf32>,
        %swap3A_47 = vector.shape_cast %swap3A_46 : vector<1x16xf32> to vector<16xf32>
        %swap3A_48 = vector.shape_cast %broadcast_in_dim3A_44 : vector<16xf32> to vector<1x16xf32>
        tpu.vector_store %arg8[%swap3A, %swap3A_45], %swap3A_48 {strides = array<i32>} : memref<128x128xf32, #tpu.memory_space<vmem>>, vector<1x16xf32>,
      }
      %scan3A_38 = arith.constant 8 : i32
    }
    %scan3A_3 = arith.constant 128 : i32
    %mul3A = arith.constant 632 : i32
    %mul3A_4 = arith.muli %arg1, %mul3A : i32
    %add3A = arith.constant 0 : i32
    %add3A_5 = arith.addi %mul3A_4, %add3A : i32
    "tpu.region"() ({
      %run_scoped3A = tpu.sem_alloc : memref<!tpu.dma_semaphore, #tpu.memory_space<semaphore_mem>>
      %dma_start3A = arith.constant 0 : i32
      %dma_start3A_29 = tpu.memref_slice %arg12[%add3A_5, %dma_start3A] : memref<10112x128xf32, #tpu.memory_space<vmem_shared>> -> memref<128x128xf32, #tpu.memory_space<vmem_shared>>
      %dma_start3A_30 = arith.constant 0 : i32
      %dma_start3A_31 = tpu.memref_slice %arg12[%add3A_5, %dma_start3A_30] : memref<10112x128xf32, #tpu.memory_space<vmem_shared>> -> memref<128x128xf32, #tpu.memory_space<vmem_shared>>
      tpu.enqueue_dma source(%arg8 : memref<128x128xf32, #tpu.memory_space<vmem>>) target(%dma_start3A_31 : memref<128x128xf32, #tpu.memory_space<vmem_shared>>) target_semaphore(%run_scoped3A : memref<!tpu.dma_semaphore, #tpu.memory_space<semaphore_mem>>)
      %dma_wait3A = arith.constant 0 : i32
      %dma_wait3A_32 = tpu.memref_slice %arg12[%add3A_5, %dma_wait3A] : memref<10112x128xf32, #tpu.memory_space<vmem_shared>> -> memref<128x128xf32, #tpu.memory_space<vmem_shared>>
      %dma_wait3A_33 = arith.constant 0 : i32
      %dma_wait3A_34 = tpu.memref_slice %arg12[%add3A_5, %dma_wait3A_33] : memref<10112x128xf32, #tpu.memory_space<vmem_shared>> -> memref<128x128xf32, #tpu.memory_space<vmem_shared>>
      tpu.wait_dma2 semaphore(%run_scoped3A : memref<!tpu.dma_semaphore, #tpu.memory_space<semaphore_mem>>) src(%arg8 : memref<128x128xf32, #tpu.memory_space<vmem>>) dst(%dma_wait3A_34 : memref<128x128xf32, #tpu.memory_space<vmem_shared>>)
      tpu.yield
    }) : () -> ()
    %mul3A_6 = arith.constant 632 : i32
    %mul3A_7 = arith.muli %arg1, %mul3A_6 : i32
    %add3A_8 = arith.constant 128 : i32
    %add3A_9 = arith.addi %mul3A_7, %add3A_8 : i32
    "tpu.region"() ({
      %run_scoped3A = tpu.sem_alloc : memref<!tpu.dma_semaphore, #tpu.memory_space<semaphore_mem>>
      %dma_start3A = arith.constant 0 : i32
      %dma_start3A_29 = tpu.memref_slice %arg12[%add3A_9, %dma_start3A] : memref<10112x128xf32, #tpu.memory_space<vmem_shared>> -> memref<128x128xf32, #tpu.memory_space<vmem_shared>>
      %dma_start3A_30 = arith.constant 0 : i32
      %dma_start3A_31 = tpu.memref_slice %arg12[%add3A_9, %dma_start3A_30] : memref<10112x128xf32, #tpu.memory_space<vmem_shared>> -> memref<128x128xf32, #tpu.memory_space<vmem_shared>>
      tpu.enqueue_dma source(%arg8 : memref<128x128xf32, #tpu.memory_space<vmem>>) target(%dma_start3A_31 : memref<128x128xf32, #tpu.memory_space<vmem_shared>>) target_semaphore(%run_scoped3A : memref<!tpu.dma_semaphore, #tpu.memory_space<semaphore_mem>>)
      %dma_wait3A = arith.constant 0 : i32
      %dma_wait3A_32 = tpu.memref_slice %arg12[%add3A_9, %dma_wait3A] : memref<10112x128xf32, #tpu.memory_space<vmem_shared>> -> memref<128x128xf32, #tpu.memory_space<vmem_shared>>
      %dma_wait3A_33 = arith.constant 0 : i32
      %dma_wait3A_34 = tpu.memref_slice %arg12[%add3A_9, %dma_wait3A_33] : memref<10112x128xf32, #tpu.memory_space<vmem_shared>> -> memref<128x128xf32, #tpu.memory_space<vmem_shared>>
      tpu.wait_dma2 semaphore(%run_scoped3A : memref<!tpu.dma_semaphore, #tpu.memory_space<semaphore_mem>>) src(%arg8 : memref<128x128xf32, #tpu.memory_space<vmem>>) dst(%dma_wait3A_34 : memref<128x128xf32, #tpu.memory_space<vmem_shared>>)
      tpu.yield
    }) : () -> ()
    %mul3A_10 = arith.constant 632 : i32
    %mul3A_11 = arith.muli %arg1, %mul3A_10 : i32
    %add3A_12 = arith.constant 256 : i32
    %add3A_13 = arith.addi %mul3A_11, %add3A_12 : i32
    "tpu.region"() ({
      %run_scoped3A = tpu.sem_alloc : memref<!tpu.dma_semaphore, #tpu.memory_space<semaphore_mem>>
      %dma_start3A = arith.constant 0 : i32
      %dma_start3A_29 = tpu.memref_slice %arg12[%add3A_13, %dma_start3A] : memref<10112x128xf32, #tpu.memory_space<vmem_shared>> -> memref<128x128xf32, #tpu.memory_space<vmem_shared>>
      %dma_start3A_30 = arith.constant 0 : i32
      %dma_start3A_31 = tpu.memref_slice %arg12[%add3A_13, %dma_start3A_30] : memref<10112x128xf32, #tpu.memory_space<vmem_shared>> -> memref<128x128xf32, #tpu.memory_space<vmem_shared>>
      tpu.enqueue_dma source(%arg8 : memref<128x128xf32, #tpu.memory_space<vmem>>) target(%dma_start3A_31 : memref<128x128xf32, #tpu.memory_space<vmem_shared>>) target_semaphore(%run_scoped3A : memref<!tpu.dma_semaphore, #tpu.memory_space<semaphore_mem>>)
      %dma_wait3A = arith.constant 0 : i32
      %dma_wait3A_32 = tpu.memref_slice %arg12[%add3A_13, %dma_wait3A] : memref<10112x128xf32, #tpu.memory_space<vmem_shared>> -> memref<128x128xf32, #tpu.memory_space<vmem_shared>>
      %dma_wait3A_33 = arith.constant 0 : i32
      %dma_wait3A_34 = tpu.memref_slice %arg12[%add3A_13, %dma_wait3A_33] : memref<10112x128xf32, #tpu.memory_space<vmem_shared>> -> memref<128x128xf32, #tpu.memory_space<vmem_shared>>
      tpu.wait_dma2 semaphore(%run_scoped3A : memref<!tpu.dma_semaphore, #tpu.memory_space<semaphore_mem>>) src(%arg8 : memref<128x128xf32, #tpu.memory_space<vmem>>) dst(%dma_wait3A_34 : memref<128x128xf32, #tpu.memory_space<vmem_shared>>)
      tpu.yield
    }) : () -> ()
    %mul3A_14 = arith.constant 632 : i32
    %mul3A_15 = arith.muli %arg1, %mul3A_14 : i32
    %add3A_16 = arith.constant 384 : i32
    %add3A_17 = arith.addi %mul3A_15, %add3A_16 : i32
    "tpu.region"() ({
      %run_scoped3A = tpu.sem_alloc : memref<!tpu.dma_semaphore, #tpu.memory_space<semaphore_mem>>
      %dma_start3A = arith.constant 0 : i32
      %dma_start3A_29 = tpu.memref_slice %arg12[%add3A_17, %dma_start3A] : memref<10112x128xf32, #tpu.memory_space<vmem_shared>> -> memref<128x128xf32, #tpu.memory_space<vmem_shared>>
      %dma_start3A_30 = arith.constant 0 : i32
      %dma_start3A_31 = tpu.memref_slice %arg12[%add3A_17, %dma_start3A_30] : memref<10112x128xf32, #tpu.memory_space<vmem_shared>> -> memref<128x128xf32, #tpu.memory_space<vmem_shared>>
      tpu.enqueue_dma source(%arg8 : memref<128x128xf32, #tpu.memory_space<vmem>>) target(%dma_start3A_31 : memref<128x128xf32, #tpu.memory_space<vmem_shared>>) target_semaphore(%run_scoped3A : memref<!tpu.dma_semaphore, #tpu.memory_space<semaphore_mem>>)
      %dma_wait3A = arith.constant 0 : i32
      %dma_wait3A_32 = tpu.memref_slice %arg12[%add3A_17, %dma_wait3A] : memref<10112x128xf32, #tpu.memory_space<vmem_shared>> -> memref<128x128xf32, #tpu.memory_space<vmem_shared>>
      %dma_wait3A_33 = arith.constant 0 : i32
      %dma_wait3A_34 = tpu.memref_slice %arg12[%add3A_17, %dma_wait3A_33] : memref<10112x128xf32, #tpu.memory_space<vmem_shared>> -> memref<128x128xf32, #tpu.memory_space<vmem_shared>>
      tpu.wait_dma2 semaphore(%run_scoped3A : memref<!tpu.dma_semaphore, #tpu.memory_space<semaphore_mem>>) src(%arg8 : memref<128x128xf32, #tpu.memory_space<vmem>>) dst(%dma_wait3A_34 : memref<128x128xf32, #tpu.memory_space<vmem_shared>>)
      tpu.yield
    }) : () -> ()
    %mul3A_18 = arith.constant 632 : i32
    %mul3A_19 = arith.muli %arg1, %mul3A_18 : i32
    %add3A_20 = arith.constant 512 : i32
    %add3A_21 = arith.addi %mul3A_19, %add3A_20 : i32
    "tpu.region"() ({
      %run_scoped3A = tpu.sem_alloc : memref<!tpu.dma_semaphore, #tpu.memory_space<semaphore_mem>>
      %dma_start3A = arith.constant 0 : i32
      %dma_start3A_29 = arith.constant 0 : i32
      %dma_start3A_30 = tpu.memref_slice %arg8[%dma_start3A, %dma_start3A_29] : memref<128x128xf32, #tpu.memory_space<vmem>> -> memref<120x128xf32, #tpu.memory_space<vmem>>
      %dma_start3A_31 = arith.constant 0 : i32
      %dma_start3A_32 = tpu.memref_slice %arg12[%add3A_21, %dma_start3A_31] : memref<10112x128xf32, #tpu.memory_space<vmem_shared>> -> memref<120x128xf32, #tpu.memory_space<vmem_shared>>
      %dma_start3A_33 = arith.constant 0 : i32
      %dma_start3A_34 = tpu.memref_slice %arg12[%add3A_21, %dma_start3A_33] : memref<10112x128xf32, #tpu.memory_space<vmem_shared>> -> memref<120x128xf32, #tpu.memory_space<vmem_shared>>
      %dma_start3A_35 = arith.constant 0 : i32
      %dma_start3A_36 = arith.constant 0 : i32
      %dma_start3A_37 = tpu.memref_slice %arg8[%dma_start3A_35, %dma_start3A_36] : memref<128x128xf32, #tpu.memory_space<vmem>> -> memref<120x128xf32, #tpu.memory_space<vmem>>
      tpu.enqueue_dma source(%dma_start3A_37 : memref<120x128xf32, #tpu.memory_space<vmem>>) target(%dma_start3A_34 : memref<120x128xf32, #tpu.memory_space<vmem_shared>>) target_semaphore(%run_scoped3A : memref<!tpu.dma_semaphore, #tpu.memory_space<semaphore_mem>>)
      %dma_wait3A = arith.constant 0 : i32
      %dma_wait3A_38 = arith.constant 0 : i32
      %dma_wait3A_39 = tpu.memref_slice %arg8[%dma_wait3A, %dma_wait3A_38] : memref<128x128xf32, #tpu.memory_space<vmem>> -> memref<120x128xf32, #tpu.memory_space<vmem>>
      %dma_wait3A_40 = arith.constant 0 : i32
      %dma_wait3A_41 = tpu.memref_slice %arg12[%add3A_21, %dma_wait3A_40] : memref<10112x128xf32, #tpu.memory_space<vmem_shared>> -> memref<120x128xf32, #tpu.memory_space<vmem_shared>>
      %dma_wait3A_42 = arith.constant 0 : i32
      %dma_wait3A_43 = tpu.memref_slice %arg12[%add3A_21, %dma_wait3A_42] : memref<10112x128xf32, #tpu.memory_space<vmem_shared>> -> memref<120x128xf32, #tpu.memory_space<vmem_shared>>
      %dma_wait3A_44 = arith.constant 0 : i32
      %dma_wait3A_45 = arith.constant 0 : i32
      %dma_wait3A_46 = tpu.memref_slice %arg8[%dma_wait3A_44, %dma_wait3A_45] : memref<128x128xf32, #tpu.memory_space<vmem>> -> memref<120x128xf32, #tpu.memory_space<vmem>>
      tpu.wait_dma2 semaphore(%run_scoped3A : memref<!tpu.dma_semaphore, #tpu.memory_space<semaphore_mem>>) src(%dma_wait3A_46 : memref<120x128xf32, #tpu.memory_space<vmem>>) dst(%dma_wait3A_43 : memref<120x128xf32, #tpu.memory_space<vmem_shared>>)
      tpu.yield
    }) : () -> ()
    %barrier3A = arith.constant 0 : index
    tpu.barrier barrier_id(%barrier3A)
    %eq3A = arith.constant 0 : i32
    %eq3A_22 = arith.cmpi eq, %arg0, %eq3A : i32
    %convert_element_type3A = arith.extui %eq3A_22 : i1 to i32
    %cond3A = arith.constant 0 : i32
    %cond3A_23 = arith.cmpi ne, %convert_element_type3A, %cond3A : i32
    scf.if %cond3A_23 {
      %mul3A_29 = arith.constant 160 : i32
      %mul3A_30 = arith.muli %arg1, %mul3A_29 : i32
      %add3A_31 = arith.constant 0 : i32
      %add3A_32 = arith.addi %mul3A_30, %add3A_31 : i32
      "tpu.region"() ({
        %run_scoped3A = tpu.sem_alloc : memref<!tpu.dma_semaphore, #tpu.memory_space<semaphore_mem>>
        %dma_start3A_110 = arith.constant 0 : i32
        %dma_start3A_111 = tpu.memref_slice %arg3[%add3A_32, %dma_start3A_110] : memref<2560x128xi32, #tpu.memory_space<hbm>> -> memref<32x128xi32, #tpu.memory_space<hbm>>
        %dma_start3A_112 = arith.constant 0 : i32
        %dma_start3A_113 = tpu.memref_slice %arg3[%add3A_32, %dma_start3A_112] : memref<2560x128xi32, #tpu.memory_space<hbm>> -> memref<32x128xi32, #tpu.memory_space<hbm>>
        tpu.enqueue_dma source(%dma_start3A_113 : memref<32x128xi32, #tpu.memory_space<hbm>>) target(%arg6 : memref<32x128xi32, #tpu.memory_space<vmem>>) target_semaphore(%run_scoped3A : memref<!tpu.dma_semaphore, #tpu.memory_space<semaphore_mem>>)
        %dma_wait3A = arith.constant 0 : i32
        %dma_wait3A_114 = tpu.memref_slice %arg3[%add3A_32, %dma_wait3A] : memref<2560x128xi32, #tpu.memory_space<hbm>> -> memref<32x128xi32, #tpu.memory_space<hbm>>
        %dma_wait3A_115 = arith.constant 0 : i32
        %dma_wait3A_116 = tpu.memref_slice %arg3[%add3A_32, %dma_wait3A_115] : memref<2560x128xi32, #tpu.memory_space<hbm>> -> memref<32x128xi32, #tpu.memory_space<hbm>>
        tpu.wait_dma2 semaphore(%run_scoped3A : memref<!tpu.dma_semaphore, #tpu.memory_space<semaphore_mem>>) src(%dma_wait3A_116 : memref<32x128xi32, #tpu.memory_space<hbm>>) dst(%arg6 : memref<32x128xi32, #tpu.memory_space<vmem>>)
        tpu.yield
      }) : () -> ()
      %add3A_33 = arith.constant 0 : i32
      %add3A_34 = arith.addi %mul3A_30, %add3A_33 : i32
      "tpu.region"() ({
        %run_scoped3A = tpu.sem_alloc : memref<!tpu.dma_semaphore, #tpu.memory_space<semaphore_mem>>
        %dma_start3A_110 = arith.constant 0 : i32
        %dma_start3A_111 = tpu.memref_slice %arg4[%add3A_34, %dma_start3A_110] : memref<2560x128xi32, #tpu.memory_space<hbm>> -> memref<32x128xi32, #tpu.memory_space<hbm>>
        %dma_start3A_112 = arith.constant 0 : i32
        %dma_start3A_113 = tpu.memref_slice %arg4[%add3A_34, %dma_start3A_112] : memref<2560x128xi32, #tpu.memory_space<hbm>> -> memref<32x128xi32, #tpu.memory_space<hbm>>
        tpu.enqueue_dma source(%dma_start3A_113 : memref<32x128xi32, #tpu.memory_space<hbm>>) target(%arg7 : memref<32x128xi32, #tpu.memory_space<vmem>>) target_semaphore(%run_scoped3A : memref<!tpu.dma_semaphore, #tpu.memory_space<semaphore_mem>>)
        %dma_wait3A = arith.constant 0 : i32
        %dma_wait3A_114 = tpu.memref_slice %arg4[%add3A_34, %dma_wait3A] : memref<2560x128xi32, #tpu.memory_space<hbm>> -> memref<32x128xi32, #tpu.memory_space<hbm>>
        %dma_wait3A_115 = arith.constant 0 : i32
        %dma_wait3A_116 = tpu.memref_slice %arg4[%add3A_34, %dma_wait3A_115] : memref<2560x128xi32, #tpu.memory_space<hbm>> -> memref<32x128xi32, #tpu.memory_space<hbm>>
        tpu.wait_dma2 semaphore(%run_scoped3A : memref<!tpu.dma_semaphore, #tpu.memory_space<semaphore_mem>>) src(%dma_wait3A_116 : memref<32x128xi32, #tpu.memory_space<hbm>>) dst(%arg7 : memref<32x128xi32, #tpu.memory_space<vmem>>)
        tpu.yield
      }) : () -> ()
      %dma_start3A = arith.constant 0 : i32
      %dma_start3A_35 = arith.constant 0 : i32
      %dma_start3A_36 = tpu.memref_slice %arg6[%dma_start3A, %dma_start3A_35] : memref<32x128xi32, #tpu.memory_space<vmem>> -> memref<1x128xi32, #tpu.memory_space<vmem>>
      %dma_start3A_37 = tpu.memref_squeeze %dma_start3A_36 : memref<1x128xi32, #tpu.memory_space<vmem>> -> memref<128xi32, #tpu.memory_space<vmem>>
      %dma_start3A_38 = arith.constant 0 : i32
      %dma_start3A_39 = arith.constant 0 : i32
      %dma_start3A_40 = tpu.memref_slice %arg2[%dma_start3A_38, %dma_start3A_39] : memref<10000x128xf32, #tpu.memory_space<hbm>> -> memref<10000x128xf32, #tpu.memory_space<hbm>>
      tpu.enqueue_indirect_dma source(%dma_start3A_40 : memref<10000x128xf32, #tpu.memory_space<hbm>>) target(%arg8 : memref<128x128xf32, #tpu.memory_space<vmem>>) offsets(%dma_start3A_37 : memref<128xi32, #tpu.memory_space<vmem>>) semaphore(%arg10 : memref<!tpu.dma_semaphore, #tpu.memory_space<semaphore_mem>>)
      %scan3A_41 = arith.constant 0 : i32
      %scan3A_42 = arith.constant 16 : i32
      %scan3A_43 = arith.addi %scan3A_41, %scan3A_42 : i32
      %scan3A_44 = arith.constant 1 : i32
      scf.for %scan3A_110 = %scan3A_41 to %scan3A_43 step %scan3A_44  : i32 {
        %mul3A_111 = arith.constant 2 : i32
        %mul3A_112 = arith.muli %scan3A_110, %mul3A_111 : i32
        %add3A_113 = arith.constant 0 : i32
        %add3A_114 = arith.addi %add3A_113, %mul3A_112 : i32
        %add3A_115 = arith.constant 1 : i32
        %add3A_116 = arith.addi %add3A_114, %add3A_115 : i32
        %lt3A = arith.constant 32 : i32
        %lt3A_117 = arith.cmpi slt, %add3A_116, %lt3A : i32
        %convert_element_type3A_118 = arith.extui %lt3A_117 : i1 to i32
        %cond3A_119 = arith.constant 0 : i32
        %cond3A_120 = arith.cmpi ne, %convert_element_type3A_118, %cond3A_119 : i32
        scf.if %cond3A_120 {
          %add3A_140 = arith.constant 1 : i32
          %add3A_141 = arith.addi %add3A_114, %add3A_140 : i32
          %dma_start3A_142 = arith.constant 0 : i32
          %dma_start3A_143 = tpu.memref_slice %arg6[%add3A_141, %dma_start3A_142] : memref<32x128xi32, #tpu.memory_space<vmem>> -> memref<1x128xi32, #tpu.memory_space<vmem>>
          %dma_start3A_144 = tpu.memref_squeeze %dma_start3A_143 : memref<1x128xi32, #tpu.memory_space<vmem>> -> memref<128xi32, #tpu.memory_space<vmem>>
          %dma_start3A_145 = arith.constant 0 : i32
          %dma_start3A_146 = arith.constant 0 : i32
          %dma_start3A_147 = tpu.memref_slice %arg2[%dma_start3A_145, %dma_start3A_146] : memref<10000x128xf32, #tpu.memory_space<hbm>> -> memref<10000x128xf32, #tpu.memory_space<hbm>>
          tpu.enqueue_indirect_dma source(%dma_start3A_147 : memref<10000x128xf32, #tpu.memory_space<hbm>>) target(%arg9 : memref<128x128xf32, #tpu.memory_space<vmem>>) offsets(%dma_start3A_144 : memref<128xi32, #tpu.memory_space<vmem>>) semaphore(%arg11 : memref<!tpu.dma_semaphore, #tpu.memory_space<semaphore_mem>>)
        } else {
        }
        %dma_wait3A = arith.constant 0 : i32
        %dma_wait3A_121 = tpu.memref_slice %arg6[%add3A_114, %dma_wait3A] : memref<32x128xi32, #tpu.memory_space<vmem>> -> memref<1x128xi32, #tpu.memory_space<vmem>>
        %dma_wait3A_122 = tpu.memref_squeeze %dma_wait3A_121 : memref<1x128xi32, #tpu.memory_space<vmem>> -> memref<128xi32, #tpu.memory_space<vmem>>
        %dma_wait3A_123 = arith.constant 0 : i32
        %dma_wait3A_124 = arith.constant 0 : i32
        %dma_wait3A_125 = tpu.memref_slice %arg2[%dma_wait3A_123, %dma_wait3A_124] : memref<10000x128xf32, #tpu.memory_space<hbm>> -> memref<10000x128xf32, #tpu.memory_space<hbm>>
        tpu.wait_indirect_dma semaphore(%arg10 : memref<!tpu.dma_semaphore, #tpu.memory_space<semaphore_mem>>) src(%dma_wait3A_125 : memref<10000x128xf32, #tpu.memory_space<hbm>>) dst(%arg8 : memref<128x128xf32, #tpu.memory_space<vmem>>)
        "tpu.region"() ({
          %run_scoped3A = tpu.sem_alloc : memref<!tpu.dma_semaphore, #tpu.memory_space<semaphore_mem>>
          %dma_start3A_140 = arith.constant 0 : i32
          %dma_start3A_141 = tpu.memref_slice %arg7[%add3A_114, %dma_start3A_140] : memref<32x128xi32, #tpu.memory_space<vmem>> -> memref<1x128xi32, #tpu.memory_space<vmem>>
          %dma_start3A_142 = tpu.memref_squeeze %dma_start3A_141 : memref<1x128xi32, #tpu.memory_space<vmem>> -> memref<128xi32, #tpu.memory_space<vmem>>
          %dma_start3A_143 = arith.constant 0 : i32
          %dma_start3A_144 = arith.constant 0 : i32
          %dma_start3A_145 = tpu.memref_slice %arg12[%dma_start3A_143, %dma_start3A_144] : memref<10112x128xf32, #tpu.memory_space<vmem_shared>> -> memref<10112x128xf32, #tpu.memory_space<vmem_shared>>
          tpu.enqueue_indirect_dma source(%arg8 : memref<128x128xf32, #tpu.memory_space<vmem>>) target(%dma_start3A_145 : memref<10112x128xf32, #tpu.memory_space<vmem_shared>>) offsets(%dma_start3A_142 : memref<128xi32, #tpu.memory_space<vmem>>) semaphore(%run_scoped3A : memref<!tpu.dma_semaphore, #tpu.memory_space<semaphore_mem>>) {add = true}
          %dma_wait3A_146 = arith.constant 0 : i32
          %dma_wait3A_147 = tpu.memref_slice %arg7[%add3A_114, %dma_wait3A_146] : memref<32x128xi32, #tpu.memory_space<vmem>> -> memref<1x128xi32, #tpu.memory_space<vmem>>
          %dma_wait3A_148 = tpu.memref_squeeze %dma_wait3A_147 : memref<1x128xi32, #tpu.memory_space<vmem>> -> memref<128xi32, #tpu.memory_space<vmem>>
          %dma_wait3A_149 = arith.constant 0 : i32
          %dma_wait3A_150 = arith.constant 0 : i32
          %dma_wait3A_151 = tpu.memref_slice %arg12[%dma_wait3A_149, %dma_wait3A_150] : memref<10112x128xf32, #tpu.memory_space<vmem_shared>> -> memref<10112x128xf32, #tpu.memory_space<vmem_shared>>
          tpu.wait_indirect_dma semaphore(%run_scoped3A : memref<!tpu.dma_semaphore, #tpu.memory_space<semaphore_mem>>) src(%arg8 : memref<128x128xf32, #tpu.memory_space<vmem>>) dst(%dma_wait3A_151 : memref<10112x128xf32, #tpu.memory_space<vmem_shared>>)
          tpu.yield
        }) : () -> ()
        %add3A_126 = arith.constant 2 : i32
        %add3A_127 = arith.addi %add3A_114, %add3A_126 : i32
        %lt3A_128 = arith.constant 32 : i32
        %lt3A_129 = arith.cmpi slt, %add3A_127, %lt3A_128 : i32
        %convert_element_type3A_130 = arith.extui %lt3A_129 : i1 to i32
        %cond3A_131 = arith.constant 0 : i32
        %cond3A_132 = arith.cmpi ne, %convert_element_type3A_130, %cond3A_131 : i32
        scf.if %cond3A_132 {
          %add3A_140 = arith.constant 2 : i32
          %add3A_141 = arith.addi %add3A_114, %add3A_140 : i32
          %dma_start3A_142 = arith.constant 0 : i32
          %dma_start3A_143 = tpu.memref_slice %arg6[%add3A_141, %dma_start3A_142] : memref<32x128xi32, #tpu.memory_space<vmem>> -> memref<1x128xi32, #tpu.memory_space<vmem>>
          %dma_start3A_144 = tpu.memref_squeeze %dma_start3A_143 : memref<1x128xi32, #tpu.memory_space<vmem>> -> memref<128xi32, #tpu.memory_space<vmem>>
          %dma_start3A_145 = arith.constant 0 : i32
          %dma_start3A_146 = arith.constant 0 : i32
          %dma_start3A_147 = tpu.memref_slice %arg2[%dma_start3A_145, %dma_start3A_146] : memref<10000x128xf32, #tpu.memory_space<hbm>> -> memref<10000x128xf32, #tpu.memory_space<hbm>>
          tpu.enqueue_indirect_dma source(%dma_start3A_147 : memref<10000x128xf32, #tpu.memory_space<hbm>>) target(%arg8 : memref<128x128xf32, #tpu.memory_space<vmem>>) offsets(%dma_start3A_144 : memref<128xi32, #tpu.memory_space<vmem>>) semaphore(%arg10 : memref<!tpu.dma_semaphore, #tpu.memory_space<semaphore_mem>>)
        } else {
        }
        %add3A_133 = arith.constant 1 : i32
        %add3A_134 = arith.addi %add3A_114, %add3A_133 : i32
        %lt3A_135 = arith.constant 32 : i32
        %lt3A_136 = arith.cmpi slt, %add3A_134, %lt3A_135 : i32
        %convert_element_type3A_137 = arith.extui %lt3A_136 : i1 to i32
        %cond3A_138 = arith.constant 0 : i32
        %cond3A_139 = arith.cmpi ne, %convert_element_type3A_137, %cond3A_138 : i32
        scf.if %cond3A_139 {
          %add3A_140 = arith.constant 1 : i32
          %add3A_141 = arith.addi %add3A_114, %add3A_140 : i32
          %dma_wait3A_142 = arith.constant 0 : i32
          %dma_wait3A_143 = tpu.memref_slice %arg6[%add3A_141, %dma_wait3A_142] : memref<32x128xi32, #tpu.memory_space<vmem>> -> memref<1x128xi32, #tpu.memory_space<vmem>>
          %dma_wait3A_144 = tpu.memref_squeeze %dma_wait3A_143 : memref<1x128xi32, #tpu.memory_space<vmem>> -> memref<128xi32, #tpu.memory_space<vmem>>
          %dma_wait3A_145 = arith.constant 0 : i32
          %dma_wait3A_146 = arith.constant 0 : i32
          %dma_wait3A_147 = tpu.memref_slice %arg2[%dma_wait3A_145, %dma_wait3A_146] : memref<10000x128xf32, #tpu.memory_space<hbm>> -> memref<10000x128xf32, #tpu.memory_space<hbm>>
          tpu.wait_indirect_dma semaphore(%arg11 : memref<!tpu.dma_semaphore, #tpu.memory_space<semaphore_mem>>) src(%dma_wait3A_147 : memref<10000x128xf32, #tpu.memory_space<hbm>>) dst(%arg9 : memref<128x128xf32, #tpu.memory_space<vmem>>)
          %add3A_148 = arith.constant 1 : i32
          %add3A_149 = arith.addi %add3A_114, %add3A_148 : i32
          "tpu.region"() ({
            %run_scoped3A = tpu.sem_alloc : memref<!tpu.dma_semaphore, #tpu.memory_space<semaphore_mem>>
            %dma_start3A_150 = arith.constant 0 : i32
            %dma_start3A_151 = tpu.memref_slice %arg7[%add3A_149, %dma_start3A_150] : memref<32x128xi32, #tpu.memory_space<vmem>> -> memref<1x128xi32, #tpu.memory_space<vmem>>
            %dma_start3A_152 = tpu.memref_squeeze %dma_start3A_151 : memref<1x128xi32, #tpu.memory_space<vmem>> -> memref<128xi32, #tpu.memory_space<vmem>>
            %dma_start3A_153 = arith.constant 0 : i32
            %dma_start3A_154 = arith.constant 0 : i32
            %dma_start3A_155 = tpu.memref_slice %arg12[%dma_start3A_153, %dma_start3A_154] : memref<10112x128xf32, #tpu.memory_space<vmem_shared>> -> memref<10112x128xf32, #tpu.memory_space<vmem_shared>>
            tpu.enqueue_indirect_dma source(%arg9 : memref<128x128xf32, #tpu.memory_space<vmem>>) target(%dma_start3A_155 : memref<10112x128xf32, #tpu.memory_space<vmem_shared>>) offsets(%dma_start3A_152 : memref<128xi32, #tpu.memory_space<vmem>>) semaphore(%run_scoped3A : memref<!tpu.dma_semaphore, #tpu.memory_space<semaphore_mem>>) {add = true}
            %dma_wait3A_156 = arith.constant 0 : i32
            %dma_wait3A_157 = tpu.memref_slice %arg7[%add3A_149, %dma_wait3A_156] : memref<32x128xi32, #tpu.memory_space<vmem>> -> memref<1x128xi32, #tpu.memory_space<vmem>>
            %dma_wait3A_158 = tpu.memref_squeeze %dma_wait3A_157 : memref<1x128xi32, #tpu.memory_space<vmem>> -> memref<128xi32, #tpu.memory_space<vmem>>
            %dma_wait3A_159 = arith.constant 0 : i32
            %dma_wait3A_160 = arith.constant 0 : i32
            %dma_wait3A_161 = tpu.memref_slice %arg12[%dma_wait3A_159, %dma_wait3A_160] : memref<10112x128xf32, #tpu.memory_space<vmem_shared>> -> memref<10112x128xf32, #tpu.memory_space<vmem_shared>>
            tpu.wait_indirect_dma semaphore(%run_scoped3A : memref<!tpu.dma_semaphore, #tpu.memory_space<semaphore_mem>>) src(%arg9 : memref<128x128xf32, #tpu.memory_space<vmem>>) dst(%dma_wait3A_161 : memref<10112x128xf32, #tpu.memory_space<vmem_shared>>)
            tpu.yield
          }) : () -> ()
        } else {
        }
      }
      %scan3A_45 = arith.constant 16 : i32
      %add3A_46 = arith.constant 32 : i32
      %add3A_47 = arith.addi %mul3A_30, %add3A_46 : i32
      "tpu.region"() ({
        %run_scoped3A = tpu.sem_alloc : memref<!tpu.dma_semaphore, #tpu.memory_space<semaphore_mem>>
        %dma_start3A_110 = arith.constant 0 : i32
        %dma_start3A_111 = tpu.memref_slice %arg3[%add3A_47, %dma_start3A_110] : memref<2560x128xi32, #tpu.memory_space<hbm>> -> memref<32x128xi32, #tpu.memory_space<hbm>>
        %dma_start3A_112 = arith.constant 0 : i32
        %dma_start3A_113 = tpu.memref_slice %arg3[%add3A_47, %dma_start3A_112] : memref<2560x128xi32, #tpu.memory_space<hbm>> -> memref<32x128xi32, #tpu.memory_space<hbm>>
        tpu.enqueue_dma source(%dma_start3A_113 : memref<32x128xi32, #tpu.memory_space<hbm>>) target(%arg6 : memref<32x128xi32, #tpu.memory_space<vmem>>) target_semaphore(%run_scoped3A : memref<!tpu.dma_semaphore, #tpu.memory_space<semaphore_mem>>)
        %dma_wait3A = arith.constant 0 : i32
        %dma_wait3A_114 = tpu.memref_slice %arg3[%add3A_47, %dma_wait3A] : memref<2560x128xi32, #tpu.memory_space<hbm>> -> memref<32x128xi32, #tpu.memory_space<hbm>>
        %dma_wait3A_115 = arith.constant 0 : i32
        %dma_wait3A_116 = tpu.memref_slice %arg3[%add3A_47, %dma_wait3A_115] : memref<2560x128xi32, #tpu.memory_space<hbm>> -> memref<32x128xi32, #tpu.memory_space<hbm>>
        tpu.wait_dma2 semaphore(%run_scoped3A : memref<!tpu.dma_semaphore, #tpu.memory_space<semaphore_mem>>) src(%dma_wait3A_116 : memref<32x128xi32, #tpu.memory_space<hbm>>) dst(%arg6 : memref<32x128xi32, #tpu.memory_space<vmem>>)
        tpu.yield
      }) : () -> ()
      %add3A_48 = arith.constant 32 : i32
      %add3A_49 = arith.addi %mul3A_30, %add3A_48 : i32
      "tpu.region"() ({
        %run_scoped3A = tpu.sem_alloc : memref<!tpu.dma_semaphore, #tpu.memory_space<semaphore_mem>>
        %dma_start3A_110 = arith.constant 0 : i32
        %dma_start3A_111 = tpu.memref_slice %arg4[%add3A_49, %dma_start3A_110] : memref<2560x128xi32, #tpu.memory_space<hbm>> -> memref<32x128xi32, #tpu.memory_space<hbm>>
        %dma_start3A_112 = arith.constant 0 : i32
        %dma_start3A_113 = tpu.memref_slice %arg4[%add3A_49, %dma_start3A_112] : memref<2560x128xi32, #tpu.memory_space<hbm>> -> memref<32x128xi32, #tpu.memory_space<hbm>>
        tpu.enqueue_dma source(%dma_start3A_113 : memref<32x128xi32, #tpu.memory_space<hbm>>) target(%arg7 : memref<32x128xi32, #tpu.memory_space<vmem>>) target_semaphore(%run_scoped3A : memref<!tpu.dma_semaphore, #tpu.memory_space<semaphore_mem>>)
        %dma_wait3A = arith.constant 0 : i32
        %dma_wait3A_114 = tpu.memref_slice %arg4[%add3A_49, %dma_wait3A] : memref<2560x128xi32, #tpu.memory_space<hbm>> -> memref<32x128xi32, #tpu.memory_space<hbm>>
        %dma_wait3A_115 = arith.constant 0 : i32
        %dma_wait3A_116 = tpu.memref_slice %arg4[%add3A_49, %dma_wait3A_115] : memref<2560x128xi32, #tpu.memory_space<hbm>> -> memref<32x128xi32, #tpu.memory_space<hbm>>
        tpu.wait_dma2 semaphore(%run_scoped3A : memref<!tpu.dma_semaphore, #tpu.memory_space<semaphore_mem>>) src(%dma_wait3A_116 : memref<32x128xi32, #tpu.memory_space<hbm>>) dst(%arg7 : memref<32x128xi32, #tpu.memory_space<vmem>>)
        tpu.yield
      }) : () -> ()
      %dma_start3A_50 = arith.constant 0 : i32
      %dma_start3A_51 = arith.constant 0 : i32
      %dma_start3A_52 = tpu.memref_slice %arg6[%dma_start3A_50, %dma_start3A_51] : memref<32x128xi32, #tpu.memory_space<vmem>> -> memref<1x128xi32, #tpu.memory_space<vmem>>
      %dma_start3A_53 = tpu.memref_squeeze %dma_start3A_52 : memref<1x128xi32, #tpu.memory_space<vmem>> -> memref<128xi32, #tpu.memory_space<vmem>>
      %dma_start3A_54 = arith.constant 0 : i32
      %dma_start3A_55 = arith.constant 0 : i32
      %dma_start3A_56 = tpu.memref_slice %arg2[%dma_start3A_54, %dma_start3A_55] : memref<10000x128xf32, #tpu.memory_space<hbm>> -> memref<10000x128xf32, #tpu.memory_space<hbm>>
      tpu.enqueue_indirect_dma source(%dma_start3A_56 : memref<10000x128xf32, #tpu.memory_space<hbm>>) target(%arg8 : memref<128x128xf32, #tpu.memory_space<vmem>>) offsets(%dma_start3A_53 : memref<128xi32, #tpu.memory_space<vmem>>) semaphore(%arg10 : memref<!tpu.dma_semaphore, #tpu.memory_space<semaphore_mem>>)
      %scan3A_57 = arith.constant 0 : i32
      %scan3A_58 = arith.constant 16 : i32
      %scan3A_59 = arith.addi %scan3A_57, %scan3A_58 : i32
      %scan3A_60 = arith.constant 1 : i32
      scf.for %scan3A_110 = %scan3A_57 to %scan3A_59 step %scan3A_60  : i32 {
        %mul3A_111 = arith.constant 2 : i32
        %mul3A_112 = arith.muli %scan3A_110, %mul3A_111 : i32
        %add3A_113 = arith.constant 0 : i32
        %add3A_114 = arith.addi %add3A_113, %mul3A_112 : i32
        %add3A_115 = arith.constant 1 : i32
        %add3A_116 = arith.addi %add3A_114, %add3A_115 : i32
        %lt3A = arith.constant 32 : i32
        %lt3A_117 = arith.cmpi slt, %add3A_116, %lt3A : i32
        %convert_element_type3A_118 = arith.extui %lt3A_117 : i1 to i32
        %cond3A_119 = arith.constant 0 : i32
        %cond3A_120 = arith.cmpi ne, %convert_element_type3A_118, %cond3A_119 : i32
        scf.if %cond3A_120 {
          %add3A_140 = arith.constant 1 : i32
          %add3A_141 = arith.addi %add3A_114, %add3A_140 : i32
          %dma_start3A_142 = arith.constant 0 : i32
          %dma_start3A_143 = tpu.memref_slice %arg6[%add3A_141, %dma_start3A_142] : memref<32x128xi32, #tpu.memory_space<vmem>> -> memref<1x128xi32, #tpu.memory_space<vmem>>
          %dma_start3A_144 = tpu.memref_squeeze %dma_start3A_143 : memref<1x128xi32, #tpu.memory_space<vmem>> -> memref<128xi32, #tpu.memory_space<vmem>>
          %dma_start3A_145 = arith.constant 0 : i32
          %dma_start3A_146 = arith.constant 0 : i32
          %dma_start3A_147 = tpu.memref_slice %arg2[%dma_start3A_145, %dma_start3A_146] : memref<10000x128xf32, #tpu.memory_space<hbm>> -> memref<10000x128xf32, #tpu.memory_space<hbm>>
          tpu.enqueue_indirect_dma source(%dma_start3A_147 : memref<10000x128xf32, #tpu.memory_space<hbm>>) target(%arg9 : memref<128x128xf32, #tpu.memory_space<vmem>>) offsets(%dma_start3A_144 : memref<128xi32, #tpu.memory_space<vmem>>) semaphore(%arg11 : memref<!tpu.dma_semaphore, #tpu.memory_space<semaphore_mem>>)
        } else {
        }
        %dma_wait3A = arith.constant 0 : i32
        %dma_wait3A_121 = tpu.memref_slice %arg6[%add3A_114, %dma_wait3A] : memref<32x128xi32, #tpu.memory_space<vmem>> -> memref<1x128xi32, #tpu.memory_space<vmem>>
        %dma_wait3A_122 = tpu.memref_squeeze %dma_wait3A_121 : memref<1x128xi32, #tpu.memory_space<vmem>> -> memref<128xi32, #tpu.memory_space<vmem>>
        %dma_wait3A_123 = arith.constant 0 : i32
        %dma_wait3A_124 = arith.constant 0 : i32
        %dma_wait3A_125 = tpu.memref_slice %arg2[%dma_wait3A_123, %dma_wait3A_124] : memref<10000x128xf32, #tpu.memory_space<hbm>> -> memref<10000x128xf32, #tpu.memory_space<hbm>>
        tpu.wait_indirect_dma semaphore(%arg10 : memref<!tpu.dma_semaphore, #tpu.memory_space<semaphore_mem>>) src(%dma_wait3A_125 : memref<10000x128xf32, #tpu.memory_space<hbm>>) dst(%arg8 : memref<128x128xf32, #tpu.memory_space<vmem>>)
        "tpu.region"() ({
          %run_scoped3A = tpu.sem_alloc : memref<!tpu.dma_semaphore, #tpu.memory_space<semaphore_mem>>
          %dma_start3A_140 = arith.constant 0 : i32
          %dma_start3A_141 = tpu.memref_slice %arg7[%add3A_114, %dma_start3A_140] : memref<32x128xi32, #tpu.memory_space<vmem>> -> memref<1x128xi32, #tpu.memory_space<vmem>>
          %dma_start3A_142 = tpu.memref_squeeze %dma_start3A_141 : memref<1x128xi32, #tpu.memory_space<vmem>> -> memref<128xi32, #tpu.memory_space<vmem>>
          %dma_start3A_143 = arith.constant 0 : i32
          %dma_start3A_144 = arith.constant 0 : i32
          %dma_start3A_145 = tpu.memref_slice %arg12[%dma_start3A_143, %dma_start3A_144] : memref<10112x128xf32, #tpu.memory_space<vmem_shared>> -> memref<10112x128xf32, #tpu.memory_space<vmem_shared>>
          tpu.enqueue_indirect_dma source(%arg8 : memref<128x128xf32, #tpu.memory_space<vmem>>) target(%dma_start3A_145 : memref<10112x128xf32, #tpu.memory_space<vmem_shared>>) offsets(%dma_start3A_142 : memref<128xi32, #tpu.memory_space<vmem>>) semaphore(%run_scoped3A : memref<!tpu.dma_semaphore, #tpu.memory_space<semaphore_mem>>) {add = true}
          %dma_wait3A_146 = arith.constant 0 : i32
          %dma_wait3A_147 = tpu.memref_slice %arg7[%add3A_114, %dma_wait3A_146] : memref<32x128xi32, #tpu.memory_space<vmem>> -> memref<1x128xi32, #tpu.memory_space<vmem>>
          %dma_wait3A_148 = tpu.memref_squeeze %dma_wait3A_147 : memref<1x128xi32, #tpu.memory_space<vmem>> -> memref<128xi32, #tpu.memory_space<vmem>>
          %dma_wait3A_149 = arith.constant 0 : i32
          %dma_wait3A_150 = arith.constant 0 : i32
          %dma_wait3A_151 = tpu.memref_slice %arg12[%dma_wait3A_149, %dma_wait3A_150] : memref<10112x128xf32, #tpu.memory_space<vmem_shared>> -> memref<10112x128xf32, #tpu.memory_space<vmem_shared>>
          tpu.wait_indirect_dma semaphore(%run_scoped3A : memref<!tpu.dma_semaphore, #tpu.memory_space<semaphore_mem>>) src(%arg8 : memref<128x128xf32, #tpu.memory_space<vmem>>) dst(%dma_wait3A_151 : memref<10112x128xf32, #tpu.memory_space<vmem_shared>>)
          tpu.yield
        }) : () -> ()
        %add3A_126 = arith.constant 2 : i32
        %add3A_127 = arith.addi %add3A_114, %add3A_126 : i32
        %lt3A_128 = arith.constant 32 : i32
        %lt3A_129 = arith.cmpi slt, %add3A_127, %lt3A_128 : i32
        %convert_element_type3A_130 = arith.extui %lt3A_129 : i1 to i32
        %cond3A_131 = arith.constant 0 : i32
        %cond3A_132 = arith.cmpi ne, %convert_element_type3A_130, %cond3A_131 : i32
        scf.if %cond3A_132 {
          %add3A_140 = arith.constant 2 : i32
          %add3A_141 = arith.addi %add3A_114, %add3A_140 : i32
          %dma_start3A_142 = arith.constant 0 : i32
          %dma_start3A_143 = tpu.memref_slice %arg6[%add3A_141, %dma_start3A_142] : memref<32x128xi32, #tpu.memory_space<vmem>> -> memref<1x128xi32, #tpu.memory_space<vmem>>
          %dma_start3A_144 = tpu.memref_squeeze %dma_start3A_143 : memref<1x128xi32, #tpu.memory_space<vmem>> -> memref<128xi32, #tpu.memory_space<vmem>>
          %dma_start3A_145 = arith.constant 0 : i32
          %dma_start3A_146 = arith.constant 0 : i32
          %dma_start3A_147 = tpu.memref_slice %arg2[%dma_start3A_145, %dma_start3A_146] : memref<10000x128xf32, #tpu.memory_space<hbm>> -> memref<10000x128xf32, #tpu.memory_space<hbm>>
          tpu.enqueue_indirect_dma source(%dma_start3A_147 : memref<10000x128xf32, #tpu.memory_space<hbm>>) target(%arg8 : memref<128x128xf32, #tpu.memory_space<vmem>>) offsets(%dma_start3A_144 : memref<128xi32, #tpu.memory_space<vmem>>) semaphore(%arg10 : memref<!tpu.dma_semaphore, #tpu.memory_space<semaphore_mem>>)
        } else {
        }
        %add3A_133 = arith.constant 1 : i32
        %add3A_134 = arith.addi %add3A_114, %add3A_133 : i32
        %lt3A_135 = arith.constant 32 : i32
        %lt3A_136 = arith.cmpi slt, %add3A_134, %lt3A_135 : i32
        %convert_element_type3A_137 = arith.extui %lt3A_136 : i1 to i32
        %cond3A_138 = arith.constant 0 : i32
        %cond3A_139 = arith.cmpi ne, %convert_element_type3A_137, %cond3A_138 : i32
        scf.if %cond3A_139 {
          %add3A_140 = arith.constant 1 : i32
          %add3A_141 = arith.addi %add3A_114, %add3A_140 : i32
          %dma_wait3A_142 = arith.constant 0 : i32
          %dma_wait3A_143 = tpu.memref_slice %arg6[%add3A_141, %dma_wait3A_142] : memref<32x128xi32, #tpu.memory_space<vmem>> -> memref<1x128xi32, #tpu.memory_space<vmem>>
          %dma_wait3A_144 = tpu.memref_squeeze %dma_wait3A_143 : memref<1x128xi32, #tpu.memory_space<vmem>> -> memref<128xi32, #tpu.memory_space<vmem>>
          %dma_wait3A_145 = arith.constant 0 : i32
          %dma_wait3A_146 = arith.constant 0 : i32
          %dma_wait3A_147 = tpu.memref_slice %arg2[%dma_wait3A_145, %dma_wait3A_146] : memref<10000x128xf32, #tpu.memory_space<hbm>> -> memref<10000x128xf32, #tpu.memory_space<hbm>>
          tpu.wait_indirect_dma semaphore(%arg11 : memref<!tpu.dma_semaphore, #tpu.memory_space<semaphore_mem>>) src(%dma_wait3A_147 : memref<10000x128xf32, #tpu.memory_space<hbm>>) dst(%arg9 : memref<128x128xf32, #tpu.memory_space<vmem>>)
          %add3A_148 = arith.constant 1 : i32
          %add3A_149 = arith.addi %add3A_114, %add3A_148 : i32
          "tpu.region"() ({
            %run_scoped3A = tpu.sem_alloc : memref<!tpu.dma_semaphore, #tpu.memory_space<semaphore_mem>>
            %dma_start3A_150 = arith.constant 0 : i32
            %dma_start3A_151 = tpu.memref_slice %arg7[%add3A_149, %dma_start3A_150] : memref<32x128xi32, #tpu.memory_space<vmem>> -> memref<1x128xi32, #tpu.memory_space<vmem>>
            %dma_start3A_152 = tpu.memref_squeeze %dma_start3A_151 : memref<1x128xi32, #tpu.memory_space<vmem>> -> memref<128xi32, #tpu.memory_space<vmem>>
            %dma_start3A_153 = arith.constant 0 : i32
            %dma_start3A_154 = arith.constant 0 : i32
            %dma_start3A_155 = tpu.memref_slice %arg12[%dma_start3A_153, %dma_start3A_154] : memref<10112x128xf32, #tpu.memory_space<vmem_shared>> -> memref<10112x128xf32, #tpu.memory_space<vmem_shared>>
            tpu.enqueue_indirect_dma source(%arg9 : memref<128x128xf32, #tpu.memory_space<vmem>>) target(%dma_start3A_155 : memref<10112x128xf32, #tpu.memory_space<vmem_shared>>) offsets(%dma_start3A_152 : memref<128xi32, #tpu.memory_space<vmem>>) semaphore(%run_scoped3A : memref<!tpu.dma_semaphore, #tpu.memory_space<semaphore_mem>>) {add = true}
            %dma_wait3A_156 = arith.constant 0 : i32
            %dma_wait3A_157 = tpu.memref_slice %arg7[%add3A_149, %dma_wait3A_156] : memref<32x128xi32, #tpu.memory_space<vmem>> -> memref<1x128xi32, #tpu.memory_space<vmem>>
            %dma_wait3A_158 = tpu.memref_squeeze %dma_wait3A_157 : memref<1x128xi32, #tpu.memory_space<vmem>> -> memref<128xi32, #tpu.memory_space<vmem>>
            %dma_wait3A_159 = arith.constant 0 : i32
            %dma_wait3A_160 = arith.constant 0 : i32
            %dma_wait3A_161 = tpu.memref_slice %arg12[%dma_wait3A_159, %dma_wait3A_160] : memref<10112x128xf32, #tpu.memory_space<vmem_shared>> -> memref<10112x128xf32, #tpu.memory_space<vmem_shared>>
            tpu.wait_indirect_dma semaphore(%run_scoped3A : memref<!tpu.dma_semaphore, #tpu.memory_space<semaphore_mem>>) src(%arg9 : memref<128x128xf32, #tpu.memory_space<vmem>>) dst(%dma_wait3A_161 : memref<10112x128xf32, #tpu.memory_space<vmem_shared>>)
            tpu.yield
          }) : () -> ()
        } else {
        }
      }
      %scan3A_61 = arith.constant 16 : i32
      %add3A_62 = arith.constant 64 : i32
      %add3A_63 = arith.addi %mul3A_30, %add3A_62 : i32
      "tpu.region"() ({
        %run_scoped3A = tpu.sem_alloc : memref<!tpu.dma_semaphore, #tpu.memory_space<semaphore_mem>>
        %dma_start3A_110 = arith.constant 0 : i32
        %dma_start3A_111 = tpu.memref_slice %arg3[%add3A_63, %dma_start3A_110] : memref<2560x128xi32, #tpu.memory_space<hbm>> -> memref<32x128xi32, #tpu.memory_space<hbm>>
        %dma_start3A_112 = arith.constant 0 : i32
        %dma_start3A_113 = tpu.memref_slice %arg3[%add3A_63, %dma_start3A_112] : memref<2560x128xi32, #tpu.memory_space<hbm>> -> memref<32x128xi32, #tpu.memory_space<hbm>>
        tpu.enqueue_dma source(%dma_start3A_113 : memref<32x128xi32, #tpu.memory_space<hbm>>) target(%arg6 : memref<32x128xi32, #tpu.memory_space<vmem>>) target_semaphore(%run_scoped3A : memref<!tpu.dma_semaphore, #tpu.memory_space<semaphore_mem>>)
        %dma_wait3A = arith.constant 0 : i32
        %dma_wait3A_114 = tpu.memref_slice %arg3[%add3A_63, %dma_wait3A] : memref<2560x128xi32, #tpu.memory_space<hbm>> -> memref<32x128xi32, #tpu.memory_space<hbm>>
        %dma_wait3A_115 = arith.constant 0 : i32
        %dma_wait3A_116 = tpu.memref_slice %arg3[%add3A_63, %dma_wait3A_115] : memref<2560x128xi32, #tpu.memory_space<hbm>> -> memref<32x128xi32, #tpu.memory_space<hbm>>
        tpu.wait_dma2 semaphore(%run_scoped3A : memref<!tpu.dma_semaphore, #tpu.memory_space<semaphore_mem>>) src(%dma_wait3A_116 : memref<32x128xi32, #tpu.memory_space<hbm>>) dst(%arg6 : memref<32x128xi32, #tpu.memory_space<vmem>>)
        tpu.yield
      }) : () -> ()
      %add3A_64 = arith.constant 64 : i32
      %add3A_65 = arith.addi %mul3A_30, %add3A_64 : i32
      "tpu.region"() ({
        %run_scoped3A = tpu.sem_alloc : memref<!tpu.dma_semaphore, #tpu.memory_space<semaphore_mem>>
        %dma_start3A_110 = arith.constant 0 : i32
        %dma_start3A_111 = tpu.memref_slice %arg4[%add3A_65, %dma_start3A_110] : memref<2560x128xi32, #tpu.memory_space<hbm>> -> memref<32x128xi32, #tpu.memory_space<hbm>>
        %dma_start3A_112 = arith.constant 0 : i32
        %dma_start3A_113 = tpu.memref_slice %arg4[%add3A_65, %dma_start3A_112] : memref<2560x128xi32, #tpu.memory_space<hbm>> -> memref<32x128xi32, #tpu.memory_space<hbm>>
        tpu.enqueue_dma source(%dma_start3A_113 : memref<32x128xi32, #tpu.memory_space<hbm>>) target(%arg7 : memref<32x128xi32, #tpu.memory_space<vmem>>) target_semaphore(%run_scoped3A : memref<!tpu.dma_semaphore, #tpu.memory_space<semaphore_mem>>)
        %dma_wait3A = arith.constant 0 : i32
        %dma_wait3A_114 = tpu.memref_slice %arg4[%add3A_65, %dma_wait3A] : memref<2560x128xi32, #tpu.memory_space<hbm>> -> memref<32x128xi32, #tpu.memory_space<hbm>>
        %dma_wait3A_115 = arith.constant 0 : i32
        %dma_wait3A_116 = tpu.memref_slice %arg4[%add3A_65, %dma_wait3A_115] : memref<2560x128xi32, #tpu.memory_space<hbm>> -> memref<32x128xi32, #tpu.memory_space<hbm>>
        tpu.wait_dma2 semaphore(%run_scoped3A : memref<!tpu.dma_semaphore, #tpu.memory_space<semaphore_mem>>) src(%dma_wait3A_116 : memref<32x128xi32, #tpu.memory_space<hbm>>) dst(%arg7 : memref<32x128xi32, #tpu.memory_space<vmem>>)
        tpu.yield
      }) : () -> ()
      %dma_start3A_66 = arith.constant 0 : i32
      %dma_start3A_67 = arith.constant 0 : i32
      %dma_start3A_68 = tpu.memref_slice %arg6[%dma_start3A_66, %dma_start3A_67] : memref<32x128xi32, #tpu.memory_space<vmem>> -> memref<1x128xi32, #tpu.memory_space<vmem>>
      %dma_start3A_69 = tpu.memref_squeeze %dma_start3A_68 : memref<1x128xi32, #tpu.memory_space<vmem>> -> memref<128xi32, #tpu.memory_space<vmem>>
      %dma_start3A_70 = arith.constant 0 : i32
      %dma_start3A_71 = arith.constant 0 : i32
      %dma_start3A_72 = tpu.memref_slice %arg2[%dma_start3A_70, %dma_start3A_71] : memref<10000x128xf32, #tpu.memory_space<hbm>> -> memref<10000x128xf32, #tpu.memory_space<hbm>>
      tpu.enqueue_indirect_dma source(%dma_start3A_72 : memref<10000x128xf32, #tpu.memory_space<hbm>>) target(%arg8 : memref<128x128xf32, #tpu.memory_space<vmem>>) offsets(%dma_start3A_69 : memref<128xi32, #tpu.memory_space<vmem>>) semaphore(%arg10 : memref<!tpu.dma_semaphore, #tpu.memory_space<semaphore_mem>>)
      %scan3A_73 = arith.constant 0 : i32
      %scan3A_74 = arith.constant 16 : i32
      %scan3A_75 = arith.addi %scan3A_73, %scan3A_74 : i32
      %scan3A_76 = arith.constant 1 : i32
      scf.for %scan3A_110 = %scan3A_73 to %scan3A_75 step %scan3A_76  : i32 {
        %mul3A_111 = arith.constant 2 : i32
        %mul3A_112 = arith.muli %scan3A_110, %mul3A_111 : i32
        %add3A_113 = arith.constant 0 : i32
        %add3A_114 = arith.addi %add3A_113, %mul3A_112 : i32
        %add3A_115 = arith.constant 1 : i32
        %add3A_116 = arith.addi %add3A_114, %add3A_115 : i32
        %lt3A = arith.constant 32 : i32
        %lt3A_117 = arith.cmpi slt, %add3A_116, %lt3A : i32
        %convert_element_type3A_118 = arith.extui %lt3A_117 : i1 to i32
        %cond3A_119 = arith.constant 0 : i32
        %cond3A_120 = arith.cmpi ne, %convert_element_type3A_118, %cond3A_119 : i32
        scf.if %cond3A_120 {
          %add3A_140 = arith.constant 1 : i32
          %add3A_141 = arith.addi %add3A_114, %add3A_140 : i32
          %dma_start3A_142 = arith.constant 0 : i32
          %dma_start3A_143 = tpu.memref_slice %arg6[%add3A_141, %dma_start3A_142] : memref<32x128xi32, #tpu.memory_space<vmem>> -> memref<1x128xi32, #tpu.memory_space<vmem>>
          %dma_start3A_144 = tpu.memref_squeeze %dma_start3A_143 : memref<1x128xi32, #tpu.memory_space<vmem>> -> memref<128xi32, #tpu.memory_space<vmem>>
          %dma_start3A_145 = arith.constant 0 : i32
          %dma_start3A_146 = arith.constant 0 : i32
          %dma_start3A_147 = tpu.memref_slice %arg2[%dma_start3A_145, %dma_start3A_146] : memref<10000x128xf32, #tpu.memory_space<hbm>> -> memref<10000x128xf32, #tpu.memory_space<hbm>>
          tpu.enqueue_indirect_dma source(%dma_start3A_147 : memref<10000x128xf32, #tpu.memory_space<hbm>>) target(%arg9 : memref<128x128xf32, #tpu.memory_space<vmem>>) offsets(%dma_start3A_144 : memref<128xi32, #tpu.memory_space<vmem>>) semaphore(%arg11 : memref<!tpu.dma_semaphore, #tpu.memory_space<semaphore_mem>>)
        } else {
        }
        %dma_wait3A = arith.constant 0 : i32
        %dma_wait3A_121 = tpu.memref_slice %arg6[%add3A_114, %dma_wait3A] : memref<32x128xi32, #tpu.memory_space<vmem>> -> memref<1x128xi32, #tpu.memory_space<vmem>>
        %dma_wait3A_122 = tpu.memref_squeeze %dma_wait3A_121 : memref<1x128xi32, #tpu.memory_space<vmem>> -> memref<128xi32, #tpu.memory_space<vmem>>
        %dma_wait3A_123 = arith.constant 0 : i32
        %dma_wait3A_124 = arith.constant 0 : i32
        %dma_wait3A_125 = tpu.memref_slice %arg2[%dma_wait3A_123, %dma_wait3A_124] : memref<10000x128xf32, #tpu.memory_space<hbm>> -> memref<10000x128xf32, #tpu.memory_space<hbm>>
        tpu.wait_indirect_dma semaphore(%arg10 : memref<!tpu.dma_semaphore, #tpu.memory_space<semaphore_mem>>) src(%dma_wait3A_125 : memref<10000x128xf32, #tpu.memory_space<hbm>>) dst(%arg8 : memref<128x128xf32, #tpu.memory_space<vmem>>)
        "tpu.region"() ({
          %run_scoped3A = tpu.sem_alloc : memref<!tpu.dma_semaphore, #tpu.memory_space<semaphore_mem>>
          %dma_start3A_140 = arith.constant 0 : i32
          %dma_start3A_141 = tpu.memref_slice %arg7[%add3A_114, %dma_start3A_140] : memref<32x128xi32, #tpu.memory_space<vmem>> -> memref<1x128xi32, #tpu.memory_space<vmem>>
          %dma_start3A_142 = tpu.memref_squeeze %dma_start3A_141 : memref<1x128xi32, #tpu.memory_space<vmem>> -> memref<128xi32, #tpu.memory_space<vmem>>
          %dma_start3A_143 = arith.constant 0 : i32
          %dma_start3A_144 = arith.constant 0 : i32
          %dma_start3A_145 = tpu.memref_slice %arg12[%dma_start3A_143, %dma_start3A_144] : memref<10112x128xf32, #tpu.memory_space<vmem_shared>> -> memref<10112x128xf32, #tpu.memory_space<vmem_shared>>
          tpu.enqueue_indirect_dma source(%arg8 : memref<128x128xf32, #tpu.memory_space<vmem>>) target(%dma_start3A_145 : memref<10112x128xf32, #tpu.memory_space<vmem_shared>>) offsets(%dma_start3A_142 : memref<128xi32, #tpu.memory_space<vmem>>) semaphore(%run_scoped3A : memref<!tpu.dma_semaphore, #tpu.memory_space<semaphore_mem>>) {add = true}
          %dma_wait3A_146 = arith.constant 0 : i32
          %dma_wait3A_147 = tpu.memref_slice %arg7[%add3A_114, %dma_wait3A_146] : memref<32x128xi32, #tpu.memory_space<vmem>> -> memref<1x128xi32, #tpu.memory_space<vmem>>
          %dma_wait3A_148 = tpu.memref_squeeze %dma_wait3A_147 : memref<1x128xi32, #tpu.memory_space<vmem>> -> memref<128xi32, #tpu.memory_space<vmem>>
          %dma_wait3A_149 = arith.constant 0 : i32
          %dma_wait3A_150 = arith.constant 0 : i32
          %dma_wait3A_151 = tpu.memref_slice %arg12[%dma_wait3A_149, %dma_wait3A_150] : memref<10112x128xf32, #tpu.memory_space<vmem_shared>> -> memref<10112x128xf32, #tpu.memory_space<vmem_shared>>
          tpu.wait_indirect_dma semaphore(%run_scoped3A : memref<!tpu.dma_semaphore, #tpu.memory_space<semaphore_mem>>) src(%arg8 : memref<128x128xf32, #tpu.memory_space<vmem>>) dst(%dma_wait3A_151 : memref<10112x128xf32, #tpu.memory_space<vmem_shared>>)
          tpu.yield
        }) : () -> ()
        %add3A_126 = arith.constant 2 : i32
        %add3A_127 = arith.addi %add3A_114, %add3A_126 : i32
        %lt3A_128 = arith.constant 32 : i32
        %lt3A_129 = arith.cmpi slt, %add3A_127, %lt3A_128 : i32
        %convert_element_type3A_130 = arith.extui %lt3A_129 : i1 to i32
        %cond3A_131 = arith.constant 0 : i32
        %cond3A_132 = arith.cmpi ne, %convert_element_type3A_130, %cond3A_131 : i32
        scf.if %cond3A_132 {
          %add3A_140 = arith.constant 2 : i32
          %add3A_141 = arith.addi %add3A_114, %add3A_140 : i32
          %dma_start3A_142 = arith.constant 0 : i32
          %dma_start3A_143 = tpu.memref_slice %arg6[%add3A_141, %dma_start3A_142] : memref<32x128xi32, #tpu.memory_space<vmem>> -> memref<1x128xi32, #tpu.memory_space<vmem>>
          %dma_start3A_144 = tpu.memref_squeeze %dma_start3A_143 : memref<1x128xi32, #tpu.memory_space<vmem>> -> memref<128xi32, #tpu.memory_space<vmem>>
          %dma_start3A_145 = arith.constant 0 : i32
          %dma_start3A_146 = arith.constant 0 : i32
          %dma_start3A_147 = tpu.memref_slice %arg2[%dma_start3A_145, %dma_start3A_146] : memref<10000x128xf32, #tpu.memory_space<hbm>> -> memref<10000x128xf32, #tpu.memory_space<hbm>>
          tpu.enqueue_indirect_dma source(%dma_start3A_147 : memref<10000x128xf32, #tpu.memory_space<hbm>>) target(%arg8 : memref<128x128xf32, #tpu.memory_space<vmem>>) offsets(%dma_start3A_144 : memref<128xi32, #tpu.memory_space<vmem>>) semaphore(%arg10 : memref<!tpu.dma_semaphore, #tpu.memory_space<semaphore_mem>>)
        } else {
        }
        %add3A_133 = arith.constant 1 : i32
        %add3A_134 = arith.addi %add3A_114, %add3A_133 : i32
        %lt3A_135 = arith.constant 32 : i32
        %lt3A_136 = arith.cmpi slt, %add3A_134, %lt3A_135 : i32
        %convert_element_type3A_137 = arith.extui %lt3A_136 : i1 to i32
        %cond3A_138 = arith.constant 0 : i32
        %cond3A_139 = arith.cmpi ne, %convert_element_type3A_137, %cond3A_138 : i32
        scf.if %cond3A_139 {
          %add3A_140 = arith.constant 1 : i32
          %add3A_141 = arith.addi %add3A_114, %add3A_140 : i32
          %dma_wait3A_142 = arith.constant 0 : i32
          %dma_wait3A_143 = tpu.memref_slice %arg6[%add3A_141, %dma_wait3A_142] : memref<32x128xi32, #tpu.memory_space<vmem>> -> memref<1x128xi32, #tpu.memory_space<vmem>>
          %dma_wait3A_144 = tpu.memref_squeeze %dma_wait3A_143 : memref<1x128xi32, #tpu.memory_space<vmem>> -> memref<128xi32, #tpu.memory_space<vmem>>
          %dma_wait3A_145 = arith.constant 0 : i32
          %dma_wait3A_146 = arith.constant 0 : i32
          %dma_wait3A_147 = tpu.memref_slice %arg2[%dma_wait3A_145, %dma_wait3A_146] : memref<10000x128xf32, #tpu.memory_space<hbm>> -> memref<10000x128xf32, #tpu.memory_space<hbm>>
          tpu.wait_indirect_dma semaphore(%arg11 : memref<!tpu.dma_semaphore, #tpu.memory_space<semaphore_mem>>) src(%dma_wait3A_147 : memref<10000x128xf32, #tpu.memory_space<hbm>>) dst(%arg9 : memref<128x128xf32, #tpu.memory_space<vmem>>)
          %add3A_148 = arith.constant 1 : i32
          %add3A_149 = arith.addi %add3A_114, %add3A_148 : i32
          "tpu.region"() ({
            %run_scoped3A = tpu.sem_alloc : memref<!tpu.dma_semaphore, #tpu.memory_space<semaphore_mem>>
            %dma_start3A_150 = arith.constant 0 : i32
            %dma_start3A_151 = tpu.memref_slice %arg7[%add3A_149, %dma_start3A_150] : memref<32x128xi32, #tpu.memory_space<vmem>> -> memref<1x128xi32, #tpu.memory_space<vmem>>
            %dma_start3A_152 = tpu.memref_squeeze %dma_start3A_151 : memref<1x128xi32, #tpu.memory_space<vmem>> -> memref<128xi32, #tpu.memory_space<vmem>>
            %dma_start3A_153 = arith.constant 0 : i32
            %dma_start3A_154 = arith.constant 0 : i32
            %dma_start3A_155 = tpu.memref_slice %arg12[%dma_start3A_153, %dma_start3A_154] : memref<10112x128xf32, #tpu.memory_space<vmem_shared>> -> memref<10112x128xf32, #tpu.memory_space<vmem_shared>>
            tpu.enqueue_indirect_dma source(%arg9 : memref<128x128xf32, #tpu.memory_space<vmem>>) target(%dma_start3A_155 : memref<10112x128xf32, #tpu.memory_space<vmem_shared>>) offsets(%dma_start3A_152 : memref<128xi32, #tpu.memory_space<vmem>>) semaphore(%run_scoped3A : memref<!tpu.dma_semaphore, #tpu.memory_space<semaphore_mem>>) {add = true}
            %dma_wait3A_156 = arith.constant 0 : i32
            %dma_wait3A_157 = tpu.memref_slice %arg7[%add3A_149, %dma_wait3A_156] : memref<32x128xi32, #tpu.memory_space<vmem>> -> memref<1x128xi32, #tpu.memory_space<vmem>>
            %dma_wait3A_158 = tpu.memref_squeeze %dma_wait3A_157 : memref<1x128xi32, #tpu.memory_space<vmem>> -> memref<128xi32, #tpu.memory_space<vmem>>
            %dma_wait3A_159 = arith.constant 0 : i32
            %dma_wait3A_160 = arith.constant 0 : i32
            %dma_wait3A_161 = tpu.memref_slice %arg12[%dma_wait3A_159, %dma_wait3A_160] : memref<10112x128xf32, #tpu.memory_space<vmem_shared>> -> memref<10112x128xf32, #tpu.memory_space<vmem_shared>>
            tpu.wait_indirect_dma semaphore(%run_scoped3A : memref<!tpu.dma_semaphore, #tpu.memory_space<semaphore_mem>>) src(%arg9 : memref<128x128xf32, #tpu.memory_space<vmem>>) dst(%dma_wait3A_161 : memref<10112x128xf32, #tpu.memory_space<vmem_shared>>)
            tpu.yield
          }) : () -> ()
        } else {
        }
      }
      %scan3A_77 = arith.constant 16 : i32
      %add3A_78 = arith.constant 96 : i32
      %add3A_79 = arith.addi %mul3A_30, %add3A_78 : i32
      "tpu.region"() ({
        %run_scoped3A = tpu.sem_alloc : memref<!tpu.dma_semaphore, #tpu.memory_space<semaphore_mem>>
        %dma_start3A_110 = arith.constant 0 : i32
        %dma_start3A_111 = tpu.memref_slice %arg3[%add3A_79, %dma_start3A_110] : memref<2560x128xi32, #tpu.memory_space<hbm>> -> memref<32x128xi32, #tpu.memory_space<hbm>>
        %dma_start3A_112 = arith.constant 0 : i32
        %dma_start3A_113 = tpu.memref_slice %arg3[%add3A_79, %dma_start3A_112] : memref<2560x128xi32, #tpu.memory_space<hbm>> -> memref<32x128xi32, #tpu.memory_space<hbm>>
        tpu.enqueue_dma source(%dma_start3A_113 : memref<32x128xi32, #tpu.memory_space<hbm>>) target(%arg6 : memref<32x128xi32, #tpu.memory_space<vmem>>) target_semaphore(%run_scoped3A : memref<!tpu.dma_semaphore, #tpu.memory_space<semaphore_mem>>)
        %dma_wait3A = arith.constant 0 : i32
        %dma_wait3A_114 = tpu.memref_slice %arg3[%add3A_79, %dma_wait3A] : memref<2560x128xi32, #tpu.memory_space<hbm>> -> memref<32x128xi32, #tpu.memory_space<hbm>>
        %dma_wait3A_115 = arith.constant 0 : i32
        %dma_wait3A_116 = tpu.memref_slice %arg3[%add3A_79, %dma_wait3A_115] : memref<2560x128xi32, #tpu.memory_space<hbm>> -> memref<32x128xi32, #tpu.memory_space<hbm>>
        tpu.wait_dma2 semaphore(%run_scoped3A : memref<!tpu.dma_semaphore, #tpu.memory_space<semaphore_mem>>) src(%dma_wait3A_116 : memref<32x128xi32, #tpu.memory_space<hbm>>) dst(%arg6 : memref<32x128xi32, #tpu.memory_space<vmem>>)
        tpu.yield
      }) : () -> ()
      %add3A_80 = arith.constant 96 : i32
      %add3A_81 = arith.addi %mul3A_30, %add3A_80 : i32
      "tpu.region"() ({
        %run_scoped3A = tpu.sem_alloc : memref<!tpu.dma_semaphore, #tpu.memory_space<semaphore_mem>>
        %dma_start3A_110 = arith.constant 0 : i32
        %dma_start3A_111 = tpu.memref_slice %arg4[%add3A_81, %dma_start3A_110] : memref<2560x128xi32, #tpu.memory_space<hbm>> -> memref<32x128xi32, #tpu.memory_space<hbm>>
        %dma_start3A_112 = arith.constant 0 : i32
        %dma_start3A_113 = tpu.memref_slice %arg4[%add3A_81, %dma_start3A_112] : memref<2560x128xi32, #tpu.memory_space<hbm>> -> memref<32x128xi32, #tpu.memory_space<hbm>>
        tpu.enqueue_dma source(%dma_start3A_113 : memref<32x128xi32, #tpu.memory_space<hbm>>) target(%arg7 : memref<32x128xi32, #tpu.memory_space<vmem>>) target_semaphore(%run_scoped3A : memref<!tpu.dma_semaphore, #tpu.memory_space<semaphore_mem>>)
        %dma_wait3A = arith.constant 0 : i32
        %dma_wait3A_114 = tpu.memref_slice %arg4[%add3A_81, %dma_wait3A] : memref<2560x128xi32, #tpu.memory_space<hbm>> -> memref<32x128xi32, #tpu.memory_space<hbm>>
        %dma_wait3A_115 = arith.constant 0 : i32
        %dma_wait3A_116 = tpu.memref_slice %arg4[%add3A_81, %dma_wait3A_115] : memref<2560x128xi32, #tpu.memory_space<hbm>> -> memref<32x128xi32, #tpu.memory_space<hbm>>
        tpu.wait_dma2 semaphore(%run_scoped3A : memref<!tpu.dma_semaphore, #tpu.memory_space<semaphore_mem>>) src(%dma_wait3A_116 : memref<32x128xi32, #tpu.memory_space<hbm>>) dst(%arg7 : memref<32x128xi32, #tpu.memory_space<vmem>>)
        tpu.yield
      }) : () -> ()
      %dma_start3A_82 = arith.constant 0 : i32
      %dma_start3A_83 = arith.constant 0 : i32
      %dma_start3A_84 = tpu.memref_slice %arg6[%dma_start3A_82, %dma_start3A_83] : memref<32x128xi32, #tpu.memory_space<vmem>> -> memref<1x128xi32, #tpu.memory_space<vmem>>
      %dma_start3A_85 = tpu.memref_squeeze %dma_start3A_84 : memref<1x128xi32, #tpu.memory_space<vmem>> -> memref<128xi32, #tpu.memory_space<vmem>>
      %dma_start3A_86 = arith.constant 0 : i32
      %dma_start3A_87 = arith.constant 0 : i32
      %dma_start3A_88 = tpu.memref_slice %arg2[%dma_start3A_86, %dma_start3A_87] : memref<10000x128xf32, #tpu.memory_space<hbm>> -> memref<10000x128xf32, #tpu.memory_space<hbm>>
      tpu.enqueue_indirect_dma source(%dma_start3A_88 : memref<10000x128xf32, #tpu.memory_space<hbm>>) target(%arg8 : memref<128x128xf32, #tpu.memory_space<vmem>>) offsets(%dma_start3A_85 : memref<128xi32, #tpu.memory_space<vmem>>) semaphore(%arg10 : memref<!tpu.dma_semaphore, #tpu.memory_space<semaphore_mem>>)
      %scan3A_89 = arith.constant 0 : i32
      %scan3A_90 = arith.constant 16 : i32
      %scan3A_91 = arith.addi %scan3A_89, %scan3A_90 : i32
      %scan3A_92 = arith.constant 1 : i32
      scf.for %scan3A_110 = %scan3A_89 to %scan3A_91 step %scan3A_92  : i32 {
        %mul3A_111 = arith.constant 2 : i32
        %mul3A_112 = arith.muli %scan3A_110, %mul3A_111 : i32
        %add3A_113 = arith.constant 0 : i32
        %add3A_114 = arith.addi %add3A_113, %mul3A_112 : i32
        %add3A_115 = arith.constant 1 : i32
        %add3A_116 = arith.addi %add3A_114, %add3A_115 : i32
        %lt3A = arith.constant 32 : i32
        %lt3A_117 = arith.cmpi slt, %add3A_116, %lt3A : i32
        %convert_element_type3A_118 = arith.extui %lt3A_117 : i1 to i32
        %cond3A_119 = arith.constant 0 : i32
        %cond3A_120 = arith.cmpi ne, %convert_element_type3A_118, %cond3A_119 : i32
        scf.if %cond3A_120 {
          %add3A_140 = arith.constant 1 : i32
          %add3A_141 = arith.addi %add3A_114, %add3A_140 : i32
          %dma_start3A_142 = arith.constant 0 : i32
          %dma_start3A_143 = tpu.memref_slice %arg6[%add3A_141, %dma_start3A_142] : memref<32x128xi32, #tpu.memory_space<vmem>> -> memref<1x128xi32, #tpu.memory_space<vmem>>
          %dma_start3A_144 = tpu.memref_squeeze %dma_start3A_143 : memref<1x128xi32, #tpu.memory_space<vmem>> -> memref<128xi32, #tpu.memory_space<vmem>>
          %dma_start3A_145 = arith.constant 0 : i32
          %dma_start3A_146 = arith.constant 0 : i32
          %dma_start3A_147 = tpu.memref_slice %arg2[%dma_start3A_145, %dma_start3A_146] : memref<10000x128xf32, #tpu.memory_space<hbm>> -> memref<10000x128xf32, #tpu.memory_space<hbm>>
          tpu.enqueue_indirect_dma source(%dma_start3A_147 : memref<10000x128xf32, #tpu.memory_space<hbm>>) target(%arg9 : memref<128x128xf32, #tpu.memory_space<vmem>>) offsets(%dma_start3A_144 : memref<128xi32, #tpu.memory_space<vmem>>) semaphore(%arg11 : memref<!tpu.dma_semaphore, #tpu.memory_space<semaphore_mem>>)
        } else {
        }
        %dma_wait3A = arith.constant 0 : i32
        %dma_wait3A_121 = tpu.memref_slice %arg6[%add3A_114, %dma_wait3A] : memref<32x128xi32, #tpu.memory_space<vmem>> -> memref<1x128xi32, #tpu.memory_space<vmem>>
        %dma_wait3A_122 = tpu.memref_squeeze %dma_wait3A_121 : memref<1x128xi32, #tpu.memory_space<vmem>> -> memref<128xi32, #tpu.memory_space<vmem>>
        %dma_wait3A_123 = arith.constant 0 : i32
        %dma_wait3A_124 = arith.constant 0 : i32
        %dma_wait3A_125 = tpu.memref_slice %arg2[%dma_wait3A_123, %dma_wait3A_124] : memref<10000x128xf32, #tpu.memory_space<hbm>> -> memref<10000x128xf32, #tpu.memory_space<hbm>>
        tpu.wait_indirect_dma semaphore(%arg10 : memref<!tpu.dma_semaphore, #tpu.memory_space<semaphore_mem>>) src(%dma_wait3A_125 : memref<10000x128xf32, #tpu.memory_space<hbm>>) dst(%arg8 : memref<128x128xf32, #tpu.memory_space<vmem>>)
        "tpu.region"() ({
          %run_scoped3A = tpu.sem_alloc : memref<!tpu.dma_semaphore, #tpu.memory_space<semaphore_mem>>
          %dma_start3A_140 = arith.constant 0 : i32
          %dma_start3A_141 = tpu.memref_slice %arg7[%add3A_114, %dma_start3A_140] : memref<32x128xi32, #tpu.memory_space<vmem>> -> memref<1x128xi32, #tpu.memory_space<vmem>>
          %dma_start3A_142 = tpu.memref_squeeze %dma_start3A_141 : memref<1x128xi32, #tpu.memory_space<vmem>> -> memref<128xi32, #tpu.memory_space<vmem>>
          %dma_start3A_143 = arith.constant 0 : i32
          %dma_start3A_144 = arith.constant 0 : i32
          %dma_start3A_145 = tpu.memref_slice %arg12[%dma_start3A_143, %dma_start3A_144] : memref<10112x128xf32, #tpu.memory_space<vmem_shared>> -> memref<10112x128xf32, #tpu.memory_space<vmem_shared>>
          tpu.enqueue_indirect_dma source(%arg8 : memref<128x128xf32, #tpu.memory_space<vmem>>) target(%dma_start3A_145 : memref<10112x128xf32, #tpu.memory_space<vmem_shared>>) offsets(%dma_start3A_142 : memref<128xi32, #tpu.memory_space<vmem>>) semaphore(%run_scoped3A : memref<!tpu.dma_semaphore, #tpu.memory_space<semaphore_mem>>) {add = true}
          %dma_wait3A_146 = arith.constant 0 : i32
          %dma_wait3A_147 = tpu.memref_slice %arg7[%add3A_114, %dma_wait3A_146] : memref<32x128xi32, #tpu.memory_space<vmem>> -> memref<1x128xi32, #tpu.memory_space<vmem>>
          %dma_wait3A_148 = tpu.memref_squeeze %dma_wait3A_147 : memref<1x128xi32, #tpu.memory_space<vmem>> -> memref<128xi32, #tpu.memory_space<vmem>>
          %dma_wait3A_149 = arith.constant 0 : i32
          %dma_wait3A_150 = arith.constant 0 : i32
          %dma_wait3A_151 = tpu.memref_slice %arg12[%dma_wait3A_149, %dma_wait3A_150] : memref<10112x128xf32, #tpu.memory_space<vmem_shared>> -> memref<10112x128xf32, #tpu.memory_space<vmem_shared>>
          tpu.wait_indirect_dma semaphore(%run_scoped3A : memref<!tpu.dma_semaphore, #tpu.memory_space<semaphore_mem>>) src(%arg8 : memref<128x128xf32, #tpu.memory_space<vmem>>) dst(%dma_wait3A_151 : memref<10112x128xf32, #tpu.memory_space<vmem_shared>>)
          tpu.yield
        }) : () -> ()
        %add3A_126 = arith.constant 2 : i32
        %add3A_127 = arith.addi %add3A_114, %add3A_126 : i32
        %lt3A_128 = arith.constant 32 : i32
        %lt3A_129 = arith.cmpi slt, %add3A_127, %lt3A_128 : i32
        %convert_element_type3A_130 = arith.extui %lt3A_129 : i1 to i32
        %cond3A_131 = arith.constant 0 : i32
        %cond3A_132 = arith.cmpi ne, %convert_element_type3A_130, %cond3A_131 : i32
        scf.if %cond3A_132 {
          %add3A_140 = arith.constant 2 : i32
          %add3A_141 = arith.addi %add3A_114, %add3A_140 : i32
          %dma_start3A_142 = arith.constant 0 : i32
          %dma_start3A_143 = tpu.memref_slice %arg6[%add3A_141, %dma_start3A_142] : memref<32x128xi32, #tpu.memory_space<vmem>> -> memref<1x128xi32, #tpu.memory_space<vmem>>
          %dma_start3A_144 = tpu.memref_squeeze %dma_start3A_143 : memref<1x128xi32, #tpu.memory_space<vmem>> -> memref<128xi32, #tpu.memory_space<vmem>>
          %dma_start3A_145 = arith.constant 0 : i32
          %dma_start3A_146 = arith.constant 0 : i32
          %dma_start3A_147 = tpu.memref_slice %arg2[%dma_start3A_145, %dma_start3A_146] : memref<10000x128xf32, #tpu.memory_space<hbm>> -> memref<10000x128xf32, #tpu.memory_space<hbm>>
          tpu.enqueue_indirect_dma source(%dma_start3A_147 : memref<10000x128xf32, #tpu.memory_space<hbm>>) target(%arg8 : memref<128x128xf32, #tpu.memory_space<vmem>>) offsets(%dma_start3A_144 : memref<128xi32, #tpu.memory_space<vmem>>) semaphore(%arg10 : memref<!tpu.dma_semaphore, #tpu.memory_space<semaphore_mem>>)
        } else {
        }
        %add3A_133 = arith.constant 1 : i32
        %add3A_134 = arith.addi %add3A_114, %add3A_133 : i32
        %lt3A_135 = arith.constant 32 : i32
        %lt3A_136 = arith.cmpi slt, %add3A_134, %lt3A_135 : i32
        %convert_element_type3A_137 = arith.extui %lt3A_136 : i1 to i32
        %cond3A_138 = arith.constant 0 : i32
        %cond3A_139 = arith.cmpi ne, %convert_element_type3A_137, %cond3A_138 : i32
        scf.if %cond3A_139 {
          %add3A_140 = arith.constant 1 : i32
          %add3A_141 = arith.addi %add3A_114, %add3A_140 : i32
          %dma_wait3A_142 = arith.constant 0 : i32
          %dma_wait3A_143 = tpu.memref_slice %arg6[%add3A_141, %dma_wait3A_142] : memref<32x128xi32, #tpu.memory_space<vmem>> -> memref<1x128xi32, #tpu.memory_space<vmem>>
          %dma_wait3A_144 = tpu.memref_squeeze %dma_wait3A_143 : memref<1x128xi32, #tpu.memory_space<vmem>> -> memref<128xi32, #tpu.memory_space<vmem>>
          %dma_wait3A_145 = arith.constant 0 : i32
          %dma_wait3A_146 = arith.constant 0 : i32
          %dma_wait3A_147 = tpu.memref_slice %arg2[%dma_wait3A_145, %dma_wait3A_146] : memref<10000x128xf32, #tpu.memory_space<hbm>> -> memref<10000x128xf32, #tpu.memory_space<hbm>>
          tpu.wait_indirect_dma semaphore(%arg11 : memref<!tpu.dma_semaphore, #tpu.memory_space<semaphore_mem>>) src(%dma_wait3A_147 : memref<10000x128xf32, #tpu.memory_space<hbm>>) dst(%arg9 : memref<128x128xf32, #tpu.memory_space<vmem>>)
          %add3A_148 = arith.constant 1 : i32
          %add3A_149 = arith.addi %add3A_114, %add3A_148 : i32
          "tpu.region"() ({
            %run_scoped3A = tpu.sem_alloc : memref<!tpu.dma_semaphore, #tpu.memory_space<semaphore_mem>>
            %dma_start3A_150 = arith.constant 0 : i32
            %dma_start3A_151 = tpu.memref_slice %arg7[%add3A_149, %dma_start3A_150] : memref<32x128xi32, #tpu.memory_space<vmem>> -> memref<1x128xi32, #tpu.memory_space<vmem>>
            %dma_start3A_152 = tpu.memref_squeeze %dma_start3A_151 : memref<1x128xi32, #tpu.memory_space<vmem>> -> memref<128xi32, #tpu.memory_space<vmem>>
            %dma_start3A_153 = arith.constant 0 : i32
            %dma_start3A_154 = arith.constant 0 : i32
            %dma_start3A_155 = tpu.memref_slice %arg12[%dma_start3A_153, %dma_start3A_154] : memref<10112x128xf32, #tpu.memory_space<vmem_shared>> -> memref<10112x128xf32, #tpu.memory_space<vmem_shared>>
            tpu.enqueue_indirect_dma source(%arg9 : memref<128x128xf32, #tpu.memory_space<vmem>>) target(%dma_start3A_155 : memref<10112x128xf32, #tpu.memory_space<vmem_shared>>) offsets(%dma_start3A_152 : memref<128xi32, #tpu.memory_space<vmem>>) semaphore(%run_scoped3A : memref<!tpu.dma_semaphore, #tpu.memory_space<semaphore_mem>>) {add = true}
            %dma_wait3A_156 = arith.constant 0 : i32
            %dma_wait3A_157 = tpu.memref_slice %arg7[%add3A_149, %dma_wait3A_156] : memref<32x128xi32, #tpu.memory_space<vmem>> -> memref<1x128xi32, #tpu.memory_space<vmem>>
            %dma_wait3A_158 = tpu.memref_squeeze %dma_wait3A_157 : memref<1x128xi32, #tpu.memory_space<vmem>> -> memref<128xi32, #tpu.memory_space<vmem>>
            %dma_wait3A_159 = arith.constant 0 : i32
            %dma_wait3A_160 = arith.constant 0 : i32
            %dma_wait3A_161 = tpu.memref_slice %arg12[%dma_wait3A_159, %dma_wait3A_160] : memref<10112x128xf32, #tpu.memory_space<vmem_shared>> -> memref<10112x128xf32, #tpu.memory_space<vmem_shared>>
            tpu.wait_indirect_dma semaphore(%run_scoped3A : memref<!tpu.dma_semaphore, #tpu.memory_space<semaphore_mem>>) src(%arg9 : memref<128x128xf32, #tpu.memory_space<vmem>>) dst(%dma_wait3A_161 : memref<10112x128xf32, #tpu.memory_space<vmem_shared>>)
            tpu.yield
          }) : () -> ()
        } else {
        }
      }
      %scan3A_93 = arith.constant 16 : i32
      %add3A_94 = arith.constant 128 : i32
      %add3A_95 = arith.addi %mul3A_30, %add3A_94 : i32
      "tpu.region"() ({
        %run_scoped3A = tpu.sem_alloc : memref<!tpu.dma_semaphore, #tpu.memory_space<semaphore_mem>>
        %dma_start3A_110 = arith.constant 0 : i32
        %dma_start3A_111 = tpu.memref_slice %arg3[%add3A_95, %dma_start3A_110] : memref<2560x128xi32, #tpu.memory_space<hbm>> -> memref<32x128xi32, #tpu.memory_space<hbm>>
        %dma_start3A_112 = arith.constant 0 : i32
        %dma_start3A_113 = tpu.memref_slice %arg3[%add3A_95, %dma_start3A_112] : memref<2560x128xi32, #tpu.memory_space<hbm>> -> memref<32x128xi32, #tpu.memory_space<hbm>>
        tpu.enqueue_dma source(%dma_start3A_113 : memref<32x128xi32, #tpu.memory_space<hbm>>) target(%arg6 : memref<32x128xi32, #tpu.memory_space<vmem>>) target_semaphore(%run_scoped3A : memref<!tpu.dma_semaphore, #tpu.memory_space<semaphore_mem>>)
        %dma_wait3A = arith.constant 0 : i32
        %dma_wait3A_114 = tpu.memref_slice %arg3[%add3A_95, %dma_wait3A] : memref<2560x128xi32, #tpu.memory_space<hbm>> -> memref<32x128xi32, #tpu.memory_space<hbm>>
        %dma_wait3A_115 = arith.constant 0 : i32
        %dma_wait3A_116 = tpu.memref_slice %arg3[%add3A_95, %dma_wait3A_115] : memref<2560x128xi32, #tpu.memory_space<hbm>> -> memref<32x128xi32, #tpu.memory_space<hbm>>
        tpu.wait_dma2 semaphore(%run_scoped3A : memref<!tpu.dma_semaphore, #tpu.memory_space<semaphore_mem>>) src(%dma_wait3A_116 : memref<32x128xi32, #tpu.memory_space<hbm>>) dst(%arg6 : memref<32x128xi32, #tpu.memory_space<vmem>>)
        tpu.yield
      }) : () -> ()
      %add3A_96 = arith.constant 128 : i32
      %add3A_97 = arith.addi %mul3A_30, %add3A_96 : i32
      "tpu.region"() ({
        %run_scoped3A = tpu.sem_alloc : memref<!tpu.dma_semaphore, #tpu.memory_space<semaphore_mem>>
        %dma_start3A_110 = arith.constant 0 : i32
        %dma_start3A_111 = tpu.memref_slice %arg4[%add3A_97, %dma_start3A_110] : memref<2560x128xi32, #tpu.memory_space<hbm>> -> memref<32x128xi32, #tpu.memory_space<hbm>>
        %dma_start3A_112 = arith.constant 0 : i32
        %dma_start3A_113 = tpu.memref_slice %arg4[%add3A_97, %dma_start3A_112] : memref<2560x128xi32, #tpu.memory_space<hbm>> -> memref<32x128xi32, #tpu.memory_space<hbm>>
        tpu.enqueue_dma source(%dma_start3A_113 : memref<32x128xi32, #tpu.memory_space<hbm>>) target(%arg7 : memref<32x128xi32, #tpu.memory_space<vmem>>) target_semaphore(%run_scoped3A : memref<!tpu.dma_semaphore, #tpu.memory_space<semaphore_mem>>)
        %dma_wait3A = arith.constant 0 : i32
        %dma_wait3A_114 = tpu.memref_slice %arg4[%add3A_97, %dma_wait3A] : memref<2560x128xi32, #tpu.memory_space<hbm>> -> memref<32x128xi32, #tpu.memory_space<hbm>>
        %dma_wait3A_115 = arith.constant 0 : i32
        %dma_wait3A_116 = tpu.memref_slice %arg4[%add3A_97, %dma_wait3A_115] : memref<2560x128xi32, #tpu.memory_space<hbm>> -> memref<32x128xi32, #tpu.memory_space<hbm>>
        tpu.wait_dma2 semaphore(%run_scoped3A : memref<!tpu.dma_semaphore, #tpu.memory_space<semaphore_mem>>) src(%dma_wait3A_116 : memref<32x128xi32, #tpu.memory_space<hbm>>) dst(%arg7 : memref<32x128xi32, #tpu.memory_space<vmem>>)
        tpu.yield
      }) : () -> ()
      %dma_start3A_98 = arith.constant 0 : i32
      %dma_start3A_99 = arith.constant 0 : i32
      %dma_start3A_100 = tpu.memref_slice %arg6[%dma_start3A_98, %dma_start3A_99] : memref<32x128xi32, #tpu.memory_space<vmem>> -> memref<1x128xi32, #tpu.memory_space<vmem>>
      %dma_start3A_101 = tpu.memref_squeeze %dma_start3A_100 : memref<1x128xi32, #tpu.memory_space<vmem>> -> memref<128xi32, #tpu.memory_space<vmem>>
      %dma_start3A_102 = arith.constant 0 : i32
      %dma_start3A_103 = arith.constant 0 : i32
      %dma_start3A_104 = tpu.memref_slice %arg2[%dma_start3A_102, %dma_start3A_103] : memref<10000x128xf32, #tpu.memory_space<hbm>> -> memref<10000x128xf32, #tpu.memory_space<hbm>>
      tpu.enqueue_indirect_dma source(%dma_start3A_104 : memref<10000x128xf32, #tpu.memory_space<hbm>>) target(%arg8 : memref<128x128xf32, #tpu.memory_space<vmem>>) offsets(%dma_start3A_101 : memref<128xi32, #tpu.memory_space<vmem>>) semaphore(%arg10 : memref<!tpu.dma_semaphore, #tpu.memory_space<semaphore_mem>>)
      %scan3A_105 = arith.constant 0 : i32
      %scan3A_106 = arith.constant 16 : i32
      %scan3A_107 = arith.addi %scan3A_105, %scan3A_106 : i32
      %scan3A_108 = arith.constant 1 : i32
      scf.for %scan3A_110 = %scan3A_105 to %scan3A_107 step %scan3A_108  : i32 {
        %mul3A_111 = arith.constant 2 : i32
        %mul3A_112 = arith.muli %scan3A_110, %mul3A_111 : i32
        %add3A_113 = arith.constant 0 : i32
        %add3A_114 = arith.addi %add3A_113, %mul3A_112 : i32
        %add3A_115 = arith.constant 1 : i32
        %add3A_116 = arith.addi %add3A_114, %add3A_115 : i32
        %lt3A = arith.constant 32 : i32
        %lt3A_117 = arith.cmpi slt, %add3A_116, %lt3A : i32
        %convert_element_type3A_118 = arith.extui %lt3A_117 : i1 to i32
        %cond3A_119 = arith.constant 0 : i32
        %cond3A_120 = arith.cmpi ne, %convert_element_type3A_118, %cond3A_119 : i32
        scf.if %cond3A_120 {
          %add3A_140 = arith.constant 1 : i32
          %add3A_141 = arith.addi %add3A_114, %add3A_140 : i32
          %dma_start3A_142 = arith.constant 0 : i32
          %dma_start3A_143 = tpu.memref_slice %arg6[%add3A_141, %dma_start3A_142] : memref<32x128xi32, #tpu.memory_space<vmem>> -> memref<1x128xi32, #tpu.memory_space<vmem>>
          %dma_start3A_144 = tpu.memref_squeeze %dma_start3A_143 : memref<1x128xi32, #tpu.memory_space<vmem>> -> memref<128xi32, #tpu.memory_space<vmem>>
          %dma_start3A_145 = arith.constant 0 : i32
          %dma_start3A_146 = arith.constant 0 : i32
          %dma_start3A_147 = tpu.memref_slice %arg2[%dma_start3A_145, %dma_start3A_146] : memref<10000x128xf32, #tpu.memory_space<hbm>> -> memref<10000x128xf32, #tpu.memory_space<hbm>>
          tpu.enqueue_indirect_dma source(%dma_start3A_147 : memref<10000x128xf32, #tpu.memory_space<hbm>>) target(%arg9 : memref<128x128xf32, #tpu.memory_space<vmem>>) offsets(%dma_start3A_144 : memref<128xi32, #tpu.memory_space<vmem>>) semaphore(%arg11 : memref<!tpu.dma_semaphore, #tpu.memory_space<semaphore_mem>>)
        } else {
        }
        %dma_wait3A = arith.constant 0 : i32
        %dma_wait3A_121 = tpu.memref_slice %arg6[%add3A_114, %dma_wait3A] : memref<32x128xi32, #tpu.memory_space<vmem>> -> memref<1x128xi32, #tpu.memory_space<vmem>>
        %dma_wait3A_122 = tpu.memref_squeeze %dma_wait3A_121 : memref<1x128xi32, #tpu.memory_space<vmem>> -> memref<128xi32, #tpu.memory_space<vmem>>
        %dma_wait3A_123 = arith.constant 0 : i32
        %dma_wait3A_124 = arith.constant 0 : i32
        %dma_wait3A_125 = tpu.memref_slice %arg2[%dma_wait3A_123, %dma_wait3A_124] : memref<10000x128xf32, #tpu.memory_space<hbm>> -> memref<10000x128xf32, #tpu.memory_space<hbm>>
        tpu.wait_indirect_dma semaphore(%arg10 : memref<!tpu.dma_semaphore, #tpu.memory_space<semaphore_mem>>) src(%dma_wait3A_125 : memref<10000x128xf32, #tpu.memory_space<hbm>>) dst(%arg8 : memref<128x128xf32, #tpu.memory_space<vmem>>)
        "tpu.region"() ({
          %run_scoped3A = tpu.sem_alloc : memref<!tpu.dma_semaphore, #tpu.memory_space<semaphore_mem>>
          %dma_start3A_140 = arith.constant 0 : i32
          %dma_start3A_141 = tpu.memref_slice %arg7[%add3A_114, %dma_start3A_140] : memref<32x128xi32, #tpu.memory_space<vmem>> -> memref<1x128xi32, #tpu.memory_space<vmem>>
          %dma_start3A_142 = tpu.memref_squeeze %dma_start3A_141 : memref<1x128xi32, #tpu.memory_space<vmem>> -> memref<128xi32, #tpu.memory_space<vmem>>
          %dma_start3A_143 = arith.constant 0 : i32
          %dma_start3A_144 = arith.constant 0 : i32
          %dma_start3A_145 = tpu.memref_slice %arg12[%dma_start3A_143, %dma_start3A_144] : memref<10112x128xf32, #tpu.memory_space<vmem_shared>> -> memref<10112x128xf32, #tpu.memory_space<vmem_shared>>
          tpu.enqueue_indirect_dma source(%arg8 : memref<128x128xf32, #tpu.memory_space<vmem>>) target(%dma_start3A_145 : memref<10112x128xf32, #tpu.memory_space<vmem_shared>>) offsets(%dma_start3A_142 : memref<128xi32, #tpu.memory_space<vmem>>) semaphore(%run_scoped3A : memref<!tpu.dma_semaphore, #tpu.memory_space<semaphore_mem>>) {add = true}
          %dma_wait3A_146 = arith.constant 0 : i32
          %dma_wait3A_147 = tpu.memref_slice %arg7[%add3A_114, %dma_wait3A_146] : memref<32x128xi32, #tpu.memory_space<vmem>> -> memref<1x128xi32, #tpu.memory_space<vmem>>
          %dma_wait3A_148 = tpu.memref_squeeze %dma_wait3A_147 : memref<1x128xi32, #tpu.memory_space<vmem>> -> memref<128xi32, #tpu.memory_space<vmem>>
          %dma_wait3A_149 = arith.constant 0 : i32
          %dma_wait3A_150 = arith.constant 0 : i32
          %dma_wait3A_151 = tpu.memref_slice %arg12[%dma_wait3A_149, %dma_wait3A_150] : memref<10112x128xf32, #tpu.memory_space<vmem_shared>> -> memref<10112x128xf32, #tpu.memory_space<vmem_shared>>
          tpu.wait_indirect_dma semaphore(%run_scoped3A : memref<!tpu.dma_semaphore, #tpu.memory_space<semaphore_mem>>) src(%arg8 : memref<128x128xf32, #tpu.memory_space<vmem>>) dst(%dma_wait3A_151 : memref<10112x128xf32, #tpu.memory_space<vmem_shared>>)
          tpu.yield
        }) : () -> ()
        %add3A_126 = arith.constant 2 : i32
        %add3A_127 = arith.addi %add3A_114, %add3A_126 : i32
        %lt3A_128 = arith.constant 32 : i32
        %lt3A_129 = arith.cmpi slt, %add3A_127, %lt3A_128 : i32
        %convert_element_type3A_130 = arith.extui %lt3A_129 : i1 to i32
        %cond3A_131 = arith.constant 0 : i32
        %cond3A_132 = arith.cmpi ne, %convert_element_type3A_130, %cond3A_131 : i32
        scf.if %cond3A_132 {
          %add3A_140 = arith.constant 2 : i32
          %add3A_141 = arith.addi %add3A_114, %add3A_140 : i32
          %dma_start3A_142 = arith.constant 0 : i32
          %dma_start3A_143 = tpu.memref_slice %arg6[%add3A_141, %dma_start3A_142] : memref<32x128xi32, #tpu.memory_space<vmem>> -> memref<1x128xi32, #tpu.memory_space<vmem>>
          %dma_start3A_144 = tpu.memref_squeeze %dma_start3A_143 : memref<1x128xi32, #tpu.memory_space<vmem>> -> memref<128xi32, #tpu.memory_space<vmem>>
          %dma_start3A_145 = arith.constant 0 : i32
          %dma_start3A_146 = arith.constant 0 : i32
          %dma_start3A_147 = tpu.memref_slice %arg2[%dma_start3A_145, %dma_start3A_146] : memref<10000x128xf32, #tpu.memory_space<hbm>> -> memref<10000x128xf32, #tpu.memory_space<hbm>>
          tpu.enqueue_indirect_dma source(%dma_start3A_147 : memref<10000x128xf32, #tpu.memory_space<hbm>>) target(%arg8 : memref<128x128xf32, #tpu.memory_space<vmem>>) offsets(%dma_start3A_144 : memref<128xi32, #tpu.memory_space<vmem>>) semaphore(%arg10 : memref<!tpu.dma_semaphore, #tpu.memory_space<semaphore_mem>>)
        } else {
        }
        %add3A_133 = arith.constant 1 : i32
        %add3A_134 = arith.addi %add3A_114, %add3A_133 : i32
        %lt3A_135 = arith.constant 32 : i32
        %lt3A_136 = arith.cmpi slt, %add3A_134, %lt3A_135 : i32
        %convert_element_type3A_137 = arith.extui %lt3A_136 : i1 to i32
        %cond3A_138 = arith.constant 0 : i32
        %cond3A_139 = arith.cmpi ne, %convert_element_type3A_137, %cond3A_138 : i32
        scf.if %cond3A_139 {
          %add3A_140 = arith.constant 1 : i32
          %add3A_141 = arith.addi %add3A_114, %add3A_140 : i32
          %dma_wait3A_142 = arith.constant 0 : i32
          %dma_wait3A_143 = tpu.memref_slice %arg6[%add3A_141, %dma_wait3A_142] : memref<32x128xi32, #tpu.memory_space<vmem>> -> memref<1x128xi32, #tpu.memory_space<vmem>>
          %dma_wait3A_144 = tpu.memref_squeeze %dma_wait3A_143 : memref<1x128xi32, #tpu.memory_space<vmem>> -> memref<128xi32, #tpu.memory_space<vmem>>
          %dma_wait3A_145 = arith.constant 0 : i32
          %dma_wait3A_146 = arith.constant 0 : i32
          %dma_wait3A_147 = tpu.memref_slice %arg2[%dma_wait3A_145, %dma_wait3A_146] : memref<10000x128xf32, #tpu.memory_space<hbm>> -> memref<10000x128xf32, #tpu.memory_space<hbm>>
          tpu.wait_indirect_dma semaphore(%arg11 : memref<!tpu.dma_semaphore, #tpu.memory_space<semaphore_mem>>) src(%dma_wait3A_147 : memref<10000x128xf32, #tpu.memory_space<hbm>>) dst(%arg9 : memref<128x128xf32, #tpu.memory_space<vmem>>)
          %add3A_148 = arith.constant 1 : i32
          %add3A_149 = arith.addi %add3A_114, %add3A_148 : i32
          "tpu.region"() ({
            %run_scoped3A = tpu.sem_alloc : memref<!tpu.dma_semaphore, #tpu.memory_space<semaphore_mem>>
            %dma_start3A_150 = arith.constant 0 : i32
            %dma_start3A_151 = tpu.memref_slice %arg7[%add3A_149, %dma_start3A_150] : memref<32x128xi32, #tpu.memory_space<vmem>> -> memref<1x128xi32, #tpu.memory_space<vmem>>
            %dma_start3A_152 = tpu.memref_squeeze %dma_start3A_151 : memref<1x128xi32, #tpu.memory_space<vmem>> -> memref<128xi32, #tpu.memory_space<vmem>>
            %dma_start3A_153 = arith.constant 0 : i32
            %dma_start3A_154 = arith.constant 0 : i32
            %dma_start3A_155 = tpu.memref_slice %arg12[%dma_start3A_153, %dma_start3A_154] : memref<10112x128xf32, #tpu.memory_space<vmem_shared>> -> memref<10112x128xf32, #tpu.memory_space<vmem_shared>>
            tpu.enqueue_indirect_dma source(%arg9 : memref<128x128xf32, #tpu.memory_space<vmem>>) target(%dma_start3A_155 : memref<10112x128xf32, #tpu.memory_space<vmem_shared>>) offsets(%dma_start3A_152 : memref<128xi32, #tpu.memory_space<vmem>>) semaphore(%run_scoped3A : memref<!tpu.dma_semaphore, #tpu.memory_space<semaphore_mem>>) {add = true}
            %dma_wait3A_156 = arith.constant 0 : i32
            %dma_wait3A_157 = tpu.memref_slice %arg7[%add3A_149, %dma_wait3A_156] : memref<32x128xi32, #tpu.memory_space<vmem>> -> memref<1x128xi32, #tpu.memory_space<vmem>>
            %dma_wait3A_158 = tpu.memref_squeeze %dma_wait3A_157 : memref<1x128xi32, #tpu.memory_space<vmem>> -> memref<128xi32, #tpu.memory_space<vmem>>
            %dma_wait3A_159 = arith.constant 0 : i32
            %dma_wait3A_160 = arith.constant 0 : i32
            %dma_wait3A_161 = tpu.memref_slice %arg12[%dma_wait3A_159, %dma_wait3A_160] : memref<10112x128xf32, #tpu.memory_space<vmem_shared>> -> memref<10112x128xf32, #tpu.memory_space<vmem_shared>>
            tpu.wait_indirect_dma semaphore(%run_scoped3A : memref<!tpu.dma_semaphore, #tpu.memory_space<semaphore_mem>>) src(%arg9 : memref<128x128xf32, #tpu.memory_space<vmem>>) dst(%dma_wait3A_161 : memref<10112x128xf32, #tpu.memory_space<vmem_shared>>)
            tpu.yield
          }) : () -> ()
        } else {
        }
      }
      %scan3A_109 = arith.constant 16 : i32
    } else {
    }
    %barrier3A_24 = arith.constant 0 : index
    tpu.barrier barrier_id(%barrier3A_24)
    %mul3A_25 = arith.constant 632 : i32
    %mul3A_26 = arith.muli %arg1, %mul3A_25 : i32
    %mul3A_27 = arith.constant 632 : i32
    %mul3A_28 = arith.muli %arg1, %mul3A_27 : i32
    "tpu.region"() ({
      %run_scoped3A = tpu.sem_alloc : memref<!tpu.dma_semaphore, #tpu.memory_space<semaphore_mem>>
      %dma_start3A = arith.constant 0 : i32
      %dma_start3A_29 = tpu.memref_slice %arg5[%arg0, %mul3A_28, %dma_start3A] : memref<2x10112x128xf32, #tpu.memory_space<hbm>> -> memref<1x632x128xf32, #tpu.memory_space<hbm>>
      %dma_start3A_30 = tpu.memref_squeeze %dma_start3A_29 : memref<1x632x128xf32, #tpu.memory_space<hbm>> -> memref<632x128xf32, #tpu.memory_space<hbm>>
      %dma_start3A_31 = arith.constant 0 : i32
      %dma_start3A_32 = tpu.memref_slice %arg12[%mul3A_26, %dma_start3A_31] : memref<10112x128xf32, #tpu.memory_space<vmem_shared>> -> memref<632x128xf32, #tpu.memory_space<vmem_shared>>
      tpu.enqueue_dma source(%dma_start3A_32 : memref<632x128xf32, #tpu.memory_space<vmem_shared>>) target(%dma_start3A_30 : memref<632x128xf32, #tpu.memory_space<hbm>>) target_semaphore(%run_scoped3A : memref<!tpu.dma_semaphore, #tpu.memory_space<semaphore_mem>>)
      %dma_wait3A = arith.constant 0 : i32
      %dma_wait3A_33 = tpu.memref_slice %arg5[%arg0, %mul3A_28, %dma_wait3A] : memref<2x10112x128xf32, #tpu.memory_space<hbm>> -> memref<1x632x128xf32, #tpu.memory_space<hbm>>
      %dma_wait3A_34 = tpu.memref_squeeze %dma_wait3A_33 : memref<1x632x128xf32, #tpu.memory_space<hbm>> -> memref<632x128xf32, #tpu.memory_space<hbm>>
      %dma_wait3A_35 = arith.constant 0 : i32
      %dma_wait3A_36 = tpu.memref_slice %arg12[%mul3A_26, %dma_wait3A_35] : memref<10112x128xf32, #tpu.memory_space<vmem_shared>> -> memref<632x128xf32, #tpu.memory_space<vmem_shared>>
      tpu.wait_dma2 semaphore(%run_scoped3A : memref<!tpu.dma_semaphore, #tpu.memory_space<semaphore_mem>>) src(%dma_wait3A_36 : memref<632x128xf32, #tpu.memory_space<vmem_shared>>) dst(%dma_wait3A_34 : memref<632x128xf32, #tpu.memory_space<hbm>>)
      tpu.yield
    }) : () -> ()
    return
  }
}

#map = affine_map<(d0, d1) -> (0, 0, 0)>
#map1 = affine_map<(d0, d1) -> (0, 0)>
module attributes {stable_mosaic.version = 14 : i64} {
  func.func @deg_kernel(%arg0: i32, %arg1: i32, %arg2: memref<32x80x128xi32, #tpu.memory_space<hbm>>, %arg3: memref<2x10240xf32, #tpu.memory_space<hbm>>, %arg4: memref<80x128xi32, #tpu.memory_space<vmem>>, %arg5: memref<128xf32, #tpu.memory_space<vmem>>, %arg6: memref<10240xf32, #tpu.memory_space<vmem_shared>>) attributes {dimension_semantics = [#tpu.dimension_semantics<core_parallel>, #tpu.dimension_semantics<subcore_parallel>], iteration_bounds = array<i64: 2, 16>, scalar_prefetch = 0 : i64, scratch_operands = 3 : i64, tpu.core_type = #tpu.core_type<sc_vector_subcore>, window_params = [{transform_indices = #map}, {transform_indices = #map1}]} {
    %mul3A = arith.constant 16 : i32
    %mul3A_0 = arith.muli %arg0, %mul3A : i32
    %add3A = arith.addi %mul3A_0, %arg1 : i32
    %eq3A = arith.constant 0 : i32
    %eq3A_1 = arith.cmpi eq, %arg0, %eq3A : i32
    %jit3A = arith.constant 1.000000e+00 : f32
    %jit3A_2 = arith.constant 0.000000e+00 : f32
    %select_n3A = arith.select %eq3A_1, %jit3A, %jit3A_2 : f32
    %scan3A = arith.constant 0 : i32
    %scan3A_3 = arith.constant 8 : i32
    %scan3A_4 = arith.addi %scan3A, %scan3A_3 : i32
    %scan3A_5 = arith.constant 1 : i32
    scf.for %scan3A_42 = %scan3A to %scan3A_4 step %scan3A_5  : i32 {
      %mul3A_43 = arith.constant 16 : i32
      %mul3A_44 = arith.muli %scan3A_42, %mul3A_43 : i32
      %add3A_45 = arith.constant 0 : i32
      %add3A_46 = arith.addi %add3A_45, %mul3A_44 : i32
      %broadcast_in_dim3A = arith.constant 1.000000e+00 : f32
      %broadcast_in_dim3A_47 = vector.broadcast %broadcast_in_dim3A : f32 to vector<16xf32>
      %mul3A_48 = vector.broadcast %select_n3A : f32 to vector<16xf32>
      %mul3A_49 = arith.mulf %broadcast_in_dim3A_47, %mul3A_48 : vector<16xf32>
      %swap3A = arith.index_cast %add3A_46 : i32 to index
      %swap3A_50 = tpu.vector_load %arg5[%swap3A] {strides = array<i32>} : memref<128xf32, #tpu.memory_space<vmem>>, vector<16xf32>,
      %swap3A_51 = vector.shape_cast %swap3A_50 : vector<16xf32> to vector<16xf32>
      %swap3A_52 = vector.shape_cast %mul3A_49 : vector<16xf32> to vector<16xf32>
      tpu.vector_store %arg5[%swap3A], %swap3A_52 {strides = array<i32>} : memref<128xf32, #tpu.memory_space<vmem>>, vector<16xf32>,
    }
    %scan3A_6 = arith.constant 8 : i32
    %mul3A_7 = arith.constant 640 : i32
    %mul3A_8 = arith.muli %arg1, %mul3A_7 : i32
    %add3A_9 = arith.constant 0 : i32
    %add3A_10 = arith.addi %mul3A_8, %add3A_9 : i32
    "tpu.region"() ({
      %run_scoped3A = tpu.sem_alloc : memref<!tpu.dma_semaphore, #tpu.memory_space<semaphore_mem>>
      %dma_start3A = arith.constant 0 : i32
      %dma_start3A_42 = tpu.memref_slice %arg5[%dma_start3A] : memref<128xf32, #tpu.memory_space<vmem>> -> memref<128xf32, #tpu.memory_space<vmem>>
      %dma_start3A_43 = tpu.memref_slice %arg6[%add3A_10] : memref<10240xf32, #tpu.memory_space<vmem_shared>> -> memref<128xf32, #tpu.memory_space<vmem_shared>>
      %dma_start3A_44 = tpu.memref_slice %arg6[%add3A_10] : memref<10240xf32, #tpu.memory_space<vmem_shared>> -> memref<128xf32, #tpu.memory_space<vmem_shared>>
      %dma_start3A_45 = arith.constant 0 : i32
      %dma_start3A_46 = tpu.memref_slice %arg5[%dma_start3A_45] : memref<128xf32, #tpu.memory_space<vmem>> -> memref<128xf32, #tpu.memory_space<vmem>>
      tpu.enqueue_dma source(%dma_start3A_46 : memref<128xf32, #tpu.memory_space<vmem>>) target(%dma_start3A_44 : memref<128xf32, #tpu.memory_space<vmem_shared>>) target_semaphore(%run_scoped3A : memref<!tpu.dma_semaphore, #tpu.memory_space<semaphore_mem>>)
      %dma_wait3A = arith.constant 0 : i32
      %dma_wait3A_47 = tpu.memref_slice %arg5[%dma_wait3A] : memref<128xf32, #tpu.memory_space<vmem>> -> memref<128xf32, #tpu.memory_space<vmem>>
      %dma_wait3A_48 = tpu.memref_slice %arg6[%add3A_10] : memref<10240xf32, #tpu.memory_space<vmem_shared>> -> memref<128xf32, #tpu.memory_space<vmem_shared>>
      %dma_wait3A_49 = tpu.memref_slice %arg6[%add3A_10] : memref<10240xf32, #tpu.memory_space<vmem_shared>> -> memref<128xf32, #tpu.memory_space<vmem_shared>>
      %dma_wait3A_50 = arith.constant 0 : i32
      %dma_wait3A_51 = tpu.memref_slice %arg5[%dma_wait3A_50] : memref<128xf32, #tpu.memory_space<vmem>> -> memref<128xf32, #tpu.memory_space<vmem>>
      tpu.wait_dma2 semaphore(%run_scoped3A : memref<!tpu.dma_semaphore, #tpu.memory_space<semaphore_mem>>) src(%dma_wait3A_51 : memref<128xf32, #tpu.memory_space<vmem>>) dst(%dma_wait3A_49 : memref<128xf32, #tpu.memory_space<vmem_shared>>)
      tpu.yield
    }) : () -> ()
    %mul3A_11 = arith.constant 640 : i32
    %mul3A_12 = arith.muli %arg1, %mul3A_11 : i32
    %add3A_13 = arith.constant 128 : i32
    %add3A_14 = arith.addi %mul3A_12, %add3A_13 : i32
    "tpu.region"() ({
      %run_scoped3A = tpu.sem_alloc : memref<!tpu.dma_semaphore, #tpu.memory_space<semaphore_mem>>
      %dma_start3A = arith.constant 0 : i32
      %dma_start3A_42 = tpu.memref_slice %arg5[%dma_start3A] : memref<128xf32, #tpu.memory_space<vmem>> -> memref<128xf32, #tpu.memory_space<vmem>>
      %dma_start3A_43 = tpu.memref_slice %arg6[%add3A_14] : memref<10240xf32, #tpu.memory_space<vmem_shared>> -> memref<128xf32, #tpu.memory_space<vmem_shared>>
      %dma_start3A_44 = tpu.memref_slice %arg6[%add3A_14] : memref<10240xf32, #tpu.memory_space<vmem_shared>> -> memref<128xf32, #tpu.memory_space<vmem_shared>>
      %dma_start3A_45 = arith.constant 0 : i32
      %dma_start3A_46 = tpu.memref_slice %arg5[%dma_start3A_45] : memref<128xf32, #tpu.memory_space<vmem>> -> memref<128xf32, #tpu.memory_space<vmem>>
      tpu.enqueue_dma source(%dma_start3A_46 : memref<128xf32, #tpu.memory_space<vmem>>) target(%dma_start3A_44 : memref<128xf32, #tpu.memory_space<vmem_shared>>) target_semaphore(%run_scoped3A : memref<!tpu.dma_semaphore, #tpu.memory_space<semaphore_mem>>)
      %dma_wait3A = arith.constant 0 : i32
      %dma_wait3A_47 = tpu.memref_slice %arg5[%dma_wait3A] : memref<128xf32, #tpu.memory_space<vmem>> -> memref<128xf32, #tpu.memory_space<vmem>>
      %dma_wait3A_48 = tpu.memref_slice %arg6[%add3A_14] : memref<10240xf32, #tpu.memory_space<vmem_shared>> -> memref<128xf32, #tpu.memory_space<vmem_shared>>
      %dma_wait3A_49 = tpu.memref_slice %arg6[%add3A_14] : memref<10240xf32, #tpu.memory_space<vmem_shared>> -> memref<128xf32, #tpu.memory_space<vmem_shared>>
      %dma_wait3A_50 = arith.constant 0 : i32
      %dma_wait3A_51 = tpu.memref_slice %arg5[%dma_wait3A_50] : memref<128xf32, #tpu.memory_space<vmem>> -> memref<128xf32, #tpu.memory_space<vmem>>
      tpu.wait_dma2 semaphore(%run_scoped3A : memref<!tpu.dma_semaphore, #tpu.memory_space<semaphore_mem>>) src(%dma_wait3A_51 : memref<128xf32, #tpu.memory_space<vmem>>) dst(%dma_wait3A_49 : memref<128xf32, #tpu.memory_space<vmem_shared>>)
      tpu.yield
    }) : () -> ()
    %mul3A_15 = arith.constant 640 : i32
    %mul3A_16 = arith.muli %arg1, %mul3A_15 : i32
    %add3A_17 = arith.constant 256 : i32
    %add3A_18 = arith.addi %mul3A_16, %add3A_17 : i32
    "tpu.region"() ({
      %run_scoped3A = tpu.sem_alloc : memref<!tpu.dma_semaphore, #tpu.memory_space<semaphore_mem>>
      %dma_start3A = arith.constant 0 : i32
      %dma_start3A_42 = tpu.memref_slice %arg5[%dma_start3A] : memref<128xf32, #tpu.memory_space<vmem>> -> memref<128xf32, #tpu.memory_space<vmem>>
      %dma_start3A_43 = tpu.memref_slice %arg6[%add3A_18] : memref<10240xf32, #tpu.memory_space<vmem_shared>> -> memref<128xf32, #tpu.memory_space<vmem_shared>>
      %dma_start3A_44 = tpu.memref_slice %arg6[%add3A_18] : memref<10240xf32, #tpu.memory_space<vmem_shared>> -> memref<128xf32, #tpu.memory_space<vmem_shared>>
      %dma_start3A_45 = arith.constant 0 : i32
      %dma_start3A_46 = tpu.memref_slice %arg5[%dma_start3A_45] : memref<128xf32, #tpu.memory_space<vmem>> -> memref<128xf32, #tpu.memory_space<vmem>>
      tpu.enqueue_dma source(%dma_start3A_46 : memref<128xf32, #tpu.memory_space<vmem>>) target(%dma_start3A_44 : memref<128xf32, #tpu.memory_space<vmem_shared>>) target_semaphore(%run_scoped3A : memref<!tpu.dma_semaphore, #tpu.memory_space<semaphore_mem>>)
      %dma_wait3A = arith.constant 0 : i32
      %dma_wait3A_47 = tpu.memref_slice %arg5[%dma_wait3A] : memref<128xf32, #tpu.memory_space<vmem>> -> memref<128xf32, #tpu.memory_space<vmem>>
      %dma_wait3A_48 = tpu.memref_slice %arg6[%add3A_18] : memref<10240xf32, #tpu.memory_space<vmem_shared>> -> memref<128xf32, #tpu.memory_space<vmem_shared>>
      %dma_wait3A_49 = tpu.memref_slice %arg6[%add3A_18] : memref<10240xf32, #tpu.memory_space<vmem_shared>> -> memref<128xf32, #tpu.memory_space<vmem_shared>>
      %dma_wait3A_50 = arith.constant 0 : i32
      %dma_wait3A_51 = tpu.memref_slice %arg5[%dma_wait3A_50] : memref<128xf32, #tpu.memory_space<vmem>> -> memref<128xf32, #tpu.memory_space<vmem>>
      tpu.wait_dma2 semaphore(%run_scoped3A : memref<!tpu.dma_semaphore, #tpu.memory_space<semaphore_mem>>) src(%dma_wait3A_51 : memref<128xf32, #tpu.memory_space<vmem>>) dst(%dma_wait3A_49 : memref<128xf32, #tpu.memory_space<vmem_shared>>)
      tpu.yield
    }) : () -> ()
    %mul3A_19 = arith.constant 640 : i32
    %mul3A_20 = arith.muli %arg1, %mul3A_19 : i32
    %add3A_21 = arith.constant 384 : i32
    %add3A_22 = arith.addi %mul3A_20, %add3A_21 : i32
    "tpu.region"() ({
      %run_scoped3A = tpu.sem_alloc : memref<!tpu.dma_semaphore, #tpu.memory_space<semaphore_mem>>
      %dma_start3A = arith.constant 0 : i32
      %dma_start3A_42 = tpu.memref_slice %arg5[%dma_start3A] : memref<128xf32, #tpu.memory_space<vmem>> -> memref<128xf32, #tpu.memory_space<vmem>>
      %dma_start3A_43 = tpu.memref_slice %arg6[%add3A_22] : memref<10240xf32, #tpu.memory_space<vmem_shared>> -> memref<128xf32, #tpu.memory_space<vmem_shared>>
      %dma_start3A_44 = tpu.memref_slice %arg6[%add3A_22] : memref<10240xf32, #tpu.memory_space<vmem_shared>> -> memref<128xf32, #tpu.memory_space<vmem_shared>>
      %dma_start3A_45 = arith.constant 0 : i32
      %dma_start3A_46 = tpu.memref_slice %arg5[%dma_start3A_45] : memref<128xf32, #tpu.memory_space<vmem>> -> memref<128xf32, #tpu.memory_space<vmem>>
      tpu.enqueue_dma source(%dma_start3A_46 : memref<128xf32, #tpu.memory_space<vmem>>) target(%dma_start3A_44 : memref<128xf32, #tpu.memory_space<vmem_shared>>) target_semaphore(%run_scoped3A : memref<!tpu.dma_semaphore, #tpu.memory_space<semaphore_mem>>)
      %dma_wait3A = arith.constant 0 : i32
      %dma_wait3A_47 = tpu.memref_slice %arg5[%dma_wait3A] : memref<128xf32, #tpu.memory_space<vmem>> -> memref<128xf32, #tpu.memory_space<vmem>>
      %dma_wait3A_48 = tpu.memref_slice %arg6[%add3A_22] : memref<10240xf32, #tpu.memory_space<vmem_shared>> -> memref<128xf32, #tpu.memory_space<vmem_shared>>
      %dma_wait3A_49 = tpu.memref_slice %arg6[%add3A_22] : memref<10240xf32, #tpu.memory_space<vmem_shared>> -> memref<128xf32, #tpu.memory_space<vmem_shared>>
      %dma_wait3A_50 = arith.constant 0 : i32
      %dma_wait3A_51 = tpu.memref_slice %arg5[%dma_wait3A_50] : memref<128xf32, #tpu.memory_space<vmem>> -> memref<128xf32, #tpu.memory_space<vmem>>
      tpu.wait_dma2 semaphore(%run_scoped3A : memref<!tpu.dma_semaphore, #tpu.memory_space<semaphore_mem>>) src(%dma_wait3A_51 : memref<128xf32, #tpu.memory_space<vmem>>) dst(%dma_wait3A_49 : memref<128xf32, #tpu.memory_space<vmem_shared>>)
      tpu.yield
    }) : () -> ()
    %mul3A_23 = arith.constant 640 : i32
    %mul3A_24 = arith.muli %arg1, %mul3A_23 : i32
    %add3A_25 = arith.constant 512 : i32
    %add3A_26 = arith.addi %mul3A_24, %add3A_25 : i32
    "tpu.region"() ({
      %run_scoped3A = tpu.sem_alloc : memref<!tpu.dma_semaphore, #tpu.memory_space<semaphore_mem>>
      %dma_start3A = arith.constant 0 : i32
      %dma_start3A_42 = tpu.memref_slice %arg5[%dma_start3A] : memref<128xf32, #tpu.memory_space<vmem>> -> memref<128xf32, #tpu.memory_space<vmem>>
      %dma_start3A_43 = tpu.memref_slice %arg6[%add3A_26] : memref<10240xf32, #tpu.memory_space<vmem_shared>> -> memref<128xf32, #tpu.memory_space<vmem_shared>>
      %dma_start3A_44 = tpu.memref_slice %arg6[%add3A_26] : memref<10240xf32, #tpu.memory_space<vmem_shared>> -> memref<128xf32, #tpu.memory_space<vmem_shared>>
      %dma_start3A_45 = arith.constant 0 : i32
      %dma_start3A_46 = tpu.memref_slice %arg5[%dma_start3A_45] : memref<128xf32, #tpu.memory_space<vmem>> -> memref<128xf32, #tpu.memory_space<vmem>>
      tpu.enqueue_dma source(%dma_start3A_46 : memref<128xf32, #tpu.memory_space<vmem>>) target(%dma_start3A_44 : memref<128xf32, #tpu.memory_space<vmem_shared>>) target_semaphore(%run_scoped3A : memref<!tpu.dma_semaphore, #tpu.memory_space<semaphore_mem>>)
      %dma_wait3A = arith.constant 0 : i32
      %dma_wait3A_47 = tpu.memref_slice %arg5[%dma_wait3A] : memref<128xf32, #tpu.memory_space<vmem>> -> memref<128xf32, #tpu.memory_space<vmem>>
      %dma_wait3A_48 = tpu.memref_slice %arg6[%add3A_26] : memref<10240xf32, #tpu.memory_space<vmem_shared>> -> memref<128xf32, #tpu.memory_space<vmem_shared>>
      %dma_wait3A_49 = tpu.memref_slice %arg6[%add3A_26] : memref<10240xf32, #tpu.memory_space<vmem_shared>> -> memref<128xf32, #tpu.memory_space<vmem_shared>>
      %dma_wait3A_50 = arith.constant 0 : i32
      %dma_wait3A_51 = tpu.memref_slice %arg5[%dma_wait3A_50] : memref<128xf32, #tpu.memory_space<vmem>> -> memref<128xf32, #tpu.memory_space<vmem>>
      tpu.wait_dma2 semaphore(%run_scoped3A : memref<!tpu.dma_semaphore, #tpu.memory_space<semaphore_mem>>) src(%dma_wait3A_51 : memref<128xf32, #tpu.memory_space<vmem>>) dst(%dma_wait3A_49 : memref<128xf32, #tpu.memory_space<vmem_shared>>)
      tpu.yield
    }) : () -> ()
    %scan3A_27 = arith.constant 0 : i32
    %scan3A_28 = arith.constant 8 : i32
    %scan3A_29 = arith.addi %scan3A_27, %scan3A_28 : i32
    %scan3A_30 = arith.constant 1 : i32
    scf.for %scan3A_42 = %scan3A_27 to %scan3A_29 step %scan3A_30  : i32 {
      %mul3A_43 = arith.constant 16 : i32
      %mul3A_44 = arith.muli %scan3A_42, %mul3A_43 : i32
      %add3A_45 = arith.constant 0 : i32
      %add3A_46 = arith.addi %add3A_45, %mul3A_44 : i32
      %broadcast_in_dim3A = arith.constant 1.000000e+00 : f32
      %broadcast_in_dim3A_47 = vector.broadcast %broadcast_in_dim3A : f32 to vector<16xf32>
      %swap3A = arith.index_cast %add3A_46 : i32 to index
      %swap3A_48 = tpu.vector_load %arg5[%swap3A] {strides = array<i32>} : memref<128xf32, #tpu.memory_space<vmem>>, vector<16xf32>,
      %swap3A_49 = vector.shape_cast %swap3A_48 : vector<16xf32> to vector<16xf32>
      %swap3A_50 = vector.shape_cast %broadcast_in_dim3A_47 : vector<16xf32> to vector<16xf32>
      tpu.vector_store %arg5[%swap3A], %swap3A_50 {strides = array<i32>} : memref<128xf32, #tpu.memory_space<vmem>>, vector<16xf32>,
    }
    %scan3A_31 = arith.constant 8 : i32
    "tpu.region"() ({
      %run_scoped3A = tpu.sem_alloc : memref<!tpu.dma_semaphore, #tpu.memory_space<semaphore_mem>>
      %dma_start3A = arith.constant 0 : i32
      %dma_start3A_42 = arith.constant 0 : i32
      %dma_start3A_43 = tpu.memref_slice %arg2[%add3A, %dma_start3A, %dma_start3A_42] : memref<32x80x128xi32, #tpu.memory_space<hbm>> -> memref<1x80x128xi32, #tpu.memory_space<hbm>>
      %dma_start3A_44 = tpu.memref_squeeze %dma_start3A_43 : memref<1x80x128xi32, #tpu.memory_space<hbm>> -> memref<80x128xi32, #tpu.memory_space<hbm>>
      %dma_start3A_45 = arith.constant 0 : i32
      %dma_start3A_46 = arith.constant 0 : i32
      %dma_start3A_47 = tpu.memref_slice %arg2[%add3A, %dma_start3A_45, %dma_start3A_46] : memref<32x80x128xi32, #tpu.memory_space<hbm>> -> memref<1x80x128xi32, #tpu.memory_space<hbm>>
      %dma_start3A_48 = tpu.memref_squeeze %dma_start3A_47 : memref<1x80x128xi32, #tpu.memory_space<hbm>> -> memref<80x128xi32, #tpu.memory_space<hbm>>
      tpu.enqueue_dma source(%dma_start3A_48 : memref<80x128xi32, #tpu.memory_space<hbm>>) target(%arg4 : memref<80x128xi32, #tpu.memory_space<vmem>>) target_semaphore(%run_scoped3A : memref<!tpu.dma_semaphore, #tpu.memory_space<semaphore_mem>>)
      %dma_wait3A = arith.constant 0 : i32
      %dma_wait3A_49 = arith.constant 0 : i32
      %dma_wait3A_50 = tpu.memref_slice %arg2[%add3A, %dma_wait3A, %dma_wait3A_49] : memref<32x80x128xi32, #tpu.memory_space<hbm>> -> memref<1x80x128xi32, #tpu.memory_space<hbm>>
      %dma_wait3A_51 = tpu.memref_squeeze %dma_wait3A_50 : memref<1x80x128xi32, #tpu.memory_space<hbm>> -> memref<80x128xi32, #tpu.memory_space<hbm>>
      %dma_wait3A_52 = arith.constant 0 : i32
      %dma_wait3A_53 = arith.constant 0 : i32
      %dma_wait3A_54 = tpu.memref_slice %arg2[%add3A, %dma_wait3A_52, %dma_wait3A_53] : memref<32x80x128xi32, #tpu.memory_space<hbm>> -> memref<1x80x128xi32, #tpu.memory_space<hbm>>
      %dma_wait3A_55 = tpu.memref_squeeze %dma_wait3A_54 : memref<1x80x128xi32, #tpu.memory_space<hbm>> -> memref<80x128xi32, #tpu.memory_space<hbm>>
      tpu.wait_dma2 semaphore(%run_scoped3A : memref<!tpu.dma_semaphore, #tpu.memory_space<semaphore_mem>>) src(%dma_wait3A_55 : memref<80x128xi32, #tpu.memory_space<hbm>>) dst(%arg4 : memref<80x128xi32, #tpu.memory_space<vmem>>)
      tpu.yield
    }) : () -> ()
    %barrier3A = arith.constant 0 : index
    tpu.barrier barrier_id(%barrier3A)
    %scan3A_32 = arith.constant 0 : i32
    %scan3A_33 = arith.constant 80 : i32
    %scan3A_34 = arith.addi %scan3A_32, %scan3A_33 : i32
    %scan3A_35 = arith.constant 1 : i32
    scf.for %scan3A_42 = %scan3A_32 to %scan3A_34 step %scan3A_35  : i32 {
      %mul3A_43 = arith.constant 1 : i32
      %mul3A_44 = arith.muli %scan3A_42, %mul3A_43 : i32
      %add3A_45 = arith.constant 0 : i32
      %add3A_46 = arith.addi %add3A_45, %mul3A_44 : i32
      "tpu.region"() ({
        %run_scoped3A = tpu.sem_alloc : memref<!tpu.dma_semaphore, #tpu.memory_space<semaphore_mem>>
        %dma_start3A = arith.constant 0 : i32
        %dma_start3A_47 = tpu.memref_slice %arg4[%add3A_46, %dma_start3A] : memref<80x128xi32, #tpu.memory_space<vmem>> -> memref<1x128xi32, #tpu.memory_space<vmem>>
        %dma_start3A_48 = tpu.memref_squeeze %dma_start3A_47 : memref<1x128xi32, #tpu.memory_space<vmem>> -> memref<128xi32, #tpu.memory_space<vmem>>
        %dma_start3A_49 = arith.constant 0 : i32
        %dma_start3A_50 = tpu.memref_slice %arg6[%dma_start3A_49] : memref<10240xf32, #tpu.memory_space<vmem_shared>> -> memref<10240xf32, #tpu.memory_space<vmem_shared>>
        tpu.enqueue_indirect_dma source(%arg5 : memref<128xf32, #tpu.memory_space<vmem>>) target(%dma_start3A_50 : memref<10240xf32, #tpu.memory_space<vmem_shared>>) offsets(%dma_start3A_48 : memref<128xi32, #tpu.memory_space<vmem>>) semaphore(%run_scoped3A : memref<!tpu.dma_semaphore, #tpu.memory_space<semaphore_mem>>) {add = true}
        %dma_wait3A = arith.constant 0 : i32
        %dma_wait3A_51 = tpu.memref_slice %arg4[%add3A_46, %dma_wait3A] : memref<80x128xi32, #tpu.memory_space<vmem>> -> memref<1x128xi32, #tpu.memory_space<vmem>>
        %dma_wait3A_52 = tpu.memref_squeeze %dma_wait3A_51 : memref<1x128xi32, #tpu.memory_space<vmem>> -> memref<128xi32, #tpu.memory_space<vmem>>
        %dma_wait3A_53 = arith.constant 0 : i32
        %dma_wait3A_54 = tpu.memref_slice %arg6[%dma_wait3A_53] : memref<10240xf32, #tpu.memory_space<vmem_shared>> -> memref<10240xf32, #tpu.memory_space<vmem_shared>>
        tpu.wait_indirect_dma semaphore(%run_scoped3A : memref<!tpu.dma_semaphore, #tpu.memory_space<semaphore_mem>>) src(%arg5 : memref<128xf32, #tpu.memory_space<vmem>>) dst(%dma_wait3A_54 : memref<10240xf32, #tpu.memory_space<vmem_shared>>)
        tpu.yield
      }) : () -> ()
    }
    %scan3A_36 = arith.constant 80 : i32
    %barrier3A_37 = arith.constant 0 : index
    tpu.barrier barrier_id(%barrier3A_37)
    %mul3A_38 = arith.constant 640 : i32
    %mul3A_39 = arith.muli %arg1, %mul3A_38 : i32
    %mul3A_40 = arith.constant 640 : i32
    %mul3A_41 = arith.muli %arg1, %mul3A_40 : i32
    "tpu.region"() ({
      %run_scoped3A = tpu.sem_alloc : memref<!tpu.dma_semaphore, #tpu.memory_space<semaphore_mem>>
      %dma_start3A = tpu.memref_slice %arg3[%arg0, %mul3A_41] : memref<2x10240xf32, #tpu.memory_space<hbm>> -> memref<1x640xf32, #tpu.memory_space<hbm>>
      %dma_start3A_42 = tpu.memref_squeeze %dma_start3A : memref<1x640xf32, #tpu.memory_space<hbm>> -> memref<640xf32, #tpu.memory_space<hbm>>
      %dma_start3A_43 = tpu.memref_slice %arg6[%mul3A_39] : memref<10240xf32, #tpu.memory_space<vmem_shared>> -> memref<640xf32, #tpu.memory_space<vmem_shared>>
      tpu.enqueue_dma source(%dma_start3A_43 : memref<640xf32, #tpu.memory_space<vmem_shared>>) target(%dma_start3A_42 : memref<640xf32, #tpu.memory_space<hbm>>) target_semaphore(%run_scoped3A : memref<!tpu.dma_semaphore, #tpu.memory_space<semaphore_mem>>)
      %dma_wait3A = tpu.memref_slice %arg3[%arg0, %mul3A_41] : memref<2x10240xf32, #tpu.memory_space<hbm>> -> memref<1x640xf32, #tpu.memory_space<hbm>>
      %dma_wait3A_44 = tpu.memref_squeeze %dma_wait3A : memref<1x640xf32, #tpu.memory_space<hbm>> -> memref<640xf32, #tpu.memory_space<hbm>>
      %dma_wait3A_45 = tpu.memref_slice %arg6[%mul3A_39] : memref<10240xf32, #tpu.memory_space<vmem_shared>> -> memref<640xf32, #tpu.memory_space<vmem_shared>>
      tpu.wait_dma2 semaphore(%run_scoped3A : memref<!tpu.dma_semaphore, #tpu.memory_space<semaphore_mem>>) src(%dma_wait3A_45 : memref<640xf32, #tpu.memory_space<vmem_shared>>) dst(%dma_wait3A_44 : memref<640xf32, #tpu.memory_space<hbm>>)
      tpu.yield
    }) : () -> ()
    return
  }
}

#map = affine_map<(d0, d1) -> (0, 0)>
#map1 = affine_map<(d0, d1) -> (0, 0, 0)>
module attributes {stable_mosaic.version = 14 : i64} {
  func.func @conv_kernel(%arg0: i32, %arg1: i32, %arg2: memref<10000x128xf32, #tpu.memory_space<hbm>>, %arg3: memref<2560x128xi32, #tpu.memory_space<hbm>>, %arg4: memref<2560x128xi32, #tpu.memory_space<hbm>>, %arg5: memref<2x10112x128xf32, #tpu.memory_space<hbm>>, %arg6: memref<32x128xi32, #tpu.memory_space<vmem>>, %arg7: memref<32x128xi32, #tpu.memory_space<vmem>>, %arg8: memref<128x128xf32, #tpu.memory_space<vmem>>, %arg9: memref<128x128xf32, #tpu.memory_space<vmem>>, %arg10: memref<!tpu.dma_semaphore, #tpu.memory_space<semaphore_mem>>, %arg11: memref<!tpu.dma_semaphore, #tpu.memory_space<semaphore_mem>>, %arg12: memref<10112x128xf32, #tpu.memory_space<vmem_shared>>) attributes {dimension_semantics = [#tpu.dimension_semantics<core_parallel>, #tpu.dimension_semantics<subcore_parallel>], iteration_bounds = array<i64: 2, 16>, scalar_prefetch = 0 : i64, scratch_operands = 7 : i64, tpu.core_type = #tpu.core_type<sc_vector_subcore>, window_params = [{transform_indices = #map}, {transform_indices = #map}, {transform_indices = #map}, {transform_indices = #map1}]} {
    %scan3A = arith.constant 0 : i32
    %scan3A_0 = arith.constant 128 : i32
    %scan3A_1 = arith.addi %scan3A, %scan3A_0 : i32
    %scan3A_2 = arith.constant 1 : i32
    scf.for %scan3A_29 = %scan3A to %scan3A_1 step %scan3A_2  : i32 {
      %mul3A_30 = arith.constant 1 : i32
      %mul3A_31 = arith.muli %scan3A_29, %mul3A_30 : i32
      %add3A_32 = arith.constant 0 : i32
      %add3A_33 = arith.addi %add3A_32, %mul3A_31 : i32
      %scan3A_34 = arith.constant 0 : i32
      %scan3A_35 = arith.constant 8 : i32
      %scan3A_36 = arith.addi %scan3A_34, %scan3A_35 : i32
      %scan3A_37 = arith.constant 1 : i32
      scf.for %scan3A_39 = %scan3A_34 to %scan3A_36 step %scan3A_37  : i32 {
        %mul3A_40 = arith.constant 16 : i32
        %mul3A_41 = arith.muli %scan3A_39, %mul3A_40 : i32
        %add3A_42 = arith.constant 0 : i32
        %add3A_43 = arith.addi %add3A_42, %mul3A_41 : i32
        %broadcast_in_dim3A = arith.constant 0.000000e+00 : f32
        %broadcast_in_dim3A_44 = vector.broadcast %broadcast_in_dim3A : f32 to vector<16xf32>
        %swap3A = arith.index_cast %add3A_33 : i32 to index
        %swap3A_45 = arith.index_cast %add3A_43 : i32 to index
        %swap3A_46 = tpu.vector_load %arg8[%swap3A, %swap3A_45] {strides = array<i32>} : memref<128x128xf32, #tpu.memory_space<vmem>>, vector<1x16xf32>,
        %swap3A_47 = vector.shape_cast %swap3A_46 : vector<1x16xf32> to vector<16xf32>
        %swap3A_48 = vector.shape_cast %broadcast_in_dim3A_44 : vector<16xf32> to vector<1x16xf32>
        tpu.vector_store %arg8[%swap3A, %swap3A_45], %swap3A_48 {strides = array<i32>} : memref<128x128xf32, #tpu.memory_space<vmem>>, vector<1x16xf32>,
      }
      %scan3A_38 = arith.constant 8 : i32
    }
    %scan3A_3 = arith.constant 128 : i32
    %mul3A = arith.constant 632 : i32
    %mul3A_4 = arith.muli %arg1, %mul3A : i32
    %add3A = arith.constant 0 : i32
    %add3A_5 = arith.addi %mul3A_4, %add3A : i32
    "tpu.region"() ({
      %run_scoped3A = tpu.sem_alloc : memref<!tpu.dma_semaphore, #tpu.memory_space<semaphore_mem>>
      %dma_start3A = arith.constant 0 : i32
      %dma_start3A_29 = tpu.memref_slice %arg12[%add3A_5, %dma_start3A] : memref<10112x128xf32, #tpu.memory_space<vmem_shared>> -> memref<128x128xf32, #tpu.memory_space<vmem_shared>>
      %dma_start3A_30 = arith.constant 0 : i32
      %dma_start3A_31 = tpu.memref_slice %arg12[%add3A_5, %dma_start3A_30] : memref<10112x128xf32, #tpu.memory_space<vmem_shared>> -> memref<128x128xf32, #tpu.memory_space<vmem_shared>>
      tpu.enqueue_dma source(%arg8 : memref<128x128xf32, #tpu.memory_space<vmem>>) target(%dma_start3A_31 : memref<128x128xf32, #tpu.memory_space<vmem_shared>>) target_semaphore(%run_scoped3A : memref<!tpu.dma_semaphore, #tpu.memory_space<semaphore_mem>>)
      %dma_wait3A = arith.constant 0 : i32
      %dma_wait3A_32 = tpu.memref_slice %arg12[%add3A_5, %dma_wait3A] : memref<10112x128xf32, #tpu.memory_space<vmem_shared>> -> memref<128x128xf32, #tpu.memory_space<vmem_shared>>
      %dma_wait3A_33 = arith.constant 0 : i32
      %dma_wait3A_34 = tpu.memref_slice %arg12[%add3A_5, %dma_wait3A_33] : memref<10112x128xf32, #tpu.memory_space<vmem_shared>> -> memref<128x128xf32, #tpu.memory_space<vmem_shared>>
      tpu.wait_dma2 semaphore(%run_scoped3A : memref<!tpu.dma_semaphore, #tpu.memory_space<semaphore_mem>>) src(%arg8 : memref<128x128xf32, #tpu.memory_space<vmem>>) dst(%dma_wait3A_34 : memref<128x128xf32, #tpu.memory_space<vmem_shared>>)
      tpu.yield
    }) : () -> ()
    %mul3A_6 = arith.constant 632 : i32
    %mul3A_7 = arith.muli %arg1, %mul3A_6 : i32
    %add3A_8 = arith.constant 128 : i32
    %add3A_9 = arith.addi %mul3A_7, %add3A_8 : i32
    "tpu.region"() ({
      %run_scoped3A = tpu.sem_alloc : memref<!tpu.dma_semaphore, #tpu.memory_space<semaphore_mem>>
      %dma_start3A = arith.constant 0 : i32
      %dma_start3A_29 = tpu.memref_slice %arg12[%add3A_9, %dma_start3A] : memref<10112x128xf32, #tpu.memory_space<vmem_shared>> -> memref<128x128xf32, #tpu.memory_space<vmem_shared>>
      %dma_start3A_30 = arith.constant 0 : i32
      %dma_start3A_31 = tpu.memref_slice %arg12[%add3A_9, %dma_start3A_30] : memref<10112x128xf32, #tpu.memory_space<vmem_shared>> -> memref<128x128xf32, #tpu.memory_space<vmem_shared>>
      tpu.enqueue_dma source(%arg8 : memref<128x128xf32, #tpu.memory_space<vmem>>) target(%dma_start3A_31 : memref<128x128xf32, #tpu.memory_space<vmem_shared>>) target_semaphore(%run_scoped3A : memref<!tpu.dma_semaphore, #tpu.memory_space<semaphore_mem>>)
      %dma_wait3A = arith.constant 0 : i32
      %dma_wait3A_32 = tpu.memref_slice %arg12[%add3A_9, %dma_wait3A] : memref<10112x128xf32, #tpu.memory_space<vmem_shared>> -> memref<128x128xf32, #tpu.memory_space<vmem_shared>>
      %dma_wait3A_33 = arith.constant 0 : i32
      %dma_wait3A_34 = tpu.memref_slice %arg12[%add3A_9, %dma_wait3A_33] : memref<10112x128xf32, #tpu.memory_space<vmem_shared>> -> memref<128x128xf32, #tpu.memory_space<vmem_shared>>
      tpu.wait_dma2 semaphore(%run_scoped3A : memref<!tpu.dma_semaphore, #tpu.memory_space<semaphore_mem>>) src(%arg8 : memref<128x128xf32, #tpu.memory_space<vmem>>) dst(%dma_wait3A_34 : memref<128x128xf32, #tpu.memory_space<vmem_shared>>)
      tpu.yield
    }) : () -> ()
    %mul3A_10 = arith.constant 632 : i32
    %mul3A_11 = arith.muli %arg1, %mul3A_10 : i32
    %add3A_12 = arith.constant 256 : i32
    %add3A_13 = arith.addi %mul3A_11, %add3A_12 : i32
    "tpu.region"() ({
      %run_scoped3A = tpu.sem_alloc : memref<!tpu.dma_semaphore, #tpu.memory_space<semaphore_mem>>
      %dma_start3A = arith.constant 0 : i32
      %dma_start3A_29 = tpu.memref_slice %arg12[%add3A_13, %dma_start3A] : memref<10112x128xf32, #tpu.memory_space<vmem_shared>> -> memref<128x128xf32, #tpu.memory_space<vmem_shared>>
      %dma_start3A_30 = arith.constant 0 : i32
      %dma_start3A_31 = tpu.memref_slice %arg12[%add3A_13, %dma_start3A_30] : memref<10112x128xf32, #tpu.memory_space<vmem_shared>> -> memref<128x128xf32, #tpu.memory_space<vmem_shared>>
      tpu.enqueue_dma source(%arg8 : memref<128x128xf32, #tpu.memory_space<vmem>>) target(%dma_start3A_31 : memref<128x128xf32, #tpu.memory_space<vmem_shared>>) target_semaphore(%run_scoped3A : memref<!tpu.dma_semaphore, #tpu.memory_space<semaphore_mem>>)
      %dma_wait3A = arith.constant 0 : i32
      %dma_wait3A_32 = tpu.memref_slice %arg12[%add3A_13, %dma_wait3A] : memref<10112x128xf32, #tpu.memory_space<vmem_shared>> -> memref<128x128xf32, #tpu.memory_space<vmem_shared>>
      %dma_wait3A_33 = arith.constant 0 : i32
      %dma_wait3A_34 = tpu.memref_slice %arg12[%add3A_13, %dma_wait3A_33] : memref<10112x128xf32, #tpu.memory_space<vmem_shared>> -> memref<128x128xf32, #tpu.memory_space<vmem_shared>>
      tpu.wait_dma2 semaphore(%run_scoped3A : memref<!tpu.dma_semaphore, #tpu.memory_space<semaphore_mem>>) src(%arg8 : memref<128x128xf32, #tpu.memory_space<vmem>>) dst(%dma_wait3A_34 : memref<128x128xf32, #tpu.memory_space<vmem_shared>>)
      tpu.yield
    }) : () -> ()
    %mul3A_14 = arith.constant 632 : i32
    %mul3A_15 = arith.muli %arg1, %mul3A_14 : i32
    %add3A_16 = arith.constant 384 : i32
    %add3A_17 = arith.addi %mul3A_15, %add3A_16 : i32
    "tpu.region"() ({
      %run_scoped3A = tpu.sem_alloc : memref<!tpu.dma_semaphore, #tpu.memory_space<semaphore_mem>>
      %dma_start3A = arith.constant 0 : i32
      %dma_start3A_29 = tpu.memref_slice %arg12[%add3A_17, %dma_start3A] : memref<10112x128xf32, #tpu.memory_space<vmem_shared>> -> memref<128x128xf32, #tpu.memory_space<vmem_shared>>
      %dma_start3A_30 = arith.constant 0 : i32
      %dma_start3A_31 = tpu.memref_slice %arg12[%add3A_17, %dma_start3A_30] : memref<10112x128xf32, #tpu.memory_space<vmem_shared>> -> memref<128x128xf32, #tpu.memory_space<vmem_shared>>
      tpu.enqueue_dma source(%arg8 : memref<128x128xf32, #tpu.memory_space<vmem>>) target(%dma_start3A_31 : memref<128x128xf32, #tpu.memory_space<vmem_shared>>) target_semaphore(%run_scoped3A : memref<!tpu.dma_semaphore, #tpu.memory_space<semaphore_mem>>)
      %dma_wait3A = arith.constant 0 : i32
      %dma_wait3A_32 = tpu.memref_slice %arg12[%add3A_17, %dma_wait3A] : memref<10112x128xf32, #tpu.memory_space<vmem_shared>> -> memref<128x128xf32, #tpu.memory_space<vmem_shared>>
      %dma_wait3A_33 = arith.constant 0 : i32
      %dma_wait3A_34 = tpu.memref_slice %arg12[%add3A_17, %dma_wait3A_33] : memref<10112x128xf32, #tpu.memory_space<vmem_shared>> -> memref<128x128xf32, #tpu.memory_space<vmem_shared>>
      tpu.wait_dma2 semaphore(%run_scoped3A : memref<!tpu.dma_semaphore, #tpu.memory_space<semaphore_mem>>) src(%arg8 : memref<128x128xf32, #tpu.memory_space<vmem>>) dst(%dma_wait3A_34 : memref<128x128xf32, #tpu.memory_space<vmem_shared>>)
      tpu.yield
    }) : () -> ()
    %mul3A_18 = arith.constant 632 : i32
    %mul3A_19 = arith.muli %arg1, %mul3A_18 : i32
    %add3A_20 = arith.constant 512 : i32
    %add3A_21 = arith.addi %mul3A_19, %add3A_20 : i32
    "tpu.region"() ({
      %run_scoped3A = tpu.sem_alloc : memref<!tpu.dma_semaphore, #tpu.memory_space<semaphore_mem>>
      %dma_start3A = arith.constant 0 : i32
      %dma_start3A_29 = arith.constant 0 : i32
      %dma_start3A_30 = tpu.memref_slice %arg8[%dma_start3A, %dma_start3A_29] : memref<128x128xf32, #tpu.memory_space<vmem>> -> memref<120x128xf32, #tpu.memory_space<vmem>>
      %dma_start3A_31 = arith.constant 0 : i32
      %dma_start3A_32 = tpu.memref_slice %arg12[%add3A_21, %dma_start3A_31] : memref<10112x128xf32, #tpu.memory_space<vmem_shared>> -> memref<120x128xf32, #tpu.memory_space<vmem_shared>>
      %dma_start3A_33 = arith.constant 0 : i32
      %dma_start3A_34 = tpu.memref_slice %arg12[%add3A_21, %dma_start3A_33] : memref<10112x128xf32, #tpu.memory_space<vmem_shared>> -> memref<120x128xf32, #tpu.memory_space<vmem_shared>>
      %dma_start3A_35 = arith.constant 0 : i32
      %dma_start3A_36 = arith.constant 0 : i32
      %dma_start3A_37 = tpu.memref_slice %arg8[%dma_start3A_35, %dma_start3A_36] : memref<128x128xf32, #tpu.memory_space<vmem>> -> memref<120x128xf32, #tpu.memory_space<vmem>>
      tpu.enqueue_dma source(%dma_start3A_37 : memref<120x128xf32, #tpu.memory_space<vmem>>) target(%dma_start3A_34 : memref<120x128xf32, #tpu.memory_space<vmem_shared>>) target_semaphore(%run_scoped3A : memref<!tpu.dma_semaphore, #tpu.memory_space<semaphore_mem>>)
      %dma_wait3A = arith.constant 0 : i32
      %dma_wait3A_38 = arith.constant 0 : i32
      %dma_wait3A_39 = tpu.memref_slice %arg8[%dma_wait3A, %dma_wait3A_38] : memref<128x128xf32, #tpu.memory_space<vmem>> -> memref<120x128xf32, #tpu.memory_space<vmem>>
      %dma_wait3A_40 = arith.constant 0 : i32
      %dma_wait3A_41 = tpu.memref_slice %arg12[%add3A_21, %dma_wait3A_40] : memref<10112x128xf32, #tpu.memory_space<vmem_shared>> -> memref<120x128xf32, #tpu.memory_space<vmem_shared>>
      %dma_wait3A_42 = arith.constant 0 : i32
      %dma_wait3A_43 = tpu.memref_slice %arg12[%add3A_21, %dma_wait3A_42] : memref<10112x128xf32, #tpu.memory_space<vmem_shared>> -> memref<120x128xf32, #tpu.memory_space<vmem_shared>>
      %dma_wait3A_44 = arith.constant 0 : i32
      %dma_wait3A_45 = arith.constant 0 : i32
      %dma_wait3A_46 = tpu.memref_slice %arg8[%dma_wait3A_44, %dma_wait3A_45] : memref<128x128xf32, #tpu.memory_space<vmem>> -> memref<120x128xf32, #tpu.memory_space<vmem>>
      tpu.wait_dma2 semaphore(%run_scoped3A : memref<!tpu.dma_semaphore, #tpu.memory_space<semaphore_mem>>) src(%dma_wait3A_46 : memref<120x128xf32, #tpu.memory_space<vmem>>) dst(%dma_wait3A_43 : memref<120x128xf32, #tpu.memory_space<vmem_shared>>)
      tpu.yield
    }) : () -> ()
    %barrier3A = arith.constant 0 : index
    tpu.barrier barrier_id(%barrier3A)
    %eq3A = arith.constant 0 : i32
    %eq3A_22 = arith.cmpi eq, %arg0, %eq3A : i32
    %convert_element_type3A = arith.extui %eq3A_22 : i1 to i32
    %cond3A = arith.constant 0 : i32
    %cond3A_23 = arith.cmpi ne, %convert_element_type3A, %cond3A : i32
    scf.if %cond3A_23 {
      %mul3A_29 = arith.constant 160 : i32
      %mul3A_30 = arith.muli %arg1, %mul3A_29 : i32
      %add3A_31 = arith.constant 0 : i32
      %add3A_32 = arith.addi %mul3A_30, %add3A_31 : i32
      "tpu.region"() ({
        %run_scoped3A = tpu.sem_alloc : memref<!tpu.dma_semaphore, #tpu.memory_space<semaphore_mem>>
        %dma_start3A_110 = arith.constant 0 : i32
        %dma_start3A_111 = tpu.memref_slice %arg3[%add3A_32, %dma_start3A_110] : memref<2560x128xi32, #tpu.memory_space<hbm>> -> memref<32x128xi32, #tpu.memory_space<hbm>>
        %dma_start3A_112 = arith.constant 0 : i32
        %dma_start3A_113 = tpu.memref_slice %arg3[%add3A_32, %dma_start3A_112] : memref<2560x128xi32, #tpu.memory_space<hbm>> -> memref<32x128xi32, #tpu.memory_space<hbm>>
        tpu.enqueue_dma source(%dma_start3A_113 : memref<32x128xi32, #tpu.memory_space<hbm>>) target(%arg6 : memref<32x128xi32, #tpu.memory_space<vmem>>) target_semaphore(%run_scoped3A : memref<!tpu.dma_semaphore, #tpu.memory_space<semaphore_mem>>)
        %dma_wait3A = arith.constant 0 : i32
        %dma_wait3A_114 = tpu.memref_slice %arg3[%add3A_32, %dma_wait3A] : memref<2560x128xi32, #tpu.memory_space<hbm>> -> memref<32x128xi32, #tpu.memory_space<hbm>>
        %dma_wait3A_115 = arith.constant 0 : i32
        %dma_wait3A_116 = tpu.memref_slice %arg3[%add3A_32, %dma_wait3A_115] : memref<2560x128xi32, #tpu.memory_space<hbm>> -> memref<32x128xi32, #tpu.memory_space<hbm>>
        tpu.wait_dma2 semaphore(%run_scoped3A : memref<!tpu.dma_semaphore, #tpu.memory_space<semaphore_mem>>) src(%dma_wait3A_116 : memref<32x128xi32, #tpu.memory_space<hbm>>) dst(%arg6 : memref<32x128xi32, #tpu.memory_space<vmem>>)
        tpu.yield
      }) : () -> ()
      %add3A_33 = arith.constant 0 : i32
      %add3A_34 = arith.addi %mul3A_30, %add3A_33 : i32
      "tpu.region"() ({
        %run_scoped3A = tpu.sem_alloc : memref<!tpu.dma_semaphore, #tpu.memory_space<semaphore_mem>>
        %dma_start3A_110 = arith.constant 0 : i32
        %dma_start3A_111 = tpu.memref_slice %arg4[%add3A_34, %dma_start3A_110] : memref<2560x128xi32, #tpu.memory_space<hbm>> -> memref<32x128xi32, #tpu.memory_space<hbm>>
        %dma_start3A_112 = arith.constant 0 : i32
        %dma_start3A_113 = tpu.memref_slice %arg4[%add3A_34, %dma_start3A_112] : memref<2560x128xi32, #tpu.memory_space<hbm>> -> memref<32x128xi32, #tpu.memory_space<hbm>>
        tpu.enqueue_dma source(%dma_start3A_113 : memref<32x128xi32, #tpu.memory_space<hbm>>) target(%arg7 : memref<32x128xi32, #tpu.memory_space<vmem>>) target_semaphore(%run_scoped3A : memref<!tpu.dma_semaphore, #tpu.memory_space<semaphore_mem>>)
        %dma_wait3A = arith.constant 0 : i32
        %dma_wait3A_114 = tpu.memref_slice %arg4[%add3A_34, %dma_wait3A] : memref<2560x128xi32, #tpu.memory_space<hbm>> -> memref<32x128xi32, #tpu.memory_space<hbm>>
        %dma_wait3A_115 = arith.constant 0 : i32
        %dma_wait3A_116 = tpu.memref_slice %arg4[%add3A_34, %dma_wait3A_115] : memref<2560x128xi32, #tpu.memory_space<hbm>> -> memref<32x128xi32, #tpu.memory_space<hbm>>
        tpu.wait_dma2 semaphore(%run_scoped3A : memref<!tpu.dma_semaphore, #tpu.memory_space<semaphore_mem>>) src(%dma_wait3A_116 : memref<32x128xi32, #tpu.memory_space<hbm>>) dst(%arg7 : memref<32x128xi32, #tpu.memory_space<vmem>>)
        tpu.yield
      }) : () -> ()
      %dma_start3A = arith.constant 0 : i32
      %dma_start3A_35 = arith.constant 0 : i32
      %dma_start3A_36 = tpu.memref_slice %arg6[%dma_start3A, %dma_start3A_35] : memref<32x128xi32, #tpu.memory_space<vmem>> -> memref<1x128xi32, #tpu.memory_space<vmem>>
      %dma_start3A_37 = tpu.memref_squeeze %dma_start3A_36 : memref<1x128xi32, #tpu.memory_space<vmem>> -> memref<128xi32, #tpu.memory_space<vmem>>
      %dma_start3A_38 = arith.constant 0 : i32
      %dma_start3A_39 = arith.constant 0 : i32
      %dma_start3A_40 = tpu.memref_slice %arg2[%dma_start3A_38, %dma_start3A_39] : memref<10000x128xf32, #tpu.memory_space<hbm>> -> memref<10000x128xf32, #tpu.memory_space<hbm>>
      tpu.enqueue_indirect_dma source(%dma_start3A_40 : memref<10000x128xf32, #tpu.memory_space<hbm>>) target(%arg8 : memref<128x128xf32, #tpu.memory_space<vmem>>) offsets(%dma_start3A_37 : memref<128xi32, #tpu.memory_space<vmem>>) semaphore(%arg10 : memref<!tpu.dma_semaphore, #tpu.memory_space<semaphore_mem>>)
      %scan3A_41 = arith.constant 0 : i32
      %scan3A_42 = arith.constant 16 : i32
      %scan3A_43 = arith.addi %scan3A_41, %scan3A_42 : i32
      %scan3A_44 = arith.constant 1 : i32
      scf.for %scan3A_110 = %scan3A_41 to %scan3A_43 step %scan3A_44  : i32 {
        %mul3A_111 = arith.constant 2 : i32
        %mul3A_112 = arith.muli %scan3A_110, %mul3A_111 : i32
        %add3A_113 = arith.constant 0 : i32
        %add3A_114 = arith.addi %add3A_113, %mul3A_112 : i32
        %add3A_115 = arith.constant 1 : i32
        %add3A_116 = arith.addi %add3A_114, %add3A_115 : i32
        %lt3A = arith.constant 32 : i32
        %lt3A_117 = arith.cmpi slt, %add3A_116, %lt3A : i32
        %convert_element_type3A_118 = arith.extui %lt3A_117 : i1 to i32
        %cond3A_119 = arith.constant 0 : i32
        %cond3A_120 = arith.cmpi ne, %convert_element_type3A_118, %cond3A_119 : i32
        scf.if %cond3A_120 {
          %add3A_140 = arith.constant 1 : i32
          %add3A_141 = arith.addi %add3A_114, %add3A_140 : i32
          %dma_start3A_142 = arith.constant 0 : i32
          %dma_start3A_143 = tpu.memref_slice %arg6[%add3A_141, %dma_start3A_142] : memref<32x128xi32, #tpu.memory_space<vmem>> -> memref<1x128xi32, #tpu.memory_space<vmem>>
          %dma_start3A_144 = tpu.memref_squeeze %dma_start3A_143 : memref<1x128xi32, #tpu.memory_space<vmem>> -> memref<128xi32, #tpu.memory_space<vmem>>
          %dma_start3A_145 = arith.constant 0 : i32
          %dma_start3A_146 = arith.constant 0 : i32
          %dma_start3A_147 = tpu.memref_slice %arg2[%dma_start3A_145, %dma_start3A_146] : memref<10000x128xf32, #tpu.memory_space<hbm>> -> memref<10000x128xf32, #tpu.memory_space<hbm>>
          tpu.enqueue_indirect_dma source(%dma_start3A_147 : memref<10000x128xf32, #tpu.memory_space<hbm>>) target(%arg9 : memref<128x128xf32, #tpu.memory_space<vmem>>) offsets(%dma_start3A_144 : memref<128xi32, #tpu.memory_space<vmem>>) semaphore(%arg11 : memref<!tpu.dma_semaphore, #tpu.memory_space<semaphore_mem>>)
        } else {
        }
        %dma_wait3A = arith.constant 0 : i32
        %dma_wait3A_121 = tpu.memref_slice %arg6[%add3A_114, %dma_wait3A] : memref<32x128xi32, #tpu.memory_space<vmem>> -> memref<1x128xi32, #tpu.memory_space<vmem>>
        %dma_wait3A_122 = tpu.memref_squeeze %dma_wait3A_121 : memref<1x128xi32, #tpu.memory_space<vmem>> -> memref<128xi32, #tpu.memory_space<vmem>>
        %dma_wait3A_123 = arith.constant 0 : i32
        %dma_wait3A_124 = arith.constant 0 : i32
        %dma_wait3A_125 = tpu.memref_slice %arg2[%dma_wait3A_123, %dma_wait3A_124] : memref<10000x128xf32, #tpu.memory_space<hbm>> -> memref<10000x128xf32, #tpu.memory_space<hbm>>
        tpu.wait_indirect_dma semaphore(%arg10 : memref<!tpu.dma_semaphore, #tpu.memory_space<semaphore_mem>>) src(%dma_wait3A_125 : memref<10000x128xf32, #tpu.memory_space<hbm>>) dst(%arg8 : memref<128x128xf32, #tpu.memory_space<vmem>>)
        "tpu.region"() ({
          %run_scoped3A = tpu.sem_alloc : memref<!tpu.dma_semaphore, #tpu.memory_space<semaphore_mem>>
          %dma_start3A_140 = arith.constant 0 : i32
          %dma_start3A_141 = tpu.memref_slice %arg7[%add3A_114, %dma_start3A_140] : memref<32x128xi32, #tpu.memory_space<vmem>> -> memref<1x128xi32, #tpu.memory_space<vmem>>
          %dma_start3A_142 = tpu.memref_squeeze %dma_start3A_141 : memref<1x128xi32, #tpu.memory_space<vmem>> -> memref<128xi32, #tpu.memory_space<vmem>>
          %dma_start3A_143 = arith.constant 0 : i32
          %dma_start3A_144 = arith.constant 0 : i32
          %dma_start3A_145 = tpu.memref_slice %arg12[%dma_start3A_143, %dma_start3A_144] : memref<10112x128xf32, #tpu.memory_space<vmem_shared>> -> memref<10112x128xf32, #tpu.memory_space<vmem_shared>>
          tpu.enqueue_indirect_dma source(%arg8 : memref<128x128xf32, #tpu.memory_space<vmem>>) target(%dma_start3A_145 : memref<10112x128xf32, #tpu.memory_space<vmem_shared>>) offsets(%dma_start3A_142 : memref<128xi32, #tpu.memory_space<vmem>>) semaphore(%run_scoped3A : memref<!tpu.dma_semaphore, #tpu.memory_space<semaphore_mem>>) {add = true}
          %dma_wait3A_146 = arith.constant 0 : i32
          %dma_wait3A_147 = tpu.memref_slice %arg7[%add3A_114, %dma_wait3A_146] : memref<32x128xi32, #tpu.memory_space<vmem>> -> memref<1x128xi32, #tpu.memory_space<vmem>>
          %dma_wait3A_148 = tpu.memref_squeeze %dma_wait3A_147 : memref<1x128xi32, #tpu.memory_space<vmem>> -> memref<128xi32, #tpu.memory_space<vmem>>
          %dma_wait3A_149 = arith.constant 0 : i32
          %dma_wait3A_150 = arith.constant 0 : i32
          %dma_wait3A_151 = tpu.memref_slice %arg12[%dma_wait3A_149, %dma_wait3A_150] : memref<10112x128xf32, #tpu.memory_space<vmem_shared>> -> memref<10112x128xf32, #tpu.memory_space<vmem_shared>>
          tpu.wait_indirect_dma semaphore(%run_scoped3A : memref<!tpu.dma_semaphore, #tpu.memory_space<semaphore_mem>>) src(%arg8 : memref<128x128xf32, #tpu.memory_space<vmem>>) dst(%dma_wait3A_151 : memref<10112x128xf32, #tpu.memory_space<vmem_shared>>)
          tpu.yield
        }) : () -> ()
        %add3A_126 = arith.constant 2 : i32
        %add3A_127 = arith.addi %add3A_114, %add3A_126 : i32
        %lt3A_128 = arith.constant 32 : i32
        %lt3A_129 = arith.cmpi slt, %add3A_127, %lt3A_128 : i32
        %convert_element_type3A_130 = arith.extui %lt3A_129 : i1 to i32
        %cond3A_131 = arith.constant 0 : i32
        %cond3A_132 = arith.cmpi ne, %convert_element_type3A_130, %cond3A_131 : i32
        scf.if %cond3A_132 {
          %add3A_140 = arith.constant 2 : i32
          %add3A_141 = arith.addi %add3A_114, %add3A_140 : i32
          %dma_start3A_142 = arith.constant 0 : i32
          %dma_start3A_143 = tpu.memref_slice %arg6[%add3A_141, %dma_start3A_142] : memref<32x128xi32, #tpu.memory_space<vmem>> -> memref<1x128xi32, #tpu.memory_space<vmem>>
          %dma_start3A_144 = tpu.memref_squeeze %dma_start3A_143 : memref<1x128xi32, #tpu.memory_space<vmem>> -> memref<128xi32, #tpu.memory_space<vmem>>
          %dma_start3A_145 = arith.constant 0 : i32
          %dma_start3A_146 = arith.constant 0 : i32
          %dma_start3A_147 = tpu.memref_slice %arg2[%dma_start3A_145, %dma_start3A_146] : memref<10000x128xf32, #tpu.memory_space<hbm>> -> memref<10000x128xf32, #tpu.memory_space<hbm>>
          tpu.enqueue_indirect_dma source(%dma_start3A_147 : memref<10000x128xf32, #tpu.memory_space<hbm>>) target(%arg8 : memref<128x128xf32, #tpu.memory_space<vmem>>) offsets(%dma_start3A_144 : memref<128xi32, #tpu.memory_space<vmem>>) semaphore(%arg10 : memref<!tpu.dma_semaphore, #tpu.memory_space<semaphore_mem>>)
        } else {
        }
        %add3A_133 = arith.constant 1 : i32
        %add3A_134 = arith.addi %add3A_114, %add3A_133 : i32
        %lt3A_135 = arith.constant 32 : i32
        %lt3A_136 = arith.cmpi slt, %add3A_134, %lt3A_135 : i32
        %convert_element_type3A_137 = arith.extui %lt3A_136 : i1 to i32
        %cond3A_138 = arith.constant 0 : i32
        %cond3A_139 = arith.cmpi ne, %convert_element_type3A_137, %cond3A_138 : i32
        scf.if %cond3A_139 {
          %add3A_140 = arith.constant 1 : i32
          %add3A_141 = arith.addi %add3A_114, %add3A_140 : i32
          %dma_wait3A_142 = arith.constant 0 : i32
          %dma_wait3A_143 = tpu.memref_slice %arg6[%add3A_141, %dma_wait3A_142] : memref<32x128xi32, #tpu.memory_space<vmem>> -> memref<1x128xi32, #tpu.memory_space<vmem>>
          %dma_wait3A_144 = tpu.memref_squeeze %dma_wait3A_143 : memref<1x128xi32, #tpu.memory_space<vmem>> -> memref<128xi32, #tpu.memory_space<vmem>>
          %dma_wait3A_145 = arith.constant 0 : i32
          %dma_wait3A_146 = arith.constant 0 : i32
          %dma_wait3A_147 = tpu.memref_slice %arg2[%dma_wait3A_145, %dma_wait3A_146] : memref<10000x128xf32, #tpu.memory_space<hbm>> -> memref<10000x128xf32, #tpu.memory_space<hbm>>
          tpu.wait_indirect_dma semaphore(%arg11 : memref<!tpu.dma_semaphore, #tpu.memory_space<semaphore_mem>>) src(%dma_wait3A_147 : memref<10000x128xf32, #tpu.memory_space<hbm>>) dst(%arg9 : memref<128x128xf32, #tpu.memory_space<vmem>>)
          %add3A_148 = arith.constant 1 : i32
          %add3A_149 = arith.addi %add3A_114, %add3A_148 : i32
          "tpu.region"() ({
            %run_scoped3A = tpu.sem_alloc : memref<!tpu.dma_semaphore, #tpu.memory_space<semaphore_mem>>
            %dma_start3A_150 = arith.constant 0 : i32
            %dma_start3A_151 = tpu.memref_slice %arg7[%add3A_149, %dma_start3A_150] : memref<32x128xi32, #tpu.memory_space<vmem>> -> memref<1x128xi32, #tpu.memory_space<vmem>>
            %dma_start3A_152 = tpu.memref_squeeze %dma_start3A_151 : memref<1x128xi32, #tpu.memory_space<vmem>> -> memref<128xi32, #tpu.memory_space<vmem>>
            %dma_start3A_153 = arith.constant 0 : i32
            %dma_start3A_154 = arith.constant 0 : i32
            %dma_start3A_155 = tpu.memref_slice %arg12[%dma_start3A_153, %dma_start3A_154] : memref<10112x128xf32, #tpu.memory_space<vmem_shared>> -> memref<10112x128xf32, #tpu.memory_space<vmem_shared>>
            tpu.enqueue_indirect_dma source(%arg9 : memref<128x128xf32, #tpu.memory_space<vmem>>) target(%dma_start3A_155 : memref<10112x128xf32, #tpu.memory_space<vmem_shared>>) offsets(%dma_start3A_152 : memref<128xi32, #tpu.memory_space<vmem>>) semaphore(%run_scoped3A : memref<!tpu.dma_semaphore, #tpu.memory_space<semaphore_mem>>) {add = true}
            %dma_wait3A_156 = arith.constant 0 : i32
            %dma_wait3A_157 = tpu.memref_slice %arg7[%add3A_149, %dma_wait3A_156] : memref<32x128xi32, #tpu.memory_space<vmem>> -> memref<1x128xi32, #tpu.memory_space<vmem>>
            %dma_wait3A_158 = tpu.memref_squeeze %dma_wait3A_157 : memref<1x128xi32, #tpu.memory_space<vmem>> -> memref<128xi32, #tpu.memory_space<vmem>>
            %dma_wait3A_159 = arith.constant 0 : i32
            %dma_wait3A_160 = arith.constant 0 : i32
            %dma_wait3A_161 = tpu.memref_slice %arg12[%dma_wait3A_159, %dma_wait3A_160] : memref<10112x128xf32, #tpu.memory_space<vmem_shared>> -> memref<10112x128xf32, #tpu.memory_space<vmem_shared>>
            tpu.wait_indirect_dma semaphore(%run_scoped3A : memref<!tpu.dma_semaphore, #tpu.memory_space<semaphore_mem>>) src(%arg9 : memref<128x128xf32, #tpu.memory_space<vmem>>) dst(%dma_wait3A_161 : memref<10112x128xf32, #tpu.memory_space<vmem_shared>>)
            tpu.yield
          }) : () -> ()
        } else {
        }
      }
      %scan3A_45 = arith.constant 16 : i32
      %add3A_46 = arith.constant 32 : i32
      %add3A_47 = arith.addi %mul3A_30, %add3A_46 : i32
      "tpu.region"() ({
        %run_scoped3A = tpu.sem_alloc : memref<!tpu.dma_semaphore, #tpu.memory_space<semaphore_mem>>
        %dma_start3A_110 = arith.constant 0 : i32
        %dma_start3A_111 = tpu.memref_slice %arg3[%add3A_47, %dma_start3A_110] : memref<2560x128xi32, #tpu.memory_space<hbm>> -> memref<32x128xi32, #tpu.memory_space<hbm>>
        %dma_start3A_112 = arith.constant 0 : i32
        %dma_start3A_113 = tpu.memref_slice %arg3[%add3A_47, %dma_start3A_112] : memref<2560x128xi32, #tpu.memory_space<hbm>> -> memref<32x128xi32, #tpu.memory_space<hbm>>
        tpu.enqueue_dma source(%dma_start3A_113 : memref<32x128xi32, #tpu.memory_space<hbm>>) target(%arg6 : memref<32x128xi32, #tpu.memory_space<vmem>>) target_semaphore(%run_scoped3A : memref<!tpu.dma_semaphore, #tpu.memory_space<semaphore_mem>>)
        %dma_wait3A = arith.constant 0 : i32
        %dma_wait3A_114 = tpu.memref_slice %arg3[%add3A_47, %dma_wait3A] : memref<2560x128xi32, #tpu.memory_space<hbm>> -> memref<32x128xi32, #tpu.memory_space<hbm>>
        %dma_wait3A_115 = arith.constant 0 : i32
        %dma_wait3A_116 = tpu.memref_slice %arg3[%add3A_47, %dma_wait3A_115] : memref<2560x128xi32, #tpu.memory_space<hbm>> -> memref<32x128xi32, #tpu.memory_space<hbm>>
        tpu.wait_dma2 semaphore(%run_scoped3A : memref<!tpu.dma_semaphore, #tpu.memory_space<semaphore_mem>>) src(%dma_wait3A_116 : memref<32x128xi32, #tpu.memory_space<hbm>>) dst(%arg6 : memref<32x128xi32, #tpu.memory_space<vmem>>)
        tpu.yield
      }) : () -> ()
      %add3A_48 = arith.constant 32 : i32
      %add3A_49 = arith.addi %mul3A_30, %add3A_48 : i32
      "tpu.region"() ({
        %run_scoped3A = tpu.sem_alloc : memref<!tpu.dma_semaphore, #tpu.memory_space<semaphore_mem>>
        %dma_start3A_110 = arith.constant 0 : i32
        %dma_start3A_111 = tpu.memref_slice %arg4[%add3A_49, %dma_start3A_110] : memref<2560x128xi32, #tpu.memory_space<hbm>> -> memref<32x128xi32, #tpu.memory_space<hbm>>
        %dma_start3A_112 = arith.constant 0 : i32
        %dma_start3A_113 = tpu.memref_slice %arg4[%add3A_49, %dma_start3A_112] : memref<2560x128xi32, #tpu.memory_space<hbm>> -> memref<32x128xi32, #tpu.memory_space<hbm>>
        tpu.enqueue_dma source(%dma_start3A_113 : memref<32x128xi32, #tpu.memory_space<hbm>>) target(%arg7 : memref<32x128xi32, #tpu.memory_space<vmem>>) target_semaphore(%run_scoped3A : memref<!tpu.dma_semaphore, #tpu.memory_space<semaphore_mem>>)
        %dma_wait3A = arith.constant 0 : i32
        %dma_wait3A_114 = tpu.memref_slice %arg4[%add3A_49, %dma_wait3A] : memref<2560x128xi32, #tpu.memory_space<hbm>> -> memref<32x128xi32, #tpu.memory_space<hbm>>
        %dma_wait3A_115 = arith.constant 0 : i32
        %dma_wait3A_116 = tpu.memref_slice %arg4[%add3A_49, %dma_wait3A_115] : memref<2560x128xi32, #tpu.memory_space<hbm>> -> memref<32x128xi32, #tpu.memory_space<hbm>>
        tpu.wait_dma2 semaphore(%run_scoped3A : memref<!tpu.dma_semaphore, #tpu.memory_space<semaphore_mem>>) src(%dma_wait3A_116 : memref<32x128xi32, #tpu.memory_space<hbm>>) dst(%arg7 : memref<32x128xi32, #tpu.memory_space<vmem>>)
        tpu.yield
      }) : () -> ()
      %dma_start3A_50 = arith.constant 0 : i32
      %dma_start3A_51 = arith.constant 0 : i32
      %dma_start3A_52 = tpu.memref_slice %arg6[%dma_start3A_50, %dma_start3A_51] : memref<32x128xi32, #tpu.memory_space<vmem>> -> memref<1x128xi32, #tpu.memory_space<vmem>>
      %dma_start3A_53 = tpu.memref_squeeze %dma_start3A_52 : memref<1x128xi32, #tpu.memory_space<vmem>> -> memref<128xi32, #tpu.memory_space<vmem>>
      %dma_start3A_54 = arith.constant 0 : i32
      %dma_start3A_55 = arith.constant 0 : i32
      %dma_start3A_56 = tpu.memref_slice %arg2[%dma_start3A_54, %dma_start3A_55] : memref<10000x128xf32, #tpu.memory_space<hbm>> -> memref<10000x128xf32, #tpu.memory_space<hbm>>
      tpu.enqueue_indirect_dma source(%dma_start3A_56 : memref<10000x128xf32, #tpu.memory_space<hbm>>) target(%arg8 : memref<128x128xf32, #tpu.memory_space<vmem>>) offsets(%dma_start3A_53 : memref<128xi32, #tpu.memory_space<vmem>>) semaphore(%arg10 : memref<!tpu.dma_semaphore, #tpu.memory_space<semaphore_mem>>)
      %scan3A_57 = arith.constant 0 : i32
      %scan3A_58 = arith.constant 16 : i32
      %scan3A_59 = arith.addi %scan3A_57, %scan3A_58 : i32
      %scan3A_60 = arith.constant 1 : i32
      scf.for %scan3A_110 = %scan3A_57 to %scan3A_59 step %scan3A_60  : i32 {
        %mul3A_111 = arith.constant 2 : i32
        %mul3A_112 = arith.muli %scan3A_110, %mul3A_111 : i32
        %add3A_113 = arith.constant 0 : i32
        %add3A_114 = arith.addi %add3A_113, %mul3A_112 : i32
        %add3A_115 = arith.constant 1 : i32
        %add3A_116 = arith.addi %add3A_114, %add3A_115 : i32
        %lt3A = arith.constant 32 : i32
        %lt3A_117 = arith.cmpi slt, %add3A_116, %lt3A : i32
        %convert_element_type3A_118 = arith.extui %lt3A_117 : i1 to i32
        %cond3A_119 = arith.constant 0 : i32
        %cond3A_120 = arith.cmpi ne, %convert_element_type3A_118, %cond3A_119 : i32
        scf.if %cond3A_120 {
          %add3A_140 = arith.constant 1 : i32
          %add3A_141 = arith.addi %add3A_114, %add3A_140 : i32
          %dma_start3A_142 = arith.constant 0 : i32
          %dma_start3A_143 = tpu.memref_slice %arg6[%add3A_141, %dma_start3A_142] : memref<32x128xi32, #tpu.memory_space<vmem>> -> memref<1x128xi32, #tpu.memory_space<vmem>>
          %dma_start3A_144 = tpu.memref_squeeze %dma_start3A_143 : memref<1x128xi32, #tpu.memory_space<vmem>> -> memref<128xi32, #tpu.memory_space<vmem>>
          %dma_start3A_145 = arith.constant 0 : i32
          %dma_start3A_146 = arith.constant 0 : i32
          %dma_start3A_147 = tpu.memref_slice %arg2[%dma_start3A_145, %dma_start3A_146] : memref<10000x128xf32, #tpu.memory_space<hbm>> -> memref<10000x128xf32, #tpu.memory_space<hbm>>
          tpu.enqueue_indirect_dma source(%dma_start3A_147 : memref<10000x128xf32, #tpu.memory_space<hbm>>) target(%arg9 : memref<128x128xf32, #tpu.memory_space<vmem>>) offsets(%dma_start3A_144 : memref<128xi32, #tpu.memory_space<vmem>>) semaphore(%arg11 : memref<!tpu.dma_semaphore, #tpu.memory_space<semaphore_mem>>)
        } else {
        }
        %dma_wait3A = arith.constant 0 : i32
        %dma_wait3A_121 = tpu.memref_slice %arg6[%add3A_114, %dma_wait3A] : memref<32x128xi32, #tpu.memory_space<vmem>> -> memref<1x128xi32, #tpu.memory_space<vmem>>
        %dma_wait3A_122 = tpu.memref_squeeze %dma_wait3A_121 : memref<1x128xi32, #tpu.memory_space<vmem>> -> memref<128xi32, #tpu.memory_space<vmem>>
        %dma_wait3A_123 = arith.constant 0 : i32
        %dma_wait3A_124 = arith.constant 0 : i32
        %dma_wait3A_125 = tpu.memref_slice %arg2[%dma_wait3A_123, %dma_wait3A_124] : memref<10000x128xf32, #tpu.memory_space<hbm>> -> memref<10000x128xf32, #tpu.memory_space<hbm>>
        tpu.wait_indirect_dma semaphore(%arg10 : memref<!tpu.dma_semaphore, #tpu.memory_space<semaphore_mem>>) src(%dma_wait3A_125 : memref<10000x128xf32, #tpu.memory_space<hbm>>) dst(%arg8 : memref<128x128xf32, #tpu.memory_space<vmem>>)
        "tpu.region"() ({
          %run_scoped3A = tpu.sem_alloc : memref<!tpu.dma_semaphore, #tpu.memory_space<semaphore_mem>>
          %dma_start3A_140 = arith.constant 0 : i32
          %dma_start3A_141 = tpu.memref_slice %arg7[%add3A_114, %dma_start3A_140] : memref<32x128xi32, #tpu.memory_space<vmem>> -> memref<1x128xi32, #tpu.memory_space<vmem>>
          %dma_start3A_142 = tpu.memref_squeeze %dma_start3A_141 : memref<1x128xi32, #tpu.memory_space<vmem>> -> memref<128xi32, #tpu.memory_space<vmem>>
          %dma_start3A_143 = arith.constant 0 : i32
          %dma_start3A_144 = arith.constant 0 : i32
          %dma_start3A_145 = tpu.memref_slice %arg12[%dma_start3A_143, %dma_start3A_144] : memref<10112x128xf32, #tpu.memory_space<vmem_shared>> -> memref<10112x128xf32, #tpu.memory_space<vmem_shared>>
          tpu.enqueue_indirect_dma source(%arg8 : memref<128x128xf32, #tpu.memory_space<vmem>>) target(%dma_start3A_145 : memref<10112x128xf32, #tpu.memory_space<vmem_shared>>) offsets(%dma_start3A_142 : memref<128xi32, #tpu.memory_space<vmem>>) semaphore(%run_scoped3A : memref<!tpu.dma_semaphore, #tpu.memory_space<semaphore_mem>>) {add = true}
          %dma_wait3A_146 = arith.constant 0 : i32
          %dma_wait3A_147 = tpu.memref_slice %arg7[%add3A_114, %dma_wait3A_146] : memref<32x128xi32, #tpu.memory_space<vmem>> -> memref<1x128xi32, #tpu.memory_space<vmem>>
          %dma_wait3A_148 = tpu.memref_squeeze %dma_wait3A_147 : memref<1x128xi32, #tpu.memory_space<vmem>> -> memref<128xi32, #tpu.memory_space<vmem>>
          %dma_wait3A_149 = arith.constant 0 : i32
          %dma_wait3A_150 = arith.constant 0 : i32
          %dma_wait3A_151 = tpu.memref_slice %arg12[%dma_wait3A_149, %dma_wait3A_150] : memref<10112x128xf32, #tpu.memory_space<vmem_shared>> -> memref<10112x128xf32, #tpu.memory_space<vmem_shared>>
          tpu.wait_indirect_dma semaphore(%run_scoped3A : memref<!tpu.dma_semaphore, #tpu.memory_space<semaphore_mem>>) src(%arg8 : memref<128x128xf32, #tpu.memory_space<vmem>>) dst(%dma_wait3A_151 : memref<10112x128xf32, #tpu.memory_space<vmem_shared>>)
          tpu.yield
        }) : () -> ()
        %add3A_126 = arith.constant 2 : i32
        %add3A_127 = arith.addi %add3A_114, %add3A_126 : i32
        %lt3A_128 = arith.constant 32 : i32
        %lt3A_129 = arith.cmpi slt, %add3A_127, %lt3A_128 : i32
        %convert_element_type3A_130 = arith.extui %lt3A_129 : i1 to i32
        %cond3A_131 = arith.constant 0 : i32
        %cond3A_132 = arith.cmpi ne, %convert_element_type3A_130, %cond3A_131 : i32
        scf.if %cond3A_132 {
          %add3A_140 = arith.constant 2 : i32
          %add3A_141 = arith.addi %add3A_114, %add3A_140 : i32
          %dma_start3A_142 = arith.constant 0 : i32
          %dma_start3A_143 = tpu.memref_slice %arg6[%add3A_141, %dma_start3A_142] : memref<32x128xi32, #tpu.memory_space<vmem>> -> memref<1x128xi32, #tpu.memory_space<vmem>>
          %dma_start3A_144 = tpu.memref_squeeze %dma_start3A_143 : memref<1x128xi32, #tpu.memory_space<vmem>> -> memref<128xi32, #tpu.memory_space<vmem>>
          %dma_start3A_145 = arith.constant 0 : i32
          %dma_start3A_146 = arith.constant 0 : i32
          %dma_start3A_147 = tpu.memref_slice %arg2[%dma_start3A_145, %dma_start3A_146] : memref<10000x128xf32, #tpu.memory_space<hbm>> -> memref<10000x128xf32, #tpu.memory_space<hbm>>
          tpu.enqueue_indirect_dma source(%dma_start3A_147 : memref<10000x128xf32, #tpu.memory_space<hbm>>) target(%arg8 : memref<128x128xf32, #tpu.memory_space<vmem>>) offsets(%dma_start3A_144 : memref<128xi32, #tpu.memory_space<vmem>>) semaphore(%arg10 : memref<!tpu.dma_semaphore, #tpu.memory_space<semaphore_mem>>)
        } else {
        }
        %add3A_133 = arith.constant 1 : i32
        %add3A_134 = arith.addi %add3A_114, %add3A_133 : i32
        %lt3A_135 = arith.constant 32 : i32
        %lt3A_136 = arith.cmpi slt, %add3A_134, %lt3A_135 : i32
        %convert_element_type3A_137 = arith.extui %lt3A_136 : i1 to i32
        %cond3A_138 = arith.constant 0 : i32
        %cond3A_139 = arith.cmpi ne, %convert_element_type3A_137, %cond3A_138 : i32
        scf.if %cond3A_139 {
          %add3A_140 = arith.constant 1 : i32
          %add3A_141 = arith.addi %add3A_114, %add3A_140 : i32
          %dma_wait3A_142 = arith.constant 0 : i32
          %dma_wait3A_143 = tpu.memref_slice %arg6[%add3A_141, %dma_wait3A_142] : memref<32x128xi32, #tpu.memory_space<vmem>> -> memref<1x128xi32, #tpu.memory_space<vmem>>
          %dma_wait3A_144 = tpu.memref_squeeze %dma_wait3A_143 : memref<1x128xi32, #tpu.memory_space<vmem>> -> memref<128xi32, #tpu.memory_space<vmem>>
          %dma_wait3A_145 = arith.constant 0 : i32
          %dma_wait3A_146 = arith.constant 0 : i32
          %dma_wait3A_147 = tpu.memref_slice %arg2[%dma_wait3A_145, %dma_wait3A_146] : memref<10000x128xf32, #tpu.memory_space<hbm>> -> memref<10000x128xf32, #tpu.memory_space<hbm>>
          tpu.wait_indirect_dma semaphore(%arg11 : memref<!tpu.dma_semaphore, #tpu.memory_space<semaphore_mem>>) src(%dma_wait3A_147 : memref<10000x128xf32, #tpu.memory_space<hbm>>) dst(%arg9 : memref<128x128xf32, #tpu.memory_space<vmem>>)
          %add3A_148 = arith.constant 1 : i32
          %add3A_149 = arith.addi %add3A_114, %add3A_148 : i32
          "tpu.region"() ({
            %run_scoped3A = tpu.sem_alloc : memref<!tpu.dma_semaphore, #tpu.memory_space<semaphore_mem>>
            %dma_start3A_150 = arith.constant 0 : i32
            %dma_start3A_151 = tpu.memref_slice %arg7[%add3A_149, %dma_start3A_150] : memref<32x128xi32, #tpu.memory_space<vmem>> -> memref<1x128xi32, #tpu.memory_space<vmem>>
            %dma_start3A_152 = tpu.memref_squeeze %dma_start3A_151 : memref<1x128xi32, #tpu.memory_space<vmem>> -> memref<128xi32, #tpu.memory_space<vmem>>
            %dma_start3A_153 = arith.constant 0 : i32
            %dma_start3A_154 = arith.constant 0 : i32
            %dma_start3A_155 = tpu.memref_slice %arg12[%dma_start3A_153, %dma_start3A_154] : memref<10112x128xf32, #tpu.memory_space<vmem_shared>> -> memref<10112x128xf32, #tpu.memory_space<vmem_shared>>
            tpu.enqueue_indirect_dma source(%arg9 : memref<128x128xf32, #tpu.memory_space<vmem>>) target(%dma_start3A_155 : memref<10112x128xf32, #tpu.memory_space<vmem_shared>>) offsets(%dma_start3A_152 : memref<128xi32, #tpu.memory_space<vmem>>) semaphore(%run_scoped3A : memref<!tpu.dma_semaphore, #tpu.memory_space<semaphore_mem>>) {add = true}
            %dma_wait3A_156 = arith.constant 0 : i32
            %dma_wait3A_157 = tpu.memref_slice %arg7[%add3A_149, %dma_wait3A_156] : memref<32x128xi32, #tpu.memory_space<vmem>> -> memref<1x128xi32, #tpu.memory_space<vmem>>
            %dma_wait3A_158 = tpu.memref_squeeze %dma_wait3A_157 : memref<1x128xi32, #tpu.memory_space<vmem>> -> memref<128xi32, #tpu.memory_space<vmem>>
            %dma_wait3A_159 = arith.constant 0 : i32
            %dma_wait3A_160 = arith.constant 0 : i32
            %dma_wait3A_161 = tpu.memref_slice %arg12[%dma_wait3A_159, %dma_wait3A_160] : memref<10112x128xf32, #tpu.memory_space<vmem_shared>> -> memref<10112x128xf32, #tpu.memory_space<vmem_shared>>
            tpu.wait_indirect_dma semaphore(%run_scoped3A : memref<!tpu.dma_semaphore, #tpu.memory_space<semaphore_mem>>) src(%arg9 : memref<128x128xf32, #tpu.memory_space<vmem>>) dst(%dma_wait3A_161 : memref<10112x128xf32, #tpu.memory_space<vmem_shared>>)
            tpu.yield
          }) : () -> ()
        } else {
        }
      }
      %scan3A_61 = arith.constant 16 : i32
      %add3A_62 = arith.constant 64 : i32
      %add3A_63 = arith.addi %mul3A_30, %add3A_62 : i32
      "tpu.region"() ({
        %run_scoped3A = tpu.sem_alloc : memref<!tpu.dma_semaphore, #tpu.memory_space<semaphore_mem>>
        %dma_start3A_110 = arith.constant 0 : i32
        %dma_start3A_111 = tpu.memref_slice %arg3[%add3A_63, %dma_start3A_110] : memref<2560x128xi32, #tpu.memory_space<hbm>> -> memref<32x128xi32, #tpu.memory_space<hbm>>
        %dma_start3A_112 = arith.constant 0 : i32
        %dma_start3A_113 = tpu.memref_slice %arg3[%add3A_63, %dma_start3A_112] : memref<2560x128xi32, #tpu.memory_space<hbm>> -> memref<32x128xi32, #tpu.memory_space<hbm>>
        tpu.enqueue_dma source(%dma_start3A_113 : memref<32x128xi32, #tpu.memory_space<hbm>>) target(%arg6 : memref<32x128xi32, #tpu.memory_space<vmem>>) target_semaphore(%run_scoped3A : memref<!tpu.dma_semaphore, #tpu.memory_space<semaphore_mem>>)
        %dma_wait3A = arith.constant 0 : i32
        %dma_wait3A_114 = tpu.memref_slice %arg3[%add3A_63, %dma_wait3A] : memref<2560x128xi32, #tpu.memory_space<hbm>> -> memref<32x128xi32, #tpu.memory_space<hbm>>
        %dma_wait3A_115 = arith.constant 0 : i32
        %dma_wait3A_116 = tpu.memref_slice %arg3[%add3A_63, %dma_wait3A_115] : memref<2560x128xi32, #tpu.memory_space<hbm>> -> memref<32x128xi32, #tpu.memory_space<hbm>>
        tpu.wait_dma2 semaphore(%run_scoped3A : memref<!tpu.dma_semaphore, #tpu.memory_space<semaphore_mem>>) src(%dma_wait3A_116 : memref<32x128xi32, #tpu.memory_space<hbm>>) dst(%arg6 : memref<32x128xi32, #tpu.memory_space<vmem>>)
        tpu.yield
      }) : () -> ()
      %add3A_64 = arith.constant 64 : i32
      %add3A_65 = arith.addi %mul3A_30, %add3A_64 : i32
      "tpu.region"() ({
        %run_scoped3A = tpu.sem_alloc : memref<!tpu.dma_semaphore, #tpu.memory_space<semaphore_mem>>
        %dma_start3A_110 = arith.constant 0 : i32
        %dma_start3A_111 = tpu.memref_slice %arg4[%add3A_65, %dma_start3A_110] : memref<2560x128xi32, #tpu.memory_space<hbm>> -> memref<32x128xi32, #tpu.memory_space<hbm>>
        %dma_start3A_112 = arith.constant 0 : i32
        %dma_start3A_113 = tpu.memref_slice %arg4[%add3A_65, %dma_start3A_112] : memref<2560x128xi32, #tpu.memory_space<hbm>> -> memref<32x128xi32, #tpu.memory_space<hbm>>
        tpu.enqueue_dma source(%dma_start3A_113 : memref<32x128xi32, #tpu.memory_space<hbm>>) target(%arg7 : memref<32x128xi32, #tpu.memory_space<vmem>>) target_semaphore(%run_scoped3A : memref<!tpu.dma_semaphore, #tpu.memory_space<semaphore_mem>>)
        %dma_wait3A = arith.constant 0 : i32
        %dma_wait3A_114 = tpu.memref_slice %arg4[%add3A_65, %dma_wait3A] : memref<2560x128xi32, #tpu.memory_space<hbm>> -> memref<32x128xi32, #tpu.memory_space<hbm>>
        %dma_wait3A_115 = arith.constant 0 : i32
        %dma_wait3A_116 = tpu.memref_slice %arg4[%add3A_65, %dma_wait3A_115] : memref<2560x128xi32, #tpu.memory_space<hbm>> -> memref<32x128xi32, #tpu.memory_space<hbm>>
        tpu.wait_dma2 semaphore(%run_scoped3A : memref<!tpu.dma_semaphore, #tpu.memory_space<semaphore_mem>>) src(%dma_wait3A_116 : memref<32x128xi32, #tpu.memory_space<hbm>>) dst(%arg7 : memref<32x128xi32, #tpu.memory_space<vmem>>)
        tpu.yield
      }) : () -> ()
      %dma_start3A_66 = arith.constant 0 : i32
      %dma_start3A_67 = arith.constant 0 : i32
      %dma_start3A_68 = tpu.memref_slice %arg6[%dma_start3A_66, %dma_start3A_67] : memref<32x128xi32, #tpu.memory_space<vmem>> -> memref<1x128xi32, #tpu.memory_space<vmem>>
      %dma_start3A_69 = tpu.memref_squeeze %dma_start3A_68 : memref<1x128xi32, #tpu.memory_space<vmem>> -> memref<128xi32, #tpu.memory_space<vmem>>
      %dma_start3A_70 = arith.constant 0 : i32
      %dma_start3A_71 = arith.constant 0 : i32
      %dma_start3A_72 = tpu.memref_slice %arg2[%dma_start3A_70, %dma_start3A_71] : memref<10000x128xf32, #tpu.memory_space<hbm>> -> memref<10000x128xf32, #tpu.memory_space<hbm>>
      tpu.enqueue_indirect_dma source(%dma_start3A_72 : memref<10000x128xf32, #tpu.memory_space<hbm>>) target(%arg8 : memref<128x128xf32, #tpu.memory_space<vmem>>) offsets(%dma_start3A_69 : memref<128xi32, #tpu.memory_space<vmem>>) semaphore(%arg10 : memref<!tpu.dma_semaphore, #tpu.memory_space<semaphore_mem>>)
      %scan3A_73 = arith.constant 0 : i32
      %scan3A_74 = arith.constant 16 : i32
      %scan3A_75 = arith.addi %scan3A_73, %scan3A_74 : i32
      %scan3A_76 = arith.constant 1 : i32
      scf.for %scan3A_110 = %scan3A_73 to %scan3A_75 step %scan3A_76  : i32 {
        %mul3A_111 = arith.constant 2 : i32
        %mul3A_112 = arith.muli %scan3A_110, %mul3A_111 : i32
        %add3A_113 = arith.constant 0 : i32
        %add3A_114 = arith.addi %add3A_113, %mul3A_112 : i32
        %add3A_115 = arith.constant 1 : i32
        %add3A_116 = arith.addi %add3A_114, %add3A_115 : i32
        %lt3A = arith.constant 32 : i32
        %lt3A_117 = arith.cmpi slt, %add3A_116, %lt3A : i32
        %convert_element_type3A_118 = arith.extui %lt3A_117 : i1 to i32
        %cond3A_119 = arith.constant 0 : i32
        %cond3A_120 = arith.cmpi ne, %convert_element_type3A_118, %cond3A_119 : i32
        scf.if %cond3A_120 {
          %add3A_140 = arith.constant 1 : i32
          %add3A_141 = arith.addi %add3A_114, %add3A_140 : i32
          %dma_start3A_142 = arith.constant 0 : i32
          %dma_start3A_143 = tpu.memref_slice %arg6[%add3A_141, %dma_start3A_142] : memref<32x128xi32, #tpu.memory_space<vmem>> -> memref<1x128xi32, #tpu.memory_space<vmem>>
          %dma_start3A_144 = tpu.memref_squeeze %dma_start3A_143 : memref<1x128xi32, #tpu.memory_space<vmem>> -> memref<128xi32, #tpu.memory_space<vmem>>
          %dma_start3A_145 = arith.constant 0 : i32
          %dma_start3A_146 = arith.constant 0 : i32
          %dma_start3A_147 = tpu.memref_slice %arg2[%dma_start3A_145, %dma_start3A_146] : memref<10000x128xf32, #tpu.memory_space<hbm>> -> memref<10000x128xf32, #tpu.memory_space<hbm>>
          tpu.enqueue_indirect_dma source(%dma_start3A_147 : memref<10000x128xf32, #tpu.memory_space<hbm>>) target(%arg9 : memref<128x128xf32, #tpu.memory_space<vmem>>) offsets(%dma_start3A_144 : memref<128xi32, #tpu.memory_space<vmem>>) semaphore(%arg11 : memref<!tpu.dma_semaphore, #tpu.memory_space<semaphore_mem>>)
        } else {
        }
        %dma_wait3A = arith.constant 0 : i32
        %dma_wait3A_121 = tpu.memref_slice %arg6[%add3A_114, %dma_wait3A] : memref<32x128xi32, #tpu.memory_space<vmem>> -> memref<1x128xi32, #tpu.memory_space<vmem>>
        %dma_wait3A_122 = tpu.memref_squeeze %dma_wait3A_121 : memref<1x128xi32, #tpu.memory_space<vmem>> -> memref<128xi32, #tpu.memory_space<vmem>>
        %dma_wait3A_123 = arith.constant 0 : i32
        %dma_wait3A_124 = arith.constant 0 : i32
        %dma_wait3A_125 = tpu.memref_slice %arg2[%dma_wait3A_123, %dma_wait3A_124] : memref<10000x128xf32, #tpu.memory_space<hbm>> -> memref<10000x128xf32, #tpu.memory_space<hbm>>
        tpu.wait_indirect_dma semaphore(%arg10 : memref<!tpu.dma_semaphore, #tpu.memory_space<semaphore_mem>>) src(%dma_wait3A_125 : memref<10000x128xf32, #tpu.memory_space<hbm>>) dst(%arg8 : memref<128x128xf32, #tpu.memory_space<vmem>>)
        "tpu.region"() ({
          %run_scoped3A = tpu.sem_alloc : memref<!tpu.dma_semaphore, #tpu.memory_space<semaphore_mem>>
          %dma_start3A_140 = arith.constant 0 : i32
          %dma_start3A_141 = tpu.memref_slice %arg7[%add3A_114, %dma_start3A_140] : memref<32x128xi32, #tpu.memory_space<vmem>> -> memref<1x128xi32, #tpu.memory_space<vmem>>
          %dma_start3A_142 = tpu.memref_squeeze %dma_start3A_141 : memref<1x128xi32, #tpu.memory_space<vmem>> -> memref<128xi32, #tpu.memory_space<vmem>>
          %dma_start3A_143 = arith.constant 0 : i32
          %dma_start3A_144 = arith.constant 0 : i32
          %dma_start3A_145 = tpu.memref_slice %arg12[%dma_start3A_143, %dma_start3A_144] : memref<10112x128xf32, #tpu.memory_space<vmem_shared>> -> memref<10112x128xf32, #tpu.memory_space<vmem_shared>>
          tpu.enqueue_indirect_dma source(%arg8 : memref<128x128xf32, #tpu.memory_space<vmem>>) target(%dma_start3A_145 : memref<10112x128xf32, #tpu.memory_space<vmem_shared>>) offsets(%dma_start3A_142 : memref<128xi32, #tpu.memory_space<vmem>>) semaphore(%run_scoped3A : memref<!tpu.dma_semaphore, #tpu.memory_space<semaphore_mem>>) {add = true}
          %dma_wait3A_146 = arith.constant 0 : i32
          %dma_wait3A_147 = tpu.memref_slice %arg7[%add3A_114, %dma_wait3A_146] : memref<32x128xi32, #tpu.memory_space<vmem>> -> memref<1x128xi32, #tpu.memory_space<vmem>>
          %dma_wait3A_148 = tpu.memref_squeeze %dma_wait3A_147 : memref<1x128xi32, #tpu.memory_space<vmem>> -> memref<128xi32, #tpu.memory_space<vmem>>
          %dma_wait3A_149 = arith.constant 0 : i32
          %dma_wait3A_150 = arith.constant 0 : i32
          %dma_wait3A_151 = tpu.memref_slice %arg12[%dma_wait3A_149, %dma_wait3A_150] : memref<10112x128xf32, #tpu.memory_space<vmem_shared>> -> memref<10112x128xf32, #tpu.memory_space<vmem_shared>>
          tpu.wait_indirect_dma semaphore(%run_scoped3A : memref<!tpu.dma_semaphore, #tpu.memory_space<semaphore_mem>>) src(%arg8 : memref<128x128xf32, #tpu.memory_space<vmem>>) dst(%dma_wait3A_151 : memref<10112x128xf32, #tpu.memory_space<vmem_shared>>)
          tpu.yield
        }) : () -> ()
        %add3A_126 = arith.constant 2 : i32
        %add3A_127 = arith.addi %add3A_114, %add3A_126 : i32
        %lt3A_128 = arith.constant 32 : i32
        %lt3A_129 = arith.cmpi slt, %add3A_127, %lt3A_128 : i32
        %convert_element_type3A_130 = arith.extui %lt3A_129 : i1 to i32
        %cond3A_131 = arith.constant 0 : i32
        %cond3A_132 = arith.cmpi ne, %convert_element_type3A_130, %cond3A_131 : i32
        scf.if %cond3A_132 {
          %add3A_140 = arith.constant 2 : i32
          %add3A_141 = arith.addi %add3A_114, %add3A_140 : i32
          %dma_start3A_142 = arith.constant 0 : i32
          %dma_start3A_143 = tpu.memref_slice %arg6[%add3A_141, %dma_start3A_142] : memref<32x128xi32, #tpu.memory_space<vmem>> -> memref<1x128xi32, #tpu.memory_space<vmem>>
          %dma_start3A_144 = tpu.memref_squeeze %dma_start3A_143 : memref<1x128xi32, #tpu.memory_space<vmem>> -> memref<128xi32, #tpu.memory_space<vmem>>
          %dma_start3A_145 = arith.constant 0 : i32
          %dma_start3A_146 = arith.constant 0 : i32
          %dma_start3A_147 = tpu.memref_slice %arg2[%dma_start3A_145, %dma_start3A_146] : memref<10000x128xf32, #tpu.memory_space<hbm>> -> memref<10000x128xf32, #tpu.memory_space<hbm>>
          tpu.enqueue_indirect_dma source(%dma_start3A_147 : memref<10000x128xf32, #tpu.memory_space<hbm>>) target(%arg8 : memref<128x128xf32, #tpu.memory_space<vmem>>) offsets(%dma_start3A_144 : memref<128xi32, #tpu.memory_space<vmem>>) semaphore(%arg10 : memref<!tpu.dma_semaphore, #tpu.memory_space<semaphore_mem>>)
        } else {
        }
        %add3A_133 = arith.constant 1 : i32
        %add3A_134 = arith.addi %add3A_114, %add3A_133 : i32
        %lt3A_135 = arith.constant 32 : i32
        %lt3A_136 = arith.cmpi slt, %add3A_134, %lt3A_135 : i32
        %convert_element_type3A_137 = arith.extui %lt3A_136 : i1 to i32
        %cond3A_138 = arith.constant 0 : i32
        %cond3A_139 = arith.cmpi ne, %convert_element_type3A_137, %cond3A_138 : i32
        scf.if %cond3A_139 {
          %add3A_140 = arith.constant 1 : i32
          %add3A_141 = arith.addi %add3A_114, %add3A_140 : i32
          %dma_wait3A_142 = arith.constant 0 : i32
          %dma_wait3A_143 = tpu.memref_slice %arg6[%add3A_141, %dma_wait3A_142] : memref<32x128xi32, #tpu.memory_space<vmem>> -> memref<1x128xi32, #tpu.memory_space<vmem>>
          %dma_wait3A_144 = tpu.memref_squeeze %dma_wait3A_143 : memref<1x128xi32, #tpu.memory_space<vmem>> -> memref<128xi32, #tpu.memory_space<vmem>>
          %dma_wait3A_145 = arith.constant 0 : i32
          %dma_wait3A_146 = arith.constant 0 : i32
          %dma_wait3A_147 = tpu.memref_slice %arg2[%dma_wait3A_145, %dma_wait3A_146] : memref<10000x128xf32, #tpu.memory_space<hbm>> -> memref<10000x128xf32, #tpu.memory_space<hbm>>
          tpu.wait_indirect_dma semaphore(%arg11 : memref<!tpu.dma_semaphore, #tpu.memory_space<semaphore_mem>>) src(%dma_wait3A_147 : memref<10000x128xf32, #tpu.memory_space<hbm>>) dst(%arg9 : memref<128x128xf32, #tpu.memory_space<vmem>>)
          %add3A_148 = arith.constant 1 : i32
          %add3A_149 = arith.addi %add3A_114, %add3A_148 : i32
          "tpu.region"() ({
            %run_scoped3A = tpu.sem_alloc : memref<!tpu.dma_semaphore, #tpu.memory_space<semaphore_mem>>
            %dma_start3A_150 = arith.constant 0 : i32
            %dma_start3A_151 = tpu.memref_slice %arg7[%add3A_149, %dma_start3A_150] : memref<32x128xi32, #tpu.memory_space<vmem>> -> memref<1x128xi32, #tpu.memory_space<vmem>>
            %dma_start3A_152 = tpu.memref_squeeze %dma_start3A_151 : memref<1x128xi32, #tpu.memory_space<vmem>> -> memref<128xi32, #tpu.memory_space<vmem>>
            %dma_start3A_153 = arith.constant 0 : i32
            %dma_start3A_154 = arith.constant 0 : i32
            %dma_start3A_155 = tpu.memref_slice %arg12[%dma_start3A_153, %dma_start3A_154] : memref<10112x128xf32, #tpu.memory_space<vmem_shared>> -> memref<10112x128xf32, #tpu.memory_space<vmem_shared>>
            tpu.enqueue_indirect_dma source(%arg9 : memref<128x128xf32, #tpu.memory_space<vmem>>) target(%dma_start3A_155 : memref<10112x128xf32, #tpu.memory_space<vmem_shared>>) offsets(%dma_start3A_152 : memref<128xi32, #tpu.memory_space<vmem>>) semaphore(%run_scoped3A : memref<!tpu.dma_semaphore, #tpu.memory_space<semaphore_mem>>) {add = true}
            %dma_wait3A_156 = arith.constant 0 : i32
            %dma_wait3A_157 = tpu.memref_slice %arg7[%add3A_149, %dma_wait3A_156] : memref<32x128xi32, #tpu.memory_space<vmem>> -> memref<1x128xi32, #tpu.memory_space<vmem>>
            %dma_wait3A_158 = tpu.memref_squeeze %dma_wait3A_157 : memref<1x128xi32, #tpu.memory_space<vmem>> -> memref<128xi32, #tpu.memory_space<vmem>>
            %dma_wait3A_159 = arith.constant 0 : i32
            %dma_wait3A_160 = arith.constant 0 : i32
            %dma_wait3A_161 = tpu.memref_slice %arg12[%dma_wait3A_159, %dma_wait3A_160] : memref<10112x128xf32, #tpu.memory_space<vmem_shared>> -> memref<10112x128xf32, #tpu.memory_space<vmem_shared>>
            tpu.wait_indirect_dma semaphore(%run_scoped3A : memref<!tpu.dma_semaphore, #tpu.memory_space<semaphore_mem>>) src(%arg9 : memref<128x128xf32, #tpu.memory_space<vmem>>) dst(%dma_wait3A_161 : memref<10112x128xf32, #tpu.memory_space<vmem_shared>>)
            tpu.yield
          }) : () -> ()
        } else {
        }
      }
      %scan3A_77 = arith.constant 16 : i32
      %add3A_78 = arith.constant 96 : i32
      %add3A_79 = arith.addi %mul3A_30, %add3A_78 : i32
      "tpu.region"() ({
        %run_scoped3A = tpu.sem_alloc : memref<!tpu.dma_semaphore, #tpu.memory_space<semaphore_mem>>
        %dma_start3A_110 = arith.constant 0 : i32
        %dma_start3A_111 = tpu.memref_slice %arg3[%add3A_79, %dma_start3A_110] : memref<2560x128xi32, #tpu.memory_space<hbm>> -> memref<32x128xi32, #tpu.memory_space<hbm>>
        %dma_start3A_112 = arith.constant 0 : i32
        %dma_start3A_113 = tpu.memref_slice %arg3[%add3A_79, %dma_start3A_112] : memref<2560x128xi32, #tpu.memory_space<hbm>> -> memref<32x128xi32, #tpu.memory_space<hbm>>
        tpu.enqueue_dma source(%dma_start3A_113 : memref<32x128xi32, #tpu.memory_space<hbm>>) target(%arg6 : memref<32x128xi32, #tpu.memory_space<vmem>>) target_semaphore(%run_scoped3A : memref<!tpu.dma_semaphore, #tpu.memory_space<semaphore_mem>>)
        %dma_wait3A = arith.constant 0 : i32
        %dma_wait3A_114 = tpu.memref_slice %arg3[%add3A_79, %dma_wait3A] : memref<2560x128xi32, #tpu.memory_space<hbm>> -> memref<32x128xi32, #tpu.memory_space<hbm>>
        %dma_wait3A_115 = arith.constant 0 : i32
        %dma_wait3A_116 = tpu.memref_slice %arg3[%add3A_79, %dma_wait3A_115] : memref<2560x128xi32, #tpu.memory_space<hbm>> -> memref<32x128xi32, #tpu.memory_space<hbm>>
        tpu.wait_dma2 semaphore(%run_scoped3A : memref<!tpu.dma_semaphore, #tpu.memory_space<semaphore_mem>>) src(%dma_wait3A_116 : memref<32x128xi32, #tpu.memory_space<hbm>>) dst(%arg6 : memref<32x128xi32, #tpu.memory_space<vmem>>)
        tpu.yield
      }) : () -> ()
      %add3A_80 = arith.constant 96 : i32
      %add3A_81 = arith.addi %mul3A_30, %add3A_80 : i32
      "tpu.region"() ({
        %run_scoped3A = tpu.sem_alloc : memref<!tpu.dma_semaphore, #tpu.memory_space<semaphore_mem>>
        %dma_start3A_110 = arith.constant 0 : i32
        %dma_start3A_111 = tpu.memref_slice %arg4[%add3A_81, %dma_start3A_110] : memref<2560x128xi32, #tpu.memory_space<hbm>> -> memref<32x128xi32, #tpu.memory_space<hbm>>
        %dma_start3A_112 = arith.constant 0 : i32
        %dma_start3A_113 = tpu.memref_slice %arg4[%add3A_81, %dma_start3A_112] : memref<2560x128xi32, #tpu.memory_space<hbm>> -> memref<32x128xi32, #tpu.memory_space<hbm>>
        tpu.enqueue_dma source(%dma_start3A_113 : memref<32x128xi32, #tpu.memory_space<hbm>>) target(%arg7 : memref<32x128xi32, #tpu.memory_space<vmem>>) target_semaphore(%run_scoped3A : memref<!tpu.dma_semaphore, #tpu.memory_space<semaphore_mem>>)
        %dma_wait3A = arith.constant 0 : i32
        %dma_wait3A_114 = tpu.memref_slice %arg4[%add3A_81, %dma_wait3A] : memref<2560x128xi32, #tpu.memory_space<hbm>> -> memref<32x128xi32, #tpu.memory_space<hbm>>
        %dma_wait3A_115 = arith.constant 0 : i32
        %dma_wait3A_116 = tpu.memref_slice %arg4[%add3A_81, %dma_wait3A_115] : memref<2560x128xi32, #tpu.memory_space<hbm>> -> memref<32x128xi32, #tpu.memory_space<hbm>>
        tpu.wait_dma2 semaphore(%run_scoped3A : memref<!tpu.dma_semaphore, #tpu.memory_space<semaphore_mem>>) src(%dma_wait3A_116 : memref<32x128xi32, #tpu.memory_space<hbm>>) dst(%arg7 : memref<32x128xi32, #tpu.memory_space<vmem>>)
        tpu.yield
      }) : () -> ()
      %dma_start3A_82 = arith.constant 0 : i32
      %dma_start3A_83 = arith.constant 0 : i32
      %dma_start3A_84 = tpu.memref_slice %arg6[%dma_start3A_82, %dma_start3A_83] : memref<32x128xi32, #tpu.memory_space<vmem>> -> memref<1x128xi32, #tpu.memory_space<vmem>>
      %dma_start3A_85 = tpu.memref_squeeze %dma_start3A_84 : memref<1x128xi32, #tpu.memory_space<vmem>> -> memref<128xi32, #tpu.memory_space<vmem>>
      %dma_start3A_86 = arith.constant 0 : i32
      %dma_start3A_87 = arith.constant 0 : i32
      %dma_start3A_88 = tpu.memref_slice %arg2[%dma_start3A_86, %dma_start3A_87] : memref<10000x128xf32, #tpu.memory_space<hbm>> -> memref<10000x128xf32, #tpu.memory_space<hbm>>
      tpu.enqueue_indirect_dma source(%dma_start3A_88 : memref<10000x128xf32, #tpu.memory_space<hbm>>) target(%arg8 : memref<128x128xf32, #tpu.memory_space<vmem>>) offsets(%dma_start3A_85 : memref<128xi32, #tpu.memory_space<vmem>>) semaphore(%arg10 : memref<!tpu.dma_semaphore, #tpu.memory_space<semaphore_mem>>)
      %scan3A_89 = arith.constant 0 : i32
      %scan3A_90 = arith.constant 16 : i32
      %scan3A_91 = arith.addi %scan3A_89, %scan3A_90 : i32
      %scan3A_92 = arith.constant 1 : i32
      scf.for %scan3A_110 = %scan3A_89 to %scan3A_91 step %scan3A_92  : i32 {
        %mul3A_111 = arith.constant 2 : i32
        %mul3A_112 = arith.muli %scan3A_110, %mul3A_111 : i32
        %add3A_113 = arith.constant 0 : i32
        %add3A_114 = arith.addi %add3A_113, %mul3A_112 : i32
        %add3A_115 = arith.constant 1 : i32
        %add3A_116 = arith.addi %add3A_114, %add3A_115 : i32
        %lt3A = arith.constant 32 : i32
        %lt3A_117 = arith.cmpi slt, %add3A_116, %lt3A : i32
        %convert_element_type3A_118 = arith.extui %lt3A_117 : i1 to i32
        %cond3A_119 = arith.constant 0 : i32
        %cond3A_120 = arith.cmpi ne, %convert_element_type3A_118, %cond3A_119 : i32
        scf.if %cond3A_120 {
          %add3A_140 = arith.constant 1 : i32
          %add3A_141 = arith.addi %add3A_114, %add3A_140 : i32
          %dma_start3A_142 = arith.constant 0 : i32
          %dma_start3A_143 = tpu.memref_slice %arg6[%add3A_141, %dma_start3A_142] : memref<32x128xi32, #tpu.memory_space<vmem>> -> memref<1x128xi32, #tpu.memory_space<vmem>>
          %dma_start3A_144 = tpu.memref_squeeze %dma_start3A_143 : memref<1x128xi32, #tpu.memory_space<vmem>> -> memref<128xi32, #tpu.memory_space<vmem>>
          %dma_start3A_145 = arith.constant 0 : i32
          %dma_start3A_146 = arith.constant 0 : i32
          %dma_start3A_147 = tpu.memref_slice %arg2[%dma_start3A_145, %dma_start3A_146] : memref<10000x128xf32, #tpu.memory_space<hbm>> -> memref<10000x128xf32, #tpu.memory_space<hbm>>
          tpu.enqueue_indirect_dma source(%dma_start3A_147 : memref<10000x128xf32, #tpu.memory_space<hbm>>) target(%arg9 : memref<128x128xf32, #tpu.memory_space<vmem>>) offsets(%dma_start3A_144 : memref<128xi32, #tpu.memory_space<vmem>>) semaphore(%arg11 : memref<!tpu.dma_semaphore, #tpu.memory_space<semaphore_mem>>)
        } else {
        }
        %dma_wait3A = arith.constant 0 : i32
        %dma_wait3A_121 = tpu.memref_slice %arg6[%add3A_114, %dma_wait3A] : memref<32x128xi32, #tpu.memory_space<vmem>> -> memref<1x128xi32, #tpu.memory_space<vmem>>
        %dma_wait3A_122 = tpu.memref_squeeze %dma_wait3A_121 : memref<1x128xi32, #tpu.memory_space<vmem>> -> memref<128xi32, #tpu.memory_space<vmem>>
        %dma_wait3A_123 = arith.constant 0 : i32
        %dma_wait3A_124 = arith.constant 0 : i32
        %dma_wait3A_125 = tpu.memref_slice %arg2[%dma_wait3A_123, %dma_wait3A_124] : memref<10000x128xf32, #tpu.memory_space<hbm>> -> memref<10000x128xf32, #tpu.memory_space<hbm>>
        tpu.wait_indirect_dma semaphore(%arg10 : memref<!tpu.dma_semaphore, #tpu.memory_space<semaphore_mem>>) src(%dma_wait3A_125 : memref<10000x128xf32, #tpu.memory_space<hbm>>) dst(%arg8 : memref<128x128xf32, #tpu.memory_space<vmem>>)
        "tpu.region"() ({
          %run_scoped3A = tpu.sem_alloc : memref<!tpu.dma_semaphore, #tpu.memory_space<semaphore_mem>>
          %dma_start3A_140 = arith.constant 0 : i32
          %dma_start3A_141 = tpu.memref_slice %arg7[%add3A_114, %dma_start3A_140] : memref<32x128xi32, #tpu.memory_space<vmem>> -> memref<1x128xi32, #tpu.memory_space<vmem>>
          %dma_start3A_142 = tpu.memref_squeeze %dma_start3A_141 : memref<1x128xi32, #tpu.memory_space<vmem>> -> memref<128xi32, #tpu.memory_space<vmem>>
          %dma_start3A_143 = arith.constant 0 : i32
          %dma_start3A_144 = arith.constant 0 : i32
          %dma_start3A_145 = tpu.memref_slice %arg12[%dma_start3A_143, %dma_start3A_144] : memref<10112x128xf32, #tpu.memory_space<vmem_shared>> -> memref<10112x128xf32, #tpu.memory_space<vmem_shared>>
          tpu.enqueue_indirect_dma source(%arg8 : memref<128x128xf32, #tpu.memory_space<vmem>>) target(%dma_start3A_145 : memref<10112x128xf32, #tpu.memory_space<vmem_shared>>) offsets(%dma_start3A_142 : memref<128xi32, #tpu.memory_space<vmem>>) semaphore(%run_scoped3A : memref<!tpu.dma_semaphore, #tpu.memory_space<semaphore_mem>>) {add = true}
          %dma_wait3A_146 = arith.constant 0 : i32
          %dma_wait3A_147 = tpu.memref_slice %arg7[%add3A_114, %dma_wait3A_146] : memref<32x128xi32, #tpu.memory_space<vmem>> -> memref<1x128xi32, #tpu.memory_space<vmem>>
          %dma_wait3A_148 = tpu.memref_squeeze %dma_wait3A_147 : memref<1x128xi32, #tpu.memory_space<vmem>> -> memref<128xi32, #tpu.memory_space<vmem>>
          %dma_wait3A_149 = arith.constant 0 : i32
          %dma_wait3A_150 = arith.constant 0 : i32
          %dma_wait3A_151 = tpu.memref_slice %arg12[%dma_wait3A_149, %dma_wait3A_150] : memref<10112x128xf32, #tpu.memory_space<vmem_shared>> -> memref<10112x128xf32, #tpu.memory_space<vmem_shared>>
          tpu.wait_indirect_dma semaphore(%run_scoped3A : memref<!tpu.dma_semaphore, #tpu.memory_space<semaphore_mem>>) src(%arg8 : memref<128x128xf32, #tpu.memory_space<vmem>>) dst(%dma_wait3A_151 : memref<10112x128xf32, #tpu.memory_space<vmem_shared>>)
          tpu.yield
        }) : () -> ()
        %add3A_126 = arith.constant 2 : i32
        %add3A_127 = arith.addi %add3A_114, %add3A_126 : i32
        %lt3A_128 = arith.constant 32 : i32
        %lt3A_129 = arith.cmpi slt, %add3A_127, %lt3A_128 : i32
        %convert_element_type3A_130 = arith.extui %lt3A_129 : i1 to i32
        %cond3A_131 = arith.constant 0 : i32
        %cond3A_132 = arith.cmpi ne, %convert_element_type3A_130, %cond3A_131 : i32
        scf.if %cond3A_132 {
          %add3A_140 = arith.constant 2 : i32
          %add3A_141 = arith.addi %add3A_114, %add3A_140 : i32
          %dma_start3A_142 = arith.constant 0 : i32
          %dma_start3A_143 = tpu.memref_slice %arg6[%add3A_141, %dma_start3A_142] : memref<32x128xi32, #tpu.memory_space<vmem>> -> memref<1x128xi32, #tpu.memory_space<vmem>>
          %dma_start3A_144 = tpu.memref_squeeze %dma_start3A_143 : memref<1x128xi32, #tpu.memory_space<vmem>> -> memref<128xi32, #tpu.memory_space<vmem>>
          %dma_start3A_145 = arith.constant 0 : i32
          %dma_start3A_146 = arith.constant 0 : i32
          %dma_start3A_147 = tpu.memref_slice %arg2[%dma_start3A_145, %dma_start3A_146] : memref<10000x128xf32, #tpu.memory_space<hbm>> -> memref<10000x128xf32, #tpu.memory_space<hbm>>
          tpu.enqueue_indirect_dma source(%dma_start3A_147 : memref<10000x128xf32, #tpu.memory_space<hbm>>) target(%arg8 : memref<128x128xf32, #tpu.memory_space<vmem>>) offsets(%dma_start3A_144 : memref<128xi32, #tpu.memory_space<vmem>>) semaphore(%arg10 : memref<!tpu.dma_semaphore, #tpu.memory_space<semaphore_mem>>)
        } else {
        }
        %add3A_133 = arith.constant 1 : i32
        %add3A_134 = arith.addi %add3A_114, %add3A_133 : i32
        %lt3A_135 = arith.constant 32 : i32
        %lt3A_136 = arith.cmpi slt, %add3A_134, %lt3A_135 : i32
        %convert_element_type3A_137 = arith.extui %lt3A_136 : i1 to i32
        %cond3A_138 = arith.constant 0 : i32
        %cond3A_139 = arith.cmpi ne, %convert_element_type3A_137, %cond3A_138 : i32
        scf.if %cond3A_139 {
          %add3A_140 = arith.constant 1 : i32
          %add3A_141 = arith.addi %add3A_114, %add3A_140 : i32
          %dma_wait3A_142 = arith.constant 0 : i32
          %dma_wait3A_143 = tpu.memref_slice %arg6[%add3A_141, %dma_wait3A_142] : memref<32x128xi32, #tpu.memory_space<vmem>> -> memref<1x128xi32, #tpu.memory_space<vmem>>
          %dma_wait3A_144 = tpu.memref_squeeze %dma_wait3A_143 : memref<1x128xi32, #tpu.memory_space<vmem>> -> memref<128xi32, #tpu.memory_space<vmem>>
          %dma_wait3A_145 = arith.constant 0 : i32
          %dma_wait3A_146 = arith.constant 0 : i32
          %dma_wait3A_147 = tpu.memref_slice %arg2[%dma_wait3A_145, %dma_wait3A_146] : memref<10000x128xf32, #tpu.memory_space<hbm>> -> memref<10000x128xf32, #tpu.memory_space<hbm>>
          tpu.wait_indirect_dma semaphore(%arg11 : memref<!tpu.dma_semaphore, #tpu.memory_space<semaphore_mem>>) src(%dma_wait3A_147 : memref<10000x128xf32, #tpu.memory_space<hbm>>) dst(%arg9 : memref<128x128xf32, #tpu.memory_space<vmem>>)
          %add3A_148 = arith.constant 1 : i32
          %add3A_149 = arith.addi %add3A_114, %add3A_148 : i32
          "tpu.region"() ({
            %run_scoped3A = tpu.sem_alloc : memref<!tpu.dma_semaphore, #tpu.memory_space<semaphore_mem>>
            %dma_start3A_150 = arith.constant 0 : i32
            %dma_start3A_151 = tpu.memref_slice %arg7[%add3A_149, %dma_start3A_150] : memref<32x128xi32, #tpu.memory_space<vmem>> -> memref<1x128xi32, #tpu.memory_space<vmem>>
            %dma_start3A_152 = tpu.memref_squeeze %dma_start3A_151 : memref<1x128xi32, #tpu.memory_space<vmem>> -> memref<128xi32, #tpu.memory_space<vmem>>
            %dma_start3A_153 = arith.constant 0 : i32
            %dma_start3A_154 = arith.constant 0 : i32
            %dma_start3A_155 = tpu.memref_slice %arg12[%dma_start3A_153, %dma_start3A_154] : memref<10112x128xf32, #tpu.memory_space<vmem_shared>> -> memref<10112x128xf32, #tpu.memory_space<vmem_shared>>
            tpu.enqueue_indirect_dma source(%arg9 : memref<128x128xf32, #tpu.memory_space<vmem>>) target(%dma_start3A_155 : memref<10112x128xf32, #tpu.memory_space<vmem_shared>>) offsets(%dma_start3A_152 : memref<128xi32, #tpu.memory_space<vmem>>) semaphore(%run_scoped3A : memref<!tpu.dma_semaphore, #tpu.memory_space<semaphore_mem>>) {add = true}
            %dma_wait3A_156 = arith.constant 0 : i32
            %dma_wait3A_157 = tpu.memref_slice %arg7[%add3A_149, %dma_wait3A_156] : memref<32x128xi32, #tpu.memory_space<vmem>> -> memref<1x128xi32, #tpu.memory_space<vmem>>
            %dma_wait3A_158 = tpu.memref_squeeze %dma_wait3A_157 : memref<1x128xi32, #tpu.memory_space<vmem>> -> memref<128xi32, #tpu.memory_space<vmem>>
            %dma_wait3A_159 = arith.constant 0 : i32
            %dma_wait3A_160 = arith.constant 0 : i32
            %dma_wait3A_161 = tpu.memref_slice %arg12[%dma_wait3A_159, %dma_wait3A_160] : memref<10112x128xf32, #tpu.memory_space<vmem_shared>> -> memref<10112x128xf32, #tpu.memory_space<vmem_shared>>
            tpu.wait_indirect_dma semaphore(%run_scoped3A : memref<!tpu.dma_semaphore, #tpu.memory_space<semaphore_mem>>) src(%arg9 : memref<128x128xf32, #tpu.memory_space<vmem>>) dst(%dma_wait3A_161 : memref<10112x128xf32, #tpu.memory_space<vmem_shared>>)
            tpu.yield
          }) : () -> ()
        } else {
        }
      }
      %scan3A_93 = arith.constant 16 : i32
      %add3A_94 = arith.constant 128 : i32
      %add3A_95 = arith.addi %mul3A_30, %add3A_94 : i32
      "tpu.region"() ({
        %run_scoped3A = tpu.sem_alloc : memref<!tpu.dma_semaphore, #tpu.memory_space<semaphore_mem>>
        %dma_start3A_110 = arith.constant 0 : i32
        %dma_start3A_111 = tpu.memref_slice %arg3[%add3A_95, %dma_start3A_110] : memref<2560x128xi32, #tpu.memory_space<hbm>> -> memref<32x128xi32, #tpu.memory_space<hbm>>
        %dma_start3A_112 = arith.constant 0 : i32
        %dma_start3A_113 = tpu.memref_slice %arg3[%add3A_95, %dma_start3A_112] : memref<2560x128xi32, #tpu.memory_space<hbm>> -> memref<32x128xi32, #tpu.memory_space<hbm>>
        tpu.enqueue_dma source(%dma_start3A_113 : memref<32x128xi32, #tpu.memory_space<hbm>>) target(%arg6 : memref<32x128xi32, #tpu.memory_space<vmem>>) target_semaphore(%run_scoped3A : memref<!tpu.dma_semaphore, #tpu.memory_space<semaphore_mem>>)
        %dma_wait3A = arith.constant 0 : i32
        %dma_wait3A_114 = tpu.memref_slice %arg3[%add3A_95, %dma_wait3A] : memref<2560x128xi32, #tpu.memory_space<hbm>> -> memref<32x128xi32, #tpu.memory_space<hbm>>
        %dma_wait3A_115 = arith.constant 0 : i32
        %dma_wait3A_116 = tpu.memref_slice %arg3[%add3A_95, %dma_wait3A_115] : memref<2560x128xi32, #tpu.memory_space<hbm>> -> memref<32x128xi32, #tpu.memory_space<hbm>>
        tpu.wait_dma2 semaphore(%run_scoped3A : memref<!tpu.dma_semaphore, #tpu.memory_space<semaphore_mem>>) src(%dma_wait3A_116 : memref<32x128xi32, #tpu.memory_space<hbm>>) dst(%arg6 : memref<32x128xi32, #tpu.memory_space<vmem>>)
        tpu.yield
      }) : () -> ()
      %add3A_96 = arith.constant 128 : i32
      %add3A_97 = arith.addi %mul3A_30, %add3A_96 : i32
      "tpu.region"() ({
        %run_scoped3A = tpu.sem_alloc : memref<!tpu.dma_semaphore, #tpu.memory_space<semaphore_mem>>
        %dma_start3A_110 = arith.constant 0 : i32
        %dma_start3A_111 = tpu.memref_slice %arg4[%add3A_97, %dma_start3A_110] : memref<2560x128xi32, #tpu.memory_space<hbm>> -> memref<32x128xi32, #tpu.memory_space<hbm>>
        %dma_start3A_112 = arith.constant 0 : i32
        %dma_start3A_113 = tpu.memref_slice %arg4[%add3A_97, %dma_start3A_112] : memref<2560x128xi32, #tpu.memory_space<hbm>> -> memref<32x128xi32, #tpu.memory_space<hbm>>
        tpu.enqueue_dma source(%dma_start3A_113 : memref<32x128xi32, #tpu.memory_space<hbm>>) target(%arg7 : memref<32x128xi32, #tpu.memory_space<vmem>>) target_semaphore(%run_scoped3A : memref<!tpu.dma_semaphore, #tpu.memory_space<semaphore_mem>>)
        %dma_wait3A = arith.constant 0 : i32
        %dma_wait3A_114 = tpu.memref_slice %arg4[%add3A_97, %dma_wait3A] : memref<2560x128xi32, #tpu.memory_space<hbm>> -> memref<32x128xi32, #tpu.memory_space<hbm>>
        %dma_wait3A_115 = arith.constant 0 : i32
        %dma_wait3A_116 = tpu.memref_slice %arg4[%add3A_97, %dma_wait3A_115] : memref<2560x128xi32, #tpu.memory_space<hbm>> -> memref<32x128xi32, #tpu.memory_space<hbm>>
        tpu.wait_dma2 semaphore(%run_scoped3A : memref<!tpu.dma_semaphore, #tpu.memory_space<semaphore_mem>>) src(%dma_wait3A_116 : memref<32x128xi32, #tpu.memory_space<hbm>>) dst(%arg7 : memref<32x128xi32, #tpu.memory_space<vmem>>)
        tpu.yield
      }) : () -> ()
      %dma_start3A_98 = arith.constant 0 : i32
      %dma_start3A_99 = arith.constant 0 : i32
      %dma_start3A_100 = tpu.memref_slice %arg6[%dma_start3A_98, %dma_start3A_99] : memref<32x128xi32, #tpu.memory_space<vmem>> -> memref<1x128xi32, #tpu.memory_space<vmem>>
      %dma_start3A_101 = tpu.memref_squeeze %dma_start3A_100 : memref<1x128xi32, #tpu.memory_space<vmem>> -> memref<128xi32, #tpu.memory_space<vmem>>
      %dma_start3A_102 = arith.constant 0 : i32
      %dma_start3A_103 = arith.constant 0 : i32
      %dma_start3A_104 = tpu.memref_slice %arg2[%dma_start3A_102, %dma_start3A_103] : memref<10000x128xf32, #tpu.memory_space<hbm>> -> memref<10000x128xf32, #tpu.memory_space<hbm>>
      tpu.enqueue_indirect_dma source(%dma_start3A_104 : memref<10000x128xf32, #tpu.memory_space<hbm>>) target(%arg8 : memref<128x128xf32, #tpu.memory_space<vmem>>) offsets(%dma_start3A_101 : memref<128xi32, #tpu.memory_space<vmem>>) semaphore(%arg10 : memref<!tpu.dma_semaphore, #tpu.memory_space<semaphore_mem>>)
      %scan3A_105 = arith.constant 0 : i32
      %scan3A_106 = arith.constant 16 : i32
      %scan3A_107 = arith.addi %scan3A_105, %scan3A_106 : i32
      %scan3A_108 = arith.constant 1 : i32
      scf.for %scan3A_110 = %scan3A_105 to %scan3A_107 step %scan3A_108  : i32 {
        %mul3A_111 = arith.constant 2 : i32
        %mul3A_112 = arith.muli %scan3A_110, %mul3A_111 : i32
        %add3A_113 = arith.constant 0 : i32
        %add3A_114 = arith.addi %add3A_113, %mul3A_112 : i32
        %add3A_115 = arith.constant 1 : i32
        %add3A_116 = arith.addi %add3A_114, %add3A_115 : i32
        %lt3A = arith.constant 32 : i32
        %lt3A_117 = arith.cmpi slt, %add3A_116, %lt3A : i32
        %convert_element_type3A_118 = arith.extui %lt3A_117 : i1 to i32
        %cond3A_119 = arith.constant 0 : i32
        %cond3A_120 = arith.cmpi ne, %convert_element_type3A_118, %cond3A_119 : i32
        scf.if %cond3A_120 {
          %add3A_140 = arith.constant 1 : i32
          %add3A_141 = arith.addi %add3A_114, %add3A_140 : i32
          %dma_start3A_142 = arith.constant 0 : i32
          %dma_start3A_143 = tpu.memref_slice %arg6[%add3A_141, %dma_start3A_142] : memref<32x128xi32, #tpu.memory_space<vmem>> -> memref<1x128xi32, #tpu.memory_space<vmem>>
          %dma_start3A_144 = tpu.memref_squeeze %dma_start3A_143 : memref<1x128xi32, #tpu.memory_space<vmem>> -> memref<128xi32, #tpu.memory_space<vmem>>
          %dma_start3A_145 = arith.constant 0 : i32
          %dma_start3A_146 = arith.constant 0 : i32
          %dma_start3A_147 = tpu.memref_slice %arg2[%dma_start3A_145, %dma_start3A_146] : memref<10000x128xf32, #tpu.memory_space<hbm>> -> memref<10000x128xf32, #tpu.memory_space<hbm>>
          tpu.enqueue_indirect_dma source(%dma_start3A_147 : memref<10000x128xf32, #tpu.memory_space<hbm>>) target(%arg9 : memref<128x128xf32, #tpu.memory_space<vmem>>) offsets(%dma_start3A_144 : memref<128xi32, #tpu.memory_space<vmem>>) semaphore(%arg11 : memref<!tpu.dma_semaphore, #tpu.memory_space<semaphore_mem>>)
        } else {
        }
        %dma_wait3A = arith.constant 0 : i32
        %dma_wait3A_121 = tpu.memref_slice %arg6[%add3A_114, %dma_wait3A] : memref<32x128xi32, #tpu.memory_space<vmem>> -> memref<1x128xi32, #tpu.memory_space<vmem>>
        %dma_wait3A_122 = tpu.memref_squeeze %dma_wait3A_121 : memref<1x128xi32, #tpu.memory_space<vmem>> -> memref<128xi32, #tpu.memory_space<vmem>>
        %dma_wait3A_123 = arith.constant 0 : i32
        %dma_wait3A_124 = arith.constant 0 : i32
        %dma_wait3A_125 = tpu.memref_slice %arg2[%dma_wait3A_123, %dma_wait3A_124] : memref<10000x128xf32, #tpu.memory_space<hbm>> -> memref<10000x128xf32, #tpu.memory_space<hbm>>
        tpu.wait_indirect_dma semaphore(%arg10 : memref<!tpu.dma_semaphore, #tpu.memory_space<semaphore_mem>>) src(%dma_wait3A_125 : memref<10000x128xf32, #tpu.memory_space<hbm>>) dst(%arg8 : memref<128x128xf32, #tpu.memory_space<vmem>>)
        "tpu.region"() ({
          %run_scoped3A = tpu.sem_alloc : memref<!tpu.dma_semaphore, #tpu.memory_space<semaphore_mem>>
          %dma_start3A_140 = arith.constant 0 : i32
          %dma_start3A_141 = tpu.memref_slice %arg7[%add3A_114, %dma_start3A_140] : memref<32x128xi32, #tpu.memory_space<vmem>> -> memref<1x128xi32, #tpu.memory_space<vmem>>
          %dma_start3A_142 = tpu.memref_squeeze %dma_start3A_141 : memref<1x128xi32, #tpu.memory_space<vmem>> -> memref<128xi32, #tpu.memory_space<vmem>>
          %dma_start3A_143 = arith.constant 0 : i32
          %dma_start3A_144 = arith.constant 0 : i32
          %dma_start3A_145 = tpu.memref_slice %arg12[%dma_start3A_143, %dma_start3A_144] : memref<10112x128xf32, #tpu.memory_space<vmem_shared>> -> memref<10112x128xf32, #tpu.memory_space<vmem_shared>>
          tpu.enqueue_indirect_dma source(%arg8 : memref<128x128xf32, #tpu.memory_space<vmem>>) target(%dma_start3A_145 : memref<10112x128xf32, #tpu.memory_space<vmem_shared>>) offsets(%dma_start3A_142 : memref<128xi32, #tpu.memory_space<vmem>>) semaphore(%run_scoped3A : memref<!tpu.dma_semaphore, #tpu.memory_space<semaphore_mem>>) {add = true}
          %dma_wait3A_146 = arith.constant 0 : i32
          %dma_wait3A_147 = tpu.memref_slice %arg7[%add3A_114, %dma_wait3A_146] : memref<32x128xi32, #tpu.memory_space<vmem>> -> memref<1x128xi32, #tpu.memory_space<vmem>>
          %dma_wait3A_148 = tpu.memref_squeeze %dma_wait3A_147 : memref<1x128xi32, #tpu.memory_space<vmem>> -> memref<128xi32, #tpu.memory_space<vmem>>
          %dma_wait3A_149 = arith.constant 0 : i32
          %dma_wait3A_150 = arith.constant 0 : i32
          %dma_wait3A_151 = tpu.memref_slice %arg12[%dma_wait3A_149, %dma_wait3A_150] : memref<10112x128xf32, #tpu.memory_space<vmem_shared>> -> memref<10112x128xf32, #tpu.memory_space<vmem_shared>>
          tpu.wait_indirect_dma semaphore(%run_scoped3A : memref<!tpu.dma_semaphore, #tpu.memory_space<semaphore_mem>>) src(%arg8 : memref<128x128xf32, #tpu.memory_space<vmem>>) dst(%dma_wait3A_151 : memref<10112x128xf32, #tpu.memory_space<vmem_shared>>)
          tpu.yield
        }) : () -> ()
        %add3A_126 = arith.constant 2 : i32
        %add3A_127 = arith.addi %add3A_114, %add3A_126 : i32
        %lt3A_128 = arith.constant 32 : i32
        %lt3A_129 = arith.cmpi slt, %add3A_127, %lt3A_128 : i32
        %convert_element_type3A_130 = arith.extui %lt3A_129 : i1 to i32
        %cond3A_131 = arith.constant 0 : i32
        %cond3A_132 = arith.cmpi ne, %convert_element_type3A_130, %cond3A_131 : i32
        scf.if %cond3A_132 {
          %add3A_140 = arith.constant 2 : i32
          %add3A_141 = arith.addi %add3A_114, %add3A_140 : i32
          %dma_start3A_142 = arith.constant 0 : i32
          %dma_start3A_143 = tpu.memref_slice %arg6[%add3A_141, %dma_start3A_142] : memref<32x128xi32, #tpu.memory_space<vmem>> -> memref<1x128xi32, #tpu.memory_space<vmem>>
          %dma_start3A_144 = tpu.memref_squeeze %dma_start3A_143 : memref<1x128xi32, #tpu.memory_space<vmem>> -> memref<128xi32, #tpu.memory_space<vmem>>
          %dma_start3A_145 = arith.constant 0 : i32
          %dma_start3A_146 = arith.constant 0 : i32
          %dma_start3A_147 = tpu.memref_slice %arg2[%dma_start3A_145, %dma_start3A_146] : memref<10000x128xf32, #tpu.memory_space<hbm>> -> memref<10000x128xf32, #tpu.memory_space<hbm>>
          tpu.enqueue_indirect_dma source(%dma_start3A_147 : memref<10000x128xf32, #tpu.memory_space<hbm>>) target(%arg8 : memref<128x128xf32, #tpu.memory_space<vmem>>) offsets(%dma_start3A_144 : memref<128xi32, #tpu.memory_space<vmem>>) semaphore(%arg10 : memref<!tpu.dma_semaphore, #tpu.memory_space<semaphore_mem>>)
        } else {
        }
        %add3A_133 = arith.constant 1 : i32
        %add3A_134 = arith.addi %add3A_114, %add3A_133 : i32
        %lt3A_135 = arith.constant 32 : i32
        %lt3A_136 = arith.cmpi slt, %add3A_134, %lt3A_135 : i32
        %convert_element_type3A_137 = arith.extui %lt3A_136 : i1 to i32
        %cond3A_138 = arith.constant 0 : i32
        %cond3A_139 = arith.cmpi ne, %convert_element_type3A_137, %cond3A_138 : i32
        scf.if %cond3A_139 {
          %add3A_140 = arith.constant 1 : i32
          %add3A_141 = arith.addi %add3A_114, %add3A_140 : i32
          %dma_wait3A_142 = arith.constant 0 : i32
          %dma_wait3A_143 = tpu.memref_slice %arg6[%add3A_141, %dma_wait3A_142] : memref<32x128xi32, #tpu.memory_space<vmem>> -> memref<1x128xi32, #tpu.memory_space<vmem>>
          %dma_wait3A_144 = tpu.memref_squeeze %dma_wait3A_143 : memref<1x128xi32, #tpu.memory_space<vmem>> -> memref<128xi32, #tpu.memory_space<vmem>>
          %dma_wait3A_145 = arith.constant 0 : i32
          %dma_wait3A_146 = arith.constant 0 : i32
          %dma_wait3A_147 = tpu.memref_slice %arg2[%dma_wait3A_145, %dma_wait3A_146] : memref<10000x128xf32, #tpu.memory_space<hbm>> -> memref<10000x128xf32, #tpu.memory_space<hbm>>
          tpu.wait_indirect_dma semaphore(%arg11 : memref<!tpu.dma_semaphore, #tpu.memory_space<semaphore_mem>>) src(%dma_wait3A_147 : memref<10000x128xf32, #tpu.memory_space<hbm>>) dst(%arg9 : memref<128x128xf32, #tpu.memory_space<vmem>>)
          %add3A_148 = arith.constant 1 : i32
          %add3A_149 = arith.addi %add3A_114, %add3A_148 : i32
          "tpu.region"() ({
            %run_scoped3A = tpu.sem_alloc : memref<!tpu.dma_semaphore, #tpu.memory_space<semaphore_mem>>
            %dma_start3A_150 = arith.constant 0 : i32
            %dma_start3A_151 = tpu.memref_slice %arg7[%add3A_149, %dma_start3A_150] : memref<32x128xi32, #tpu.memory_space<vmem>> -> memref<1x128xi32, #tpu.memory_space<vmem>>
            %dma_start3A_152 = tpu.memref_squeeze %dma_start3A_151 : memref<1x128xi32, #tpu.memory_space<vmem>> -> memref<128xi32, #tpu.memory_space<vmem>>
            %dma_start3A_153 = arith.constant 0 : i32
            %dma_start3A_154 = arith.constant 0 : i32
            %dma_start3A_155 = tpu.memref_slice %arg12[%dma_start3A_153, %dma_start3A_154] : memref<10112x128xf32, #tpu.memory_space<vmem_shared>> -> memref<10112x128xf32, #tpu.memory_space<vmem_shared>>
            tpu.enqueue_indirect_dma source(%arg9 : memref<128x128xf32, #tpu.memory_space<vmem>>) target(%dma_start3A_155 : memref<10112x128xf32, #tpu.memory_space<vmem_shared>>) offsets(%dma_start3A_152 : memref<128xi32, #tpu.memory_space<vmem>>) semaphore(%run_scoped3A : memref<!tpu.dma_semaphore, #tpu.memory_space<semaphore_mem>>) {add = true}
            %dma_wait3A_156 = arith.constant 0 : i32
            %dma_wait3A_157 = tpu.memref_slice %arg7[%add3A_149, %dma_wait3A_156] : memref<32x128xi32, #tpu.memory_space<vmem>> -> memref<1x128xi32, #tpu.memory_space<vmem>>
            %dma_wait3A_158 = tpu.memref_squeeze %dma_wait3A_157 : memref<1x128xi32, #tpu.memory_space<vmem>> -> memref<128xi32, #tpu.memory_space<vmem>>
            %dma_wait3A_159 = arith.constant 0 : i32
            %dma_wait3A_160 = arith.constant 0 : i32
            %dma_wait3A_161 = tpu.memref_slice %arg12[%dma_wait3A_159, %dma_wait3A_160] : memref<10112x128xf32, #tpu.memory_space<vmem_shared>> -> memref<10112x128xf32, #tpu.memory_space<vmem_shared>>
            tpu.wait_indirect_dma semaphore(%run_scoped3A : memref<!tpu.dma_semaphore, #tpu.memory_space<semaphore_mem>>) src(%arg9 : memref<128x128xf32, #tpu.memory_space<vmem>>) dst(%dma_wait3A_161 : memref<10112x128xf32, #tpu.memory_space<vmem_shared>>)
            tpu.yield
          }) : () -> ()
        } else {
        }
      }
      %scan3A_109 = arith.constant 16 : i32
    } else {
    }
    %barrier3A_24 = arith.constant 0 : index
    tpu.barrier barrier_id(%barrier3A_24)
    %mul3A_25 = arith.constant 632 : i32
    %mul3A_26 = arith.muli %arg1, %mul3A_25 : i32
    %mul3A_27 = arith.constant 632 : i32
    %mul3A_28 = arith.muli %arg1, %mul3A_27 : i32
    "tpu.region"() ({
      %run_scoped3A = tpu.sem_alloc : memref<!tpu.dma_semaphore, #tpu.memory_space<semaphore_mem>>
      %dma_start3A = arith.constant 0 : i32
      %dma_start3A_29 = tpu.memref_slice %arg5[%arg0, %mul3A_28, %dma_start3A] : memref<2x10112x128xf32, #tpu.memory_space<hbm>> -> memref<1x632x128xf32, #tpu.memory_space<hbm>>
      %dma_start3A_30 = tpu.memref_squeeze %dma_start3A_29 : memref<1x632x128xf32, #tpu.memory_space<hbm>> -> memref<632x128xf32, #tpu.memory_space<hbm>>
      %dma_start3A_31 = arith.constant 0 : i32
      %dma_start3A_32 = tpu.memref_slice %arg12[%mul3A_26, %dma_start3A_31] : memref<10112x128xf32, #tpu.memory_space<vmem_shared>> -> memref<632x128xf32, #tpu.memory_space<vmem_shared>>
      tpu.enqueue_dma source(%dma_start3A_32 : memref<632x128xf32, #tpu.memory_space<vmem_shared>>) target(%dma_start3A_30 : memref<632x128xf32, #tpu.memory_space<hbm>>) target_semaphore(%run_scoped3A : memref<!tpu.dma_semaphore, #tpu.memory_space<semaphore_mem>>)
      %dma_wait3A = arith.constant 0 : i32
      %dma_wait3A_33 = tpu.memref_slice %arg5[%arg0, %mul3A_28, %dma_wait3A] : memref<2x10112x128xf32, #tpu.memory_space<hbm>> -> memref<1x632x128xf32, #tpu.memory_space<hbm>>
      %dma_wait3A_34 = tpu.memref_squeeze %dma_wait3A_33 : memref<1x632x128xf32, #tpu.memory_space<hbm>> -> memref<632x128xf32, #tpu.memory_space<hbm>>
      %dma_wait3A_35 = arith.constant 0 : i32
      %dma_wait3A_36 = tpu.memref_slice %arg12[%mul3A_26, %dma_wait3A_35] : memref<10112x128xf32, #tpu.memory_space<vmem_shared>> -> memref<632x128xf32, #tpu.memory_space<vmem_shared>>
      tpu.wait_dma2 semaphore(%run_scoped3A : memref<!tpu.dma_semaphore, #tpu.memory_space<semaphore_mem>>) src(%dma_wait3A_36 : memref<632x128xf32, #tpu.memory_space<vmem_shared>>) dst(%dma_wait3A_34 : memref<632x128xf32, #tpu.memory_space<hbm>>)
      tpu.yield
    }) : () -> ()
    return
  }
}

module attributes {stable_mosaic.version = 14 : i64} {
  func.func @body(%arg0: i32, %arg1: memref<400x128xf32, #tpu.memory_space<vmem>>, %arg2: memref<128x128xf32, #tpu.memory_space<vmem>>, %arg3: memref<2x400x1xf32, #tpu.memory_space<vmem>>, %arg4: memref<400x128xf32, #tpu.memory_space<vmem>>, %arg5: memref<400x1xf32, #tpu.memory_space<vmem>>) attributes {dimension_semantics = [#tpu.dimension_semantics<arbitrary>], iteration_bounds = array<i64: 25>, scalar_prefetch = 0 : i64, scratch_operands = 0 : i64, tpu.core_type = #tpu.core_type<tc>, window_params = [{transform_indices = @transform_0, window_bounds = array<i64: 400, 128>}, {pipeline_mode = #tpu.pipeline_mode<synchronous>, transform_indices = @transform_1, window_bounds = array<i64: 128, 128>}, {transform_indices = @transform_2, window_bounds = array<i64: 2, 400, 1>}, {transform_indices = @transform_3, window_bounds = array<i64: 400, 128>}, {transform_indices = @transform_4, window_bounds = array<i64: 400, 1>}]} {
    %get3A = arith.constant 0 : index
    %get3A_0 = arith.constant 0 : index
    %get3A_1 = arith.constant 0 : index
    %get3A_2 = vector.load %arg3[%get3A, %get3A_0, %get3A_1] : memref<2x400x1xf32, #tpu.memory_space<vmem>>, vector<1x400x1xf32>
    %get3A_3 = vector.shape_cast %get3A_2 : vector<1x400x1xf32> to vector<400x1xf32>
    %get3A_4 = arith.constant 1 : index
    %get3A_5 = arith.constant 0 : index
    %get3A_6 = arith.constant 0 : index
    %get3A_7 = vector.load %arg3[%get3A_4, %get3A_5, %get3A_6] : memref<2x400x1xf32, #tpu.memory_space<vmem>>, vector<1x400x1xf32>
    %get3A_8 = vector.shape_cast %get3A_7 : vector<1x400x1xf32> to vector<400x1xf32>
    %add3A = arith.addf %get3A_3, %get3A_8 : vector<400x1xf32>
    %rsqrt3A = math.rsqrt %add3A : vector<400x1xf32>
    %get3A_9 = arith.constant 0 : index
    %get3A_10 = arith.constant 0 : index
    %get3A_11 = vector.load %arg1[%get3A_9, %get3A_10] : memref<400x128xf32, #tpu.memory_space<vmem>>, vector<400x128xf32>
    %get3A_12 = arith.constant 0 : index
    %get3A_13 = arith.constant 0 : index
    %get3A_14 = vector.load %arg2[%get3A_12, %get3A_13] : memref<128x128xf32, #tpu.memory_space<vmem>>, vector<128x128xf32>
    %dot_general3A = arith.constant dense<0.000000e+00> : vector<400x128xf32>
    %dot_general3A_15 = tpu.matmul %get3A_11, %get3A_14, %dot_general3A {dimension_numbers = #tpu.dot_dimension_numbers<[1], [0], [0], [1], [0, 0, 1, 1], [], []>, transpose_lhs_hint = false} : vector<400x128xf32>, vector<128x128xf32>, vector<400x128xf32> -> vector<400x128xf32>
    %mul3A = vector.broadcast %rsqrt3A : vector<400x1xf32> to vector<400x128xf32>
    %mul3A_16 = arith.mulf %dot_general3A_15, %mul3A : vector<400x128xf32>
    %swap3A = arith.constant 0 : index
    %swap3A_17 = arith.constant 0 : index
    %swap3A_18 = vector.load %arg4[%swap3A, %swap3A_17] : memref<400x128xf32, #tpu.memory_space<vmem>>, vector<400x128xf32>
    tpu.vector_store %arg4[%swap3A, %swap3A_17], %mul3A_16 {strides = array<i32>} : memref<400x128xf32, #tpu.memory_space<vmem>>, vector<400x128xf32>,
    %swap3A_19 = arith.constant 0 : index
    %swap3A_20 = arith.constant 0 : index
    %swap3A_21 = vector.load %arg5[%swap3A_19, %swap3A_20] : memref<400x1xf32, #tpu.memory_space<vmem>>, vector<400x1xf32>
    tpu.vector_store %arg5[%swap3A_19, %swap3A_20], %rsqrt3A {strides = array<i32>} : memref<400x1xf32, #tpu.memory_space<vmem>>, vector<400x1xf32>,
    return
  }
  func.func @transform_0(%arg0: i32) -> (i32, i32) {
    %c0_i32 = arith.constant 0 : i32
    %c0_i32_0 = arith.constant 0 : i32
    return %arg0, %c0_i32 : i32, i32
  }
  func.func @transform_1(%arg0: i32) -> (i32, i32) {
    %c0_i32 = arith.constant 0 : i32
    %c0_i32_0 = arith.constant 0 : i32
    %c0_i32_1 = arith.constant 0 : i32
    return %c0_i32, %c0_i32_0 : i32, i32
  }
  func.func @transform_2(%arg0: i32) -> (i32, i32, i32) {
    %c0_i32 = arith.constant 0 : i32
    %c0_i32_0 = arith.constant 0 : i32
    %c0_i32_1 = arith.constant 0 : i32
    return %c0_i32, %arg0, %c0_i32_0 : i32, i32, i32
  }
  func.func @transform_3(%arg0: i32) -> (i32, i32) {
    %c0_i32 = arith.constant 0 : i32
    %c0_i32_0 = arith.constant 0 : i32
    return %arg0, %c0_i32 : i32, i32
  }
  func.func @transform_4(%arg0: i32) -> (i32, i32) {
    %c0_i32 = arith.constant 0 : i32
    %c0_i32_0 = arith.constant 0 : i32
    return %arg0, %c0_i32 : i32, i32
  }
}

module attributes {stable_mosaic.version = 14 : i64} {
  func.func @body(%arg0: i32, %arg1: memref<2x400x128xf32, #tpu.memory_space<vmem>>, %arg2: memref<400x128xf32, #tpu.memory_space<vmem>>, %arg3: memref<400x1xf32, #tpu.memory_space<vmem>>, %arg4: memref<1x128xf32, #tpu.memory_space<vmem>>, %arg5: memref<128x128xf32, #tpu.memory_space<vmem>>, %arg6: memref<1x1x400xi32, #tpu.memory_space<vmem>>, %arg7: memref<400x128xf32, #tpu.memory_space<vmem>>, %arg8: memref<64x128xf32, #tpu.memory_space<vmem>>, %arg9: memref<64x1xf32, #tpu.memory_space<vmem>>) attributes {dimension_semantics = [#tpu.dimension_semantics<arbitrary>], iteration_bounds = array<i64: 25>, scalar_prefetch = 0 : i64, scratch_operands = 0 : i64, tpu.core_type = #tpu.core_type<tc>, window_params = [{transform_indices = @transform_0, window_bounds = array<i64: 2, 400, 128>}, {transform_indices = @transform_1, window_bounds = array<i64: 400, 128>}, {transform_indices = @transform_2, window_bounds = array<i64: 400, 1>}, {pipeline_mode = #tpu.pipeline_mode<synchronous>, transform_indices = @transform_3, window_bounds = array<i64: 1, 128>}, {pipeline_mode = #tpu.pipeline_mode<synchronous>, transform_indices = @transform_4, window_bounds = array<i64: 128, 128>}, {transform_indices = @transform_5, window_bounds = array<i64: 1, 1, 400>}, {transform_indices = @transform_6, window_bounds = array<i64: 400, 128>}, {pipeline_mode = #tpu.pipeline_mode<synchronous>, transform_indices = @transform_7, window_bounds = array<i64: 64, 128>}, {pipeline_mode = #tpu.pipeline_mode<synchronous>, transform_indices = @transform_8, window_bounds = array<i64: 64, 1>}]} {
    %get3A = arith.constant 0 : index
    %get3A_0 = arith.constant 0 : index
    %get3A_1 = vector.load %arg3[%get3A, %get3A_0] : memref<400x1xf32, #tpu.memory_space<vmem>>, vector<400x1xf32>
    %get3A_2 = arith.constant 0 : index
    %get3A_3 = arith.constant 0 : index
    %get3A_4 = arith.constant 0 : index
    %get3A_5 = vector.load %arg1[%get3A_2, %get3A_3, %get3A_4] : memref<2x400x128xf32, #tpu.memory_space<vmem>>, vector<1x400x128xf32>
    %get3A_6 = vector.shape_cast %get3A_5 : vector<1x400x128xf32> to vector<400x128xf32>
    %get3A_7 = arith.constant 1 : index
    %get3A_8 = arith.constant 0 : index
    %get3A_9 = arith.constant 0 : index
    %get3A_10 = vector.load %arg1[%get3A_7, %get3A_8, %get3A_9] : memref<2x400x128xf32, #tpu.memory_space<vmem>>, vector<1x400x128xf32>
    %get3A_11 = vector.shape_cast %get3A_10 : vector<1x400x128xf32> to vector<400x128xf32>
    %add3A = arith.addf %get3A_6, %get3A_11 : vector<400x128xf32>
    %get3A_12 = arith.constant 0 : index
    %get3A_13 = arith.constant 0 : index
    %get3A_14 = vector.load %arg2[%get3A_12, %get3A_13] : memref<400x128xf32, #tpu.memory_space<vmem>>, vector<400x128xf32>
    %add3A_15 = arith.addf %add3A, %get3A_14 : vector<400x128xf32>
    %mul3A = vector.broadcast %get3A_1 : vector<400x1xf32> to vector<400x128xf32>
    %mul3A_16 = arith.mulf %mul3A, %add3A_15 : vector<400x128xf32>
    %get3A_17 = arith.constant 0 : index
    %get3A_18 = arith.constant 0 : index
    %get3A_19 = vector.load %arg4[%get3A_17, %get3A_18] : memref<1x128xf32, #tpu.memory_space<vmem>>, vector<1x128xf32>
    %add3A_20 = vector.broadcast %get3A_19 : vector<1x128xf32> to vector<400x128xf32>
    %add3A_21 = arith.addf %mul3A_16, %add3A_20 : vector<400x128xf32>
    %max3A = arith.constant 0.000000e+00 : f32
    %max3A_22 = vector.broadcast %max3A : f32 to vector<400x128xf32>
    %max3A_23 = arith.maximumf %add3A_21, %max3A_22 : vector<400x128xf32>
    %get3A_24 = arith.constant 0 : index
    %get3A_25 = arith.constant 0 : index
    %get3A_26 = vector.load %arg5[%get3A_24, %get3A_25] : memref<128x128xf32, #tpu.memory_space<vmem>>, vector<128x128xf32>
    %dot_general3A = arith.constant dense<0.000000e+00> : vector<400x128xf32>
    %dot_general3A_27 = tpu.matmul %max3A_23, %get3A_26, %dot_general3A {dimension_numbers = #tpu.dot_dimension_numbers<[1], [0], [0], [1], [0, 0, 1, 1], [], []>, transpose_lhs_hint = false} : vector<400x128xf32>, vector<128x128xf32>, vector<400x128xf32> -> vector<400x128xf32>
    %mul3A_28 = vector.broadcast %get3A_1 : vector<400x1xf32> to vector<400x128xf32>
    %mul3A_29 = arith.mulf %dot_general3A_27, %mul3A_28 : vector<400x128xf32>
    %swap3A = arith.constant 0 : index
    %swap3A_30 = arith.constant 0 : index
    %swap3A_31 = vector.load %arg7[%swap3A, %swap3A_30] : memref<400x128xf32, #tpu.memory_space<vmem>>, vector<400x128xf32>
    tpu.vector_store %arg7[%swap3A, %swap3A_30], %mul3A_29 {strides = array<i32>} : memref<400x128xf32, #tpu.memory_space<vmem>>, vector<400x128xf32>,
    %get3A_32 = arith.constant 0 : index
    %get3A_33 = arith.constant 0 : index
    %get3A_34 = arith.constant 0 : index
    %get3A_35 = vector.load %arg6[%get3A_32, %get3A_33, %get3A_34] : memref<1x1x400xi32, #tpu.memory_space<vmem>>, vector<1x1x400xi32>
    %get3A_36 = vector.shape_cast %get3A_35 : vector<1x1x400xi32> to vector<1x400xi32>
    %iota3A = tpu.iota {dimensions = array<i32: 0>} : vector<64x400xi32>
    %eq3A = vector.broadcast %get3A_36 : vector<1x400xi32> to vector<64x400xi32>
    %eq3A_37 = arith.cmpi eq, %iota3A, %eq3A : vector<64x400xi32>
    %jit3A = arith.constant 1.000000e+00 : f32
    %jit3A_38 = arith.constant 0.000000e+00 : f32
    %broadcast_in_dim3A = vector.broadcast %jit3A : f32 to vector<64x400xf32>
    %broadcast_in_dim3A_39 = vector.broadcast %jit3A_38 : f32 to vector<64x400xf32>
    %select_n3A = arith.select %eq3A_37, %broadcast_in_dim3A, %broadcast_in_dim3A_39 : vector<64x400xi1>, vector<64x400xf32>
    %eq3A_40 = arith.constant 0 : i32
    %eq3A_41 = arith.cmpi eq, %arg0, %eq3A_40 : i32
    %convert_element_type3A = arith.extui %eq3A_41 : i1 to i32
    %cond3A = arith.constant 0 : i32
    %cond3A_42 = arith.cmpi ne, %convert_element_type3A, %cond3A : i32
    scf.if %cond3A_42 {
      %broadcast_in_dim3A_61 = arith.constant 0.000000e+00 : f32
      %broadcast_in_dim3A_62 = vector.broadcast %broadcast_in_dim3A_61 : f32 to vector<64x128xf32>
      %swap3A_63 = arith.constant 0 : index
      %swap3A_64 = arith.constant 0 : index
      %swap3A_65 = vector.load %arg8[%swap3A_63, %swap3A_64] : memref<64x128xf32, #tpu.memory_space<vmem>>, vector<64x128xf32>
      tpu.vector_store %arg8[%swap3A_63, %swap3A_64], %broadcast_in_dim3A_62 {strides = array<i32>} : memref<64x128xf32, #tpu.memory_space<vmem>>, vector<64x128xf32>,
      %broadcast_in_dim3A_66 = arith.constant 0.000000e+00 : f32
      %broadcast_in_dim3A_67 = vector.broadcast %broadcast_in_dim3A_66 : f32 to vector<64x1xf32>
      %swap3A_68 = arith.constant 0 : index
      %swap3A_69 = arith.constant 0 : index
      %swap3A_70 = vector.load %arg9[%swap3A_68, %swap3A_69] : memref<64x1xf32, #tpu.memory_space<vmem>>, vector<64x1xf32>
      tpu.vector_store %arg9[%swap3A_68, %swap3A_69], %broadcast_in_dim3A_67 {strides = array<i32>} : memref<64x1xf32, #tpu.memory_space<vmem>>, vector<64x1xf32>,
    } else {
    }
    %get3A_43 = arith.constant 0 : index
    %get3A_44 = arith.constant 0 : index
    %get3A_45 = vector.load %arg8[%get3A_43, %get3A_44] : memref<64x128xf32, #tpu.memory_space<vmem>>, vector<64x128xf32>
    %dot_general3A_46 = arith.constant dense<0.000000e+00> : vector<64x128xf32>
    %dot_general3A_47 = tpu.matmul %select_n3A, %max3A_23, %dot_general3A_46 {dimension_numbers = #tpu.dot_dimension_numbers<[1], [0], [0], [1], [0, 0, 1, 1], [], []>, transpose_lhs_hint = false} : vector<64x400xf32>, vector<400x128xf32>, vector<64x128xf32> -> vector<64x128xf32>
    %add3A_48 = arith.addf %get3A_45, %dot_general3A_47 : vector<64x128xf32>
    %swap3A_49 = arith.constant 0 : index
    %swap3A_50 = arith.constant 0 : index
    %swap3A_51 = vector.load %arg8[%swap3A_49, %swap3A_50] : memref<64x128xf32, #tpu.memory_space<vmem>>, vector<64x128xf32>
    tpu.vector_store %arg8[%swap3A_49, %swap3A_50], %add3A_48 {strides = array<i32>} : memref<64x128xf32, #tpu.memory_space<vmem>>, vector<64x128xf32>,
    %get3A_52 = arith.constant 0 : index
    %get3A_53 = arith.constant 0 : index
    %get3A_54 = vector.load %arg9[%get3A_52, %get3A_53] : memref<64x1xf32, #tpu.memory_space<vmem>>, vector<64x1xf32>
    %reduce_sum3A = arith.constant dense<0.000000e+00> : vector<64xf32>
    %reduce_sum3A_55 = vector.multi_reduction <add>, %select_n3A, %reduce_sum3A [1] : vector<64x400xf32> to vector<64xf32>
    %broadcast_in_dim3A_56 = vector.shape_cast %reduce_sum3A_55 : vector<64xf32> to vector<64x1xf32>
    %add3A_57 = arith.addf %get3A_54, %broadcast_in_dim3A_56 : vector<64x1xf32>
    %swap3A_58 = arith.constant 0 : index
    %swap3A_59 = arith.constant 0 : index
    %swap3A_60 = vector.load %arg9[%swap3A_58, %swap3A_59] : memref<64x1xf32, #tpu.memory_space<vmem>>, vector<64x1xf32>
    tpu.vector_store %arg9[%swap3A_58, %swap3A_59], %add3A_57 {strides = array<i32>} : memref<64x1xf32, #tpu.memory_space<vmem>>, vector<64x1xf32>,
    return
  }
  func.func @transform_0(%arg0: i32) -> (i32, i32, i32) {
    %c0_i32 = arith.constant 0 : i32
    %c0_i32_0 = arith.constant 0 : i32
    %c0_i32_1 = arith.constant 0 : i32
    return %c0_i32, %arg0, %c0_i32_0 : i32, i32, i32
  }
  func.func @transform_1(%arg0: i32) -> (i32, i32) {
    %c0_i32 = arith.constant 0 : i32
    %c0_i32_0 = arith.constant 0 : i32
    return %arg0, %c0_i32 : i32, i32
  }
  func.func @transform_2(%arg0: i32) -> (i32, i32) {
    %c0_i32 = arith.constant 0 : i32
    %c0_i32_0 = arith.constant 0 : i32
    return %arg0, %c0_i32 : i32, i32
  }
  func.func @transform_3(%arg0: i32) -> (i32, i32) {
    %c0_i32 = arith.constant 0 : i32
    %c0_i32_0 = arith.constant 0 : i32
    %c0_i32_1 = arith.constant 0 : i32
    return %c0_i32, %c0_i32_0 : i32, i32
  }
  func.func @transform_4(%arg0: i32) -> (i32, i32) {
    %c0_i32 = arith.constant 0 : i32
    %c0_i32_0 = arith.constant 0 : i32
    %c0_i32_1 = arith.constant 0 : i32
    return %c0_i32, %c0_i32_0 : i32, i32
  }
  func.func @transform_5(%arg0: i32) -> (i32, i32, i32) {
    %c0_i32 = arith.constant 0 : i32
    %c0_i32_0 = arith.constant 0 : i32
    %c0_i32_1 = arith.constant 0 : i32
    return %arg0, %c0_i32, %c0_i32_0 : i32, i32, i32
  }
  func.func @transform_6(%arg0: i32) -> (i32, i32) {
    %c0_i32 = arith.constant 0 : i32
    %c0_i32_0 = arith.constant 0 : i32
    return %arg0, %c0_i32 : i32, i32
  }
  func.func @transform_7(%arg0: i32) -> (i32, i32) {
    %c0_i32 = arith.constant 0 : i32
    %c0_i32_0 = arith.constant 0 : i32
    %c0_i32_1 = arith.constant 0 : i32
    return %c0_i32, %c0_i32_0 : i32, i32
  }
  func.func @transform_8(%arg0: i32) -> (i32, i32) {
    %c0_i32 = arith.constant 0 : i32
    %c0_i32_0 = arith.constant 0 : i32
    %c0_i32_1 = arith.constant 0 : i32
    return %c0_i32, %c0_i32_0 : i32, i32
  }
}

module attributes {stable_mosaic.version = 14 : i64} {
  func.func @body(%arg0: i32, %arg1: memref<2x400x128xf32, #tpu.memory_space<vmem>>, %arg2: memref<400x128xf32, #tpu.memory_space<vmem>>, %arg3: memref<400x1xf32, #tpu.memory_space<vmem>>, %arg4: memref<1x128xf32, #tpu.memory_space<vmem>>, %arg5: memref<1x1x400xi32, #tpu.memory_space<vmem>>, %arg6: memref<64x128xf32, #tpu.memory_space<vmem>>, %arg7: memref<64x1xf32, #tpu.memory_space<vmem>>, %arg8: memref<256x128xf32, #tpu.memory_space<vmem>>, %arg9: memref<1x128xf32, #tpu.memory_space<vmem>>, %arg10: memref<128x40xf32, #tpu.memory_space<vmem>>, %arg11: memref<1x40xf32, #tpu.memory_space<vmem>>, %arg12: memref<64x40xf32, #tpu.memory_space<vmem>>, %arg13: memref<64x128xf32, #tpu.memory_space<vmem>>) attributes {dimension_semantics = [#tpu.dimension_semantics<arbitrary>], iteration_bounds = array<i64: 25>, scalar_prefetch = 0 : i64, scratch_operands = 1 : i64, tpu.core_type = #tpu.core_type<tc>, window_params = [{transform_indices = @transform_0, window_bounds = array<i64: 2, 400, 128>}, {transform_indices = @transform_1, window_bounds = array<i64: 400, 128>}, {transform_indices = @transform_2, window_bounds = array<i64: 400, 1>}, {pipeline_mode = #tpu.pipeline_mode<synchronous>, transform_indices = @transform_3, window_bounds = array<i64: 1, 128>}, {transform_indices = @transform_4, window_bounds = array<i64: 1, 1, 400>}, {pipeline_mode = #tpu.pipeline_mode<synchronous>, transform_indices = @transform_5, window_bounds = array<i64: 64, 128>}, {pipeline_mode = #tpu.pipeline_mode<synchronous>, transform_indices = @transform_6, window_bounds = array<i64: 64, 1>}, {pipeline_mode = #tpu.pipeline_mode<synchronous>, transform_indices = @transform_7, window_bounds = array<i64: 256, 128>}, {pipeline_mode = #tpu.pipeline_mode<synchronous>, transform_indices = @transform_8, window_bounds = array<i64: 1, 128>}, {pipeline_mode = #tpu.pipeline_mode<synchronous>, transform_indices = @transform_9, window_bounds = array<i64: 128, 40>}, {pipeline_mode = #tpu.pipeline_mode<synchronous>, transform_indices = @transform_10, window_bounds = array<i64: 1, 40>}, {pipeline_mode = #tpu.pipeline_mode<synchronous>, transform_indices = @transform_11, window_bounds = array<i64: 64, 40>}]} {
    %get3A = arith.constant 0 : index
    %get3A_0 = arith.constant 0 : index
    %get3A_1 = vector.load %arg3[%get3A, %get3A_0] : memref<400x1xf32, #tpu.memory_space<vmem>>, vector<400x1xf32>
    %get3A_2 = arith.constant 0 : index
    %get3A_3 = arith.constant 0 : index
    %get3A_4 = arith.constant 0 : index
    %get3A_5 = vector.load %arg1[%get3A_2, %get3A_3, %get3A_4] : memref<2x400x128xf32, #tpu.memory_space<vmem>>, vector<1x400x128xf32>
    %get3A_6 = vector.shape_cast %get3A_5 : vector<1x400x128xf32> to vector<400x128xf32>
    %get3A_7 = arith.constant 1 : index
    %get3A_8 = arith.constant 0 : index
    %get3A_9 = arith.constant 0 : index
    %get3A_10 = vector.load %arg1[%get3A_7, %get3A_8, %get3A_9] : memref<2x400x128xf32, #tpu.memory_space<vmem>>, vector<1x400x128xf32>
    %get3A_11 = vector.shape_cast %get3A_10 : vector<1x400x128xf32> to vector<400x128xf32>
    %add3A = arith.addf %get3A_6, %get3A_11 : vector<400x128xf32>
    %get3A_12 = arith.constant 0 : index
    %get3A_13 = arith.constant 0 : index
    %get3A_14 = vector.load %arg2[%get3A_12, %get3A_13] : memref<400x128xf32, #tpu.memory_space<vmem>>, vector<400x128xf32>
    %add3A_15 = arith.addf %add3A, %get3A_14 : vector<400x128xf32>
    %mul3A = vector.broadcast %get3A_1 : vector<400x1xf32> to vector<400x128xf32>
    %mul3A_16 = arith.mulf %mul3A, %add3A_15 : vector<400x128xf32>
    %get3A_17 = arith.constant 0 : index
    %get3A_18 = arith.constant 0 : index
    %get3A_19 = vector.load %arg4[%get3A_17, %get3A_18] : memref<1x128xf32, #tpu.memory_space<vmem>>, vector<1x128xf32>
    %add3A_20 = vector.broadcast %get3A_19 : vector<1x128xf32> to vector<400x128xf32>
    %add3A_21 = arith.addf %mul3A_16, %add3A_20 : vector<400x128xf32>
    %max3A = arith.constant 0.000000e+00 : f32
    %max3A_22 = vector.broadcast %max3A : f32 to vector<400x128xf32>
    %max3A_23 = arith.maximumf %add3A_21, %max3A_22 : vector<400x128xf32>
    %get3A_24 = arith.constant 0 : index
    %get3A_25 = arith.constant 0 : index
    %get3A_26 = arith.constant 0 : index
    %get3A_27 = vector.load %arg5[%get3A_24, %get3A_25, %get3A_26] : memref<1x1x400xi32, #tpu.memory_space<vmem>>, vector<1x1x400xi32>
    %get3A_28 = vector.shape_cast %get3A_27 : vector<1x1x400xi32> to vector<1x400xi32>
    %iota3A = tpu.iota {dimensions = array<i32: 0>} : vector<64x400xi32>
    %eq3A = vector.broadcast %get3A_28 : vector<1x400xi32> to vector<64x400xi32>
    %eq3A_29 = arith.cmpi eq, %iota3A, %eq3A : vector<64x400xi32>
    %jit3A = arith.constant 1.000000e+00 : f32
    %jit3A_30 = arith.constant 0.000000e+00 : f32
    %broadcast_in_dim3A = vector.broadcast %jit3A : f32 to vector<64x400xf32>
    %broadcast_in_dim3A_31 = vector.broadcast %jit3A_30 : f32 to vector<64x400xf32>
    %select_n3A = arith.select %eq3A_29, %broadcast_in_dim3A, %broadcast_in_dim3A_31 : vector<64x400xi1>, vector<64x400xf32>
    %eq3A_32 = arith.constant 0 : i32
    %eq3A_33 = arith.cmpi eq, %arg0, %eq3A_32 : i32
    %convert_element_type3A = arith.extui %eq3A_33 : i1 to i32
    %cond3A = arith.constant 0 : i32
    %cond3A_34 = arith.cmpi ne, %convert_element_type3A, %cond3A : i32
    scf.if %cond3A_34 {
      %broadcast_in_dim3A_47 = arith.constant 0.000000e+00 : f32
      %broadcast_in_dim3A_48 = vector.broadcast %broadcast_in_dim3A_47 : f32 to vector<64x128xf32>
      %swap3A_49 = arith.constant 0 : index
      %swap3A_50 = arith.constant 0 : index
      %swap3A_51 = vector.load %arg13[%swap3A_49, %swap3A_50] : memref<64x128xf32, #tpu.memory_space<vmem>>, vector<64x128xf32>
      tpu.vector_store %arg13[%swap3A_49, %swap3A_50], %broadcast_in_dim3A_48 {strides = array<i32>} : memref<64x128xf32, #tpu.memory_space<vmem>>, vector<64x128xf32>,
    } else {
    }
    %get3A_35 = arith.constant 0 : index
    %get3A_36 = arith.constant 0 : index
    %get3A_37 = vector.load %arg13[%get3A_35, %get3A_36] : memref<64x128xf32, #tpu.memory_space<vmem>>, vector<64x128xf32>
    %dot_general3A = arith.constant dense<0.000000e+00> : vector<64x128xf32>
    %dot_general3A_38 = tpu.matmul %select_n3A, %max3A_23, %dot_general3A {dimension_numbers = #tpu.dot_dimension_numbers<[1], [0], [0], [1], [0, 0, 1, 1], [], []>, transpose_lhs_hint = false} : vector<64x400xf32>, vector<400x128xf32>, vector<64x128xf32> -> vector<64x128xf32>
    %add3A_39 = arith.addf %get3A_37, %dot_general3A_38 : vector<64x128xf32>
    %swap3A = arith.constant 0 : index
    %swap3A_40 = arith.constant 0 : index
    %swap3A_41 = vector.load %arg13[%swap3A, %swap3A_40] : memref<64x128xf32, #tpu.memory_space<vmem>>, vector<64x128xf32>
    tpu.vector_store %arg13[%swap3A, %swap3A_40], %add3A_39 {strides = array<i32>} : memref<64x128xf32, #tpu.memory_space<vmem>>, vector<64x128xf32>,
    %eq3A_42 = arith.constant 24 : i32
    %eq3A_43 = arith.cmpi eq, %arg0, %eq3A_42 : i32
    %convert_element_type3A_44 = arith.extui %eq3A_43 : i1 to i32
    %cond3A_45 = arith.constant 0 : i32
    %cond3A_46 = arith.cmpi ne, %convert_element_type3A_44, %cond3A_45 : i32
    scf.if %cond3A_46 {
      %get3A_47 = arith.constant 0 : index
      %get3A_48 = arith.constant 0 : index
      %get3A_49 = vector.load %arg7[%get3A_47, %get3A_48] : memref<64x1xf32, #tpu.memory_space<vmem>>, vector<64x1xf32>
      %max3A_50 = arith.constant 1.000000e+00 : f32
      %max3A_51 = vector.broadcast %max3A_50 : f32 to vector<64x1xf32>
      %max3A_52 = arith.maximumf %get3A_49, %max3A_51 : vector<64x1xf32>
      %get3A_53 = arith.constant 0 : index
      %get3A_54 = arith.constant 0 : index
      %get3A_55 = vector.load %arg6[%get3A_53, %get3A_54] : memref<64x128xf32, #tpu.memory_space<vmem>>, vector<64x128xf32>
      %div3A = vector.broadcast %max3A_52 : vector<64x1xf32> to vector<64x128xf32>
      %div3A_56 = arith.divf %get3A_55, %div3A : vector<64x128xf32>
      %get3A_57 = arith.constant 0 : index
      %get3A_58 = arith.constant 0 : index
      %get3A_59 = vector.load %arg13[%get3A_57, %get3A_58] : memref<64x128xf32, #tpu.memory_space<vmem>>, vector<64x128xf32>
      %div3A_60 = vector.broadcast %max3A_52 : vector<64x1xf32> to vector<64x128xf32>
      %div3A_61 = arith.divf %get3A_59, %div3A_60 : vector<64x128xf32>
      %concatenate3A = tpu.concatenate %div3A_56, %div3A_61 in 1 : vector<64x128xf32>, vector<64x128xf32> -> vector<64x256xf32>
      %get3A_62 = arith.constant 0 : index
      %get3A_63 = arith.constant 0 : index
      %get3A_64 = vector.load %arg8[%get3A_62, %get3A_63] : memref<256x128xf32, #tpu.memory_space<vmem>>, vector<256x128xf32>
      %dot_general3A_65 = arith.constant dense<0.000000e+00> : vector<64x128xf32>
      %dot_general3A_66 = tpu.matmul %concatenate3A, %get3A_64, %dot_general3A_65 {dimension_numbers = #tpu.dot_dimension_numbers<[1], [0], [0], [1], [0, 0, 1, 1], [], []>, transpose_lhs_hint = false} : vector<64x256xf32>, vector<256x128xf32>, vector<64x128xf32> -> vector<64x128xf32>
      %get3A_67 = arith.constant 0 : index
      %get3A_68 = arith.constant 0 : index
      %get3A_69 = vector.load %arg9[%get3A_67, %get3A_68] : memref<1x128xf32, #tpu.memory_space<vmem>>, vector<1x128xf32>
      %add3A_70 = vector.broadcast %get3A_69 : vector<1x128xf32> to vector<64x128xf32>
      %add3A_71 = arith.addf %dot_general3A_66, %add3A_70 : vector<64x128xf32>
      %max3A_72 = arith.constant 0.000000e+00 : f32
      %max3A_73 = vector.broadcast %max3A_72 : f32 to vector<64x128xf32>
      %max3A_74 = arith.maximumf %add3A_71, %max3A_73 : vector<64x128xf32>
      %get3A_75 = arith.constant 0 : index
      %get3A_76 = arith.constant 0 : index
      %get3A_77 = vector.load %arg10[%get3A_75, %get3A_76] : memref<128x40xf32, #tpu.memory_space<vmem>>, vector<128x40xf32>
      %dot_general3A_78 = arith.constant dense<0.000000e+00> : vector<64x40xf32>
      %dot_general3A_79 = tpu.matmul %max3A_74, %get3A_77, %dot_general3A_78 {dimension_numbers = #tpu.dot_dimension_numbers<[1], [0], [0], [1], [0, 0, 1, 1], [], []>, transpose_lhs_hint = false} : vector<64x128xf32>, vector<128x40xf32>, vector<64x40xf32> -> vector<64x40xf32>
      %get3A_80 = arith.constant 0 : index
      %get3A_81 = arith.constant 0 : index
      %get3A_82 = vector.load %arg11[%get3A_80, %get3A_81] : memref<1x40xf32, #tpu.memory_space<vmem>>, vector<1x40xf32>
      %add3A_83 = vector.broadcast %get3A_82 : vector<1x40xf32> to vector<64x40xf32>
      %add3A_84 = arith.addf %dot_general3A_79, %add3A_83 : vector<64x40xf32>
      %reduce_max3A = arith.constant dense<0xFF800000> : vector<64xf32>
      %reduce_max3A_85 = vector.multi_reduction <maximumf>, %add3A_84, %reduce_max3A [1] : vector<64x40xf32> to vector<64xf32>
      %broadcast_in_dim3A_86 = vector.shape_cast %reduce_max3A_85 : vector<64xf32> to vector<64x1xf32>
      %sub3A = vector.broadcast %broadcast_in_dim3A_86 : vector<64x1xf32> to vector<64x40xf32>
      %sub3A_87 = arith.subf %add3A_84, %sub3A : vector<64x40xf32>
      %exp3A = math.exp %sub3A_87 : vector<64x40xf32>
      %reduce_sum3A = arith.constant dense<0.000000e+00> : vector<64xf32>
      %reduce_sum3A_88 = vector.multi_reduction <add>, %exp3A, %reduce_sum3A [1] : vector<64x40xf32> to vector<64xf32>
      %broadcast_in_dim3A_89 = vector.shape_cast %reduce_sum3A_88 : vector<64xf32> to vector<64x1xf32>
      %log3A = math.log %broadcast_in_dim3A_89 : vector<64x1xf32>
      %sub3A_90 = vector.broadcast %broadcast_in_dim3A_86 : vector<64x1xf32> to vector<64x40xf32>
      %sub3A_91 = arith.subf %add3A_84, %sub3A_90 : vector<64x40xf32>
      %sub3A_92 = vector.broadcast %log3A : vector<64x1xf32> to vector<64x40xf32>
      %sub3A_93 = arith.subf %sub3A_91, %sub3A_92 : vector<64x40xf32>
      %swap3A_94 = arith.constant 0 : index
      %swap3A_95 = arith.constant 0 : index
      %swap3A_96 = vector.load %arg12[%swap3A_94, %swap3A_95] : memref<64x40xf32, #tpu.memory_space<vmem>>, vector<64x40xf32>
      tpu.vector_store %arg12[%swap3A_94, %swap3A_95], %sub3A_93 {strides = array<i32>} : memref<64x40xf32, #tpu.memory_space<vmem>>, vector<64x40xf32>,
    } else {
    }
    return
  }
  func.func @transform_0(%arg0: i32) -> (i32, i32, i32) {
    %c0_i32 = arith.constant 0 : i32
    %c0_i32_0 = arith.constant 0 : i32
    %c0_i32_1 = arith.constant 0 : i32
    return %c0_i32, %arg0, %c0_i32_0 : i32, i32, i32
  }
  func.func @transform_1(%arg0: i32) -> (i32, i32) {
    %c0_i32 = arith.constant 0 : i32
    %c0_i32_0 = arith.constant 0 : i32
    return %arg0, %c0_i32 : i32, i32
  }
  func.func @transform_2(%arg0: i32) -> (i32, i32) {
    %c0_i32 = arith.constant 0 : i32
    %c0_i32_0 = arith.constant 0 : i32
    return %arg0, %c0_i32 : i32, i32
  }
  func.func @transform_3(%arg0: i32) -> (i32, i32) {
    %c0_i32 = arith.constant 0 : i32
    %c0_i32_0 = arith.constant 0 : i32
    %c0_i32_1 = arith.constant 0 : i32
    return %c0_i32, %c0_i32_0 : i32, i32
  }
  func.func @transform_4(%arg0: i32) -> (i32, i32, i32) {
    %c0_i32 = arith.constant 0 : i32
    %c0_i32_0 = arith.constant 0 : i32
    %c0_i32_1 = arith.constant 0 : i32
    return %arg0, %c0_i32, %c0_i32_0 : i32, i32, i32
  }
  func.func @transform_5(%arg0: i32) -> (i32, i32) {
    %c0_i32 = arith.constant 0 : i32
    %c0_i32_0 = arith.constant 0 : i32
    %c0_i32_1 = arith.constant 0 : i32
    return %c0_i32, %c0_i32_0 : i32, i32
  }
  func.func @transform_6(%arg0: i32) -> (i32, i32) {
    %c0_i32 = arith.constant 0 : i32
    %c0_i32_0 = arith.constant 0 : i32
    %c0_i32_1 = arith.constant 0 : i32
    return %c0_i32, %c0_i32_0 : i32, i32
  }
  func.func @transform_7(%arg0: i32) -> (i32, i32) {
    %c0_i32 = arith.constant 0 : i32
    %c0_i32_0 = arith.constant 0 : i32
    %c0_i32_1 = arith.constant 0 : i32
    return %c0_i32, %c0_i32_0 : i32, i32
  }
  func.func @transform_8(%arg0: i32) -> (i32, i32) {
    %c0_i32 = arith.constant 0 : i32
    %c0_i32_0 = arith.constant 0 : i32
    %c0_i32_1 = arith.constant 0 : i32
    return %c0_i32, %c0_i32_0 : i32, i32
  }
  func.func @transform_9(%arg0: i32) -> (i32, i32) {
    %c0_i32 = arith.constant 0 : i32
    %c0_i32_0 = arith.constant 0 : i32
    %c0_i32_1 = arith.constant 0 : i32
    return %c0_i32, %c0_i32_0 : i32, i32
  }
  func.func @transform_10(%arg0: i32) -> (i32, i32) {
    %c0_i32 = arith.constant 0 : i32
    %c0_i32_0 = arith.constant 0 : i32
    %c0_i32_1 = arith.constant 0 : i32
    return %c0_i32, %c0_i32_0 : i32, i32
  }
  func.func @transform_11(%arg0: i32) -> (i32, i32) {
    %c0_i32 = arith.constant 0 : i32
    %c0_i32_0 = arith.constant 0 : i32
    %c0_i32_1 = arith.constant 0 : i32
    return %c0_i32, %c0_i32_0 : i32, i32
  }
}

</mosaic_0001>

<sc_bundles>
// kernel: kernel.11.cloned.1.call-start
scs
__scs_entry_jumppad:
0x0: {  	(pc) =	sbr.rel $0x88, $3  }
0x1: {  	(tag) =	ssettag $0x0;
	lr =	simm.s32 $0x1  }
0x2: {  	[smem:$0x3F96] =	sst lr;
	_ =	strace $0xD0000000  }
0x3: {  	_ = 	snop  }
0x4: {  	_ = 	snop  }
0x5: {  	_ = 	snop  }
0x6: {  	_ = 	snop  }
0x7: {  	_ = 	snop  }
__scs_overlays_trampoline_lowered:
0x8: {  	[smem:$0x3FA5] =	sst s0  }
0x9: {  	[smem:$0x3FA6] =	sst s1  }
0xa: {  	[smem:$0x3FA7] =	sst s2  }
0xb: {  	[smem:$0x3FA8] =	sst s3  }
0xc: {  	[smem:$0x3FA9] =	sst s4  }
0xd: {  	[smem:$0x3FAA] =	sst s5  }
0xe: {  	[smem:$0x3FAB] =	sst s6  }
0xf: {  	[smem:$0x3FAC] =	sst s7  }
0x10: {  	[smem:$0x3FAD] =	sst s8  }
0x11: {  	[smem:$0x3FAE] =	sst s9;
	s0 =	simm.s32 @!p0 $0x0  }
0x12: {  	s1 =	sld [smem:$0x3F94];
	s0 =	simm.s32 @p0 $0x1  }
0x13: {  	[smem:$0x3FAF] =	sst s0;
	s0 =	simm.s32 @!p1 $0x0  }
0x14: {  	s2 =	sld [smem:$0x3F93];
	s0 =	simm.s32 @p1 $0x1  }
0x15: {  	[smem:$0x3FB0] =	sst s0;
	s0 =	simm.s32 @!p2 $0x0  }
0x16: {  	s3 =	sld [smem:$0x3FDB];
	s0 =	simm.s32 @p2 $0x1  }
0x17: {  	s4 =	simm.s32 $0x1BF5;
	[smem:$0x3FB2] =	sst s0  }
0x18: {  	s0 =	sld [smem:$0x3F95];
	_ =	swait.ge [sflag:s4], $0x0  }
0x19: {  	s7 =	sld [smem:$0x3F96]  }
0x1a: {  	s8 =	sadd.s32 $0xFFFFE003, lr  }
0x1b: {  	s9 =	sadd.s32 $0xFFFFFEF7, lr;
	s5 =	simm.s32 $0xFFFFFFFF;
	p2 =	slt.u32 s8, $0xFFFFF086  }
0x1c: {  	p1 =	slt.u32 s9, $0xF7A;
	s5 =	simm.s32 @!p2 $0x0  }
0x1d: {  	s5 =	simm.s32 @p1 $0x1;
	p0 =	seq.s32 s7, s2  }
0x1e: {  	s7 =	smul.u32 @!p0 $0xF7A, s2;
	p2 =	seq.s32 @!p0 s5, $0x0  }
0x1f: {  	s9 =	smul.u32 $0xF7A, s1;
	s8 =	simm.s32 @!p0 $0x1BF5;
	p2 =	por !p2, p0  }
0x20: {  	[sflag:s8] =	ssyncset.s32 @!p0 $0xFFFFF086;
	s6 =	sadd.s32 @!p0 s3, s7;
	s7 =	simm.s32 @!p0 $0x108  }
0x21: {  	s3 =	sadd.s32 s3, s9;
	s6 =	sadd.s32 @!p0 $0x88, s6;
	s7 =	simm.s32 @p2 $0x1082  }
0x22: {  	[simem:s7], [sflag:s8] =	dma.local @!p0 [hbm:s6], $0xF7A  }
0x23: {  	s9 =	sor.u32 $0xD0000000, s2;
	s6 =	simm.s32 $0x108;
	_ =	swait.ge @!p0 [sflag:s8], $0x0  }
0x24: {  	s3 =	sadd.s32 $0x88, s3;
	s6 =	simm.s32 @!p1 $0x1082;
	[sflag:s4] =	ssyncset.s32 $0xFFFFF086  }
0x25: {  	[simem:s6], [sflag:s4] =	dma.local [hbm:s3], $0xF7A  }
0x26: {  	[smem:$0x3F96] =	sst s1;
	(tag) =	ssettag s2;
	_ =	strace s9  }
0x27: {  	s1 =	sld [smem:$0x3FA6]  }
0x28: {  	s2 =	sld [smem:$0x3FA7]  }
0x29: {  	s4 =	sld [smem:$0x3FA9]  }
0x2a: {  	p0 =	seq.s32 s5, $0x0;
	s5 =	sld [smem:$0x3FAA]  }
0x2b: {  	s6 =	sld [smem:$0x3FAB]  }
0x2c: {  	s7 =	sld [smem:$0x3FAC]  }
0x2d: {  	s3 =	simm.s32 $0x108;
	s8 =	sld [smem:$0x3FAD]  }
0x2e: {  	s3 =	simm.s32 @!p0 $0x1082;
	s9 =	sld [smem:$0x3FAE]  }
0x2f: {  	lr =	sadd.s32 s0, s3;
	s0 =	sld [smem:$0x3FA5]  }
0x30: {  	s3 =	sld [smem:$0x3FA8]  }
0x31: {  	[smem:$0x3FB1] =	sst s10  }
0x32: {  	s10 =	sld [smem:$0x3FAF];
	_ =	sdelay $0x3  }
0x33: {  	p0 =	seq.s32 s10, $0x1;
	s10 =	sld [smem:$0x3FB1];
	_ =	sdelay $0x3  }
0x34: {  	[smem:$0x3FB1] =	sst s10  }
0x35: {  	s10 =	sld [smem:$0x3FB0];
	_ =	sdelay $0x3  }
0x36: {  	p1 =	seq.s32 s10, $0x1;
	s10 =	sld [smem:$0x3FB1];
	_ =	sdelay $0x3  }
0x37: {  	[smem:$0x3FB1] =	sst s10  }
0x38: {  	s10 =	sld [smem:$0x3FB2]  }
0x39: {  	_ = 	snop;
	(pc) =	sbr.ind lr, $3  }
0x3a: {  	_ = 	snop  }
0x3b: {  	_ = 	snop  }
0x3c: {  	p2 =	seq.s32 s10, $0x1;
	s10 =	sld [smem:$0x3FB1]  }
0x3d: {  	_ =	shalt  }
0x3e: {  	_ =	shalt  }
0x3f: {  	_ =	shalt  }
0x40: {  	_ =	shalt  }
0x41: {  	_ =	shalt  }
0x42: {  	_ =	shalt  }
0x43: {  	_ =	shalt  }
0x44: {  	_ =	shalt  }
0x45: {  	_ =	shalt  }
0x46: {  	_ =	shalt  }
0x47: {  	_ =	shalt  }
0x48: {  	_ =	shalt  }
0x49: {  	_ =	shalt  }
0x4a: {  	_ =	shalt  }
0x4b: {  	_ =	shalt  }
0x4c: {  	_ =	shalt  }
0x4d: {  	_ =	shalt  }
0x4e: {  	_ =	shalt  }
0x4f: {  	_ =	shalt  }
0x50: {  	_ =	shalt  }
0x51: {  	_ =	shalt  }
0x52: {  	_ =	shalt  }
0x53: {  	_ =	shalt  }
0x54: {  	_ =	shalt  }
0x55: {  	_ =	shalt  }
0x56: {  	_ =	shalt  }
0x57: {  	_ =	shalt  }
0x58: {  	_ =	shalt  }
0x59: {  	_ =	shalt  }
0x5a: {  	_ =	shalt  }
0x5b: {  	_ =	shalt  }
0x5c: {  	_ =	shalt  }
0x5d: {  	_ =	shalt  }
0x5e: {  	_ =	shalt  }
0x5f: {  	_ =	shalt  }
0x60: {  	_ =	shalt  }
0x61: {  	_ =	shalt  }
0x62: {  	_ =	shalt  }
0x63: {  	_ =	shalt  }
0x64: {  	_ =	shalt  }
0x65: {  	_ =	shalt  }
0x66: {  	_ =	shalt  }
0x67: {  	_ =	shalt  }
0x68: {  	_ =	shalt  }
0x69: {  	_ =	shalt  }
0x6a: {  	_ =	shalt  }
0x6b: {  	_ =	shalt  }
0x6c: {  	_ =	shalt  }
0x6d: {  	_ =	shalt  }
0x6e: {  	_ =	shalt  }
0x6f: {  	_ =	shalt  }
0x70: {  	_ =	shalt  }
0x71: {  	_ =	shalt  }
0x72: {  	_ =	shalt  }
0x73: {  	_ =	shalt  }
0x74: {  	_ =	shalt  }
0x75: {  	_ =	shalt  }
0x76: {  	_ =	shalt  }
0x77: {  	_ =	shalt  }
0x78: {  	_ =	shalt  }
0x79: {  	_ =	shalt  }
0x7a: {  	_ =	shalt  }
0x7b: {  	_ =	shalt  }
0x7c: {  	_ =	shalt  }
0x7d: {  	_ =	shalt  }
0x7e: {  	_ =	shalt  }
0x7f: {  	_ =	shalt  }
0x80: {  	_ =	shalt  }
0x81: {  	_ =	shalt  }
0x82: {  	_ =	shalt  }
0x83: {  	_ =	shalt  }
0x84: {  	_ =	shalt  }
0x85: {  	_ =	shalt  }
0x86: {  	_ =	shalt  }
0x87: {  	_ =	shalt  }
.Lfunc_end0:
.L_simem_size_0:
called_computation.1_lowered:
.L_overlay_start_0:
0x88: {  	s2 =	sld [smem:$0x3FD9]  }
0x89: {  	s3 =	sld [smem:$0x3FFE];
	_ =	sdelay $0x1  }
0x8a: {  	s1 =	srdreg.scid  }
0x8b: {  	s0 =	sand.u32 $0x1, s1  }
0x8c: {  	s16 =	sshll.u32 s0, $0xA;
	s2 =	sadd.s32 s3, s2  }
0x8d: {  	s2 =	sadd.s32 s2, s16  }
0x8e: {  	[smem:$0x3FBD] =	sst s2  }
0x8f: {  	_ = 	snop  }
0x90: {  	(tm) =	ssettm $0x1  }
0x91: {  	s17 =	sld [smem:$0x3FFB];
	_ =	sdelay $0x3  }
0x92: {  	_ =	strace s17  }
0x93: {  	s2 =	sld [smem:$0x3FFC];
	_ =	sdelay $0x3  }
0x94: {  	_ =	strace s2  }
0x95: {  	s2 =	sld [smem:$0x3FFD];
	_ =	sdelay $0x3  }
0x96: {  	_ =	strace s2  }
0x97: {  	_ =	strace $0x8FFFFFFF  }
0x98: {  	s18 =	sld [smem:$0x3FDB];
	_ =	sdelay $0x1  }
0x99: {  	s19 =	simm.s32 $_scs_section_size  }
0x9a: {  	s4 =	simm.s32 $_size__tile_overlayer_lowered;
	s5 =	simm.s32 $_tile_overlayer_lowered  }
0x9b: {  	s22 =	simm.s32 $0x1BFF;
	s21 =	sshll.u32 s5, $0x1;
	s2 =	sadd.s32 s19, s18  }
0x9c: {  	s6 =	simm.s32 $0x0;
	s20 =	sshll.u32 s4, $0x1;
	s4 =	sadd.s32 s21, s2  }
0x9d: {  	[timem:s6], [sflag:s22] =	dma.local [hbm:s4], s20  }
0x9e: {  	_ =	swait.ge [sflag:s22], s20  }
0x9f: {  	s3 =	ssub.s32 $0x0, s20;
	[sflag:s22] =	ssyncset.done $0x0  }
0xa0: {  	[sflag:s22] =	ssyncadd.s32 s3;
	_ =	sdelay $0x1  }
0xa1: {  	s23 =	simm.s32 $0x1B8B  }
0xa2: {  	_ =	swait.ge [sflag:s23], $0x1  }
0xa3: {  	[sflag:s23] =	ssyncset.done $0x0  }
0xa4: {  	s25 =	simm.s32 $0x1B8E;
	s24 =	sld [smem:$0x3FFE];
	[sflag:s23] =	ssyncadd.s32 $0xFFFFFFFF  }
0xa5: {  	s26 =	simm.s32 $execute0_lowered;
	[smem:$0x3FD2] =	sst s25  }
0xa6: {  	s4 =	sshll.u32 s26, $0x1;
	_ =	strace $0x80000049;
	[dreg:$0x1] =	wrdreg $0xFFFFFFFF  }
0xa7: {  	s28 =	simm.s32 $_size_execute0_lowered;
	s2 =	sadd.s32 s2, s4;
	[dreg:$0x0] =	wrdreg $0x0  }
0xa8: {  	s4 =	sshll.u32 s28, $0x1;
	[dreg:$0x2] =	wrdreg s2  }
0xa9: {  	[dreg:$0x3] =	wrdreg s4  }
0xaa: {  	[dreg:$0x4] =	wrdreg $0xC0  }
0xab: {  	_ =	task [dreg:s6], $0x5FFFF  }
0xac: {  	[dreg:$0x1] =	wrdreg $0xFFFFFFFF  }
0xad: {  	[dreg:$0x0] =	wrdreg $0x60  }
0xae: {  	[dreg:$0x2] =	wrdreg s24  }
0xaf: {  	[dreg:$0x3] =	wrdreg $0xA0000  }
0xb0: {  	[dreg:$0x4] =	wrdreg $0x9  }
0xb1: {  	_ =	task.clear_ibuf [dreg:s6], $0x5FFFF;
	_ =	strace $0x90000049  }
0xb2: {  	s29 =	simm.s32 $0x9;
	_ =	strace $0x8000004B  }
0xb3: {  	_ =	swait.ge [sflag:s29], $0x1  }
0xb4: {  	[sflag:s29] =	ssyncadd.s32 $0xFFFFFFFF  }
0xb5: {  	_ =	strace $0x9000004B  }
0xb6: {  	_ =	sfence  }
0xb7: {  	s30 =	sld [smem:$0x0];
	_ =	sdelay $0x2  }
0xb8: {  	s31 =	sshll.u32 s1, $0xD;
	s1 =	sshrl.u32 s1, $0x2  }
0xb9: {  	s3 =	sand.u32 $0x4000, s31;
	s1 =	sadd.s32 s1, s30  }
0xba: {  	s0 =	sor.u32 s3, s0;
	s1 =	sshll.u32 s1, $0x11  }
0xbb: {  	s0 =	sor.u32 s1, s0  }
0xbc: {  	s0 =	sadd.s32 $0x8F2B, s0  }
0xbd: {  	[sflag:s0] =	ssyncadd.remote.s32 $0x1  }
0xbe: {  	_ =	sfence.sel $0xFFFF  }
0xbf: {  	[dreg:$0x0] =	wrdreg $0xFFFFFFFF;
	(pc) =	sbr.abs _section_cstart, $3  }
0xc0: {  	[dreg:$0x1] =	wrdreg $0xFFFFFFFF  }
0xc1: {  	_ =	task.clear_ibuf [dreg:s6], $0x2FFFF;
	_ =	strace $0x9FFFFFFF  }
0xc2: {  	(tm) =	ssettm $0x7FFFFFFF  }
0xc3: {  	_ =	shalt  }
tec
execute0_lowered:
.L_overlay_start_1:
0x0: {  	(tag) =	ssettag $0x1  }
0x1: {  	s0 =	rddreg [dreg:$0x0]  }
0x2: {  	s1 =	srdreg.scid;
	s2 =	rddreg [dreg:$0x1];
	s3 =	simm.s32 $0x0  }
0x3: {  	s28 =	simm.s32 $0x1;
	s29 =	simm.s32 $0x4;
	s10 =	sand.u32 $0x1, s1  }
0x4: {  	s30 =	simm.s32 $0x2;
	s1 =	stileid.u32;
	s5 =	smul.u32 $0x13C000, s10  }
0x5: {  	s31 =	simm.s32 $0xF80;
	[smem:$0x7FF] =	sst s3;
	s6 =	smul.u32 $0x13C00, s1  }
0x6: {  	s4 =	sadd.s32 $0x22200, s0;
	s11 =	sadd.s32 $0x18200, s0;
	s20 =	smul.u32 $0x4F000, s1  }
0x7: {  	s12 =	sadd.s32 $0xE200, s0;
	_ =	strace $0x8000004A;
	s13 =	smul.u32 $0xA00, s1  }
0x8: {  	s21 =	ssub.s32 $0x2, s10;
	s14 =	smul.u32 $0x5000, s1;
	p0 =	sne.s32 s10, $0x0  }
0x9: {  	s10 =	simm.s32 $0x1F80;
	s7 =	sshrl.u32 s21, $0x1;
	s5 =	sadd.s32 s6, s5  }
0xa: {  	s6 =	sshrl.u32 s20, $0x2;
	s21 =	ssub.s32 s21, s7;
	s15 =	sadd.s32 s11, s13  }
0xb: {  	s16 =	sshrl.u32 s14, $0x3;
	s13 =	sadd.s32 s12, s13;
	[dreg:$0x3] =	wrdreg s15  }
0xc: {  	s5 =	sshrl.u32 s5, $0x3;
	[dreg:$0x4] =	wrdreg s13;
	s22 =	sadd.s32 $0x200, s16  }
0xd: {  	s23 =	sadd.s32 $0x400, s16;
	s17 =	sadd.s32 $0x600, s16;
	s19 =	sadd.s32 $0x800, s16  }
0xe: {  	s21 =	smax.u32 s21, $0x1;
	s0 =	sadd.s32 s5, s0;
	s5 =	sadd.s32 s6, s2  }
0xf: {  	s24 =	sadd.s32 s11, s22;
	s13 =	sadd.s32 s12, s22;
	s25 =	sadd.s32 s11, s23  }
0x10: {  	s26 =	sadd.s32 s12, s23;
	s16 =	sadd.s32 s11, s17;
	s17 =	sadd.s32 s12, s17  }
0x11: {  	s18 =	sadd.s32 s11, s19;
	s19 =	sadd.s32 s12, s19;
	s22 =	simm.s32 $0x2000  }
.Ltmp0:
0x12: {  	s23 =	simm.s32 $0x3;
	[dreg:$0x5] =	wrdreg s24;
	(pc) =	sbr.rel .LBB2_1-.Ltmp0, $4  }
0x13: {  	s6 =	sadd.s32 $0x4000, s5;
	s7 =	sadd.s32 $0x8000, s5;
	[dreg:$0x6] =	wrdreg s13  }
0x14: {  	s8 =	sadd.s32 $0xC000, s5;
	s9 =	sadd.s32 $0x10000, s5;
	[dreg:$0x7] =	wrdreg s25  }
0x15: {  	[dreg:$0x8] =	wrdreg s26;
	s20 =	sadd.s32 $0x49400, s0;
	s24 =	simm.s32 $0x1000  }
0x16: {  	v0 =	vimm.f32 $0.0e+00;
	s25 =	simm.s32 $0x80;
	s26 =	simm.s32 $0x6000;
	s0 =	simm.s32 $0x1F00  }
.LBB2_14:
0x17: {  	s12 =	sadd.s32 $0x80, s11;
	[sflag:s23] =	ssyncadd.s32 $0xFFFFC000  }
0x18: {  	[tilespmem:s26], [sflag:$0x2] =	stream.indirect.gather [hbm4b:s4+s25], $0x80, s12, s25, $0xb8;
	[tilespmem:$0x1DC00] =	vst v63  }
0x19: {  	_ =	swait.ge [sflag:s28], $0x4000  }
0x1a: {  	[sflag:s28] =	ssyncset.done $0x0  }
0x1b: {  	s13 =	sadd.s32 $0x1000, s11;
	[sflag:s28] =	ssyncadd.s32 $0xFFFFC000  }
0x1c: {  	[spmem:s2] =	stream.indirect.scatter.add.f32 [tilespmem:s22], [sflag:$0x4], $0x80, s13, s25, $0xb8;
	[tilespmem:$0x1DC00] =	vst v63  }
0x1d: {  	_ =	swait.ge [sflag:s29], $0x4000  }
0x1e: {  	[sflag:s29] =	ssyncset.done $0x0  }
0x1f: {  	s14 =	sadd.s32 $0x100, s11;
	[sflag:s29] =	ssyncadd.s32 $0xFFFFC000  }
0x20: {  	[tilespmem:s22], [sflag:$0x1] =	stream.indirect.gather [hbm4b:s4+s25], $0x80, s14, s25, $0xb8;
	[tilespmem:$0x1DC00] =	vst v63  }
0x21: {  	_ =	swait.ge [sflag:s30], $0x4000  }
0x22: {  	[sflag:s30] =	ssyncset.done $0x0  }
0x23: {  	s15 =	sadd.s32 $0x1080, s11;
	[sflag:s30] =	ssyncadd.s32 $0xFFFFC000  }
0x24: {  	[spmem:s2] =	stream.indirect.scatter.add.f32 [tilespmem:s26], [sflag:$0x3], $0x80, s15, s25, $0xb8;
	[tilespmem:$0x1DC00] =	vst v63  }
0x25: {  	_ =	swait.ge [sflag:s23], $0x4000  }
0x26: {  	[sflag:s23] =	ssyncset.done $0x0  }
0x27: {  	[sflag:s23] =	ssyncadd.s32 $0xFFFFC000  }
0x28: {  	[tilespmem:s26], [sflag:$0x2] =	stream.indirect.gather [hbm4b:s4+s25], $0x80, s31, s25, $0xb8;
	[tilespmem:$0x1DC00] =	vst v63  }
0x29: {  	_ =	swait.ge [sflag:s28], $0x4000  }
0x2a: {  	[sflag:s28] =	ssyncset.done $0x0  }
0x2b: {  	[sflag:s28] =	ssyncadd.s32 $0xFFFFC000  }
0x2c: {  	[spmem:s2] =	stream.indirect.scatter.add.f32 [tilespmem:s22], [sflag:$0x4], $0x80, s0, s25, $0xb8;
	[tilespmem:$0x1DC00] =	vst v63  }
0x2d: {  	_ =	swait.ge [sflag:s29], $0x4000  }
0x2e: {  	[sflag:s29] =	ssyncset.done $0x0  }
0x2f: {  	[sflag:s29] =	ssyncadd.s32 $0xFFFFC000  }
0x30: {  	_ =	swait.ge [sflag:s30], $0x4000  }
0x31: {  	[sflag:s30] =	ssyncset.done $0x0  }
0x32: {  	[sflag:s30] =	ssyncadd.s32 $0xFFFFC000  }
0x33: {  	[spmem:s2] =	stream.indirect.scatter.add.f32 [tilespmem:s26], [sflag:$0x3], $0x80, s10, s25, $0xb8;
	[tilespmem:$0x1DC00] =	vst v63  }
0x34: {  	_ =	swait.ge [sflag:s23], $0x4000  }
0x35: {  	[sflag:s23] =	ssyncset.done $0x0  }
0x36: {  	[sflag:s23] =	ssyncadd.s32 $0xFFFFC000  }
.LBB2_15:
0x37: {  	s3 =	sadd.s32 $0x1, s3  }
0x38: {  	s11 =	sshll.u32 s1, $0x6;
	[bflag:$0x0] =	sbarrier.arrive $0xFFFF;
	p1 =	sne.s32 s3, s21  }
.Ltmp1:
0x39: {  	s12 =	sshrl.u32 s5, $0x3;
	s11 =	sor.u32 $0x1C03, s11;
	(pc) =	sbr.rel @!p1 .LBB2_16-.Ltmp1, $4  }
0x3a: {  	[hbm:s20], [sflag:s11] =	dma.local [spmem:s12], $0x2780  }
0x3b: {  	_ =	swait.ge [sflag:s23], $0x2780  }
0x3c: {  	[sflag:s23] =	ssyncset.done $0x0  }
0x3d: {  	[sflag:s23] =	ssyncadd.s32 $0xFFFFD880  }
.LBB2_1:
0x3e: {  	s11 =	simm.s32 $0x0;
	s12 =	simm.s32 $0x200  }
.LBB2_2:
0x3f: {  	p1 =	sne.s32 s12, $0xFE00;
	[tilespmem:s11+$0x2070] =	vst v0  }
0x40: {  	[tilespmem:s11+$0x2000] =	vst v0  }
0x41: {  	[tilespmem:s11+$0x2010] =	vst v0  }
.Ltmp2:
0x42: {  	[tilespmem:s11+$0x2020] =	vst v0;
	(pc) =	sbr.rel @p1 .LBB2_2-.Ltmp2, $4  }
0x43: {  	[tilespmem:s11+$0x2030] =	vst v0  }
0x44: {  	[tilespmem:s11+$0x2040] =	vst v0  }
0x45: {  	[tilespmem:s11+$0x2050] =	vst v0  }
0x46: {  	[tilespmem:s11+$0x2060] =	vst v0;
	s11 =	sshra.s32 s12, $0x2;
	s12 =	sadd.s32 $0x200, s12  }
0x47: {  	[tilespmem:s11+$0x2070] =	vst v0  }
0x48: {  	[tilespmem:s11+$0x2000] =	vst v0  }
0x49: {  	[tilespmem:s11+$0x2010] =	vst v0  }
0x4a: {  	[tilespmem:s11+$0x2020] =	vst v0  }
0x4b: {  	[tilespmem:s11+$0x2030] =	vst v0  }
0x4c: {  	[tilespmem:s11+$0x2040] =	vst v0  }
0x4d: {  	[tilespmem:s11+$0x2050] =	vst v0  }
0x4e: {  	[tilespmem:s11+$0x2060] =	vst v0  }
0x4f: {  	[spmem:s5] =	stream.linear.scatter [tilespmem:s22], [sflag:$0x3], $0x4000, $0x38;
	[tilespmem:$0x1DC00] =	vst v63  }
0x50: {  	_ =	swait.ge [sflag:s23], $0x4000  }
0x51: {  	[sflag:s23] =	ssyncset.done $0x0  }
0x52: {  	[sflag:s23] =	ssyncadd.s32 $0xFFFFC000  }
0x53: {  	[spmem:s6] =	stream.linear.scatter [tilespmem:s22], [sflag:$0x3], $0x4000, $0x38;
	[tilespmem:$0x1DC00] =	vst v63  }
0x54: {  	_ =	swait.ge [sflag:s23], $0x4000  }
0x55: {  	[sflag:s23] =	ssyncset.done $0x0  }
0x56: {  	[sflag:s23] =	ssyncadd.s32 $0xFFFFC000  }
0x57: {  	[spmem:s7] =	stream.linear.scatter [tilespmem:s22], [sflag:$0x3], $0x4000, $0x38;
	[tilespmem:$0x1DC00] =	vst v63  }
0x58: {  	_ =	swait.ge [sflag:s23], $0x4000  }
0x59: {  	[sflag:s23] =	ssyncset.done $0x0  }
0x5a: {  	[sflag:s23] =	ssyncadd.s32 $0xFFFFC000  }
0x5b: {  	[spmem:s8] =	stream.linear.scatter [tilespmem:s22], [sflag:$0x3], $0x4000, $0x38;
	[tilespmem:$0x1DC00] =	vst v63  }
0x5c: {  	_ =	swait.ge [sflag:s23], $0x4000  }
0x5d: {  	[sflag:s23] =	ssyncset.done $0x0  }
0x5e: {  	[sflag:s23] =	ssyncadd.s32 $0xFFFFC000  }
0x5f: {  	[spmem:s9] =	stream.linear.scatter [tilespmem:s22], [sflag:$0x3], $0x3C00, $0x38;
	[tilespmem:$0x1DC00] =	vst v63  }
.Ltmp3:
0x60: {  	_ =	swait.ge [sflag:s23], $0x3C00;
	(pc) =	sbr.rel @p0 .LBB2_15-.Ltmp3, $3  }
0x61: {  	[sflag:s23] =	ssyncset.done $0x0  }
0x62: {  	[sflag:s23] =	ssyncadd.s32 $0xFFFFC400  }
0x63: {  	[bflag:$0x0] =	sbarrier.arrive $0xFFFF;
	_ =	sdelay $0x1  }
0x64: {  	s11 =	simm.s32 $0x0;
	s12 =	rddreg [dreg:$0x3]  }
0x65: {  	[tilespmem:s11], [sflag:$0x3] =	stream.linear.gather [hbm4b:s12+s11], $0x1000, $0x38;
	[tilespmem:$0x1DC00] =	vst v63  }
0x66: {  	_ =	swait.ge [sflag:s23], $0x1000  }
0x67: {  	[sflag:s23] =	ssyncset.done $0x0  }
0x68: {  	s15 =	rddreg [dreg:$0x4];
	[sflag:s23] =	ssyncadd.s32 $0xFFFFF000  }
0x69: {  	[tilespmem:s24], [sflag:$0x3] =	stream.linear.gather [hbm4b:s15+s11], $0x1000, $0x38;
	[tilespmem:$0x1DC00] =	vst v63  }
0x6a: {  	_ =	swait.ge [sflag:s23], $0x1000  }
0x6b: {  	[sflag:s23] =	ssyncset.done $0x0  }
0x6c: {  	[sflag:s23] =	ssyncadd.s32 $0xFFFFF000  }
0x6d: {  	[tilespmem:s22], [sflag:$0x1] =	stream.indirect.gather [hbm4b:s4+s25], $0x80, s11, s25, $0xb8;
	[tilespmem:$0x1DC00] =	vst v63  }
0x6e: {  	s12 =	simm.s32 $0x80  }
0x6f: {  	[tilespmem:s26], [sflag:$0x2] =	stream.indirect.gather [hbm4b:s4+s25], $0x80, s12, s25, $0xb8;
	[tilespmem:$0x1DC00] =	vst v63  }
0x70: {  	_ =	swait.ge [sflag:s28], $0x4000  }
0x71: {  	[sflag:s28] =	ssyncset.done $0x0  }
0x72: {  	s13 =	simm.s32 $0x1000;
	[sflag:s28] =	ssyncadd.s32 $0xFFFFC000  }
0x73: {  	[spmem:s2] =	stream.indirect.scatter.add.f32 [tilespmem:s22], [sflag:$0x4], $0x80, s13, s25, $0xb8;
	[tilespmem:$0x1DC00] =	vst v63  }
0x74: {  	_ =	swait.ge [sflag:s29], $0x4000  }
0x75: {  	[sflag:s29] =	ssyncset.done $0x0  }
0x76: {  	s14 =	simm.s32 $0x100;
	[sflag:s29] =	ssyncadd.s32 $0xFFFFC000  }
0x77: {  	[tilespmem:s22], [sflag:$0x1] =	stream.indirect.gather [hbm4b:s4+s25], $0x80, s14, s25, $0xb8;
	[tilespmem:$0x1DC00] =	vst v63  }
0x78: {  	_ =	swait.ge [sflag:s30], $0x4000  }
0x79: {  	[sflag:s30] =	ssyncset.done $0x0  }
0x7a: {  	s15 =	simm.s32 $0x1080;
	[sflag:s30] =	ssyncadd.s32 $0xFFFFC000  }
0x7b: {  	[spmem:s2] =	stream.indirect.scatter.add.f32 [tilespmem:s26], [sflag:$0x3], $0x80, s15, s25, $0xb8;
	[tilespmem:$0x1DC00] =	vst v63  }
0x7c: {  	_ =	swait.ge [sflag:s23], $0x4000  }
0x7d: {  	s11 =	simm.s32 $0x100;
	s12 =	simm.s32 $0x800;
	[sflag:s23] =	ssyncset.done $0x0  }
.LBB2_5:
0x7e: {  	s13 =	sadd.s32 $0x80, s11  }
0x7f: {  	[sflag:s23] =	ssyncadd.s32 $0xFFFFC000;
	s14 =	smov.u32 s12;
	s15 =	sadd.s32 $0x400, s12  }
0x80: {  	[tilespmem:s26], [sflag:$0x2] =	stream.indirect.gather [hbm4b:s4+s25], $0x80, s13, s25, $0xb8;
	[tilespmem:$0x1DC00] =	vst v63  }
0x81: {  	p1 =	sne.s32 s12, $0x3800;
	_ =	swait.ge [sflag:s28], $0x4000  }
0x82: {  	[sflag:s28] =	ssyncset.done $0x0  }
0x83: {  	s12 =	sadd.s32 $0x1000, s11;
	[sflag:s28] =	ssyncadd.s32 $0xFFFFC000  }
0x84: {  	[spmem:s2] =	stream.indirect.scatter.add.f32 [tilespmem:s22], [sflag:$0x4], $0x80, s12, s25, $0xb8;
	[tilespmem:$0x1DC00] =	vst v63  }
0x85: {  	_ =	swait.ge [sflag:s29], $0x4000  }
0x86: {  	[sflag:s29] =	ssyncset.done $0x0  }
0x87: {  	s12 =	sadd.s32 $0x100, s11;
	[sflag:s29] =	ssyncadd.s32 $0xFFFFC000  }
0x88: {  	[tilespmem:s22], [sflag:$0x1] =	stream.indirect.gather [hbm4b:s4+s25], $0x80, s12, s25, $0xb8;
	[tilespmem:$0x1DC00] =	vst v63  }
0x89: {  	_ =	swait.ge [sflag:s30], $0x4000  }
.Ltmp4:
0x8a: {  	[sflag:s30] =	ssyncset.done $0x0;
	(pc) =	sbr.rel @p1 .LBB2_5-.Ltmp4, $4  }
0x8b: {  	s11 =	sadd.s32 $0x1080, s11;
	[sflag:s30] =	ssyncadd.s32 $0xFFFFC000  }
0x8c: {  	[spmem:s2] =	stream.indirect.scatter.add.f32 [tilespmem:s26], [sflag:$0x3], $0x80, s11, s25, $0xb8;
	[tilespmem:$0x1DC00] =	vst v63  }
0x8d: {  	_ =	swait.ge [sflag:s23], $0x4000  }
0x8e: {  	s12 =	smov.u32 s15;
	s11 =	sshra.s32 s14, $0x2;
	[sflag:s23] =	ssyncset.done $0x0  }
0x8f: {  	s12 =	sadd.s32 $0x80, s11;
	[sflag:s23] =	ssyncadd.s32 $0xFFFFC000  }
0x90: {  	[tilespmem:s26], [sflag:$0x2] =	stream.indirect.gather [hbm4b:s4+s25], $0x80, s12, s25, $0xb8;
	[tilespmem:$0x1DC00] =	vst v63  }
0x91: {  	_ =	swait.ge [sflag:s28], $0x4000  }
0x92: {  	[sflag:s28] =	ssyncset.done $0x0  }
0x93: {  	s14 =	sadd.s32 $0x1000, s11;
	[sflag:s28] =	ssyncadd.s32 $0xFFFFC000  }
0x94: {  	[spmem:s2] =	stream.indirect.scatter.add.f32 [tilespmem:s22], [sflag:$0x4], $0x80, s14, s25, $0xb8;
	[tilespmem:$0x1DC00] =	vst v63  }
0x95: {  	_ =	swait.ge [sflag:s29], $0x4000  }
0x96: {  	[sflag:s29] =	ssyncset.done $0x0  }
0x97: {  	s15 =	sadd.s32 $0x100, s11;
	[sflag:s29] =	ssyncadd.s32 $0xFFFFC000  }
0x98: {  	[tilespmem:s22], [sflag:$0x1] =	stream.indirect.gather [hbm4b:s4+s25], $0x80, s15, s25, $0xb8;
	[tilespmem:$0x1DC00] =	vst v63  }
0x99: {  	_ =	swait.ge [sflag:s30], $0x4000  }
0x9a: {  	[sflag:s30] =	ssyncset.done $0x0  }
0x9b: {  	s12 =	sadd.s32 $0x1080, s11;
	[sflag:s30] =	ssyncadd.s32 $0xFFFFC000  }
0x9c: {  	[spmem:s2] =	stream.indirect.scatter.add.f32 [tilespmem:s26], [sflag:$0x3], $0x80, s12, s25, $0xb8;
	[tilespmem:$0x1DC00] =	vst v63  }
0x9d: {  	_ =	swait.ge [sflag:s23], $0x4000  }
0x9e: {  	[sflag:s23] =	ssyncset.done $0x0  }
0x9f: {  	[sflag:s23] =	ssyncadd.s32 $0xFFFFC000  }
0xa0: {  	[tilespmem:s26], [sflag:$0x2] =	stream.indirect.gather [hbm4b:s4+s25], $0x80, s31, s25, $0xb8;
	[tilespmem:$0x1DC00] =	vst v63  }
0xa1: {  	_ =	swait.ge [sflag:s28], $0x4000  }
0xa2: {  	[sflag:s28] =	ssyncset.done $0x0  }
0xa3: {  	[sflag:s28] =	ssyncadd.s32 $0xFFFFC000  }
0xa4: {  	[spmem:s2] =	stream.indirect.scatter.add.f32 [tilespmem:s22], [sflag:$0x4], $0x80, s0, s25, $0xb8;
	[tilespmem:$0x1DC00] =	vst v63  }
0xa5: {  	_ =	swait.ge [sflag:s29], $0x4000  }
0xa6: {  	[sflag:s29] =	ssyncset.done $0x0  }
0xa7: {  	[sflag:s29] =	ssyncadd.s32 $0xFFFFC000  }
0xa8: {  	_ =	swait.ge [sflag:s30], $0x4000  }
0xa9: {  	[sflag:s30] =	ssyncset.done $0x0  }
0xaa: {  	[sflag:s30] =	ssyncadd.s32 $0xFFFFC000  }
0xab: {  	[spmem:s2] =	stream.indirect.scatter.add.f32 [tilespmem:s26], [sflag:$0x3], $0x80, s10, s25, $0xb8;
	[tilespmem:$0x1DC00] =	vst v63  }
0xac: {  	_ =	swait.ge [sflag:s23], $0x4000  }
0xad: {  	[sflag:s23] =	ssyncset.done $0x0  }
0xae: {  	s13 =	simm.s32 $0x0;
	s14 =	rddreg [dreg:$0x5];
	[sflag:s23] =	ssyncadd.s32 $0xFFFFC000  }
0xaf: {  	[tilespmem:s13], [sflag:$0x3] =	stream.linear.gather [hbm4b:s14+s13], $0x1000, $0x38;
	[tilespmem:$0x1DC00] =	vst v63  }
0xb0: {  	_ =	swait.ge [sflag:s23], $0x1000  }
0xb1: {  	[sflag:s23] =	ssyncset.done $0x0  }
0xb2: {  	s15 =	rddreg [dreg:$0x6];
	[sflag:s23] =	ssyncadd.s32 $0xFFFFF000  }
0xb3: {  	[tilespmem:s24], [sflag:$0x3] =	stream.linear.gather [hbm4b:s15+s13], $0x1000, $0x38;
	[tilespmem:$0x1DC00] =	vst v63  }
0xb4: {  	_ =	swait.ge [sflag:s23], $0x1000  }
0xb5: {  	[sflag:s23] =	ssyncset.done $0x0  }
0xb6: {  	[sflag:s23] =	ssyncadd.s32 $0xFFFFF000  }
0xb7: {  	[tilespmem:s22], [sflag:$0x1] =	stream.indirect.gather [hbm4b:s4+s25], $0x80, s13, s25, $0xb8;
	[tilespmem:$0x1DC00] =	vst v63  }
0xb8: {  	s12 =	simm.s32 $0x80  }
0xb9: {  	[tilespmem:s26], [sflag:$0x2] =	stream.indirect.gather [hbm4b:s4+s25], $0x80, s12, s25, $0xb8;
	[tilespmem:$0x1DC00] =	vst v63  }
0xba: {  	_ =	swait.ge [sflag:s28], $0x4000  }
0xbb: {  	[sflag:s28] =	ssyncset.done $0x0  }
0xbc: {  	s13 =	simm.s32 $0x1000;
	[sflag:s28] =	ssyncadd.s32 $0xFFFFC000  }
0xbd: {  	[spmem:s2] =	stream.indirect.scatter.add.f32 [tilespmem:s22], [sflag:$0x4], $0x80, s13, s25, $0xb8;
	[tilespmem:$0x1DC00] =	vst v63  }
0xbe: {  	_ =	swait.ge [sflag:s29], $0x4000  }
0xbf: {  	[sflag:s29] =	ssyncset.done $0x0  }
0xc0: {  	s14 =	simm.s32 $0x100;
	[sflag:s29] =	ssyncadd.s32 $0xFFFFC000  }
0xc1: {  	[tilespmem:s22], [sflag:$0x1] =	stream.indirect.gather [hbm4b:s4+s25], $0x80, s14, s25, $0xb8;
	[tilespmem:$0x1DC00] =	vst v63  }
0xc2: {  	_ =	swait.ge [sflag:s30], $0x4000  }
0xc3: {  	[sflag:s30] =	ssyncset.done $0x0  }
0xc4: {  	s15 =	simm.s32 $0x1080;
	[sflag:s30] =	ssyncadd.s32 $0xFFFFC000  }
0xc5: {  	[spmem:s2] =	stream.indirect.scatter.add.f32 [tilespmem:s26], [sflag:$0x3], $0x80, s15, s25, $0xb8;
	[tilespmem:$0x1DC00] =	vst v63  }
0xc6: {  	_ =	swait.ge [sflag:s23], $0x4000  }
0xc7: {  	s11 =	simm.s32 $0x100;
	s12 =	simm.s32 $0x800;
	[sflag:s23] =	ssyncset.done $0x0  }
.LBB2_7:
0xc8: {  	s13 =	sadd.s32 $0x80, s11  }
0xc9: {  	[sflag:s23] =	ssyncadd.s32 $0xFFFFC000;
	s14 =	smov.u32 s12;
	s15 =	sadd.s32 $0x400, s12  }
0xca: {  	[tilespmem:s26], [sflag:$0x2] =	stream.indirect.gather [hbm4b:s4+s25], $0x80, s13, s25, $0xb8;
	[tilespmem:$0x1DC00] =	vst v63  }
0xcb: {  	p1 =	sne.s32 s12, $0x3800;
	_ =	swait.ge [sflag:s28], $0x4000  }
0xcc: {  	[sflag:s28] =	ssyncset.done $0x0  }
0xcd: {  	s12 =	sadd.s32 $0x1000, s11;
	[sflag:s28] =	ssyncadd.s32 $0xFFFFC000  }
0xce: {  	[spmem:s2] =	stream.indirect.scatter.add.f32 [tilespmem:s22], [sflag:$0x4], $0x80, s12, s25, $0xb8;
	[tilespmem:$0x1DC00] =	vst v63  }
0xcf: {  	_ =	swait.ge [sflag:s29], $0x4000  }
0xd0: {  	[sflag:s29] =	ssyncset.done $0x0  }
0xd1: {  	s12 =	sadd.s32 $0x100, s11;
	[sflag:s29] =	ssyncadd.s32 $0xFFFFC000  }
0xd2: {  	[tilespmem:s22], [sflag:$0x1] =	stream.indirect.gather [hbm4b:s4+s25], $0x80, s12, s25, $0xb8;
	[tilespmem:$0x1DC00] =	vst v63  }
0xd3: {  	_ =	swait.ge [sflag:s30], $0x4000  }
.Ltmp5:
0xd4: {  	[sflag:s30] =	ssyncset.done $0x0;
	(pc) =	sbr.rel @p1 .LBB2_7-.Ltmp5, $4  }
0xd5: {  	s11 =	sadd.s32 $0x1080, s11;
	[sflag:s30] =	ssyncadd.s32 $0xFFFFC000  }
0xd6: {  	[spmem:s2] =	stream.indirect.scatter.add.f32 [tilespmem:s26], [sflag:$0x3], $0x80, s11, s25, $0xb8;
	[tilespmem:$0x1DC00] =	vst v63  }
0xd7: {  	_ =	swait.ge [sflag:s23], $0x4000  }
0xd8: {  	s12 =	smov.u32 s15;
	s11 =	sshra.s32 s14, $0x2;
	[sflag:s23] =	ssyncset.done $0x0  }
0xd9: {  	s12 =	sadd.s32 $0x80, s11;
	[sflag:s23] =	ssyncadd.s32 $0xFFFFC000  }
0xda: {  	[tilespmem:s26], [sflag:$0x2] =	stream.indirect.gather [hbm4b:s4+s25], $0x80, s12, s25, $0xb8;
	[tilespmem:$0x1DC00] =	vst v63  }
0xdb: {  	_ =	swait.ge [sflag:s28], $0x4000  }
0xdc: {  	[sflag:s28] =	ssyncset.done $0x0  }
0xdd: {  	s14 =	sadd.s32 $0x1000, s11;
	[sflag:s28] =	ssyncadd.s32 $0xFFFFC000  }
0xde: {  	[spmem:s2] =	stream.indirect.scatter.add.f32 [tilespmem:s22], [sflag:$0x4], $0x80, s14, s25, $0xb8;
	[tilespmem:$0x1DC00] =	vst v63  }
0xdf: {  	_ =	swait.ge [sflag:s29], $0x4000  }
0xe0: {  	[sflag:s29] =	ssyncset.done $0x0  }
0xe1: {  	s15 =	sadd.s32 $0x100, s11;
	[sflag:s29] =	ssyncadd.s32 $0xFFFFC000  }
0xe2: {  	[tilespmem:s22], [sflag:$0x1] =	stream.indirect.gather [hbm4b:s4+s25], $0x80, s15, s25, $0xb8;
	[tilespmem:$0x1DC00] =	vst v63  }
0xe3: {  	_ =	swait.ge [sflag:s30], $0x4000  }
0xe4: {  	[sflag:s30] =	ssyncset.done $0x0  }
0xe5: {  	s12 =	sadd.s32 $0x1080, s11;
	[sflag:s30] =	ssyncadd.s32 $0xFFFFC000  }
0xe6: {  	[spmem:s2] =	stream.indirect.scatter.add.f32 [tilespmem:s26], [sflag:$0x3], $0x80, s12, s25, $0xb8;
	[tilespmem:$0x1DC00] =	vst v63  }
0xe7: {  	_ =	swait.ge [sflag:s23], $0x4000  }
0xe8: {  	[sflag:s23] =	ssyncset.done $0x0  }
0xe9: {  	[sflag:s23] =	ssyncadd.s32 $0xFFFFC000  }
0xea: {  	[tilespmem:s26], [sflag:$0x2] =	stream.indirect.gather [hbm4b:s4+s25], $0x80, s31, s25, $0xb8;
	[tilespmem:$0x1DC00] =	vst v63  }
0xeb: {  	_ =	swait.ge [sflag:s28], $0x4000  }
0xec: {  	[sflag:s28] =	ssyncset.done $0x0  }
0xed: {  	[sflag:s28] =	ssyncadd.s32 $0xFFFFC000  }
0xee: {  	[spmem:s2] =	stream.indirect.scatter.add.f32 [tilespmem:s22], [sflag:$0x4], $0x80, s0, s25, $0xb8;
	[tilespmem:$0x1DC00] =	vst v63  }
0xef: {  	_ =	swait.ge [sflag:s29], $0x4000  }
0xf0: {  	[sflag:s29] =	ssyncset.done $0x0  }
0xf1: {  	[sflag:s29] =	ssyncadd.s32 $0xFFFFC000  }
0xf2: {  	_ =	swait.ge [sflag:s30], $0x4000  }
0xf3: {  	[sflag:s30] =	ssyncset.done $0x0  }
0xf4: {  	[sflag:s30] =	ssyncadd.s32 $0xFFFFC000  }
0xf5: {  	[spmem:s2] =	stream.indirect.scatter.add.f32 [tilespmem:s26], [sflag:$0x3], $0x80, s10, s25, $0xb8;
	[tilespmem:$0x1DC00] =	vst v63  }
0xf6: {  	_ =	swait.ge [sflag:s23], $0x4000  }
0xf7: {  	[sflag:s23] =	ssyncset.done $0x0  }
0xf8: {  	s13 =	simm.s32 $0x0;
	s14 =	rddreg [dreg:$0x7];
	[sflag:s23] =	ssyncadd.s32 $0xFFFFC000  }
0xf9: {  	[tilespmem:s13], [sflag:$0x3] =	stream.linear.gather [hbm4b:s14+s13], $0x1000, $0x38;
	[tilespmem:$0x1DC00] =	vst v63  }
0xfa: {  	_ =	swait.ge [sflag:s23], $0x1000  }
0xfb: {  	[sflag:s23] =	ssyncset.done $0x0  }
0xfc: {  	s15 =	rddreg [dreg:$0x8];
	[sflag:s23] =	ssyncadd.s32 $0xFFFFF000  }
0xfd: {  	[tilespmem:s24], [sflag:$0x3] =	stream.linear.gather [hbm4b:s15+s13], $0x1000, $0x38;
	[tilespmem:$0x1DC00] =	vst v63  }
0xfe: {  	_ =	swait.ge [sflag:s23], $0x1000  }
0xff: {  	[sflag:s23] =	ssyncset.done $0x0  }
0x100: {  	[sflag:s23] =	ssyncadd.s32 $0xFFFFF000  }
0x101: {  	[tilespmem:s22], [sflag:$0x1] =	stream.indirect.gather [hbm4b:s4+s25], $0x80, s13, s25, $0xb8;
	[tilespmem:$0x1DC00] =	vst v63  }
0x102: {  	s12 =	simm.s32 $0x80  }
0x103: {  	[tilespmem:s26], [sflag:$0x2] =	stream.indirect.gather [hbm4b:s4+s25], $0x80, s12, s25, $0xb8;
	[tilespmem:$0x1DC00] =	vst v63  }
0x104: {  	_ =	swait.ge [sflag:s28], $0x4000  }
0x105: {  	[sflag:s28] =	ssyncset.done $0x0  }
0x106: {  	s13 =	simm.s32 $0x1000;
	[sflag:s28] =	ssyncadd.s32 $0xFFFFC000  }
0x107: {  	[spmem:s2] =	stream.indirect.scatter.add.f32 [tilespmem:s22], [sflag:$0x4], $0x80, s13, s25, $0xb8;
	[tilespmem:$0x1DC00] =	vst v63  }
0x108: {  	_ =	swait.ge [sflag:s29], $0x4000  }
0x109: {  	[sflag:s29] =	ssyncset.done $0x0  }
0x10a: {  	s14 =	simm.s32 $0x100;
	[sflag:s29] =	ssyncadd.s32 $0xFFFFC000  }
0x10b: {  	[tilespmem:s22], [sflag:$0x1] =	stream.indirect.gather [hbm4b:s4+s25], $0x80, s14, s25, $0xb8;
	[tilespmem:$0x1DC00] =	vst v63  }
0x10c: {  	_ =	swait.ge [sflag:s30], $0x4000  }
0x10d: {  	[sflag:s30] =	ssyncset.done $0x0  }
0x10e: {  	s15 =	simm.s32 $0x1080;
	[sflag:s30] =	ssyncadd.s32 $0xFFFFC000  }
0x10f: {  	[spmem:s2] =	stream.indirect.scatter.add.f32 [tilespmem:s26], [sflag:$0x3], $0x80, s15, s25, $0xb8;
	[tilespmem:$0x1DC00] =	vst v63  }
0x110: {  	_ =	swait.ge [sflag:s23], $0x4000  }
0x111: {  	s11 =	simm.s32 $0x100;
	s12 =	simm.s32 $0x800;
	[sflag:s23] =	ssyncset.done $0x0  }
.LBB2_9:
0x112: {  	s13 =	sadd.s32 $0x80, s11  }
0x113: {  	[sflag:s23] =	ssyncadd.s32 $0xFFFFC000;
	s14 =	smov.u32 s12;
	s15 =	sadd.s32 $0x400, s12  }
0x114: {  	[tilespmem:s26], [sflag:$0x2] =	stream.indirect.gather [hbm4b:s4+s25], $0x80, s13, s25, $0xb8;
	[tilespmem:$0x1DC00] =	vst v63  }
0x115: {  	p1 =	sne.s32 s12, $0x3800;
	_ =	swait.ge [sflag:s28], $0x4000  }
0x116: {  	[sflag:s28] =	ssyncset.done $0x0  }
0x117: {  	s12 =	sadd.s32 $0x1000, s11;
	[sflag:s28] =	ssyncadd.s32 $0xFFFFC000  }
0x118: {  	[spmem:s2] =	stream.indirect.scatter.add.f32 [tilespmem:s22], [sflag:$0x4], $0x80, s12, s25, $0xb8;
	[tilespmem:$0x1DC00] =	vst v63  }
0x119: {  	_ =	swait.ge [sflag:s29], $0x4000  }
0x11a: {  	[sflag:s29] =	ssyncset.done $0x0  }
0x11b: {  	s12 =	sadd.s32 $0x100, s11;
	[sflag:s29] =	ssyncadd.s32 $0xFFFFC000  }
0x11c: {  	[tilespmem:s22], [sflag:$0x1] =	stream.indirect.gather [hbm4b:s4+s25], $0x80, s12, s25, $0xb8;
	[tilespmem:$0x1DC00] =	vst v63  }
0x11d: {  	_ =	swait.ge [sflag:s30], $0x4000  }
.Ltmp6:
0x11e: {  	[sflag:s30] =	ssyncset.done $0x0;
	(pc) =	sbr.rel @p1 .LBB2_9-.Ltmp6, $4  }
0x11f: {  	s11 =	sadd.s32 $0x1080, s11;
	[sflag:s30] =	ssyncadd.s32 $0xFFFFC000  }
0x120: {  	[spmem:s2] =	stream.indirect.scatter.add.f32 [tilespmem:s26], [sflag:$0x3], $0x80, s11, s25, $0xb8;
	[tilespmem:$0x1DC00] =	vst v63  }
0x121: {  	_ =	swait.ge [sflag:s23], $0x4000  }
0x122: {  	s12 =	smov.u32 s15;
	s11 =	sshra.s32 s14, $0x2;
	[sflag:s23] =	ssyncset.done $0x0  }
0x123: {  	s12 =	sadd.s32 $0x80, s11;
	[sflag:s23] =	ssyncadd.s32 $0xFFFFC000  }
0x124: {  	[tilespmem:s26], [sflag:$0x2] =	stream.indirect.gather [hbm4b:s4+s25], $0x80, s12, s25, $0xb8;
	[tilespmem:$0x1DC00] =	vst v63  }
0x125: {  	_ =	swait.ge [sflag:s28], $0x4000  }
0x126: {  	[sflag:s28] =	ssyncset.done $0x0  }
0x127: {  	s15 =	sadd.s32 $0x1000, s11;
	[sflag:s28] =	ssyncadd.s32 $0xFFFFC000  }
0x128: {  	[spmem:s2] =	stream.indirect.scatter.add.f32 [tilespmem:s22], [sflag:$0x4], $0x80, s15, s25, $0xb8;
	[tilespmem:$0x1DC00] =	vst v63  }
0x129: {  	_ =	swait.ge [sflag:s29], $0x4000  }
0x12a: {  	[sflag:s29] =	ssyncset.done $0x0  }
0x12b: {  	s13 =	sadd.s32 $0x100, s11;
	[sflag:s29] =	ssyncadd.s32 $0xFFFFC000  }
0x12c: {  	[tilespmem:s22], [sflag:$0x1] =	stream.indirect.gather [hbm4b:s4+s25], $0x80, s13, s25, $0xb8;
	[tilespmem:$0x1DC00] =	vst v63  }
0x12d: {  	_ =	swait.ge [sflag:s30], $0x4000  }
0x12e: {  	[sflag:s30] =	ssyncset.done $0x0  }
0x12f: {  	s14 =	sadd.s32 $0x1080, s11;
	[sflag:s30] =	ssyncadd.s32 $0xFFFFC000  }
0x130: {  	[spmem:s2] =	stream.indirect.scatter.add.f32 [tilespmem:s26], [sflag:$0x3], $0x80, s14, s25, $0xb8;
	[tilespmem:$0x1DC00] =	vst v63  }
0x131: {  	_ =	swait.ge [sflag:s23], $0x4000  }
0x132: {  	[sflag:s23] =	ssyncset.done $0x0  }
0x133: {  	[sflag:s23] =	ssyncadd.s32 $0xFFFFC000  }
0x134: {  	[tilespmem:s26], [sflag:$0x2] =	stream.indirect.gather [hbm4b:s4+s25], $0x80, s31, s25, $0xb8;
	[tilespmem:$0x1DC00] =	vst v63  }
0x135: {  	_ =	swait.ge [sflag:s28], $0x4000  }
0x136: {  	[sflag:s28] =	ssyncset.done $0x0  }
0x137: {  	[sflag:s28] =	ssyncadd.s32 $0xFFFFC000  }
0x138: {  	[spmem:s2] =	stream.indirect.scatter.add.f32 [tilespmem:s22], [sflag:$0x4], $0x80, s0, s25, $0xb8;
	[tilespmem:$0x1DC00] =	vst v63  }
0x139: {  	_ =	swait.ge [sflag:s29], $0x4000  }
0x13a: {  	[sflag:s29] =	ssyncset.done $0x0  }
0x13b: {  	[sflag:s29] =	ssyncadd.s32 $0xFFFFC000  }
0x13c: {  	_ =	swait.ge [sflag:s30], $0x4000  }
0x13d: {  	[sflag:s30] =	ssyncset.done $0x0  }
0x13e: {  	[sflag:s30] =	ssyncadd.s32 $0xFFFFC000  }
0x13f: {  	[spmem:s2] =	stream.indirect.scatter.add.f32 [tilespmem:s26], [sflag:$0x3], $0x80, s10, s25, $0xb8;
	[tilespmem:$0x1DC00] =	vst v63  }
0x140: {  	_ =	swait.ge [sflag:s23], $0x4000  }
0x141: {  	[sflag:s23] =	ssyncset.done $0x0  }
0x142: {  	s15 =	simm.s32 $0x0;
	[sflag:s23] =	ssyncadd.s32 $0xFFFFC000  }
0x143: {  	[tilespmem:s15], [sflag:$0x3] =	stream.linear.gather [hbm4b:s16+s15], $0x1000, $0x38;
	[tilespmem:$0x1DC00] =	vst v63  }
0x144: {  	_ =	swait.ge [sflag:s23], $0x1000  }
0x145: {  	[sflag:s23] =	ssyncset.done $0x0  }
0x146: {  	[sflag:s23] =	ssyncadd.s32 $0xFFFFF000  }
0x147: {  	[tilespmem:s24], [sflag:$0x3] =	stream.linear.gather [hbm4b:s17+s15], $0x1000, $0x38;
	[tilespmem:$0x1DC00] =	vst v63  }
0x148: {  	_ =	swait.ge [sflag:s23], $0x1000  }
0x149: {  	[sflag:s23] =	ssyncset.done $0x0  }
0x14a: {  	[sflag:s23] =	ssyncadd.s32 $0xFFFFF000  }
0x14b: {  	[tilespmem:s22], [sflag:$0x1] =	stream.indirect.gather [hbm4b:s4+s25], $0x80, s15, s25, $0xb8;
	[tilespmem:$0x1DC00] =	vst v63  }
0x14c: {  	s12 =	simm.s32 $0x80  }
0x14d: {  	[tilespmem:s26], [sflag:$0x2] =	stream.indirect.gather [hbm4b:s4+s25], $0x80, s12, s25, $0xb8;
	[tilespmem:$0x1DC00] =	vst v63  }
0x14e: {  	_ =	swait.ge [sflag:s28], $0x4000  }
0x14f: {  	[sflag:s28] =	ssyncset.done $0x0  }
0x150: {  	s13 =	simm.s32 $0x1000;
	[sflag:s28] =	ssyncadd.s32 $0xFFFFC000  }
0x151: {  	[spmem:s2] =	stream.indirect.scatter.add.f32 [tilespmem:s22], [sflag:$0x4], $0x80, s13, s25, $0xb8;
	[tilespmem:$0x1DC00] =	vst v63  }
0x152: {  	_ =	swait.ge [sflag:s29], $0x4000  }
0x153: {  	[sflag:s29] =	ssyncset.done $0x0  }
0x154: {  	s14 =	simm.s32 $0x100;
	[sflag:s29] =	ssyncadd.s32 $0xFFFFC000  }
0x155: {  	[tilespmem:s22], [sflag:$0x1] =	stream.indirect.gather [hbm4b:s4+s25], $0x80, s14, s25, $0xb8;
	[tilespmem:$0x1DC00] =	vst v63  }
0x156: {  	_ =	swait.ge [sflag:s30], $0x4000  }
0x157: {  	[sflag:s30] =	ssyncset.done $0x0  }
0x158: {  	s15 =	simm.s32 $0x1080;
	[sflag:s30] =	ssyncadd.s32 $0xFFFFC000  }
0x159: {  	[spmem:s2] =	stream.indirect.scatter.add.f32 [tilespmem:s26], [sflag:$0x3], $0x80, s15, s25, $0xb8;
	[tilespmem:$0x1DC00] =	vst v63  }
0x15a: {  	_ =	swait.ge [sflag:s23], $0x4000  }
0x15b: {  	s11 =	simm.s32 $0x100;
	s12 =	simm.s32 $0x800;
	[sflag:s23] =	ssyncset.done $0x0  }
.LBB2_11:
0x15c: {  	s13 =	sadd.s32 $0x80, s11  }
0x15d: {  	[sflag:s23] =	ssyncadd.s32 $0xFFFFC000;
	s14 =	smov.u32 s12;
	s15 =	sadd.s32 $0x400, s12  }
0x15e: {  	[tilespmem:s26], [sflag:$0x2] =	stream.indirect.gather [hbm4b:s4+s25], $0x80, s13, s25, $0xb8;
	[tilespmem:$0x1DC00] =	vst v63  }
0x15f: {  	p1 =	sne.s32 s12, $0x3800;
	_ =	swait.ge [sflag:s28], $0x4000  }
0x160: {  	[sflag:s28] =	ssyncset.done $0x0  }
0x161: {  	s12 =	sadd.s32 $0x1000, s11;
	[sflag:s28] =	ssyncadd.s32 $0xFFFFC000  }
0x162: {  	[spmem:s2] =	stream.indirect.scatter.add.f32 [tilespmem:s22], [sflag:$0x4], $0x80, s12, s25, $0xb8;
	[tilespmem:$0x1DC00] =	vst v63  }
0x163: {  	_ =	swait.ge [sflag:s29], $0x4000  }
0x164: {  	[sflag:s29] =	ssyncset.done $0x0  }
0x165: {  	s12 =	sadd.s32 $0x100, s11;
	[sflag:s29] =	ssyncadd.s32 $0xFFFFC000  }
0x166: {  	[tilespmem:s22], [sflag:$0x1] =	stream.indirect.gather [hbm4b:s4+s25], $0x80, s12, s25, $0xb8;
	[tilespmem:$0x1DC00] =	vst v63  }
0x167: {  	_ =	swait.ge [sflag:s30], $0x4000  }
.Ltmp7:
0x168: {  	[sflag:s30] =	ssyncset.done $0x0;
	(pc) =	sbr.rel @p1 .LBB2_11-.Ltmp7, $4  }
0x169: {  	s11 =	sadd.s32 $0x1080, s11;
	[sflag:s30] =	ssyncadd.s32 $0xFFFFC000  }
0x16a: {  	[spmem:s2] =	stream.indirect.scatter.add.f32 [tilespmem:s26], [sflag:$0x3], $0x80, s11, s25, $0xb8;
	[tilespmem:$0x1DC00] =	vst v63  }
0x16b: {  	_ =	swait.ge [sflag:s23], $0x4000  }
0x16c: {  	s12 =	smov.u32 s15;
	s11 =	sshra.s32 s14, $0x2;
	[sflag:s23] =	ssyncset.done $0x0  }
0x16d: {  	s12 =	sadd.s32 $0x80, s11;
	[sflag:s23] =	ssyncadd.s32 $0xFFFFC000  }
0x16e: {  	[tilespmem:s26], [sflag:$0x2] =	stream.indirect.gather [hbm4b:s4+s25], $0x80, s12, s25, $0xb8;
	[tilespmem:$0x1DC00] =	vst v63  }
0x16f: {  	_ =	swait.ge [sflag:s28], $0x4000  }
0x170: {  	[sflag:s28] =	ssyncset.done $0x0  }
0x171: {  	s15 =	sadd.s32 $0x1000, s11;
	[sflag:s28] =	ssyncadd.s32 $0xFFFFC000  }
0x172: {  	[spmem:s2] =	stream.indirect.scatter.add.f32 [tilespmem:s22], [sflag:$0x4], $0x80, s15, s25, $0xb8;
	[tilespmem:$0x1DC00] =	vst v63  }
0x173: {  	_ =	swait.ge [sflag:s29], $0x4000  }
0x174: {  	[sflag:s29] =	ssyncset.done $0x0  }
0x175: {  	s13 =	sadd.s32 $0x100, s11;
	[sflag:s29] =	ssyncadd.s32 $0xFFFFC000  }
0x176: {  	[tilespmem:s22], [sflag:$0x1] =	stream.indirect.gather [hbm4b:s4+s25], $0x80, s13, s25, $0xb8;
	[tilespmem:$0x1DC00] =	vst v63  }
0x177: {  	_ =	swait.ge [sflag:s30], $0x4000  }
0x178: {  	[sflag:s30] =	ssyncset.done $0x0  }
0x179: {  	s14 =	sadd.s32 $0x1080, s11;
	[sflag:s30] =	ssyncadd.s32 $0xFFFFC000  }
0x17a: {  	[spmem:s2] =	stream.indirect.scatter.add.f32 [tilespmem:s26], [sflag:$0x3], $0x80, s14, s25, $0xb8;
	[tilespmem:$0x1DC00] =	vst v63  }
0x17b: {  	_ =	swait.ge [sflag:s23], $0x4000  }
0x17c: {  	[sflag:s23] =	ssyncset.done $0x0  }
0x17d: {  	[sflag:s23] =	ssyncadd.s32 $0xFFFFC000  }
0x17e: {  	[tilespmem:s26], [sflag:$0x2] =	stream.indirect.gather [hbm4b:s4+s25], $0x80, s31, s25, $0xb8;
	[tilespmem:$0x1DC00] =	vst v63  }
0x17f: {  	_ =	swait.ge [sflag:s28], $0x4000  }
0x180: {  	[sflag:s28] =	ssyncset.done $0x0  }
0x181: {  	[sflag:s28] =	ssyncadd.s32 $0xFFFFC000  }
0x182: {  	[spmem:s2] =	stream.indirect.scatter.add.f32 [tilespmem:s22], [sflag:$0x4], $0x80, s0, s25, $0xb8;
	[tilespmem:$0x1DC00] =	vst v63  }
0x183: {  	_ =	swait.ge [sflag:s29], $0x4000  }
0x184: {  	[sflag:s29] =	ssyncset.done $0x0  }
0x185: {  	[sflag:s29] =	ssyncadd.s32 $0xFFFFC000  }
0x186: {  	_ =	swait.ge [sflag:s30], $0x4000  }
0x187: {  	[sflag:s30] =	ssyncset.done $0x0  }
0x188: {  	[sflag:s30] =	ssyncadd.s32 $0xFFFFC000  }
0x189: {  	[spmem:s2] =	stream.indirect.scatter.add.f32 [tilespmem:s26], [sflag:$0x3], $0x80, s10, s25, $0xb8;
	[tilespmem:$0x1DC00] =	vst v63  }
0x18a: {  	_ =	swait.ge [sflag:s23], $0x4000  }
0x18b: {  	[sflag:s23] =	ssyncset.done $0x0  }
0x18c: {  	s15 =	simm.s32 $0x0;
	[sflag:s23] =	ssyncadd.s32 $0xFFFFC000  }
0x18d: {  	[tilespmem:s15], [sflag:$0x3] =	stream.linear.gather [hbm4b:s18+s15], $0x1000, $0x38;
	[tilespmem:$0x1DC00] =	vst v63  }
0x18e: {  	_ =	swait.ge [sflag:s23], $0x1000  }
0x18f: {  	[sflag:s23] =	ssyncset.done $0x0  }
0x190: {  	[sflag:s23] =	ssyncadd.s32 $0xFFFFF000  }
0x191: {  	[tilespmem:s24], [sflag:$0x3] =	stream.linear.gather [hbm4b:s19+s15], $0x1000, $0x38;
	[tilespmem:$0x1DC00] =	vst v63  }
0x192: {  	_ =	swait.ge [sflag:s23], $0x1000  }
0x193: {  	[sflag:s23] =	ssyncset.done $0x0  }
0x194: {  	[sflag:s23] =	ssyncadd.s32 $0xFFFFF000  }
0x195: {  	[tilespmem:s22], [sflag:$0x1] =	stream.indirect.gather [hbm4b:s4+s25], $0x80, s15, s25, $0xb8;
	[tilespmem:$0x1DC00] =	vst v63  }
0x196: {  	s12 =	simm.s32 $0x80  }
0x197: {  	[tilespmem:s26], [sflag:$0x2] =	stream.indirect.gather [hbm4b:s4+s25], $0x80, s12, s25, $0xb8;
	[tilespmem:$0x1DC00] =	vst v63  }
0x198: {  	_ =	swait.ge [sflag:s28], $0x4000  }
0x199: {  	[sflag:s28] =	ssyncset.done $0x0  }
0x19a: {  	s13 =	simm.s32 $0x1000;
	[sflag:s28] =	ssyncadd.s32 $0xFFFFC000  }
0x19b: {  	[spmem:s2] =	stream.indirect.scatter.add.f32 [tilespmem:s22], [sflag:$0x4], $0x80, s13, s25, $0xb8;
	[tilespmem:$0x1DC00] =	vst v63  }
0x19c: {  	_ =	swait.ge [sflag:s29], $0x4000  }
0x19d: {  	[sflag:s29] =	ssyncset.done $0x0  }
0x19e: {  	s14 =	simm.s32 $0x100;
	[sflag:s29] =	ssyncadd.s32 $0xFFFFC000  }
0x19f: {  	[tilespmem:s22], [sflag:$0x1] =	stream.indirect.gather [hbm4b:s4+s25], $0x80, s14, s25, $0xb8;
	[tilespmem:$0x1DC00] =	vst v63  }
0x1a0: {  	_ =	swait.ge [sflag:s30], $0x4000  }
0x1a1: {  	[sflag:s30] =	ssyncset.done $0x0  }
0x1a2: {  	s15 =	simm.s32 $0x1080;
	[sflag:s30] =	ssyncadd.s32 $0xFFFFC000  }
0x1a3: {  	[spmem:s2] =	stream.indirect.scatter.add.f32 [tilespmem:s26], [sflag:$0x3], $0x80, s15, s25, $0xb8;
	[tilespmem:$0x1DC00] =	vst v63  }
0x1a4: {  	_ =	swait.ge [sflag:s23], $0x4000  }
0x1a5: {  	s11 =	simm.s32 $0x100;
	s12 =	simm.s32 $0x800;
	[sflag:s23] =	ssyncset.done $0x0  }
.LBB2_13:
0x1a6: {  	s13 =	sadd.s32 $0x80, s11  }
0x1a7: {  	[sflag:s23] =	ssyncadd.s32 $0xFFFFC000;
	s14 =	smov.u32 s12;
	s15 =	sadd.s32 $0x400, s12  }
0x1a8: {  	[tilespmem:s26], [sflag:$0x2] =	stream.indirect.gather [hbm4b:s4+s25], $0x80, s13, s25, $0xb8;
	[tilespmem:$0x1DC00] =	vst v63  }
0x1a9: {  	p1 =	sne.s32 s12, $0x3800;
	_ =	swait.ge [sflag:s28], $0x4000  }
0x1aa: {  	[sflag:s28] =	ssyncset.done $0x0  }
0x1ab: {  	s12 =	sadd.s32 $0x1000, s11;
	[sflag:s28] =	ssyncadd.s32 $0xFFFFC000  }
0x1ac: {  	[spmem:s2] =	stream.indirect.scatter.add.f32 [tilespmem:s22], [sflag:$0x4], $0x80, s12, s25, $0xb8;
	[tilespmem:$0x1DC00] =	vst v63  }
0x1ad: {  	_ =	swait.ge [sflag:s29], $0x4000  }
0x1ae: {  	[sflag:s29] =	ssyncset.done $0x0  }
0x1af: {  	s12 =	sadd.s32 $0x100, s11;
	[sflag:s29] =	ssyncadd.s32 $0xFFFFC000  }
0x1b0: {  	[tilespmem:s22], [sflag:$0x1] =	stream.indirect.gather [hbm4b:s4+s25], $0x80, s12, s25, $0xb8;
	[tilespmem:$0x1DC00] =	vst v63  }
0x1b1: {  	_ =	swait.ge [sflag:s30], $0x4000  }
.Ltmp8:
0x1b2: {  	[sflag:s30] =	ssyncset.done $0x0;
	(pc) =	sbr.rel @p1 .LBB2_13-.Ltmp8, $4  }
0x1b3: {  	s11 =	sadd.s32 $0x1080, s11;
	[sflag:s30] =	ssyncadd.s32 $0xFFFFC000  }
0x1b4: {  	[spmem:s2] =	stream.indirect.scatter.add.f32 [tilespmem:s26], [sflag:$0x3], $0x80, s11, s25, $0xb8;
	[tilespmem:$0x1DC00] =	vst v63  }
0x1b5: {  	_ =	swait.ge [sflag:s23], $0x4000  }
0x1b6: {  	s12 =	smov.u32 s15;
	s11 =	sshra.s32 s14, $0x2;
	[sflag:s23] =	ssyncset.done $0x0  }
.Ltmp9:
0x1b7: {  	_ = 	snop;
	(pc) =	sbr.rel .LBB2_14-.Ltmp9, $1  }
0x1b8: {  	_ =	sdelay $0x3  }
.LBB2_16:
0x1b9: {  	_ =	sfence.sel $0x180000  }
0x1ba: {  	[bflag:$0x0] =	sbarrier.arrive $0xFFFF  }
0x1bb: {  	_ =	strace $0x9000004A  }
0x1bc: {  	[bflag:$0x2] =	sbarrier.arrive $0xFFFF  }
0x1bd: {  	p0 =	sne.s32 s1, $0x0;
	s0 =	rddreg [dreg:$0x2]  }
0x1be: {  	s0 =	sadd.s32 @!p0 $0x100000, s0  }
0x1bf: {  	[sflag:s0] =	ssyncadd.tile.s32 @!p0 $0x1;
	_ =	shalt  }
.Lfunc_end2:
_tile_overlayer_lowered:
.L_overlay_start_2:
0x1c0: {  	(tag) =	ssettag $0x2  }
0x1c1: {  	s0 =	rddreg [dreg:$0x0];
	s2 =	stileid.u32  }
0x1c2: {  	s1 =	rddreg [dreg:$0x1];
	p0 =	sne.s32 s2, $0x0  }
0x1c3: {  	s3 =	rddreg [dreg:$0x2];
	[bflag:$0x3] =	sbarrier.arrive $0xFFFF;
	s2 =	simm.s32 @!p0 $0x1C03  }
0x1c4: {  	[timem:s3], [sflag:s2] =	dma.local @!p0 [hbm:s0], s1  }
0x1c5: {  	s0 =	simm.s32 @!p0 $0x3  }
0x1c6: {  	_ =	swait.ge @!p0 [sflag:s0], s1  }
0x1c7: {  	s1 =	ssub.s32 @!p0 $0x0, s1;
	[sflag:s0] =	ssyncset.done @!p0 $0x0  }
0x1c8: {  	[sflag:s0] =	ssyncadd.s32 @!p0 s1  }
0x1c9: {  	[bflag:$0x3] =	sbarrier.arrive $0xFFFF  }
0x1ca: {  	_ =	shalt  }

// kernel: kernel.14.cloned.1.call-start
scs
__scs_entry_jumppad:
0x0: {  	(pc) =	sbr.rel $0x88, $3  }
0x1: {  	(tag) =	ssettag $0x0;
	lr =	simm.s32 $0x1  }
0x2: {  	[smem:$0x3F96] =	sst lr;
	_ =	strace $0xD0000000  }
0x3: {  	_ = 	snop  }
0x4: {  	_ = 	snop  }
0x5: {  	_ = 	snop  }
0x6: {  	_ = 	snop  }
0x7: {  	_ = 	snop  }
__scs_overlays_trampoline_lowered:
0x8: {  	[smem:$0x3FA5] =	sst s0  }
0x9: {  	[smem:$0x3FA6] =	sst s1  }
0xa: {  	[smem:$0x3FA7] =	sst s2  }
0xb: {  	[smem:$0x3FA8] =	sst s3  }
0xc: {  	[smem:$0x3FA9] =	sst s4  }
0xd: {  	[smem:$0x3FAA] =	sst s5  }
0xe: {  	[smem:$0x3FAB] =	sst s6  }
0xf: {  	[smem:$0x3FAC] =	sst s7  }
0x10: {  	[smem:$0x3FAD] =	sst s8  }
0x11: {  	[smem:$0x3FAE] =	sst s9;
	s0 =	simm.s32 @!p0 $0x0  }
0x12: {  	s1 =	sld [smem:$0x3F94];
	s0 =	simm.s32 @p0 $0x1  }
0x13: {  	[smem:$0x3FAF] =	sst s0;
	s0 =	simm.s32 @!p1 $0x0  }
0x14: {  	s2 =	sld [smem:$0x3F93];
	s0 =	simm.s32 @p1 $0x1  }
0x15: {  	[smem:$0x3FB0] =	sst s0;
	s0 =	simm.s32 @!p2 $0x0  }
0x16: {  	s3 =	sld [smem:$0x3FDB];
	s0 =	simm.s32 @p2 $0x1  }
0x17: {  	s4 =	simm.s32 $0x1BF5;
	[smem:$0x3FB2] =	sst s0  }
0x18: {  	s0 =	sld [smem:$0x3F95];
	_ =	swait.ge [sflag:s4], $0x0  }
0x19: {  	s7 =	sld [smem:$0x3F96]  }
0x1a: {  	s8 =	sadd.s32 $0xFFFFE003, lr  }
0x1b: {  	s9 =	sadd.s32 $0xFFFFFEF7, lr;
	s5 =	simm.s32 $0xFFFFFFFF;
	p2 =	slt.u32 s8, $0xFFFFF086  }
0x1c: {  	p1 =	slt.u32 s9, $0xF7A;
	s5 =	simm.s32 @!p2 $0x0  }
0x1d: {  	s5 =	simm.s32 @p1 $0x1;
	p0 =	seq.s32 s7, s2  }
0x1e: {  	s7 =	smul.u32 @!p0 $0xF7A, s2;
	p2 =	seq.s32 @!p0 s5, $0x0  }
0x1f: {  	s9 =	smul.u32 $0xF7A, s1;
	s8 =	simm.s32 @!p0 $0x1BF5;
	p2 =	por !p2, p0  }
0x20: {  	[sflag:s8] =	ssyncset.s32 @!p0 $0xFFFFF086;
	s6 =	sadd.s32 @!p0 s3, s7;
	s7 =	simm.s32 @!p0 $0x108  }
0x21: {  	s3 =	sadd.s32 s3, s9;
	s6 =	sadd.s32 @!p0 $0x88, s6;
	s7 =	simm.s32 @p2 $0x1082  }
0x22: {  	[simem:s7], [sflag:s8] =	dma.local @!p0 [hbm:s6], $0xF7A  }
0x23: {  	s9 =	sor.u32 $0xD0000000, s2;
	s6 =	simm.s32 $0x108;
	_ =	swait.ge @!p0 [sflag:s8], $0x0  }
0x24: {  	s3 =	sadd.s32 $0x88, s3;
	s6 =	simm.s32 @!p1 $0x1082;
	[sflag:s4] =	ssyncset.s32 $0xFFFFF086  }
0x25: {  	[simem:s6], [sflag:s4] =	dma.local [hbm:s3], $0xF7A  }
0x26: {  	[smem:$0x3F96] =	sst s1;
	(tag) =	ssettag s2;
	_ =	strace s9  }
0x27: {  	s1 =	sld [smem:$0x3FA6]  }
0x28: {  	s2 =	sld [smem:$0x3FA7]  }
0x29: {  	s4 =	sld [smem:$0x3FA9]  }
0x2a: {  	p0 =	seq.s32 s5, $0x0;
	s5 =	sld [smem:$0x3FAA]  }
0x2b: {  	s6 =	sld [smem:$0x3FAB]  }
0x2c: {  	s7 =	sld [smem:$0x3FAC]  }
0x2d: {  	s3 =	simm.s32 $0x108;
	s8 =	sld [smem:$0x3FAD]  }
0x2e: {  	s3 =	simm.s32 @!p0 $0x1082;
	s9 =	sld [smem:$0x3FAE]  }
0x2f: {  	lr =	sadd.s32 s0, s3;
	s0 =	sld [smem:$0x3FA5]  }
0x30: {  	s3 =	sld [smem:$0x3FA8]  }
0x31: {  	[smem:$0x3FB1] =	sst s10  }
0x32: {  	s10 =	sld [smem:$0x3FAF];
	_ =	sdelay $0x3  }
0x33: {  	p0 =	seq.s32 s10, $0x1;
	s10 =	sld [smem:$0x3FB1];
	_ =	sdelay $0x3  }
0x34: {  	[smem:$0x3FB1] =	sst s10  }
0x35: {  	s10 =	sld [smem:$0x3FB0];
	_ =	sdelay $0x3  }
0x36: {  	p1 =	seq.s32 s10, $0x1;
	s10 =	sld [smem:$0x3FB1];
	_ =	sdelay $0x3  }
0x37: {  	[smem:$0x3FB1] =	sst s10  }
0x38: {  	s10 =	sld [smem:$0x3FB2]  }
0x39: {  	_ = 	snop;
	(pc) =	sbr.ind lr, $3  }
0x3a: {  	_ = 	snop  }
0x3b: {  	_ = 	snop  }
0x3c: {  	p2 =	seq.s32 s10, $0x1;
	s10 =	sld [smem:$0x3FB1]  }
0x3d: {  	_ =	shalt  }
0x3e: {  	_ =	shalt  }
0x3f: {  	_ =	shalt  }
0x40: {  	_ =	shalt  }
0x41: {  	_ =	shalt  }
0x42: {  	_ =	shalt  }
0x43: {  	_ =	shalt  }
0x44: {  	_ =	shalt  }
0x45: {  	_ =	shalt  }
0x46: {  	_ =	shalt  }
0x47: {  	_ =	shalt  }
0x48: {  	_ =	shalt  }
0x49: {  	_ =	shalt  }
0x4a: {  	_ =	shalt  }
0x4b: {  	_ =	shalt  }
0x4c: {  	_ =	shalt  }
0x4d: {  	_ =	shalt  }
0x4e: {  	_ =	shalt  }
0x4f: {  	_ =	shalt  }
0x50: {  	_ =	shalt  }
0x51: {  	_ =	shalt  }
0x52: {  	_ =	shalt  }
0x53: {  	_ =	shalt  }
0x54: {  	_ =	shalt  }
0x55: {  	_ =	shalt  }
0x56: {  	_ =	shalt  }
0x57: {  	_ =	shalt  }
0x58: {  	_ =	shalt  }
0x59: {  	_ =	shalt  }
0x5a: {  	_ =	shalt  }
0x5b: {  	_ =	shalt  }
0x5c: {  	_ =	shalt  }
0x5d: {  	_ =	shalt  }
0x5e: {  	_ =	shalt  }
0x5f: {  	_ =	shalt  }
0x60: {  	_ =	shalt  }
0x61: {  	_ =	shalt  }
0x62: {  	_ =	shalt  }
0x63: {  	_ =	shalt  }
0x64: {  	_ =	shalt  }
0x65: {  	_ =	shalt  }
0x66: {  	_ =	shalt  }
0x67: {  	_ =	shalt  }
0x68: {  	_ =	shalt  }
0x69: {  	_ =	shalt  }
0x6a: {  	_ =	shalt  }
0x6b: {  	_ =	shalt  }
0x6c: {  	_ =	shalt  }
0x6d: {  	_ =	shalt  }
0x6e: {  	_ =	shalt  }
0x6f: {  	_ =	shalt  }
0x70: {  	_ =	shalt  }
0x71: {  	_ =	shalt  }
0x72: {  	_ =	shalt  }
0x73: {  	_ =	shalt  }
0x74: {  	_ =	shalt  }
0x75: {  	_ =	shalt  }
0x76: {  	_ =	shalt  }
0x77: {  	_ =	shalt  }
0x78: {  	_ =	shalt  }
0x79: {  	_ =	shalt  }
0x7a: {  	_ =	shalt  }
0x7b: {  	_ =	shalt  }
0x7c: {  	_ =	shalt  }
0x7d: {  	_ =	shalt  }
0x7e: {  	_ =	shalt  }
0x7f: {  	_ =	shalt  }
0x80: {  	_ =	shalt  }
0x81: {  	_ =	shalt  }
0x82: {  	_ =	shalt  }
0x83: {  	_ =	shalt  }
0x84: {  	_ =	shalt  }
0x85: {  	_ =	shalt  }
0x86: {  	_ =	shalt  }
0x87: {  	_ =	shalt  }
.Lfunc_end0:
.L_simem_size_0:
called_computation.2_lowered:
.L_overlay_start_0:
0x88: {  	s2 =	sld [smem:$0x3FD9]  }
0x89: {  	s3 =	sld [smem:$0x3FFE];
	_ =	sdelay $0x1  }
0x8a: {  	s1 =	srdreg.scid  }
0x8b: {  	s0 =	sand.u32 $0x1, s1  }
0x8c: {  	s16 =	sshll.u32 s0, $0xA;
	s2 =	sadd.s32 s3, s2  }
0x8d: {  	s2 =	sadd.s32 s2, s16  }
0x8e: {  	[smem:$0x3FBD] =	sst s2  }
0x8f: {  	_ = 	snop  }
0x90: {  	(tm) =	ssettm $0x1  }
0x91: {  	s17 =	sld [smem:$0x3FFB];
	_ =	sdelay $0x3  }
0x92: {  	_ =	strace s17  }
0x93: {  	s2 =	sld [smem:$0x3FFC];
	_ =	sdelay $0x3  }
0x94: {  	_ =	strace s2  }
0x95: {  	s2 =	sld [smem:$0x3FFD];
	_ =	sdelay $0x3  }
0x96: {  	_ =	strace s2  }
0x97: {  	_ =	strace $0x8FFFFFFF  }
0x98: {  	s18 =	sld [smem:$0x3FDB];
	_ =	sdelay $0x1  }
0x99: {  	s19 =	simm.s32 $_scs_section_size  }
0x9a: {  	s4 =	simm.s32 $_size__tile_overlayer_lowered;
	s5 =	simm.s32 $_tile_overlayer_lowered  }
0x9b: {  	s22 =	simm.s32 $0x1BFF;
	s21 =	sshll.u32 s5, $0x1;
	s2 =	sadd.s32 s19, s18  }
0x9c: {  	s6 =	simm.s32 $0x0;
	s20 =	sshll.u32 s4, $0x1;
	s4 =	sadd.s32 s21, s2  }
0x9d: {  	[timem:s6], [sflag:s22] =	dma.local [hbm:s4], s20  }
0x9e: {  	_ =	swait.ge [sflag:s22], s20  }
0x9f: {  	s3 =	ssub.s32 $0x0, s20;
	[sflag:s22] =	ssyncset.done $0x0  }
0xa0: {  	[sflag:s22] =	ssyncadd.s32 s3;
	_ =	sdelay $0x1  }
0xa1: {  	s23 =	simm.s32 $0x1B8B  }
0xa2: {  	_ =	swait.ge [sflag:s23], $0x1  }
0xa3: {  	[sflag:s23] =	ssyncset.done $0x0  }
0xa4: {  	s25 =	simm.s32 $0x1B8E;
	s24 =	sld [smem:$0x3FFE];
	[sflag:s23] =	ssyncadd.s32 $0xFFFFFFFF  }
0xa5: {  	s26 =	simm.s32 $execute0_lowered;
	[smem:$0x3FD2] =	sst s25  }
0xa6: {  	s4 =	sshll.u32 s26, $0x1;
	_ =	strace $0x8000004C;
	[dreg:$0x1] =	wrdreg $0xFFFFFFFF  }
0xa7: {  	s28 =	simm.s32 $_size_execute0_lowered;
	s2 =	sadd.s32 s2, s4;
	[dreg:$0x0] =	wrdreg $0x0  }
0xa8: {  	s4 =	sshll.u32 s28, $0x1;
	[dreg:$0x2] =	wrdreg s2  }
0xa9: {  	[dreg:$0x3] =	wrdreg s4  }
0xaa: {  	[dreg:$0x4] =	wrdreg $0xC0  }
0xab: {  	_ =	task [dreg:s6], $0x5FFFF  }
0xac: {  	[dreg:$0x1] =	wrdreg $0xFFFFFFFF  }
0xad: {  	[dreg:$0x0] =	wrdreg $0x60  }
0xae: {  	[dreg:$0x2] =	wrdreg s24  }
0xaf: {  	[dreg:$0x3] =	wrdreg $0xA0000  }
0xb0: {  	[dreg:$0x4] =	wrdreg $0x9  }
0xb1: {  	_ =	task.clear_ibuf [dreg:s6], $0x5FFFF;
	_ =	strace $0x9000004C  }
0xb2: {  	s29 =	simm.s32 $0x9;
	_ =	strace $0x8000004E  }
0xb3: {  	_ =	swait.ge [sflag:s29], $0x1  }
0xb4: {  	[sflag:s29] =	ssyncadd.s32 $0xFFFFFFFF  }
0xb5: {  	_ =	strace $0x9000004E  }
0xb6: {  	_ =	sfence  }
0xb7: {  	s30 =	sld [smem:$0x0];
	_ =	sdelay $0x2  }
0xb8: {  	s31 =	sshll.u32 s1, $0xD;
	s1 =	sshrl.u32 s1, $0x2  }
0xb9: {  	s3 =	sand.u32 $0x4000, s31;
	s1 =	sadd.s32 s1, s30  }
0xba: {  	s0 =	sor.u32 s3, s0;
	s1 =	sshll.u32 s1, $0x11  }
0xbb: {  	s0 =	sor.u32 s1, s0  }
0xbc: {  	s0 =	sadd.s32 $0x8F2B, s0  }
0xbd: {  	[sflag:s0] =	ssyncadd.remote.s32 $0x1  }
0xbe: {  	_ =	sfence.sel $0xFFFF  }
0xbf: {  	[dreg:$0x0] =	wrdreg $0xFFFFFFFF;
	(pc) =	sbr.abs _section_cstart, $3  }
0xc0: {  	[dreg:$0x1] =	wrdreg $0xFFFFFFFF  }
0xc1: {  	_ =	task.clear_ibuf [dreg:s6], $0x2FFFF;
	_ =	strace $0x9FFFFFFF  }
0xc2: {  	(tm) =	ssettm $0x7FFFFFFF  }
0xc3: {  	_ =	shalt  }
tec
execute0_lowered:
.L_overlay_start_1:
0x0: {  	(tag) =	ssettag $0x1  }
0x1: {  	s0 =	rddreg [dreg:$0x0]  }
0x2: {  	s1 =	srdreg.scid;
	s2 =	rddreg [dreg:$0x1];
	s3 =	simm.s32 $0x0  }
0x3: {  	s28 =	simm.s32 $0x1;
	s29 =	simm.s32 $0x4;
	s10 =	sand.u32 $0x1, s1  }
0x4: {  	s30 =	simm.s32 $0x2;
	s1 =	stileid.u32;
	s5 =	smul.u32 $0x13C000, s10  }
0x5: {  	s31 =	simm.s32 $0xF80;
	[smem:$0x7FF] =	sst s3;
	s6 =	smul.u32 $0x13C00, s1  }
0x6: {  	s4 =	sadd.s32 $0x22200, s0;
	s11 =	sadd.s32 $0x18200, s0;
	s20 =	smul.u32 $0x4F000, s1  }
0x7: {  	s12 =	sadd.s32 $0xE200, s0;
	_ =	strace $0x8000004D;
	s13 =	smul.u32 $0xA00, s1  }
0x8: {  	s21 =	ssub.s32 $0x2, s10;
	s14 =	smul.u32 $0x5000, s1;
	p0 =	sne.s32 s10, $0x0  }
0x9: {  	s10 =	simm.s32 $0x1F80;
	s7 =	sshrl.u32 s21, $0x1;
	s5 =	sadd.s32 s6, s5  }
0xa: {  	s6 =	sshrl.u32 s20, $0x2;
	s21 =	ssub.s32 s21, s7;
	s15 =	sadd.s32 s11, s13  }
0xb: {  	s16 =	sshrl.u32 s14, $0x3;
	s13 =	sadd.s32 s12, s13;
	[dreg:$0x3] =	wrdreg s15  }
0xc: {  	s5 =	sshrl.u32 s5, $0x3;
	[dreg:$0x4] =	wrdreg s13;
	s22 =	sadd.s32 $0x200, s16  }
0xd: {  	s23 =	sadd.s32 $0x400, s16;
	s17 =	sadd.s32 $0x600, s16;
	s19 =	sadd.s32 $0x800, s16  }
0xe: {  	s21 =	smax.u32 s21, $0x1;
	s0 =	sadd.s32 s5, s0;
	s5 =	sadd.s32 s6, s2  }
0xf: {  	s24 =	sadd.s32 s11, s22;
	s13 =	sadd.s32 s12, s22;
	s25 =	sadd.s32 s11, s23  }
0x10: {  	s26 =	sadd.s32 s12, s23;
	s16 =	sadd.s32 s11, s17;
	s17 =	sadd.s32 s12, s17  }
0x11: {  	s18 =	sadd.s32 s11, s19;
	s19 =	sadd.s32 s12, s19;
	s22 =	simm.s32 $0x2000  }
.Ltmp0:
0x12: {  	s23 =	simm.s32 $0x3;
	[dreg:$0x5] =	wrdreg s24;
	(pc) =	sbr.rel .LBB2_1-.Ltmp0, $4  }
0x13: {  	s6 =	sadd.s32 $0x4000, s5;
	s7 =	sadd.s32 $0x8000, s5;
	[dreg:$0x6] =	wrdreg s13  }
0x14: {  	s8 =	sadd.s32 $0xC000, s5;
	s9 =	sadd.s32 $0x10000, s5;
	[dreg:$0x7] =	wrdreg s25  }
0x15: {  	[dreg:$0x8] =	wrdreg s26;
	s20 =	sadd.s32 $0x49400, s0;
	s24 =	simm.s32 $0x1000  }
0x16: {  	v0 =	vimm.f32 $0.0e+00;
	s25 =	simm.s32 $0x80;
	s26 =	simm.s32 $0x6000;
	s0 =	simm.s32 $0x1F00  }
.LBB2_14:
0x17: {  	s12 =	sadd.s32 $0x80, s11;
	[sflag:s23] =	ssyncadd.s32 $0xFFFFC000  }
0x18: {  	[tilespmem:s26], [sflag:$0x2] =	stream.indirect.gather [hbm4b:s4+s25], $0x80, s12, s25, $0xb8;
	[tilespmem:$0x1DC00] =	vst v63  }
0x19: {  	_ =	swait.ge [sflag:s28], $0x4000  }
0x1a: {  	[sflag:s28] =	ssyncset.done $0x0  }
0x1b: {  	s13 =	sadd.s32 $0x1000, s11;
	[sflag:s28] =	ssyncadd.s32 $0xFFFFC000  }
0x1c: {  	[spmem:s2] =	stream.indirect.scatter.add.f32 [tilespmem:s22], [sflag:$0x4], $0x80, s13, s25, $0xb8;
	[tilespmem:$0x1DC00] =	vst v63  }
0x1d: {  	_ =	swait.ge [sflag:s29], $0x4000  }
0x1e: {  	[sflag:s29] =	ssyncset.done $0x0  }
0x1f: {  	s14 =	sadd.s32 $0x100, s11;
	[sflag:s29] =	ssyncadd.s32 $0xFFFFC000  }
0x20: {  	[tilespmem:s22], [sflag:$0x1] =	stream.indirect.gather [hbm4b:s4+s25], $0x80, s14, s25, $0xb8;
	[tilespmem:$0x1DC00] =	vst v63  }
0x21: {  	_ =	swait.ge [sflag:s30], $0x4000  }
0x22: {  	[sflag:s30] =	ssyncset.done $0x0  }
0x23: {  	s15 =	sadd.s32 $0x1080, s11;
	[sflag:s30] =	ssyncadd.s32 $0xFFFFC000  }
0x24: {  	[spmem:s2] =	stream.indirect.scatter.add.f32 [tilespmem:s26], [sflag:$0x3], $0x80, s15, s25, $0xb8;
	[tilespmem:$0x1DC00] =	vst v63  }
0x25: {  	_ =	swait.ge [sflag:s23], $0x4000  }
0x26: {  	[sflag:s23] =	ssyncset.done $0x0  }
0x27: {  	[sflag:s23] =	ssyncadd.s32 $0xFFFFC000  }
0x28: {  	[tilespmem:s26], [sflag:$0x2] =	stream.indirect.gather [hbm4b:s4+s25], $0x80, s31, s25, $0xb8;
	[tilespmem:$0x1DC00] =	vst v63  }
0x29: {  	_ =	swait.ge [sflag:s28], $0x4000  }
0x2a: {  	[sflag:s28] =	ssyncset.done $0x0  }
0x2b: {  	[sflag:s28] =	ssyncadd.s32 $0xFFFFC000  }
0x2c: {  	[spmem:s2] =	stream.indirect.scatter.add.f32 [tilespmem:s22], [sflag:$0x4], $0x80, s0, s25, $0xb8;
	[tilespmem:$0x1DC00] =	vst v63  }
0x2d: {  	_ =	swait.ge [sflag:s29], $0x4000  }
0x2e: {  	[sflag:s29] =	ssyncset.done $0x0  }
0x2f: {  	[sflag:s29] =	ssyncadd.s32 $0xFFFFC000  }
0x30: {  	_ =	swait.ge [sflag:s30], $0x4000  }
0x31: {  	[sflag:s30] =	ssyncset.done $0x0  }
0x32: {  	[sflag:s30] =	ssyncadd.s32 $0xFFFFC000  }
0x33: {  	[spmem:s2] =	stream.indirect.scatter.add.f32 [tilespmem:s26], [sflag:$0x3], $0x80, s10, s25, $0xb8;
	[tilespmem:$0x1DC00] =	vst v63  }
0x34: {  	_ =	swait.ge [sflag:s23], $0x4000  }
0x35: {  	[sflag:s23] =	ssyncset.done $0x0  }
0x36: {  	[sflag:s23] =	ssyncadd.s32 $0xFFFFC000  }
.LBB2_15:
0x37: {  	s3 =	sadd.s32 $0x1, s3  }
0x38: {  	s11 =	sshll.u32 s1, $0x6;
	[bflag:$0x0] =	sbarrier.arrive $0xFFFF;
	p1 =	sne.s32 s3, s21  }
.Ltmp1:
0x39: {  	s12 =	sshrl.u32 s5, $0x3;
	s11 =	sor.u32 $0x1C03, s11;
	(pc) =	sbr.rel @!p1 .LBB2_16-.Ltmp1, $4  }
0x3a: {  	[hbm:s20], [sflag:s11] =	dma.local [spmem:s12], $0x2780  }
0x3b: {  	_ =	swait.ge [sflag:s23], $0x2780  }
0x3c: {  	[sflag:s23] =	ssyncset.done $0x0  }
0x3d: {  	[sflag:s23] =	ssyncadd.s32 $0xFFFFD880  }
.LBB2_1:
0x3e: {  	s11 =	simm.s32 $0x0;
	s12 =	simm.s32 $0x200  }
.LBB2_2:
0x3f: {  	p1 =	sne.s32 s12, $0xFE00;
	[tilespmem:s11+$0x2070] =	vst v0  }
0x40: {  	[tilespmem:s11+$0x2000] =	vst v0  }
0x41: {  	[tilespmem:s11+$0x2010] =	vst v0  }
.Ltmp2:
0x42: {  	[tilespmem:s11+$0x2020] =	vst v0;
	(pc) =	sbr.rel @p1 .LBB2_2-.Ltmp2, $4  }
0x43: {  	[tilespmem:s11+$0x2030] =	vst v0  }
0x44: {  	[tilespmem:s11+$0x2040] =	vst v0  }
0x45: {  	[tilespmem:s11+$0x2050] =	vst v0  }
0x46: {  	[tilespmem:s11+$0x2060] =	vst v0;
	s11 =	sshra.s32 s12, $0x2;
	s12 =	sadd.s32 $0x200, s12  }
0x47: {  	[tilespmem:s11+$0x2070] =	vst v0  }
0x48: {  	[tilespmem:s11+$0x2000] =	vst v0  }
0x49: {  	[tilespmem:s11+$0x2010] =	vst v0  }
0x4a: {  	[tilespmem:s11+$0x2020] =	vst v0  }
0x4b: {  	[tilespmem:s11+$0x2030] =	vst v0  }
0x4c: {  	[tilespmem:s11+$0x2040] =	vst v0  }
0x4d: {  	[tilespmem:s11+$0x2050] =	vst v0  }
0x4e: {  	[tilespmem:s11+$0x2060] =	vst v0  }
0x4f: {  	[spmem:s5] =	stream.linear.scatter [tilespmem:s22], [sflag:$0x3], $0x4000, $0x38;
	[tilespmem:$0x1DC00] =	vst v63  }
0x50: {  	_ =	swait.ge [sflag:s23], $0x4000  }
0x51: {  	[sflag:s23] =	ssyncset.done $0x0  }
0x52: {  	[sflag:s23] =	ssyncadd.s32 $0xFFFFC000  }
0x53: {  	[spmem:s6] =	stream.linear.scatter [tilespmem:s22], [sflag:$0x3], $0x4000, $0x38;
	[tilespmem:$0x1DC00] =	vst v63  }
0x54: {  	_ =	swait.ge [sflag:s23], $0x4000  }
0x55: {  	[sflag:s23] =	ssyncset.done $0x0  }
0x56: {  	[sflag:s23] =	ssyncadd.s32 $0xFFFFC000  }
0x57: {  	[spmem:s7] =	stream.linear.scatter [tilespmem:s22], [sflag:$0x3], $0x4000, $0x38;
	[tilespmem:$0x1DC00] =	vst v63  }
0x58: {  	_ =	swait.ge [sflag:s23], $0x4000  }
0x59: {  	[sflag:s23] =	ssyncset.done $0x0  }
0x5a: {  	[sflag:s23] =	ssyncadd.s32 $0xFFFFC000  }
0x5b: {  	[spmem:s8] =	stream.linear.scatter [tilespmem:s22], [sflag:$0x3], $0x4000, $0x38;
	[tilespmem:$0x1DC00] =	vst v63  }
0x5c: {  	_ =	swait.ge [sflag:s23], $0x4000  }
0x5d: {  	[sflag:s23] =	ssyncset.done $0x0  }
0x5e: {  	[sflag:s23] =	ssyncadd.s32 $0xFFFFC000  }
0x5f: {  	[spmem:s9] =	stream.linear.scatter [tilespmem:s22], [sflag:$0x3], $0x3C00, $0x38;
	[tilespmem:$0x1DC00] =	vst v63  }
.Ltmp3:
0x60: {  	_ =	swait.ge [sflag:s23], $0x3C00;
	(pc) =	sbr.rel @p0 .LBB2_15-.Ltmp3, $3  }
0x61: {  	[sflag:s23] =	ssyncset.done $0x0  }
0x62: {  	[sflag:s23] =	ssyncadd.s32 $0xFFFFC400  }
0x63: {  	[bflag:$0x0] =	sbarrier.arrive $0xFFFF;
	_ =	sdelay $0x1  }
0x64: {  	s11 =	simm.s32 $0x0;
	s12 =	rddreg [dreg:$0x3]  }
0x65: {  	[tilespmem:s11], [sflag:$0x3] =	stream.linear.gather [hbm4b:s12+s11], $0x1000, $0x38;
	[tilespmem:$0x1DC00] =	vst v63  }
0x66: {  	_ =	swait.ge [sflag:s23], $0x1000  }
0x67: {  	[sflag:s23] =	ssyncset.done $0x0  }
0x68: {  	s15 =	rddreg [dreg:$0x4];
	[sflag:s23] =	ssyncadd.s32 $0xFFFFF000  }
0x69: {  	[tilespmem:s24], [sflag:$0x3] =	stream.linear.gather [hbm4b:s15+s11], $0x1000, $0x38;
	[tilespmem:$0x1DC00] =	vst v63  }
0x6a: {  	_ =	swait.ge [sflag:s23], $0x1000  }
0x6b: {  	[sflag:s23] =	ssyncset.done $0x0  }
0x6c: {  	[sflag:s23] =	ssyncadd.s32 $0xFFFFF000  }
0x6d: {  	[tilespmem:s22], [sflag:$0x1] =	stream.indirect.gather [hbm4b:s4+s25], $0x80, s11, s25, $0xb8;
	[tilespmem:$0x1DC00] =	vst v63  }
0x6e: {  	s12 =	simm.s32 $0x80  }
0x6f: {  	[tilespmem:s26], [sflag:$0x2] =	stream.indirect.gather [hbm4b:s4+s25], $0x80, s12, s25, $0xb8;
	[tilespmem:$0x1DC00] =	vst v63  }
0x70: {  	_ =	swait.ge [sflag:s28], $0x4000  }
0x71: {  	[sflag:s28] =	ssyncset.done $0x0  }
0x72: {  	s13 =	simm.s32 $0x1000;
	[sflag:s28] =	ssyncadd.s32 $0xFFFFC000  }
0x73: {  	[spmem:s2] =	stream.indirect.scatter.add.f32 [tilespmem:s22], [sflag:$0x4], $0x80, s13, s25, $0xb8;
	[tilespmem:$0x1DC00] =	vst v63  }
0x74: {  	_ =	swait.ge [sflag:s29], $0x4000  }
0x75: {  	[sflag:s29] =	ssyncset.done $0x0  }
0x76: {  	s14 =	simm.s32 $0x100;
	[sflag:s29] =	ssyncadd.s32 $0xFFFFC000  }
0x77: {  	[tilespmem:s22], [sflag:$0x1] =	stream.indirect.gather [hbm4b:s4+s25], $0x80, s14, s25, $0xb8;
	[tilespmem:$0x1DC00] =	vst v63  }
0x78: {  	_ =	swait.ge [sflag:s30], $0x4000  }
0x79: {  	[sflag:s30] =	ssyncset.done $0x0  }
0x7a: {  	s15 =	simm.s32 $0x1080;
	[sflag:s30] =	ssyncadd.s32 $0xFFFFC000  }
0x7b: {  	[spmem:s2] =	stream.indirect.scatter.add.f32 [tilespmem:s26], [sflag:$0x3], $0x80, s15, s25, $0xb8;
	[tilespmem:$0x1DC00] =	vst v63  }
0x7c: {  	_ =	swait.ge [sflag:s23], $0x4000  }
0x7d: {  	s11 =	simm.s32 $0x100;
	s12 =	simm.s32 $0x800;
	[sflag:s23] =	ssyncset.done $0x0  }
.LBB2_5:
0x7e: {  	s13 =	sadd.s32 $0x80, s11  }
0x7f: {  	[sflag:s23] =	ssyncadd.s32 $0xFFFFC000;
	s14 =	smov.u32 s12;
	s15 =	sadd.s32 $0x400, s12  }
0x80: {  	[tilespmem:s26], [sflag:$0x2] =	stream.indirect.gather [hbm4b:s4+s25], $0x80, s13, s25, $0xb8;
	[tilespmem:$0x1DC00] =	vst v63  }
0x81: {  	p1 =	sne.s32 s12, $0x3800;
	_ =	swait.ge [sflag:s28], $0x4000  }
0x82: {  	[sflag:s28] =	ssyncset.done $0x0  }
0x83: {  	s12 =	sadd.s32 $0x1000, s11;
	[sflag:s28] =	ssyncadd.s32 $0xFFFFC000  }
0x84: {  	[spmem:s2] =	stream.indirect.scatter.add.f32 [tilespmem:s22], [sflag:$0x4], $0x80, s12, s25, $0xb8;
	[tilespmem:$0x1DC00] =	vst v63  }
0x85: {  	_ =	swait.ge [sflag:s29], $0x4000  }
0x86: {  	[sflag:s29] =	ssyncset.done $0x0  }
0x87: {  	s12 =	sadd.s32 $0x100, s11;
	[sflag:s29] =	ssyncadd.s32 $0xFFFFC000  }
0x88: {  	[tilespmem:s22], [sflag:$0x1] =	stream.indirect.gather [hbm4b:s4+s25], $0x80, s12, s25, $0xb8;
	[tilespmem:$0x1DC00] =	vst v63  }
0x89: {  	_ =	swait.ge [sflag:s30], $0x4000  }
.Ltmp4:
0x8a: {  	[sflag:s30] =	ssyncset.done $0x0;
	(pc) =	sbr.rel @p1 .LBB2_5-.Ltmp4, $4  }
0x8b: {  	s11 =	sadd.s32 $0x1080, s11;
	[sflag:s30] =	ssyncadd.s32 $0xFFFFC000  }
0x8c: {  	[spmem:s2] =	stream.indirect.scatter.add.f32 [tilespmem:s26], [sflag:$0x3], $0x80, s11, s25, $0xb8;
	[tilespmem:$0x1DC00] =	vst v63  }
0x8d: {  	_ =	swait.ge [sflag:s23], $0x4000  }
0x8e: {  	s12 =	smov.u32 s15;
	s11 =	sshra.s32 s14, $0x2;
	[sflag:s23] =	ssyncset.done $0x0  }
0x8f: {  	s12 =	sadd.s32 $0x80, s11;
	[sflag:s23] =	ssyncadd.s32 $0xFFFFC000  }
0x90: {  	[tilespmem:s26], [sflag:$0x2] =	stream.indirect.gather [hbm4b:s4+s25], $0x80, s12, s25, $0xb8;
	[tilespmem:$0x1DC00] =	vst v63  }
0x91: {  	_ =	swait.ge [sflag:s28], $0x4000  }
0x92: {  	[sflag:s28] =	ssyncset.done $0x0  }
0x93: {  	s14 =	sadd.s32 $0x1000, s11;
	[sflag:s28] =	ssyncadd.s32 $0xFFFFC000  }
0x94: {  	[spmem:s2] =	stream.indirect.scatter.add.f32 [tilespmem:s22], [sflag:$0x4], $0x80, s14, s25, $0xb8;
	[tilespmem:$0x1DC00] =	vst v63  }
0x95: {  	_ =	swait.ge [sflag:s29], $0x4000  }
0x96: {  	[sflag:s29] =	ssyncset.done $0x0  }
0x97: {  	s15 =	sadd.s32 $0x100, s11;
	[sflag:s29] =	ssyncadd.s32 $0xFFFFC000  }
0x98: {  	[tilespmem:s22], [sflag:$0x1] =	stream.indirect.gather [hbm4b:s4+s25], $0x80, s15, s25, $0xb8;
	[tilespmem:$0x1DC00] =	vst v63  }
0x99: {  	_ =	swait.ge [sflag:s30], $0x4000  }
0x9a: {  	[sflag:s30] =	ssyncset.done $0x0  }
0x9b: {  	s12 =	sadd.s32 $0x1080, s11;
	[sflag:s30] =	ssyncadd.s32 $0xFFFFC000  }
0x9c: {  	[spmem:s2] =	stream.indirect.scatter.add.f32 [tilespmem:s26], [sflag:$0x3], $0x80, s12, s25, $0xb8;
	[tilespmem:$0x1DC00] =	vst v63  }
0x9d: {  	_ =	swait.ge [sflag:s23], $0x4000  }
0x9e: {  	[sflag:s23] =	ssyncset.done $0x0  }
0x9f: {  	[sflag:s23] =	ssyncadd.s32 $0xFFFFC000  }
0xa0: {  	[tilespmem:s26], [sflag:$0x2] =	stream.indirect.gather [hbm4b:s4+s25], $0x80, s31, s25, $0xb8;
	[tilespmem:$0x1DC00] =	vst v63  }
0xa1: {  	_ =	swait.ge [sflag:s28], $0x4000  }
0xa2: {  	[sflag:s28] =	ssyncset.done $0x0  }
0xa3: {  	[sflag:s28] =	ssyncadd.s32 $0xFFFFC000  }
0xa4: {  	[spmem:s2] =	stream.indirect.scatter.add.f32 [tilespmem:s22], [sflag:$0x4], $0x80, s0, s25, $0xb8;
	[tilespmem:$0x1DC00] =	vst v63  }
0xa5: {  	_ =	swait.ge [sflag:s29], $0x4000  }
0xa6: {  	[sflag:s29] =	ssyncset.done $0x0  }
0xa7: {  	[sflag:s29] =	ssyncadd.s32 $0xFFFFC000  }
0xa8: {  	_ =	swait.ge [sflag:s30], $0x4000  }
0xa9: {  	[sflag:s30] =	ssyncset.done $0x0  }
0xaa: {  	[sflag:s30] =	ssyncadd.s32 $0xFFFFC000  }
0xab: {  	[spmem:s2] =	stream.indirect.scatter.add.f32 [tilespmem:s26], [sflag:$0x3], $0x80, s10, s25, $0xb8;
	[tilespmem:$0x1DC00] =	vst v63  }
0xac: {  	_ =	swait.ge [sflag:s23], $0x4000  }
0xad: {  	[sflag:s23] =	ssyncset.done $0x0  }
0xae: {  	s13 =	simm.s32 $0x0;
	s14 =	rddreg [dreg:$0x5];
	[sflag:s23] =	ssyncadd.s32 $0xFFFFC000  }
0xaf: {  	[tilespmem:s13], [sflag:$0x3] =	stream.linear.gather [hbm4b:s14+s13], $0x1000, $0x38;
	[tilespmem:$0x1DC00] =	vst v63  }
0xb0: {  	_ =	swait.ge [sflag:s23], $0x1000  }
0xb1: {  	[sflag:s23] =	ssyncset.done $0x0  }
0xb2: {  	s15 =	rddreg [dreg:$0x6];
	[sflag:s23] =	ssyncadd.s32 $0xFFFFF000  }
0xb3: {  	[tilespmem:s24], [sflag:$0x3] =	stream.linear.gather [hbm4b:s15+s13], $0x1000, $0x38;
	[tilespmem:$0x1DC00] =	vst v63  }
0xb4: {  	_ =	swait.ge [sflag:s23], $0x1000  }
0xb5: {  	[sflag:s23] =	ssyncset.done $0x0  }
0xb6: {  	[sflag:s23] =	ssyncadd.s32 $0xFFFFF000  }
0xb7: {  	[tilespmem:s22], [sflag:$0x1] =	stream.indirect.gather [hbm4b:s4+s25], $0x80, s13, s25, $0xb8;
	[tilespmem:$0x1DC00] =	vst v63  }
0xb8: {  	s12 =	simm.s32 $0x80  }
0xb9: {  	[tilespmem:s26], [sflag:$0x2] =	stream.indirect.gather [hbm4b:s4+s25], $0x80, s12, s25, $0xb8;
	[tilespmem:$0x1DC00] =	vst v63  }
0xba: {  	_ =	swait.ge [sflag:s28], $0x4000  }
0xbb: {  	[sflag:s28] =	ssyncset.done $0x0  }
0xbc: {  	s13 =	simm.s32 $0x1000;
	[sflag:s28] =	ssyncadd.s32 $0xFFFFC000  }
0xbd: {  	[spmem:s2] =	stream.indirect.scatter.add.f32 [tilespmem:s22], [sflag:$0x4], $0x80, s13, s25, $0xb8;
	[tilespmem:$0x1DC00] =	vst v63  }
0xbe: {  	_ =	swait.ge [sflag:s29], $0x4000  }
0xbf: {  	[sflag:s29] =	ssyncset.done $0x0  }
0xc0: {  	s14 =	simm.s32 $0x100;
	[sflag:s29] =	ssyncadd.s32 $0xFFFFC000  }
0xc1: {  	[tilespmem:s22], [sflag:$0x1] =	stream.indirect.gather [hbm4b:s4+s25], $0x80, s14, s25, $0xb8;
	[tilespmem:$0x1DC00] =	vst v63  }
0xc2: {  	_ =	swait.ge [sflag:s30], $0x4000  }
0xc3: {  	[sflag:s30] =	ssyncset.done $0x0  }
0xc4: {  	s15 =	simm.s32 $0x1080;
	[sflag:s30] =	ssyncadd.s32 $0xFFFFC000  }
0xc5: {  	[spmem:s2] =	stream.indirect.scatter.add.f32 [tilespmem:s26], [sflag:$0x3], $0x80, s15, s25, $0xb8;
	[tilespmem:$0x1DC00] =	vst v63  }
0xc6: {  	_ =	swait.ge [sflag:s23], $0x4000  }
0xc7: {  	s11 =	simm.s32 $0x100;
	s12 =	simm.s32 $0x800;
	[sflag:s23] =	ssyncset.done $0x0  }
.LBB2_7:
0xc8: {  	s13 =	sadd.s32 $0x80, s11  }
0xc9: {  	[sflag:s23] =	ssyncadd.s32 $0xFFFFC000;
	s14 =	smov.u32 s12;
	s15 =	sadd.s32 $0x400, s12  }
0xca: {  	[tilespmem:s26], [sflag:$0x2] =	stream.indirect.gather [hbm4b:s4+s25], $0x80, s13, s25, $0xb8;
	[tilespmem:$0x1DC00] =	vst v63  }
0xcb: {  	p1 =	sne.s32 s12, $0x3800;
	_ =	swait.ge [sflag:s28], $0x4000  }
0xcc: {  	[sflag:s28] =	ssyncset.done $0x0  }
0xcd: {  	s12 =	sadd.s32 $0x1000, s11;
	[sflag:s28] =	ssyncadd.s32 $0xFFFFC000  }
0xce: {  	[spmem:s2] =	stream.indirect.scatter.add.f32 [tilespmem:s22], [sflag:$0x4], $0x80, s12, s25, $0xb8;
	[tilespmem:$0x1DC00] =	vst v63  }
0xcf: {  	_ =	swait.ge [sflag:s29], $0x4000  }
0xd0: {  	[sflag:s29] =	ssyncset.done $0x0  }
0xd1: {  	s12 =	sadd.s32 $0x100, s11;
	[sflag:s29] =	ssyncadd.s32 $0xFFFFC000  }
0xd2: {  	[tilespmem:s22], [sflag:$0x1] =	stream.indirect.gather [hbm4b:s4+s25], $0x80, s12, s25, $0xb8;
	[tilespmem:$0x1DC00] =	vst v63  }
0xd3: {  	_ =	swait.ge [sflag:s30], $0x4000  }
.Ltmp5:
0xd4: {  	[sflag:s30] =	ssyncset.done $0x0;
	(pc) =	sbr.rel @p1 .LBB2_7-.Ltmp5, $4  }
0xd5: {  	s11 =	sadd.s32 $0x1080, s11;
	[sflag:s30] =	ssyncadd.s32 $0xFFFFC000  }
0xd6: {  	[spmem:s2] =	stream.indirect.scatter.add.f32 [tilespmem:s26], [sflag:$0x3], $0x80, s11, s25, $0xb8;
	[tilespmem:$0x1DC00] =	vst v63  }
0xd7: {  	_ =	swait.ge [sflag:s23], $0x4000  }
0xd8: {  	s12 =	smov.u32 s15;
	s11 =	sshra.s32 s14, $0x2;
	[sflag:s23] =	ssyncset.done $0x0  }
0xd9: {  	s12 =	sadd.s32 $0x80, s11;
	[sflag:s23] =	ssyncadd.s32 $0xFFFFC000  }
0xda: {  	[tilespmem:s26], [sflag:$0x2] =	stream.indirect.gather [hbm4b:s4+s25], $0x80, s12, s25, $0xb8;
	[tilespmem:$0x1DC00] =	vst v63  }
0xdb: {  	_ =	swait.ge [sflag:s28], $0x4000  }
0xdc: {  	[sflag:s28] =	ssyncset.done $0x0  }
0xdd: {  	s14 =	sadd.s32 $0x1000, s11;
	[sflag:s28] =	ssyncadd.s32 $0xFFFFC000  }
0xde: {  	[spmem:s2] =	stream.indirect.scatter.add.f32 [tilespmem:s22], [sflag:$0x4], $0x80, s14, s25, $0xb8;
	[tilespmem:$0x1DC00] =	vst v63  }
0xdf: {  	_ =	swait.ge [sflag:s29], $0x4000  }
0xe0: {  	[sflag:s29] =	ssyncset.done $0x0  }
0xe1: {  	s15 =	sadd.s32 $0x100, s11;
	[sflag:s29] =	ssyncadd.s32 $0xFFFFC000  }
0xe2: {  	[tilespmem:s22], [sflag:$0x1] =	stream.indirect.gather [hbm4b:s4+s25], $0x80, s15, s25, $0xb8;
	[tilespmem:$0x1DC00] =	vst v63  }
0xe3: {  	_ =	swait.ge [sflag:s30], $0x4000  }
0xe4: {  	[sflag:s30] =	ssyncset.done $0x0  }
0xe5: {  	s12 =	sadd.s32 $0x1080, s11;
	[sflag:s30] =	ssyncadd.s32 $0xFFFFC000  }
0xe6: {  	[spmem:s2] =	stream.indirect.scatter.add.f32 [tilespmem:s26], [sflag:$0x3], $0x80, s12, s25, $0xb8;
	[tilespmem:$0x1DC00] =	vst v63  }
0xe7: {  	_ =	swait.ge [sflag:s23], $0x4000  }
0xe8: {  	[sflag:s23] =	ssyncset.done $0x0  }
0xe9: {  	[sflag:s23] =	ssyncadd.s32 $0xFFFFC000  }
0xea: {  	[tilespmem:s26], [sflag:$0x2] =	stream.indirect.gather [hbm4b:s4+s25], $0x80, s31, s25, $0xb8;
	[tilespmem:$0x1DC00] =	vst v63  }
0xeb: {  	_ =	swait.ge [sflag:s28], $0x4000  }
0xec: {  	[sflag:s28] =	ssyncset.done $0x0  }
0xed: {  	[sflag:s28] =	ssyncadd.s32 $0xFFFFC000  }
0xee: {  	[spmem:s2] =	stream.indirect.scatter.add.f32 [tilespmem:s22], [sflag:$0x4], $0x80, s0, s25, $0xb8;
	[tilespmem:$0x1DC00] =	vst v63  }
0xef: {  	_ =	swait.ge [sflag:s29], $0x4000  }
0xf0: {  	[sflag:s29] =	ssyncset.done $0x0  }
0xf1: {  	[sflag:s29] =	ssyncadd.s32 $0xFFFFC000  }
0xf2: {  	_ =	swait.ge [sflag:s30], $0x4000  }
0xf3: {  	[sflag:s30] =	ssyncset.done $0x0  }
0xf4: {  	[sflag:s30] =	ssyncadd.s32 $0xFFFFC000  }
0xf5: {  	[spmem:s2] =	stream.indirect.scatter.add.f32 [tilespmem:s26], [sflag:$0x3], $0x80, s10, s25, $0xb8;
	[tilespmem:$0x1DC00] =	vst v63  }
0xf6: {  	_ =	swait.ge [sflag:s23], $0x4000  }
0xf7: {  	[sflag:s23] =	ssyncset.done $0x0  }
0xf8: {  	s13 =	simm.s32 $0x0;
	s14 =	rddreg [dreg:$0x7];
	[sflag:s23] =	ssyncadd.s32 $0xFFFFC000  }
0xf9: {  	[tilespmem:s13], [sflag:$0x3] =	stream.linear.gather [hbm4b:s14+s13], $0x1000, $0x38;
	[tilespmem:$0x1DC00] =	vst v63  }
0xfa: {  	_ =	swait.ge [sflag:s23], $0x1000  }
0xfb: {  	[sflag:s23] =	ssyncset.done $0x0  }
0xfc: {  	s15 =	rddreg [dreg:$0x8];
	[sflag:s23] =	ssyncadd.s32 $0xFFFFF000  }
0xfd: {  	[tilespmem:s24], [sflag:$0x3] =	stream.linear.gather [hbm4b:s15+s13], $0x1000, $0x38;
	[tilespmem:$0x1DC00] =	vst v63  }
0xfe: {  	_ =	swait.ge [sflag:s23], $0x1000  }
0xff: {  	[sflag:s23] =	ssyncset.done $0x0  }
0x100: {  	[sflag:s23] =	ssyncadd.s32 $0xFFFFF000  }
0x101: {  	[tilespmem:s22], [sflag:$0x1] =	stream.indirect.gather [hbm4b:s4+s25], $0x80, s13, s25, $0xb8;
	[tilespmem:$0x1DC00] =	vst v63  }
0x102: {  	s12 =	simm.s32 $0x80  }
0x103: {  	[tilespmem:s26], [sflag:$0x2] =	stream.indirect.gather [hbm4b:s4+s25], $0x80, s12, s25, $0xb8;
	[tilespmem:$0x1DC00] =	vst v63  }
0x104: {  	_ =	swait.ge [sflag:s28], $0x4000  }
0x105: {  	[sflag:s28] =	ssyncset.done $0x0  }
0x106: {  	s13 =	simm.s32 $0x1000;
	[sflag:s28] =	ssyncadd.s32 $0xFFFFC000  }
0x107: {  	[spmem:s2] =	stream.indirect.scatter.add.f32 [tilespmem:s22], [sflag:$0x4], $0x80, s13, s25, $0xb8;
	[tilespmem:$0x1DC00] =	vst v63  }
0x108: {  	_ =	swait.ge [sflag:s29], $0x4000  }
0x109: {  	[sflag:s29] =	ssyncset.done $0x0  }
0x10a: {  	s14 =	simm.s32 $0x100;
	[sflag:s29] =	ssyncadd.s32 $0xFFFFC000  }
0x10b: {  	[tilespmem:s22], [sflag:$0x1] =	stream.indirect.gather [hbm4b:s4+s25], $0x80, s14, s25, $0xb8;
	[tilespmem:$0x1DC00] =	vst v63  }
0x10c: {  	_ =	swait.ge [sflag:s30], $0x4000  }
0x10d: {  	[sflag:s30] =	ssyncset.done $0x0  }
0x10e: {  	s15 =	simm.s32 $0x1080;
	[sflag:s30] =	ssyncadd.s32 $0xFFFFC000  }
0x10f: {  	[spmem:s2] =	stream.indirect.scatter.add.f32 [tilespmem:s26], [sflag:$0x3], $0x80, s15, s25, $0xb8;
	[tilespmem:$0x1DC00] =	vst v63  }
0x110: {  	_ =	swait.ge [sflag:s23], $0x4000  }
0x111: {  	s11 =	simm.s32 $0x100;
	s12 =	simm.s32 $0x800;
	[sflag:s23] =	ssyncset.done $0x0  }
.LBB2_9:
0x112: {  	s13 =	sadd.s32 $0x80, s11  }
0x113: {  	[sflag:s23] =	ssyncadd.s32 $0xFFFFC000;
	s14 =	smov.u32 s12;
	s15 =	sadd.s32 $0x400, s12  }
0x114: {  	[tilespmem:s26], [sflag:$0x2] =	stream.indirect.gather [hbm4b:s4+s25], $0x80, s13, s25, $0xb8;
	[tilespmem:$0x1DC00] =	vst v63  }
0x115: {  	p1 =	sne.s32 s12, $0x3800;
	_ =	swait.ge [sflag:s28], $0x4000  }
0x116: {  	[sflag:s28] =	ssyncset.done $0x0  }
0x117: {  	s12 =	sadd.s32 $0x1000, s11;
	[sflag:s28] =	ssyncadd.s32 $0xFFFFC000  }
0x118: {  	[spmem:s2] =	stream.indirect.scatter.add.f32 [tilespmem:s22], [sflag:$0x4], $0x80, s12, s25, $0xb8;
	[tilespmem:$0x1DC00] =	vst v63  }
0x119: {  	_ =	swait.ge [sflag:s29], $0x4000  }
0x11a: {  	[sflag:s29] =	ssyncset.done $0x0  }
0x11b: {  	s12 =	sadd.s32 $0x100, s11;
	[sflag:s29] =	ssyncadd.s32 $0xFFFFC000  }
0x11c: {  	[tilespmem:s22], [sflag:$0x1] =	stream.indirect.gather [hbm4b:s4+s25], $0x80, s12, s25, $0xb8;
	[tilespmem:$0x1DC00] =	vst v63  }
0x11d: {  	_ =	swait.ge [sflag:s30], $0x4000  }
.Ltmp6:
0x11e: {  	[sflag:s30] =	ssyncset.done $0x0;
	(pc) =	sbr.rel @p1 .LBB2_9-.Ltmp6, $4  }
0x11f: {  	s11 =	sadd.s32 $0x1080, s11;
	[sflag:s30] =	ssyncadd.s32 $0xFFFFC000  }
0x120: {  	[spmem:s2] =	stream.indirect.scatter.add.f32 [tilespmem:s26], [sflag:$0x3], $0x80, s11, s25, $0xb8;
	[tilespmem:$0x1DC00] =	vst v63  }
0x121: {  	_ =	swait.ge [sflag:s23], $0x4000  }
0x122: {  	s12 =	smov.u32 s15;
	s11 =	sshra.s32 s14, $0x2;
	[sflag:s23] =	ssyncset.done $0x0  }
0x123: {  	s12 =	sadd.s32 $0x80, s11;
	[sflag:s23] =	ssyncadd.s32 $0xFFFFC000  }
0x124: {  	[tilespmem:s26], [sflag:$0x2] =	stream.indirect.gather [hbm4b:s4+s25], $0x80, s12, s25, $0xb8;
	[tilespmem:$0x1DC00] =	vst v63  }
0x125: {  	_ =	swait.ge [sflag:s28], $0x4000  }
0x126: {  	[sflag:s28] =	ssyncset.done $0x0  }
0x127: {  	s15 =	sadd.s32 $0x1000, s11;
	[sflag:s28] =	ssyncadd.s32 $0xFFFFC000  }
0x128: {  	[spmem:s2] =	stream.indirect.scatter.add.f32 [tilespmem:s22], [sflag:$0x4], $0x80, s15, s25, $0xb8;
	[tilespmem:$0x1DC00] =	vst v63  }
0x129: {  	_ =	swait.ge [sflag:s29], $0x4000  }
0x12a: {  	[sflag:s29] =	ssyncset.done $0x0  }
0x12b: {  	s13 =	sadd.s32 $0x100, s11;
	[sflag:s29] =	ssyncadd.s32 $0xFFFFC000  }
0x12c: {  	[tilespmem:s22], [sflag:$0x1] =	stream.indirect.gather [hbm4b:s4+s25], $0x80, s13, s25, $0xb8;
	[tilespmem:$0x1DC00] =	vst v63  }
0x12d: {  	_ =	swait.ge [sflag:s30], $0x4000  }
0x12e: {  	[sflag:s30] =	ssyncset.done $0x0  }
0x12f: {  	s14 =	sadd.s32 $0x1080, s11;
	[sflag:s30] =	ssyncadd.s32 $0xFFFFC000  }
0x130: {  	[spmem:s2] =	stream.indirect.scatter.add.f32 [tilespmem:s26], [sflag:$0x3], $0x80, s14, s25, $0xb8;
	[tilespmem:$0x1DC00] =	vst v63  }
0x131: {  	_ =	swait.ge [sflag:s23], $0x4000  }
0x132: {  	[sflag:s23] =	ssyncset.done $0x0  }
0x133: {  	[sflag:s23] =	ssyncadd.s32 $0xFFFFC000  }
0x134: {  	[tilespmem:s26], [sflag:$0x2] =	stream.indirect.gather [hbm4b:s4+s25], $0x80, s31, s25, $0xb8;
	[tilespmem:$0x1DC00] =	vst v63  }
0x135: {  	_ =	swait.ge [sflag:s28], $0x4000  }
0x136: {  	[sflag:s28] =	ssyncset.done $0x0  }
0x137: {  	[sflag:s28] =	ssyncadd.s32 $0xFFFFC000  }
0x138: {  	[spmem:s2] =	stream.indirect.scatter.add.f32 [tilespmem:s22], [sflag:$0x4], $0x80, s0, s25, $0xb8;
	[tilespmem:$0x1DC00] =	vst v63  }
0x139: {  	_ =	swait.ge [sflag:s29], $0x4000  }
0x13a: {  	[sflag:s29] =	ssyncset.done $0x0  }
0x13b: {  	[sflag:s29] =	ssyncadd.s32 $0xFFFFC000  }
0x13c: {  	_ =	swait.ge [sflag:s30], $0x4000  }
0x13d: {  	[sflag:s30] =	ssyncset.done $0x0  }
0x13e: {  	[sflag:s30] =	ssyncadd.s32 $0xFFFFC000  }
0x13f: {  	[spmem:s2] =	stream.indirect.scatter.add.f32 [tilespmem:s26], [sflag:$0x3], $0x80, s10, s25, $0xb8;
	[tilespmem:$0x1DC00] =	vst v63  }
0x140: {  	_ =	swait.ge [sflag:s23], $0x4000  }
0x141: {  	[sflag:s23] =	ssyncset.done $0x0  }
0x142: {  	s15 =	simm.s32 $0x0;
	[sflag:s23] =	ssyncadd.s32 $0xFFFFC000  }
0x143: {  	[tilespmem:s15], [sflag:$0x3] =	stream.linear.gather [hbm4b:s16+s15], $0x1000, $0x38;
	[tilespmem:$0x1DC00] =	vst v63  }
0x144: {  	_ =	swait.ge [sflag:s23], $0x1000  }
0x145: {  	[sflag:s23] =	ssyncset.done $0x0  }
0x146: {  	[sflag:s23] =	ssyncadd.s32 $0xFFFFF000  }
0x147: {  	[tilespmem:s24], [sflag:$0x3] =	stream.linear.gather [hbm4b:s17+s15], $0x1000, $0x38;
	[tilespmem:$0x1DC00] =	vst v63  }
0x148: {  	_ =	swait.ge [sflag:s23], $0x1000  }
0x149: {  	[sflag:s23] =	ssyncset.done $0x0  }
0x14a: {  	[sflag:s23] =	ssyncadd.s32 $0xFFFFF000  }
0x14b: {  	[tilespmem:s22], [sflag:$0x1] =	stream.indirect.gather [hbm4b:s4+s25], $0x80, s15, s25, $0xb8;
	[tilespmem:$0x1DC00] =	vst v63  }
0x14c: {  	s12 =	simm.s32 $0x80  }
0x14d: {  	[tilespmem:s26], [sflag:$0x2] =	stream.indirect.gather [hbm4b:s4+s25], $0x80, s12, s25, $0xb8;
	[tilespmem:$0x1DC00] =	vst v63  }
0x14e: {  	_ =	swait.ge [sflag:s28], $0x4000  }
0x14f: {  	[sflag:s28] =	ssyncset.done $0x0  }
0x150: {  	s13 =	simm.s32 $0x1000;
	[sflag:s28] =	ssyncadd.s32 $0xFFFFC000  }
0x151: {  	[spmem:s2] =	stream.indirect.scatter.add.f32 [tilespmem:s22], [sflag:$0x4], $0x80, s13, s25, $0xb8;
	[tilespmem:$0x1DC00] =	vst v63  }
0x152: {  	_ =	swait.ge [sflag:s29], $0x4000  }
0x153: {  	[sflag:s29] =	ssyncset.done $0x0  }
0x154: {  	s14 =	simm.s32 $0x100;
	[sflag:s29] =	ssyncadd.s32 $0xFFFFC000  }
0x155: {  	[tilespmem:s22], [sflag:$0x1] =	stream.indirect.gather [hbm4b:s4+s25], $0x80, s14, s25, $0xb8;
	[tilespmem:$0x1DC00] =	vst v63  }
0x156: {  	_ =	swait.ge [sflag:s30], $0x4000  }
0x157: {  	[sflag:s30] =	ssyncset.done $0x0  }
0x158: {  	s15 =	simm.s32 $0x1080;
	[sflag:s30] =	ssyncadd.s32 $0xFFFFC000  }
0x159: {  	[spmem:s2] =	stream.indirect.scatter.add.f32 [tilespmem:s26], [sflag:$0x3], $0x80, s15, s25, $0xb8;
	[tilespmem:$0x1DC00] =	vst v63  }
0x15a: {  	_ =	swait.ge [sflag:s23], $0x4000  }
0x15b: {  	s11 =	simm.s32 $0x100;
	s12 =	simm.s32 $0x800;
	[sflag:s23] =	ssyncset.done $0x0  }
.LBB2_11:
0x15c: {  	s13 =	sadd.s32 $0x80, s11  }
0x15d: {  	[sflag:s23] =	ssyncadd.s32 $0xFFFFC000;
	s14 =	smov.u32 s12;
	s15 =	sadd.s32 $0x400, s12  }
0x15e: {  	[tilespmem:s26], [sflag:$0x2] =	stream.indirect.gather [hbm4b:s4+s25], $0x80, s13, s25, $0xb8;
	[tilespmem:$0x1DC00] =	vst v63  }
0x15f: {  	p1 =	sne.s32 s12, $0x3800;
	_ =	swait.ge [sflag:s28], $0x4000  }
0x160: {  	[sflag:s28] =	ssyncset.done $0x0  }
0x161: {  	s12 =	sadd.s32 $0x1000, s11;
	[sflag:s28] =	ssyncadd.s32 $0xFFFFC000  }
0x162: {  	[spmem:s2] =	stream.indirect.scatter.add.f32 [tilespmem:s22], [sflag:$0x4], $0x80, s12, s25, $0xb8;
	[tilespmem:$0x1DC00] =	vst v63  }
0x163: {  	_ =	swait.ge [sflag:s29], $0x4000  }
0x164: {  	[sflag:s29] =	ssyncset.done $0x0  }
0x165: {  	s12 =	sadd.s32 $0x100, s11;
	[sflag:s29] =	ssyncadd.s32 $0xFFFFC000  }
0x166: {  	[tilespmem:s22], [sflag:$0x1] =	stream.indirect.gather [hbm4b:s4+s25], $0x80, s12, s25, $0xb8;
	[tilespmem:$0x1DC00] =	vst v63  }
0x167: {  	_ =	swait.ge [sflag:s30], $0x4000  }
.Ltmp7:
0x168: {  	[sflag:s30] =	ssyncset.done $0x0;
	(pc) =	sbr.rel @p1 .LBB2_11-.Ltmp7, $4  }
0x169: {  	s11 =	sadd.s32 $0x1080, s11;
	[sflag:s30] =	ssyncadd.s32 $0xFFFFC000  }
0x16a: {  	[spmem:s2] =	stream.indirect.scatter.add.f32 [tilespmem:s26], [sflag:$0x3], $0x80, s11, s25, $0xb8;
	[tilespmem:$0x1DC00] =	vst v63  }
0x16b: {  	_ =	swait.ge [sflag:s23], $0x4000  }
0x16c: {  	s12 =	smov.u32 s15;
	s11 =	sshra.s32 s14, $0x2;
	[sflag:s23] =	ssyncset.done $0x0  }
0x16d: {  	s12 =	sadd.s32 $0x80, s11;
	[sflag:s23] =	ssyncadd.s32 $0xFFFFC000  }
0x16e: {  	[tilespmem:s26], [sflag:$0x2] =	stream.indirect.gather [hbm4b:s4+s25], $0x80, s12, s25, $0xb8;
	[tilespmem:$0x1DC00] =	vst v63  }
0x16f: {  	_ =	swait.ge [sflag:s28], $0x4000  }
0x170: {  	[sflag:s28] =	ssyncset.done $0x0  }
0x171: {  	s15 =	sadd.s32 $0x1000, s11;
	[sflag:s28] =	ssyncadd.s32 $0xFFFFC000  }
0x172: {  	[spmem:s2] =	stream.indirect.scatter.add.f32 [tilespmem:s22], [sflag:$0x4], $0x80, s15, s25, $0xb8;
	[tilespmem:$0x1DC00] =	vst v63  }
0x173: {  	_ =	swait.ge [sflag:s29], $0x4000  }
0x174: {  	[sflag:s29] =	ssyncset.done $0x0  }
0x175: {  	s13 =	sadd.s32 $0x100, s11;
	[sflag:s29] =	ssyncadd.s32 $0xFFFFC000  }
0x176: {  	[tilespmem:s22], [sflag:$0x1] =	stream.indirect.gather [hbm4b:s4+s25], $0x80, s13, s25, $0xb8;
	[tilespmem:$0x1DC00] =	vst v63  }
0x177: {  	_ =	swait.ge [sflag:s30], $0x4000  }
0x178: {  	[sflag:s30] =	ssyncset.done $0x0  }
0x179: {  	s14 =	sadd.s32 $0x1080, s11;
	[sflag:s30] =	ssyncadd.s32 $0xFFFFC000  }
0x17a: {  	[spmem:s2] =	stream.indirect.scatter.add.f32 [tilespmem:s26], [sflag:$0x3], $0x80, s14, s25, $0xb8;
	[tilespmem:$0x1DC00] =	vst v63  }
0x17b: {  	_ =	swait.ge [sflag:s23], $0x4000  }
0x17c: {  	[sflag:s23] =	ssyncset.done $0x0  }
0x17d: {  	[sflag:s23] =	ssyncadd.s32 $0xFFFFC000  }
0x17e: {  	[tilespmem:s26], [sflag:$0x2] =	stream.indirect.gather [hbm4b:s4+s25], $0x80, s31, s25, $0xb8;
	[tilespmem:$0x1DC00] =	vst v63  }
0x17f: {  	_ =	swait.ge [sflag:s28], $0x4000  }
0x180: {  	[sflag:s28] =	ssyncset.done $0x0  }
0x181: {  	[sflag:s28] =	ssyncadd.s32 $0xFFFFC000  }
0x182: {  	[spmem:s2] =	stream.indirect.scatter.add.f32 [tilespmem:s22], [sflag:$0x4], $0x80, s0, s25, $0xb8;
	[tilespmem:$0x1DC00] =	vst v63  }
0x183: {  	_ =	swait.ge [sflag:s29], $0x4000  }
0x184: {  	[sflag:s29] =	ssyncset.done $0x0  }
0x185: {  	[sflag:s29] =	ssyncadd.s32 $0xFFFFC000  }
0x186: {  	_ =	swait.ge [sflag:s30], $0x4000  }
0x187: {  	[sflag:s30] =	ssyncset.done $0x0  }
0x188: {  	[sflag:s30] =	ssyncadd.s32 $0xFFFFC000  }
0x189: {  	[spmem:s2] =	stream.indirect.scatter.add.f32 [tilespmem:s26], [sflag:$0x3], $0x80, s10, s25, $0xb8;
	[tilespmem:$0x1DC00] =	vst v63  }
0x18a: {  	_ =	swait.ge [sflag:s23], $0x4000  }
0x18b: {  	[sflag:s23] =	ssyncset.done $0x0  }
0x18c: {  	s15 =	simm.s32 $0x0;
	[sflag:s23] =	ssyncadd.s32 $0xFFFFC000  }
0x18d: {  	[tilespmem:s15], [sflag:$0x3] =	stream.linear.gather [hbm4b:s18+s15], $0x1000, $0x38;
	[tilespmem:$0x1DC00] =	vst v63  }
0x18e: {  	_ =	swait.ge [sflag:s23], $0x1000  }
0x18f: {  	[sflag:s23] =	ssyncset.done $0x0  }
0x190: {  	[sflag:s23] =	ssyncadd.s32 $0xFFFFF000  }
0x191: {  	[tilespmem:s24], [sflag:$0x3] =	stream.linear.gather [hbm4b:s19+s15], $0x1000, $0x38;
	[tilespmem:$0x1DC00] =	vst v63  }
0x192: {  	_ =	swait.ge [sflag:s23], $0x1000  }
0x193: {  	[sflag:s23] =	ssyncset.done $0x0  }
0x194: {  	[sflag:s23] =	ssyncadd.s32 $0xFFFFF000  }
0x195: {  	[tilespmem:s22], [sflag:$0x1] =	stream.indirect.gather [hbm4b:s4+s25], $0x80, s15, s25, $0xb8;
	[tilespmem:$0x1DC00] =	vst v63  }
0x196: {  	s12 =	simm.s32 $0x80  }
0x197: {  	[tilespmem:s26], [sflag:$0x2] =	stream.indirect.gather [hbm4b:s4+s25], $0x80, s12, s25, $0xb8;
	[tilespmem:$0x1DC00] =	vst v63  }
0x198: {  	_ =	swait.ge [sflag:s28], $0x4000  }
0x199: {  	[sflag:s28] =	ssyncset.done $0x0  }
0x19a: {  	s13 =	simm.s32 $0x1000;
	[sflag:s28] =	ssyncadd.s32 $0xFFFFC000  }
0x19b: {  	[spmem:s2] =	stream.indirect.scatter.add.f32 [tilespmem:s22], [sflag:$0x4], $0x80, s13, s25, $0xb8;
	[tilespmem:$0x1DC00] =	vst v63  }
0x19c: {  	_ =	swait.ge [sflag:s29], $0x4000  }
0x19d: {  	[sflag:s29] =	ssyncset.done $0x0  }
0x19e: {  	s14 =	simm.s32 $0x100;
	[sflag:s29] =	ssyncadd.s32 $0xFFFFC000  }
0x19f: {  	[tilespmem:s22], [sflag:$0x1] =	stream.indirect.gather [hbm4b:s4+s25], $0x80, s14, s25, $0xb8;
	[tilespmem:$0x1DC00] =	vst v63  }
0x1a0: {  	_ =	swait.ge [sflag:s30], $0x4000  }
0x1a1: {  	[sflag:s30] =	ssyncset.done $0x0  }
0x1a2: {  	s15 =	simm.s32 $0x1080;
	[sflag:s30] =	ssyncadd.s32 $0xFFFFC000  }
0x1a3: {  	[spmem:s2] =	stream.indirect.scatter.add.f32 [tilespmem:s26], [sflag:$0x3], $0x80, s15, s25, $0xb8;
	[tilespmem:$0x1DC00] =	vst v63  }
0x1a4: {  	_ =	swait.ge [sflag:s23], $0x4000  }
0x1a5: {  	s11 =	simm.s32 $0x100;
	s12 =	simm.s32 $0x800;
	[sflag:s23] =	ssyncset.done $0x0  }
.LBB2_13:
0x1a6: {  	s13 =	sadd.s32 $0x80, s11  }
0x1a7: {  	[sflag:s23] =	ssyncadd.s32 $0xFFFFC000;
	s14 =	smov.u32 s12;
	s15 =	sadd.s32 $0x400, s12  }
0x1a8: {  	[tilespmem:s26], [sflag:$0x2] =	stream.indirect.gather [hbm4b:s4+s25], $0x80, s13, s25, $0xb8;
	[tilespmem:$0x1DC00] =	vst v63  }
0x1a9: {  	p1 =	sne.s32 s12, $0x3800;
	_ =	swait.ge [sflag:s28], $0x4000  }
0x1aa: {  	[sflag:s28] =	ssyncset.done $0x0  }
0x1ab: {  	s12 =	sadd.s32 $0x1000, s11;
	[sflag:s28] =	ssyncadd.s32 $0xFFFFC000  }
0x1ac: {  	[spmem:s2] =	stream.indirect.scatter.add.f32 [tilespmem:s22], [sflag:$0x4], $0x80, s12, s25, $0xb8;
	[tilespmem:$0x1DC00] =	vst v63  }
0x1ad: {  	_ =	swait.ge [sflag:s29], $0x4000  }
0x1ae: {  	[sflag:s29] =	ssyncset.done $0x0  }
0x1af: {  	s12 =	sadd.s32 $0x100, s11;
	[sflag:s29] =	ssyncadd.s32 $0xFFFFC000  }
0x1b0: {  	[tilespmem:s22], [sflag:$0x1] =	stream.indirect.gather [hbm4b:s4+s25], $0x80, s12, s25, $0xb8;
	[tilespmem:$0x1DC00] =	vst v63  }
0x1b1: {  	_ =	swait.ge [sflag:s30], $0x4000  }
.Ltmp8:
0x1b2: {  	[sflag:s30] =	ssyncset.done $0x0;
	(pc) =	sbr.rel @p1 .LBB2_13-.Ltmp8, $4  }
0x1b3: {  	s11 =	sadd.s32 $0x1080, s11;
	[sflag:s30] =	ssyncadd.s32 $0xFFFFC000  }
0x1b4: {  	[spmem:s2] =	stream.indirect.scatter.add.f32 [tilespmem:s26], [sflag:$0x3], $0x80, s11, s25, $0xb8;
	[tilespmem:$0x1DC00] =	vst v63  }
0x1b5: {  	_ =	swait.ge [sflag:s23], $0x4000  }
0x1b6: {  	s12 =	smov.u32 s15;
	s11 =	sshra.s32 s14, $0x2;
	[sflag:s23] =	ssyncset.done $0x0  }
.Ltmp9:
0x1b7: {  	_ = 	snop;
	(pc) =	sbr.rel .LBB2_14-.Ltmp9, $1  }
0x1b8: {  	_ =	sdelay $0x3  }
.LBB2_16:
0x1b9: {  	_ =	sfence.sel $0x180000  }
0x1ba: {  	[bflag:$0x0] =	sbarrier.arrive $0xFFFF  }
0x1bb: {  	_ =	strace $0x9000004D  }
0x1bc: {  	[bflag:$0x2] =	sbarrier.arrive $0xFFFF  }
0x1bd: {  	p0 =	sne.s32 s1, $0x0;
	s0 =	rddreg [dreg:$0x2]  }
0x1be: {  	s0 =	sadd.s32 @!p0 $0x100000, s0  }
0x1bf: {  	[sflag:s0] =	ssyncadd.tile.s32 @!p0 $0x1;
	_ =	shalt  }
.Lfunc_end2:
_tile_overlayer_lowered:
.L_overlay_start_2:
0x1c0: {  	(tag) =	ssettag $0x2  }
0x1c1: {  	s0 =	rddreg [dreg:$0x0];
	s2 =	stileid.u32  }
0x1c2: {  	s1 =	rddreg [dreg:$0x1];
	p0 =	sne.s32 s2, $0x0  }
0x1c3: {  	s3 =	rddreg [dreg:$0x2];
	[bflag:$0x3] =	sbarrier.arrive $0xFFFF;
	s2 =	simm.s32 @!p0 $0x1C03  }
0x1c4: {  	[timem:s3], [sflag:s2] =	dma.local @!p0 [hbm:s0], s1  }
0x1c5: {  	s0 =	simm.s32 @!p0 $0x3  }
0x1c6: {  	_ =	swait.ge @!p0 [sflag:s0], s1  }
0x1c7: {  	s1 =	ssub.s32 @!p0 $0x0, s1;
	[sflag:s0] =	ssyncset.done @!p0 $0x0  }
0x1c8: {  	[sflag:s0] =	ssyncadd.s32 @!p0 s1  }
0x1c9: {  	[bflag:$0x3] =	sbarrier.arrive $0xFFFF  }
0x1ca: {  	_ =	shalt  }

// kernel: kernel.8.cloned.1.call-start
scs
__scs_entry_jumppad:
0x0: {  	(pc) =	sbr.rel $0x88, $3  }
0x1: {  	(tag) =	ssettag $0x0;
	lr =	simm.s32 $0x1  }
0x2: {  	[smem:$0x3F96] =	sst lr;
	_ =	strace $0xD0000000  }
0x3: {  	_ = 	snop  }
0x4: {  	_ = 	snop  }
0x5: {  	_ = 	snop  }
0x6: {  	_ = 	snop  }
0x7: {  	_ = 	snop  }
__scs_overlays_trampoline_lowered:
0x8: {  	[smem:$0x3FA5] =	sst s0  }
0x9: {  	[smem:$0x3FA6] =	sst s1  }
0xa: {  	[smem:$0x3FA7] =	sst s2  }
0xb: {  	[smem:$0x3FA8] =	sst s3  }
0xc: {  	[smem:$0x3FA9] =	sst s4  }
0xd: {  	[smem:$0x3FAA] =	sst s5  }
0xe: {  	[smem:$0x3FAB] =	sst s6  }
0xf: {  	[smem:$0x3FAC] =	sst s7  }
0x10: {  	[smem:$0x3FAD] =	sst s8  }
0x11: {  	[smem:$0x3FAE] =	sst s9;
	s0 =	simm.s32 @!p0 $0x0  }
0x12: {  	s1 =	sld [smem:$0x3F94];
	s0 =	simm.s32 @p0 $0x1  }
0x13: {  	[smem:$0x3FAF] =	sst s0;
	s0 =	simm.s32 @!p1 $0x0  }
0x14: {  	s2 =	sld [smem:$0x3F93];
	s0 =	simm.s32 @p1 $0x1  }
0x15: {  	[smem:$0x3FB0] =	sst s0;
	s0 =	simm.s32 @!p2 $0x0  }
0x16: {  	s3 =	sld [smem:$0x3FDB];
	s0 =	simm.s32 @p2 $0x1  }
0x17: {  	s4 =	simm.s32 $0x1BF5;
	[smem:$0x3FB2] =	sst s0  }
0x18: {  	s0 =	sld [smem:$0x3F95];
	_ =	swait.ge [sflag:s4], $0x0  }
0x19: {  	s7 =	sld [smem:$0x3F96]  }
0x1a: {  	s8 =	sadd.s32 $0xFFFFE003, lr  }
0x1b: {  	s9 =	sadd.s32 $0xFFFFFEF7, lr;
	s5 =	simm.s32 $0xFFFFFFFF;
	p2 =	slt.u32 s8, $0xFFFFF086  }
0x1c: {  	p1 =	slt.u32 s9, $0xF7A;
	s5 =	simm.s32 @!p2 $0x0  }
0x1d: {  	s5 =	simm.s32 @p1 $0x1;
	p0 =	seq.s32 s7, s2  }
0x1e: {  	s7 =	smul.u32 @!p0 $0xF7A, s2;
	p2 =	seq.s32 @!p0 s5, $0x0  }
0x1f: {  	s9 =	smul.u32 $0xF7A, s1;
	s8 =	simm.s32 @!p0 $0x1BF5;
	p2 =	por !p2, p0  }
0x20: {  	[sflag:s8] =	ssyncset.s32 @!p0 $0xFFFFF086;
	s6 =	sadd.s32 @!p0 s3, s7;
	s7 =	simm.s32 @!p0 $0x108  }
0x21: {  	s3 =	sadd.s32 s3, s9;
	s6 =	sadd.s32 @!p0 $0x88, s6;
	s7 =	simm.s32 @p2 $0x1082  }
0x22: {  	[simem:s7], [sflag:s8] =	dma.local @!p0 [hbm:s6], $0xF7A  }
0x23: {  	s9 =	sor.u32 $0xD0000000, s2;
	s6 =	simm.s32 $0x108;
	_ =	swait.ge @!p0 [sflag:s8], $0x0  }
0x24: {  	s3 =	sadd.s32 $0x88, s3;
	s6 =	simm.s32 @!p1 $0x1082;
	[sflag:s4] =	ssyncset.s32 $0xFFFFF086  }
0x25: {  	[simem:s6], [sflag:s4] =	dma.local [hbm:s3], $0xF7A  }
0x26: {  	[smem:$0x3F96] =	sst s1;
	(tag) =	ssettag s2;
	_ =	strace s9  }
0x27: {  	s1 =	sld [smem:$0x3FA6]  }
0x28: {  	s2 =	sld [smem:$0x3FA7]  }
0x29: {  	s4 =	sld [smem:$0x3FA9]  }
0x2a: {  	p0 =	seq.s32 s5, $0x0;
	s5 =	sld [smem:$0x3FAA]  }
0x2b: {  	s6 =	sld [smem:$0x3FAB]  }
0x2c: {  	s7 =	sld [smem:$0x3FAC]  }
0x2d: {  	s3 =	simm.s32 $0x108;
	s8 =	sld [smem:$0x3FAD]  }
0x2e: {  	s3 =	simm.s32 @!p0 $0x1082;
	s9 =	sld [smem:$0x3FAE]  }
0x2f: {  	lr =	sadd.s32 s0, s3;
	s0 =	sld [smem:$0x3FA5]  }
0x30: {  	s3 =	sld [smem:$0x3FA8]  }
0x31: {  	[smem:$0x3FB1] =	sst s10  }
0x32: {  	s10 =	sld [smem:$0x3FAF];
	_ =	sdelay $0x3  }
0x33: {  	p0 =	seq.s32 s10, $0x1;
	s10 =	sld [smem:$0x3FB1];
	_ =	sdelay $0x3  }
0x34: {  	[smem:$0x3FB1] =	sst s10  }
0x35: {  	s10 =	sld [smem:$0x3FB0];
	_ =	sdelay $0x3  }
0x36: {  	p1 =	seq.s32 s10, $0x1;
	s10 =	sld [smem:$0x3FB1];
	_ =	sdelay $0x3  }
0x37: {  	[smem:$0x3FB1] =	sst s10  }
0x38: {  	s10 =	sld [smem:$0x3FB2]  }
0x39: {  	_ = 	snop;
	(pc) =	sbr.ind lr, $3  }
0x3a: {  	_ = 	snop  }
0x3b: {  	_ = 	snop  }
0x3c: {  	p2 =	seq.s32 s10, $0x1;
	s10 =	sld [smem:$0x3FB1]  }
0x3d: {  	_ =	shalt  }
0x3e: {  	_ =	shalt  }
0x3f: {  	_ =	shalt  }
0x40: {  	_ =	shalt  }
0x41: {  	_ =	shalt  }
0x42: {  	_ =	shalt  }
0x43: {  	_ =	shalt  }
0x44: {  	_ =	shalt  }
0x45: {  	_ =	shalt  }
0x46: {  	_ =	shalt  }
0x47: {  	_ =	shalt  }
0x48: {  	_ =	shalt  }
0x49: {  	_ =	shalt  }
0x4a: {  	_ =	shalt  }
0x4b: {  	_ =	shalt  }
0x4c: {  	_ =	shalt  }
0x4d: {  	_ =	shalt  }
0x4e: {  	_ =	shalt  }
0x4f: {  	_ =	shalt  }
0x50: {  	_ =	shalt  }
0x51: {  	_ =	shalt  }
0x52: {  	_ =	shalt  }
0x53: {  	_ =	shalt  }
0x54: {  	_ =	shalt  }
0x55: {  	_ =	shalt  }
0x56: {  	_ =	shalt  }
0x57: {  	_ =	shalt  }
0x58: {  	_ =	shalt  }
0x59: {  	_ =	shalt  }
0x5a: {  	_ =	shalt  }
0x5b: {  	_ =	shalt  }
0x5c: {  	_ =	shalt  }
0x5d: {  	_ =	shalt  }
0x5e: {  	_ =	shalt  }
0x5f: {  	_ =	shalt  }
0x60: {  	_ =	shalt  }
0x61: {  	_ =	shalt  }
0x62: {  	_ =	shalt  }
0x63: {  	_ =	shalt  }
0x64: {  	_ =	shalt  }
0x65: {  	_ =	shalt  }
0x66: {  	_ =	shalt  }
0x67: {  	_ =	shalt  }
0x68: {  	_ =	shalt  }
0x69: {  	_ =	shalt  }
0x6a: {  	_ =	shalt  }
0x6b: {  	_ =	shalt  }
0x6c: {  	_ =	shalt  }
0x6d: {  	_ =	shalt  }
0x6e: {  	_ =	shalt  }
0x6f: {  	_ =	shalt  }
0x70: {  	_ =	shalt  }
0x71: {  	_ =	shalt  }
0x72: {  	_ =	shalt  }
0x73: {  	_ =	shalt  }
0x74: {  	_ =	shalt  }
0x75: {  	_ =	shalt  }
0x76: {  	_ =	shalt  }
0x77: {  	_ =	shalt  }
0x78: {  	_ =	shalt  }
0x79: {  	_ =	shalt  }
0x7a: {  	_ =	shalt  }
0x7b: {  	_ =	shalt  }
0x7c: {  	_ =	shalt  }
0x7d: {  	_ =	shalt  }
0x7e: {  	_ =	shalt  }
0x7f: {  	_ =	shalt  }
0x80: {  	_ =	shalt  }
0x81: {  	_ =	shalt  }
0x82: {  	_ =	shalt  }
0x83: {  	_ =	shalt  }
0x84: {  	_ =	shalt  }
0x85: {  	_ =	shalt  }
0x86: {  	_ =	shalt  }
0x87: {  	_ =	shalt  }
.Lfunc_end0:
.L_simem_size_0:
called_computation_lowered:
.L_overlay_start_0:
0x88: {  	s2 =	sld [smem:$0x3FD9]  }
0x89: {  	s3 =	sld [smem:$0x3FFE];
	_ =	sdelay $0x1  }
0x8a: {  	s1 =	srdreg.scid  }
0x8b: {  	s0 =	sand.u32 $0x1, s1  }
0x8c: {  	s16 =	sshll.u32 s0, $0xA;
	s2 =	sadd.s32 s3, s2  }
0x8d: {  	s2 =	sadd.s32 s2, s16  }
0x8e: {  	[smem:$0x3FBD] =	sst s2  }
0x8f: {  	_ = 	snop  }
0x90: {  	(tm) =	ssettm $0x1  }
0x91: {  	s17 =	sld [smem:$0x3FFB];
	_ =	sdelay $0x3  }
0x92: {  	_ =	strace s17  }
0x93: {  	s2 =	sld [smem:$0x3FFC];
	_ =	sdelay $0x3  }
0x94: {  	_ =	strace s2  }
0x95: {  	s2 =	sld [smem:$0x3FFD];
	_ =	sdelay $0x3  }
0x96: {  	_ =	strace s2  }
0x97: {  	_ =	strace $0x8FFFFFFF  }
0x98: {  	s18 =	sld [smem:$0x3FDB];
	_ =	sdelay $0x1  }
0x99: {  	s19 =	simm.s32 $_scs_section_size  }
0x9a: {  	s4 =	simm.s32 $_size__tile_overlayer_lowered;
	s5 =	simm.s32 $_tile_overlayer_lowered  }
0x9b: {  	s22 =	simm.s32 $0x1BFF;
	s21 =	sshll.u32 s5, $0x1;
	s2 =	sadd.s32 s19, s18  }
0x9c: {  	s6 =	simm.s32 $0x0;
	s20 =	sshll.u32 s4, $0x1;
	s4 =	sadd.s32 s21, s2  }
0x9d: {  	[timem:s6], [sflag:s22] =	dma.local [hbm:s4], s20  }
0x9e: {  	_ =	swait.ge [sflag:s22], s20  }
0x9f: {  	s3 =	ssub.s32 $0x0, s20;
	[sflag:s22] =	ssyncset.done $0x0  }
0xa0: {  	[sflag:s22] =	ssyncadd.s32 s3;
	_ =	sdelay $0x1  }
0xa1: {  	s23 =	simm.s32 $0x1B8B  }
0xa2: {  	_ =	swait.ge [sflag:s23], $0x1  }
0xa3: {  	[sflag:s23] =	ssyncset.done $0x0  }
0xa4: {  	s25 =	simm.s32 $0x1B8E;
	s24 =	sld [smem:$0x3FFE];
	[sflag:s23] =	ssyncadd.s32 $0xFFFFFFFF  }
0xa5: {  	s26 =	simm.s32 $execute0_lowered;
	[smem:$0x3FD2] =	sst s25  }
0xa6: {  	s4 =	sshll.u32 s26, $0x1;
	_ =	strace $0x80000046;
	[dreg:$0x1] =	wrdreg $0xFFFFFFFF  }
0xa7: {  	s28 =	simm.s32 $_size_execute0_lowered;
	s2 =	sadd.s32 s2, s4;
	[dreg:$0x0] =	wrdreg $0x0  }
0xa8: {  	s4 =	sshll.u32 s28, $0x1;
	[dreg:$0x2] =	wrdreg s2  }
0xa9: {  	[dreg:$0x3] =	wrdreg s4  }
0xaa: {  	[dreg:$0x4] =	wrdreg $0xC0  }
0xab: {  	_ =	task [dreg:s6], $0x5FFFF  }
0xac: {  	[dreg:$0x1] =	wrdreg $0xFFFFFFFF  }
0xad: {  	[dreg:$0x0] =	wrdreg $0x60  }
0xae: {  	[dreg:$0x2] =	wrdreg s24  }
0xaf: {  	[dreg:$0x3] =	wrdreg $0x28800  }
0xb0: {  	[dreg:$0x4] =	wrdreg $0x9  }
0xb1: {  	_ =	task.clear_ibuf [dreg:s6], $0x5FFFF;
	_ =	strace $0x90000046  }
0xb2: {  	s29 =	simm.s32 $0x9;
	_ =	strace $0x80000048  }
0xb3: {  	_ =	swait.ge [sflag:s29], $0x1  }
0xb4: {  	[sflag:s29] =	ssyncadd.s32 $0xFFFFFFFF  }
0xb5: {  	_ =	strace $0x90000048  }
0xb6: {  	_ =	sfence  }
0xb7: {  	s30 =	sld [smem:$0x0];
	_ =	sdelay $0x2  }
0xb8: {  	s31 =	sshll.u32 s1, $0xD;
	s1 =	sshrl.u32 s1, $0x2  }
0xb9: {  	s3 =	sand.u32 $0x4000, s31;
	s1 =	sadd.s32 s1, s30  }
0xba: {  	s0 =	sor.u32 s3, s0;
	s1 =	sshll.u32 s1, $0x11  }
0xbb: {  	s0 =	sor.u32 s1, s0  }
0xbc: {  	s0 =	sadd.s32 $0x8F2B, s0  }
0xbd: {  	[sflag:s0] =	ssyncadd.remote.s32 $0x1  }
0xbe: {  	_ =	sfence.sel $0xFFFF  }
0xbf: {  	[dreg:$0x0] =	wrdreg $0xFFFFFFFF;
	(pc) =	sbr.abs _section_cstart, $3  }
0xc0: {  	[dreg:$0x1] =	wrdreg $0xFFFFFFFF  }
0xc1: {  	_ =	task.clear_ibuf [dreg:s6], $0x2FFFF;
	_ =	strace $0x9FFFFFFF  }
0xc2: {  	(tm) =	ssettm $0x7FFFFFFF  }
0xc3: {  	_ =	shalt  }
tec
execute0_lowered:
.L_overlay_start_1:
0x0: {  	(tag) =	ssettag $0x1  }
0x1: {  	s4 =	rddreg [dreg:$0x0];
	s0 =	srdreg.scid  }
0x2: {  	s2 =	rddreg [dreg:$0x1];
	s1 =	stileid.u32  }
0x3: {  	s3 =	simm.s32 $0x0;
	s17 =	simm.f32 $1.000000000e+00;
	s12 =	simm.s32 $0x2800  }
0x4: {  	s13 =	simm.s32 $0x1;
	s14 =	simm.s32 $0x80;
	s18 =	simm.s32 $0x10  }
0x5: {  	s5 =	sand.u32 $0x1, s0;
	s0 =	rddreg [dreg:$0x2];
	s7 =	smul.u32 $0x500, s1  }
0x6: {  	s19 =	simm.s32 $0x0;
	[smem:$0x7FF] =	sst s3;
	s26 =	smul.u32 $0xA00, s1  }
0x7: {  	s15 =	sshll.u32 s1, $0x6;
	s6 =	sshll.u32 s5, $0x4;
	s8 =	sshll.u32 s5, $0x7  }
0x8: {  	_ =	strace $0x80000047;
	s29 =	ssub.s32 $0x2, s5;
	p0 =	seq.s32 s5, $0x0  }
0x9: {  	s15 =	sor.u32 $0x1C01, s15;
	s6 =	sor.u32 s1, s6;
	s7 =	sor.u32 s8, s7  }
0xa: {  	s30 =	sshrl.u32 s29, $0x1;
	s31 =	sshrl.u32 s26, $0x2;
	s17 =	simm.s32 @!p0 $0x0  }
0xb: {  	s6 =	smul.u32 $0x500, s6;
	s28 =	sshrl.u32 s7, $0x3;
	s11 =	ssub.s32 s29, s30  }
0xc: {  	v0 =	vmov s17;
	s17 =	simm.s32 $0x20;
	s10 =	sadd.s32 s28, s4;
	s11 =	smax.u32 s11, $0x1  }
0xd: {  	s9 =	sadd.s32 s6, s4;
	s4 =	sadd.s32 s31, s2;
	s10 =	sadd.s32 $0xD800, s10  }
0xe: {  	s5 =	sadd.s32 $0x80, s4;
	s6 =	sadd.s32 $0x100, s4;
	s7 =	sadd.s32 $0x180, s4  }
0xf: {  	v1 =	vimm.f32 $1.000000000e+00;
	s8 =	sadd.s32 $0x200, s4;
	s9 =	sadd.s32 $0x3800, s9;
	s16 =	sshrl.u32 s4, $0x3  }
.LBB2_1:
0x10: {  	[tilespmem:$0x2800] =	vst v0  }
0x11: {  	[tilespmem:$0x2810] =	vst v0  }
0x12: {  	[tilespmem:$0x2820] =	vst v0  }
0x13: {  	[tilespmem:$0x2830] =	vst v0  }
0x14: {  	[tilespmem:$0x2840] =	vst v0  }
0x15: {  	[tilespmem:$0x2850] =	vst v0  }
0x16: {  	[tilespmem:$0x2860] =	vst v0  }
0x17: {  	[tilespmem:$0x2870] =	vst v0  }
0x18: {  	[spmem:s4] =	stream.linear.scatter [tilespmem:s12], [sflag:$0x1], $0x80, $0x38;
	[tilespmem:$0x2B00] =	vst v63  }
0x19: {  	_ =	swait.ge [sflag:s13], $0x80  }
0x1a: {  	[sflag:s13] =	ssyncset.done $0x0  }
0x1b: {  	[sflag:s13] =	ssyncadd.s32 $0xFFFFFF80  }
0x1c: {  	[spmem:s5] =	stream.linear.scatter [tilespmem:s12], [sflag:$0x1], $0x80, $0x38;
	[tilespmem:$0x2B00] =	vst v63  }
0x1d: {  	_ =	swait.ge [sflag:s13], $0x80  }
0x1e: {  	[sflag:s13] =	ssyncset.done $0x0  }
0x1f: {  	[sflag:s13] =	ssyncadd.s32 $0xFFFFFF80  }
0x20: {  	[spmem:s6] =	stream.linear.scatter [tilespmem:s12], [sflag:$0x1], $0x80, $0x38;
	[tilespmem:$0x2B00] =	vst v63  }
0x21: {  	_ =	swait.ge [sflag:s13], $0x80  }
0x22: {  	[sflag:s13] =	ssyncset.done $0x0  }
0x23: {  	[sflag:s13] =	ssyncadd.s32 $0xFFFFFF80  }
0x24: {  	[spmem:s7] =	stream.linear.scatter [tilespmem:s12], [sflag:$0x1], $0x80, $0x38;
	[tilespmem:$0x2B00] =	vst v63  }
0x25: {  	_ =	swait.ge [sflag:s13], $0x80  }
0x26: {  	[sflag:s13] =	ssyncset.done $0x0  }
0x27: {  	[sflag:s13] =	ssyncadd.s32 $0xFFFFFF80  }
0x28: {  	[spmem:s8] =	stream.linear.scatter [tilespmem:s12], [sflag:$0x1], $0x80, $0x38;
	[tilespmem:$0x2B00] =	vst v63  }
0x29: {  	_ =	swait.ge [sflag:s13], $0x80  }
0x2a: {  	[sflag:s13] =	ssyncset.done $0x0  }
0x2b: {  	[sflag:s13] =	ssyncadd.s32 $0xFFFFFF80  }
0x2c: {  	[tilespmem:$0x2800] =	vst v1  }
0x2d: {  	[tilespmem:$0x2810] =	vst v1  }
0x2e: {  	[tilespmem:$0x2820] =	vst v1  }
0x2f: {  	[tilespmem:$0x2830] =	vst v1  }
0x30: {  	[tilespmem:$0x2840] =	vst v1  }
0x31: {  	[tilespmem:$0x2850] =	vst v1  }
0x32: {  	[tilespmem:$0x2860] =	vst v1  }
0x33: {  	[tilespmem:$0x2870] =	vst v1  }
0x34: {  	[tilespmem:s3], [sflag:$0x1] =	stream.linear.gather [hbm4b:s9+s3], $0x2800, $0x38;
	[tilespmem:$0x2B00] =	vst v63  }
0x35: {  	_ =	swait.ge [sflag:s13], $0x2800  }
0x36: {  	[sflag:s13] =	ssyncset.done $0x0  }
0x37: {  	[sflag:s13] =	ssyncadd.s32 $0xFFFFD800  }
0x38: {  	s20 =	simm.s32 $0x0;
	[bflag:$0x0] =	sbarrier.arrive $0xFFFF  }
0x39: {  	[spmem:s2] =	stream.indirect.scatter.add.f32 [tilespmem:s12], [sflag:$0x1], $0x1, s20, s14, $0xb8;
	[tilespmem:$0x2B00] =	vst v63  }
0x3a: {  	_ =	swait.ge [sflag:s13], $0x80  }
0x3b: {  	s20 =	simm.s32 $0x200;
	[sflag:s13] =	ssyncset.done $0x0  }
.LBB2_2:
0x3c: {  	s21 =	sshra.s32 s20, $0x2;
	[sflag:s13] =	ssyncadd.s32 $0xFFFFFF80;
	p0 =	sne.s32 s20, $0x9E00  }
0x3d: {  	[spmem:s2] =	stream.indirect.scatter.add.f32 [tilespmem:s12], [sflag:$0x1], $0x1, s21, s14, $0xb8;
	[tilespmem:$0x2B00] =	vst v63  }
.Ltmp0:
0x3e: {  	_ = 	snop;
	(pc) =	sbr.rel @p0 .LBB2_2-.Ltmp0, $4  }
0x3f: {  	_ = 	snop  }
0x40: {  	s20 =	sadd.s32 $0x200, s20  }
0x41: {  	_ =	swait.ge [sflag:s13], $0x80  }
0x42: {  	[sflag:s13] =	ssyncset.done $0x0  }
0x43: {  	s19 =	sadd.s32 $0x1, s19  }
0x44: {  	[sflag:s13] =	ssyncadd.s32 $0xFFFFFF80;
	p0 =	sne.s32 s19, s11  }
.Ltmp1:
0x45: {  	[bflag:$0x0] =	sbarrier.arrive $0xFFFF;
	(pc) =	sbr.rel @p0 .LBB2_1-.Ltmp1, $4  }
0x46: {  	[hbm:s10@s17], [sflag:s15] =	dma.strided [spmem:s16@s18], $0x50, s13, $0x10   }
0x47: {  	_ =	swait.ge [sflag:s13], $0x50  }
0x48: {  	[sflag:s13] =	ssyncset.done $0x0  }
0x49: {  	[sflag:s13] =	ssyncadd.s32 $0xFFFFFFB0  }
0x4a: {  	_ =	sfence.sel $0x180000  }
0x4b: {  	[bflag:$0x0] =	sbarrier.arrive $0xFFFF  }
0x4c: {  	p0 =	sne.s32 s1, $0x0;
	_ =	strace $0x90000047  }
0x4d: {  	s0 =	sadd.s32 @!p0 $0x100000, s0;
	[bflag:$0x2] =	sbarrier.arrive $0xFFFF  }
0x4e: {  	[sflag:s0] =	ssyncadd.tile.s32 @!p0 $0x1;
	_ =	shalt  }
.Lfunc_end2:
_tile_overlayer_lowered:
.L_overlay_start_2:
0x4f: {  	(tag) =	ssettag $0x2  }
0x50: {  	s0 =	rddreg [dreg:$0x0];
	s2 =	stileid.u32  }
0x51: {  	s1 =	rddreg [dreg:$0x1];
	p0 =	sne.s32 s2, $0x0  }
0x52: {  	s3 =	rddreg [dreg:$0x2];
	[bflag:$0x3] =	sbarrier.arrive $0xFFFF;
	s2 =	simm.s32 @!p0 $0x1C01  }
0x53: {  	[timem:s3], [sflag:s2] =	dma.local @!p0 [hbm:s0], s1  }
0x54: {  	s0 =	simm.s32 @!p0 $0x1  }
0x55: {  	_ =	swait.ge @!p0 [sflag:s0], s1  }
0x56: {  	s1 =	ssub.s32 @!p0 $0x0, s1;
	[sflag:s0] =	ssyncset.done @!p0 $0x0  }
0x57: {  	[sflag:s0] =	ssyncadd.s32 @!p0 s1  }
0x58: {  	[bflag:$0x3] =	sbarrier.arrive $0xFFFF  }
0x59: {  	_ =	shalt  }

</sc_bundles>
